<compile_context>
chip_gen: v7x
topology: tpu7x:2x2x1
jax: 0.10.2.dev20260603
libtpu: 0.0.44.dev20260713+nightly
codegen_flags: <defaults>
</compile_context>

<pallas_src>
import functools

import jax
import jax.numpy as jnp
from jax import lax
from jax.experimental import pallas as pl
from jax.experimental.pallas import tpu as pltpu
from jax.experimental.pallas import tpu_sc as plsc

BATCH = 4
SEQ_LEN = 8192
EMBED_DIM = 1024
NUM_SEGMENTS = 16
LANES = 16

N_TOKENS = BATCH * SEQ_LEN
NUM_CORES = 2
NUM_SUBCORES = 16
NUM_WORKERS = NUM_CORES * NUM_SUBCORES
TOKENS_PER_WORKER = N_TOKENS // NUM_WORKERS
CHUNK = 16
NUM_CHUNKS = TOKENS_PER_WORKER // CHUNK
NBUF = 4
SBUF = 2
LEAD = 2


@jax.jit
def _seg_encode(x2d, seg, table):
    mesh = plsc.VectorSubcoreMesh(core_axis_name="c", subcore_axis_name="s")

    @functools.partial(
        pl.kernel,
        mesh=mesh,
        out_type=jax.ShapeDtypeStruct((N_TOKENS, EMBED_DIM), jnp.float32),
        scratch_types=[
            pltpu.VMEM((NUM_SEGMENTS, EMBED_DIM), jnp.float32),
            pltpu.VMEM((TOKENS_PER_WORKER,), jnp.int32),
            pltpu.VMEM_SHARED(
                (NUM_SUBCORES, SBUF, CHUNK, EMBED_DIM), jnp.float32),
        ]
        + [pltpu.VMEM((CHUNK, EMBED_DIM), jnp.float32)] * NBUF
        + [pltpu.SemaphoreType.DMA] * NBUF
        + [pltpu.SemaphoreType.DMA] * (2 * SBUF),
    )
    def body(x_hbm, seg_hbm, tab_hbm, out_hbm, tab_v, idx_all, xsh,
             *bufs_sems):
        xbufs = bufs_sems[:NBUF]
        isems = bufs_sems[NBUF:2 * NBUF]
        csems = bufs_sems[2 * NBUF:2 * NBUF + SBUF]
        osems = bufs_sems[2 * NBUF + SBUF:2 * NBUF + 2 * SBUF]
        cid = lax.axis_index("c")
        sid = lax.axis_index("s")
        wid = sid * NUM_CORES + cid
        base = wid * TOKENS_PER_WORKER

        def issue_load(b, c):
            pltpu.async_copy(
                x_hbm.at[pl.ds(base + c * CHUNK, CHUNK)], xbufs[b], isems[b])

        def wait_load(b):
            pltpu.make_async_copy(
                x_hbm.at[pl.ds(0, CHUNK)], xbufs[b], isems[b]).wait()

        def issue_crossbar(b, s):
            pltpu.async_copy(xbufs[b], xsh.at[sid, s], csems[s])

        def wait_crossbar(s):
            pltpu.make_async_copy(xbufs[0], xsh.at[sid, s], csems[s]).wait()

        def issue_store(s, c):
            pltpu.async_copy(
                xsh.at[sid, s], out_hbm.at[pl.ds(base + c * CHUNK, CHUNK)],
                osems[s])

        def wait_store(s):
            pltpu.make_async_copy(
                xsh.at[sid, s], out_hbm.at[pl.ds(0, CHUNK)], osems[s]).wait()

        def compute(b, c):
            xbuf = xbufs[b]
            for g in range(CHUNK // LANES):
                segs = idx_all[pl.ds(c * CHUNK + g * LANES, LANES)]
                for t16 in range(LANES):
                    s = segs[t16]
                    t = g * LANES + t16

                    @plsc.parallel_loop(0, EMBED_DIM, LANES, unroll=8)
                    def pos(j):
                        plsc.addupdate(
                            xbuf.at[t, pl.ds(j, LANES)],
                            tab_v[s, pl.ds(j, LANES)],
                        )

        for b in range(LEAD):
            issue_load(b, b)

        pltpu.sync_copy(tab_hbm, tab_v)
        pltpu.sync_copy(seg_hbm.at[pl.ds(base, TOKENS_PER_WORKER)], idx_all)

        def ring(i, carry):
            c0 = NBUF * i
            for b in range(NBUF):
                c = c0 + b
                s = b % SBUF
                sp = (b - 1) % SBUF
                nb = (b + LEAD) % NBUF
                wait_load(b)

                @pl.when(c + LEAD < NUM_CHUNKS)
                def _():
                    issue_load(nb, c + LEAD)

                compute(b, c)

                @pl.when(c >= 1)
                def _():
                    wait_crossbar(sp)
                    issue_store(sp, c - 1)

                @pl.when(c >= SBUF)
                def _():
                    wait_store(s)

                issue_crossbar(b, s)

            return carry

        lax.fori_loop(0, NUM_CHUNKS // NBUF, ring, 0)

        last = (NUM_CHUNKS - 1) % SBUF
        wait_crossbar(last)
        issue_store(last, NUM_CHUNKS - 1)
        for s in range(SBUF):
            wait_store(s)

    return body(x2d, seg, table)


def kernel(x, segment_ids, table):
    x2d = x.reshape(N_TOKENS, EMBED_DIM)
    seg = segment_ids.reshape(N_TOKENS).astype(jnp.int32)
    out = _seg_encode(x2d, seg, table)
    return out.reshape(BATCH, SEQ_LEN, EMBED_DIM)

# --- scband reference (transcript-rebuilt; emitter-appended) ---
"""Pipeline reference for scband-segment-encoding-28604482191929 (READ-ONLY COPY).

The authoritative reference and input builder live on the scoring server;
editing this copy changes nothing except your own understanding.
"""

import jax, jax.numpy as jnp
import numpy as np

NUM_SEGMENTS = 16
EMBED_DIM = 1024
BATCH = 4
SEQ_LEN = 8192


def setup_inputs(seed: int = 0) -> dict:
    key = jax.random.key(seed)
    k1, k2, k3 = jax.random.split(key, 3)
    x = jax.random.normal(k1, (BATCH, SEQ_LEN, EMBED_DIM), dtype=jnp.float32)
    segment_ids = jax.random.randint(k2, (BATCH, SEQ_LEN), 0, NUM_SEGMENTS, dtype=jnp.int32).astype(jnp.int64)
    # Learned embedding table (keras Embedding default uniform init ~ U(-0.05, 0.05))
    table = jax.random.uniform(k3, (NUM_SEGMENTS, EMBED_DIM), dtype=jnp.float32, minval=-0.05, maxval=0.05)
    return {"x": x, "segment_ids": segment_ids, "table": table}


def reference(x, segment_ids, table):
    # Embedding lookup: gather rows of table by segment_ids, then residual add
    segment_embed = jnp.take(table, segment_ids, axis=0)  # [B, L, D]
    return x + segment_embed

if __name__ == "__main__":
    import jax
    _d = setup_inputs()
    print(jax.jit(kernel)(*tuple(_d.values())))

</pallas_src>

<mosaic_0001>
#map = affine_map<(d0, d1) -> (0, 0)>
#map1 = affine_map<(d0, d1) -> (0)>
module attributes {stable_mosaic.version = 14 : i64} {
  func.func @body(%arg0: i32, %arg1: i32, %arg2: memref<32768x1024xf32, #tpu.memory_space<hbm>>, %arg3: memref<32768xi32, #tpu.memory_space<hbm>>, %arg4: memref<16x1024xf32, #tpu.memory_space<hbm>>, %arg5: memref<32768x1024xf32, #tpu.memory_space<hbm>>, %arg6: memref<16x1024xf32, #tpu.memory_space<vmem>>, %arg7: memref<1024xi32, #tpu.memory_space<vmem>>, %arg8: memref<16x2x16x1024xf32, #tpu.memory_space<vmem_shared>>, %arg9: memref<16x1024xf32, #tpu.memory_space<vmem>>, %arg10: memref<16x1024xf32, #tpu.memory_space<vmem>>, %arg11: memref<16x1024xf32, #tpu.memory_space<vmem>>, %arg12: memref<16x1024xf32, #tpu.memory_space<vmem>>, %arg13: memref<!tpu.dma_semaphore, #tpu.memory_space<semaphore_mem>>, %arg14: memref<!tpu.dma_semaphore, #tpu.memory_space<semaphore_mem>>, %arg15: memref<!tpu.dma_semaphore, #tpu.memory_space<semaphore_mem>>, %arg16: memref<!tpu.dma_semaphore, #tpu.memory_space<semaphore_mem>>, %arg17: memref<!tpu.dma_semaphore, #tpu.memory_space<semaphore_mem>>, %arg18: memref<!tpu.dma_semaphore, #tpu.memory_space<semaphore_mem>>, %arg19: memref<!tpu.dma_semaphore, #tpu.memory_space<semaphore_mem>>, %arg20: memref<!tpu.dma_semaphore, #tpu.memory_space<semaphore_mem>>) attributes {dimension_semantics = [#tpu.dimension_semantics<core_parallel>, #tpu.dimension_semantics<subcore_parallel>], iteration_bounds = array<i64: 2, 16>, scalar_prefetch = 0 : i64, scratch_operands = 15 : i64, tpu.core_type = #tpu.core_type<sc_vector_subcore>, window_params = [{transform_indices = #map}, {transform_indices = #map1}, {transform_indices = #map}, {transform_indices = #map}]} {
    %mul3A = arith.constant 2 : i32
    %mul3A_0 = arith.muli %arg1, %mul3A : i32
    %add3A = arith.addi %mul3A_0, %arg0 : i32
    %mul3A_1 = arith.constant 1024 : i32
    %mul3A_2 = arith.muli %add3A, %mul3A_1 : i32
    %add3A_3 = arith.constant 0 : i32
    %add3A_4 = arith.addi %mul3A_2, %add3A_3 : i32
    %dma_start3A = arith.constant 0 : i32
    %dma_start3A_5 = tpu.memref_slice %arg2[%add3A_4, %dma_start3A] : memref<32768x1024xf32, #tpu.memory_space<hbm>> -> memref<16x1024xf32, #tpu.memory_space<hbm>>
    %dma_start3A_6 = arith.constant 0 : i32
    %dma_start3A_7 = tpu.memref_slice %arg2[%add3A_4, %dma_start3A_6] : memref<32768x1024xf32, #tpu.memory_space<hbm>> -> memref<16x1024xf32, #tpu.memory_space<hbm>>
    tpu.enqueue_dma source(%dma_start3A_7 : memref<16x1024xf32, #tpu.memory_space<hbm>>) target(%arg9 : memref<16x1024xf32, #tpu.memory_space<vmem>>) target_semaphore(%arg13 : memref<!tpu.dma_semaphore, #tpu.memory_space<semaphore_mem>>)
    %add3A_8 = arith.constant 16 : i32
    %add3A_9 = arith.addi %mul3A_2, %add3A_8 : i32
    %dma_start3A_10 = arith.constant 0 : i32
    %dma_start3A_11 = tpu.memref_slice %arg2[%add3A_9, %dma_start3A_10] : memref<32768x1024xf32, #tpu.memory_space<hbm>> -> memref<16x1024xf32, #tpu.memory_space<hbm>>
    %dma_start3A_12 = arith.constant 0 : i32
    %dma_start3A_13 = tpu.memref_slice %arg2[%add3A_9, %dma_start3A_12] : memref<32768x1024xf32, #tpu.memory_space<hbm>> -> memref<16x1024xf32, #tpu.memory_space<hbm>>
    tpu.enqueue_dma source(%dma_start3A_13 : memref<16x1024xf32, #tpu.memory_space<hbm>>) target(%arg10 : memref<16x1024xf32, #tpu.memory_space<vmem>>) target_semaphore(%arg14 : memref<!tpu.dma_semaphore, #tpu.memory_space<semaphore_mem>>)
    "tpu.region"() ({
      %run_scoped3A = tpu.sem_alloc : memref<!tpu.dma_semaphore, #tpu.memory_space<semaphore_mem>>
      tpu.enqueue_dma source(%arg4 : memref<16x1024xf32, #tpu.memory_space<hbm>>) target(%arg6 : memref<16x1024xf32, #tpu.memory_space<vmem>>) target_semaphore(%run_scoped3A : memref<!tpu.dma_semaphore, #tpu.memory_space<semaphore_mem>>)
      tpu.wait_dma2 semaphore(%run_scoped3A : memref<!tpu.dma_semaphore, #tpu.memory_space<semaphore_mem>>) src(%arg4 : memref<16x1024xf32, #tpu.memory_space<hbm>>) dst(%arg6 : memref<16x1024xf32, #tpu.memory_space<vmem>>)
      tpu.yield
    }) : () -> ()
    "tpu.region"() ({
      %run_scoped3A = tpu.sem_alloc : memref<!tpu.dma_semaphore, #tpu.memory_space<semaphore_mem>>
      %dma_start3A_52 = tpu.memref_slice %arg3[%mul3A_2] : memref<32768xi32, #tpu.memory_space<hbm>> -> memref<1024xi32, #tpu.memory_space<hbm>>
      %dma_start3A_53 = tpu.memref_slice %arg3[%mul3A_2] : memref<32768xi32, #tpu.memory_space<hbm>> -> memref<1024xi32, #tpu.memory_space<hbm>>
      tpu.enqueue_dma source(%dma_start3A_53 : memref<1024xi32, #tpu.memory_space<hbm>>) target(%arg7 : memref<1024xi32, #tpu.memory_space<vmem>>) target_semaphore(%run_scoped3A : memref<!tpu.dma_semaphore, #tpu.memory_space<semaphore_mem>>)
      %dma_wait3A_54 = tpu.memref_slice %arg3[%mul3A_2] : memref<32768xi32, #tpu.memory_space<hbm>> -> memref<1024xi32, #tpu.memory_space<hbm>>
      %dma_wait3A_55 = tpu.memref_slice %arg3[%mul3A_2] : memref<32768xi32, #tpu.memory_space<hbm>> -> memref<1024xi32, #tpu.memory_space<hbm>>
      tpu.wait_dma2 semaphore(%run_scoped3A : memref<!tpu.dma_semaphore, #tpu.memory_space<semaphore_mem>>) src(%dma_wait3A_55 : memref<1024xi32, #tpu.memory_space<hbm>>) dst(%arg7 : memref<1024xi32, #tpu.memory_space<vmem>>)
      tpu.yield
    }) : () -> ()
    %scan3A = arith.constant 0 : i32
    %scan3A_14 = arith.constant 0 : i32
    %scan3A_15 = arith.constant 16 : i32
    %scan3A_16 = arith.addi %scan3A_14, %scan3A_15 : i32
    %scan3A_17 = arith.constant 1 : i32
    scf.for %scan3A_52 = %scan3A_14 to %scan3A_16 step %scan3A_17  : i32 {
      %mul3A_53 = arith.constant 4 : i32
      %mul3A_54 = arith.muli %mul3A_53, %scan3A_52 : i32
      %add3A_55 = arith.constant 0 : i32
      %add3A_56 = arith.addi %mul3A_54, %add3A_55 : i32
      %dma_wait3A_57 = arith.constant 0 : i32
      %dma_wait3A_58 = arith.constant 0 : i32
      %dma_wait3A_59 = tpu.memref_slice %arg2[%dma_wait3A_57, %dma_wait3A_58] : memref<32768x1024xf32, #tpu.memory_space<hbm>> -> memref<16x1024xf32, #tpu.memory_space<hbm>>
      %dma_wait3A_60 = arith.constant 0 : i32
      %dma_wait3A_61 = arith.constant 0 : i32
      %dma_wait3A_62 = tpu.memref_slice %arg2[%dma_wait3A_60, %dma_wait3A_61] : memref<32768x1024xf32, #tpu.memory_space<hbm>> -> memref<16x1024xf32, #tpu.memory_space<hbm>>
      tpu.wait_dma2 semaphore(%arg13 : memref<!tpu.dma_semaphore, #tpu.memory_space<semaphore_mem>>) src(%dma_wait3A_62 : memref<16x1024xf32, #tpu.memory_space<hbm>>) dst(%arg9 : memref<16x1024xf32, #tpu.memory_space<vmem>>)
      %add3A_63 = arith.constant 2 : i32
      %add3A_64 = arith.addi %add3A_56, %add3A_63 : i32
      %lt3A = arith.constant 64 : i32
      %lt3A_65 = arith.cmpi slt, %add3A_64, %lt3A : i32
      %convert_element_type3A = arith.extui %lt3A_65 : i1 to i32
      %cond3A = arith.constant 0 : i32
      %cond3A_66 = arith.cmpi ne, %convert_element_type3A, %cond3A : i32
      scf.if %cond3A_66 {
        %add3A_531 = arith.constant 2 : i32
        %add3A_532 = arith.addi %add3A_56, %add3A_531 : i32
        %mul3A_533 = arith.constant 16 : i32
        %mul3A_534 = arith.muli %add3A_532, %mul3A_533 : i32
        %add3A_535 = arith.addi %mul3A_2, %mul3A_534 : i32
        %dma_start3A_536 = arith.constant 0 : i32
        %dma_start3A_537 = tpu.memref_slice %arg2[%add3A_535, %dma_start3A_536] : memref<32768x1024xf32, #tpu.memory_space<hbm>> -> memref<16x1024xf32, #tpu.memory_space<hbm>>
        %dma_start3A_538 = arith.constant 0 : i32
        %dma_start3A_539 = tpu.memref_slice %arg2[%add3A_535, %dma_start3A_538] : memref<32768x1024xf32, #tpu.memory_space<hbm>> -> memref<16x1024xf32, #tpu.memory_space<hbm>>
        tpu.enqueue_dma source(%dma_start3A_539 : memref<16x1024xf32, #tpu.memory_space<hbm>>) target(%arg11 : memref<16x1024xf32, #tpu.memory_space<vmem>>) target_semaphore(%arg15 : memref<!tpu.dma_semaphore, #tpu.memory_space<semaphore_mem>>)
      } else {
      }
      %mul3A_67 = arith.constant 16 : i32
      %mul3A_68 = arith.muli %add3A_56, %mul3A_67 : i32
      %add3A_69 = arith.constant 0 : i32
      %add3A_70 = arith.addi %mul3A_68, %add3A_69 : i32
      %get3A = arith.index_cast %add3A_70 : i32 to index
      %get3A_71 = tpu.vector_load %arg7[%get3A] {strides = array<i32>} : memref<1024xi32, #tpu.memory_space<vmem>>, vector<16xi32>,
      %get3A_72 = vector.shape_cast %get3A_71 : vector<16xi32> to vector<16xi32>
      %slice3A = vector.extract_strided_slice %get3A_72 {offsets = [0], sizes = [1], strides = [1]} : vector<16xi32> to vector<1xi32>
      %squeeze3A = vector.extract %slice3A[0] : i32 from vector<1xi32>
      %parallel_loop3A = arith.constant 0 : i32
      %parallel_loop3A_73 = arith.constant 1024 : i32
      %parallel_loop3A_74 = arith.constant 16 : i32
      scf.for %parallel_loop3A_531 = %parallel_loop3A to %parallel_loop3A_73 step %parallel_loop3A_74  : i32 {
        %parallel_loop3A_532 = arith.index_cast %squeeze3A : i32 to index
        %parallel_loop3A_533 = arith.index_cast %parallel_loop3A_531 : i32 to index
        %parallel_loop3A_534 = tpu.vector_load %arg6[%parallel_loop3A_532, %parallel_loop3A_533] {strides = array<i32>} : memref<16x1024xf32, #tpu.memory_space<vmem>>, vector<1x16xf32>,
        %parallel_loop3A_535 = vector.shape_cast %parallel_loop3A_534 : vector<1x16xf32> to vector<16xf32>
        %parallel_loop3A_536 = arith.constant 0 : i32
        %parallel_loop3A_537 = arith.index_cast %parallel_loop3A_536 : i32 to index
        %parallel_loop3A_538 = arith.index_cast %parallel_loop3A_531 : i32 to index
        %parallel_loop3A_539 = tpu.vector_load %arg9[%parallel_loop3A_537, %parallel_loop3A_538] {strides = array<i32>} : memref<16x1024xf32, #tpu.memory_space<vmem>>, vector<1x16xf32>,
        %parallel_loop3A_540 = vector.shape_cast %parallel_loop3A_539 : vector<1x16xf32> to vector<16xf32>
        %parallel_loop3A_541 = vector.shape_cast %parallel_loop3A_535 : vector<16xf32> to vector<1x16xf32>
        tpu.vector_store %arg9[%parallel_loop3A_537, %parallel_loop3A_538], %parallel_loop3A_541 {add = true, strides = array<i32>} : memref<16x1024xf32, #tpu.memory_space<vmem>>, vector<1x16xf32>,
      } {sc.loop_unroll_factor = 8 : i64, sc.parallel_access}
      %slice3A_75 = vector.extract_strided_slice %get3A_72 {offsets = [1], sizes = [1], strides = [1]} : vector<16xi32> to vector<1xi32>
      %squeeze3A_76 = vector.extract %slice3A_75[0] : i32 from vector<1xi32>
      %parallel_loop3A_77 = arith.constant 0 : i32
      %parallel_loop3A_78 = arith.constant 1024 : i32
      %parallel_loop3A_79 = arith.constant 16 : i32
      scf.for %parallel_loop3A_531 = %parallel_loop3A_77 to %parallel_loop3A_78 step %parallel_loop3A_79  : i32 {
        %parallel_loop3A_532 = arith.index_cast %squeeze3A_76 : i32 to index
        %parallel_loop3A_533 = arith.index_cast %parallel_loop3A_531 : i32 to index
        %parallel_loop3A_534 = tpu.vector_load %arg6[%parallel_loop3A_532, %parallel_loop3A_533] {strides = array<i32>} : memref<16x1024xf32, #tpu.memory_space<vmem>>, vector<1x16xf32>,
        %parallel_loop3A_535 = vector.shape_cast %parallel_loop3A_534 : vector<1x16xf32> to vector<16xf32>
        %parallel_loop3A_536 = arith.constant 1 : i32
        %parallel_loop3A_537 = arith.index_cast %parallel_loop3A_536 : i32 to index
        %parallel_loop3A_538 = arith.index_cast %parallel_loop3A_531 : i32 to index
        %parallel_loop3A_539 = tpu.vector_load %arg9[%parallel_loop3A_537, %parallel_loop3A_538] {strides = array<i32>} : memref<16x1024xf32, #tpu.memory_space<vmem>>, vector<1x16xf32>,
        %parallel_loop3A_540 = vector.shape_cast %parallel_loop3A_539 : vector<1x16xf32> to vector<16xf32>
        %parallel_loop3A_541 = vector.shape_cast %parallel_loop3A_535 : vector<16xf32> to vector<1x16xf32>
        tpu.vector_store %arg9[%parallel_loop3A_537, %parallel_loop3A_538], %parallel_loop3A_541 {add = true, strides = array<i32>} : memref<16x1024xf32, #tpu.memory_space<vmem>>, vector<1x16xf32>,
      } {sc.loop_unroll_factor = 8 : i64, sc.parallel_access}
      %slice3A_80 = vector.extract_strided_slice %get3A_72 {offsets = [2], sizes = [1], strides = [1]} : vector<16xi32> to vector<1xi32>
      %squeeze3A_81 = vector.extract %slice3A_80[0] : i32 from vector<1xi32>
      %parallel_loop3A_82 = arith.constant 0 : i32
      %parallel_loop3A_83 = arith.constant 1024 : i32
      %parallel_loop3A_84 = arith.constant 16 : i32
      scf.for %parallel_loop3A_531 = %parallel_loop3A_82 to %parallel_loop3A_83 step %parallel_loop3A_84  : i32 {
        %parallel_loop3A_532 = arith.index_cast %squeeze3A_81 : i32 to index
        %parallel_loop3A_533 = arith.index_cast %parallel_loop3A_531 : i32 to index
        %parallel_loop3A_534 = tpu.vector_load %arg6[%parallel_loop3A_532, %parallel_loop3A_533] {strides = array<i32>} : memref<16x1024xf32, #tpu.memory_space<vmem>>, vector<1x16xf32>,
        %parallel_loop3A_535 = vector.shape_cast %parallel_loop3A_534 : vector<1x16xf32> to vector<16xf32>
        %parallel_loop3A_536 = arith.constant 2 : i32
        %parallel_loop3A_537 = arith.index_cast %parallel_loop3A_536 : i32 to index
        %parallel_loop3A_538 = arith.index_cast %parallel_loop3A_531 : i32 to index
        %parallel_loop3A_539 = tpu.vector_load %arg9[%parallel_loop3A_537, %parallel_loop3A_538] {strides = array<i32>} : memref<16x1024xf32, #tpu.memory_space<vmem>>, vector<1x16xf32>,
        %parallel_loop3A_540 = vector.shape_cast %parallel_loop3A_539 : vector<1x16xf32> to vector<16xf32>
        %parallel_loop3A_541 = vector.shape_cast %parallel_loop3A_535 : vector<16xf32> to vector<1x16xf32>
        tpu.vector_store %arg9[%parallel_loop3A_537, %parallel_loop3A_538], %parallel_loop3A_541 {add = true, strides = array<i32>} : memref<16x1024xf32, #tpu.memory_space<vmem>>, vector<1x16xf32>,
      } {sc.loop_unroll_factor = 8 : i64, sc.parallel_access}
      %slice3A_85 = vector.extract_strided_slice %get3A_72 {offsets = [3], sizes = [1], strides = [1]} : vector<16xi32> to vector<1xi32>
      %squeeze3A_86 = vector.extract %slice3A_85[0] : i32 from vector<1xi32>
      %parallel_loop3A_87 = arith.constant 0 : i32
      %parallel_loop3A_88 = arith.constant 1024 : i32
      %parallel_loop3A_89 = arith.constant 16 : i32
      scf.for %parallel_loop3A_531 = %parallel_loop3A_87 to %parallel_loop3A_88 step %parallel_loop3A_89  : i32 {
        %parallel_loop3A_532 = arith.index_cast %squeeze3A_86 : i32 to index
        %parallel_loop3A_533 = arith.index_cast %parallel_loop3A_531 : i32 to index
        %parallel_loop3A_534 = tpu.vector_load %arg6[%parallel_loop3A_532, %parallel_loop3A_533] {strides = array<i32>} : memref<16x1024xf32, #tpu.memory_space<vmem>>, vector<1x16xf32>,
        %parallel_loop3A_535 = vector.shape_cast %parallel_loop3A_534 : vector<1x16xf32> to vector<16xf32>
        %parallel_loop3A_536 = arith.constant 3 : i32
        %parallel_loop3A_537 = arith.index_cast %parallel_loop3A_536 : i32 to index
        %parallel_loop3A_538 = arith.index_cast %parallel_loop3A_531 : i32 to index
        %parallel_loop3A_539 = tpu.vector_load %arg9[%parallel_loop3A_537, %parallel_loop3A_538] {strides = array<i32>} : memref<16x1024xf32, #tpu.memory_space<vmem>>, vector<1x16xf32>,
        %parallel_loop3A_540 = vector.shape_cast %parallel_loop3A_539 : vector<1x16xf32> to vector<16xf32>
        %parallel_loop3A_541 = vector.shape_cast %parallel_loop3A_535 : vector<16xf32> to vector<1x16xf32>
        tpu.vector_store %arg9[%parallel_loop3A_537, %parallel_loop3A_538], %parallel_loop3A_541 {add = true, strides = array<i32>} : memref<16x1024xf32, #tpu.memory_space<vmem>>, vector<1x16xf32>,
      } {sc.loop_unroll_factor = 8 : i64, sc.parallel_access}
      %slice3A_90 = vector.extract_strided_slice %get3A_72 {offsets = [4], sizes = [1], strides = [1]} : vector<16xi32> to vector<1xi32>
      %squeeze3A_91 = vector.extract %slice3A_90[0] : i32 from vector<1xi32>
      %parallel_loop3A_92 = arith.constant 0 : i32
      %parallel_loop3A_93 = arith.constant 1024 : i32
      %parallel_loop3A_94 = arith.constant 16 : i32
      scf.for %parallel_loop3A_531 = %parallel_loop3A_92 to %parallel_loop3A_93 step %parallel_loop3A_94  : i32 {
        %parallel_loop3A_532 = arith.index_cast %squeeze3A_91 : i32 to index
        %parallel_loop3A_533 = arith.index_cast %parallel_loop3A_531 : i32 to index
        %parallel_loop3A_534 = tpu.vector_load %arg6[%parallel_loop3A_532, %parallel_loop3A_533] {strides = array<i32>} : memref<16x1024xf32, #tpu.memory_space<vmem>>, vector<1x16xf32>,
        %parallel_loop3A_535 = vector.shape_cast %parallel_loop3A_534 : vector<1x16xf32> to vector<16xf32>
        %parallel_loop3A_536 = arith.constant 4 : i32
        %parallel_loop3A_537 = arith.index_cast %parallel_loop3A_536 : i32 to index
        %parallel_loop3A_538 = arith.index_cast %parallel_loop3A_531 : i32 to index
        %parallel_loop3A_539 = tpu.vector_load %arg9[%parallel_loop3A_537, %parallel_loop3A_538] {strides = array<i32>} : memref<16x1024xf32, #tpu.memory_space<vmem>>, vector<1x16xf32>,
        %parallel_loop3A_540 = vector.shape_cast %parallel_loop3A_539 : vector<1x16xf32> to vector<16xf32>
        %parallel_loop3A_541 = vector.shape_cast %parallel_loop3A_535 : vector<16xf32> to vector<1x16xf32>
        tpu.vector_store %arg9[%parallel_loop3A_537, %parallel_loop3A_538], %parallel_loop3A_541 {add = true, strides = array<i32>} : memref<16x1024xf32, #tpu.memory_space<vmem>>, vector<1x16xf32>,
      } {sc.loop_unroll_factor = 8 : i64, sc.parallel_access}
      %slice3A_95 = vector.extract_strided_slice %get3A_72 {offsets = [5], sizes = [1], strides = [1]} : vector<16xi32> to vector<1xi32>
      %squeeze3A_96 = vector.extract %slice3A_95[0] : i32 from vector<1xi32>
      %parallel_loop3A_97 = arith.constant 0 : i32
      %parallel_loop3A_98 = arith.constant 1024 : i32
      %parallel_loop3A_99 = arith.constant 16 : i32
      scf.for %parallel_loop3A_531 = %parallel_loop3A_97 to %parallel_loop3A_98 step %parallel_loop3A_99  : i32 {
        %parallel_loop3A_532 = arith.index_cast %squeeze3A_96 : i32 to index
        %parallel_loop3A_533 = arith.index_cast %parallel_loop3A_531 : i32 to index
        %parallel_loop3A_534 = tpu.vector_load %arg6[%parallel_loop3A_532, %parallel_loop3A_533] {strides = array<i32>} : memref<16x1024xf32, #tpu.memory_space<vmem>>, vector<1x16xf32>,
        %parallel_loop3A_535 = vector.shape_cast %parallel_loop3A_534 : vector<1x16xf32> to vector<16xf32>
        %parallel_loop3A_536 = arith.constant 5 : i32
        %parallel_loop3A_537 = arith.index_cast %parallel_loop3A_536 : i32 to index
        %parallel_loop3A_538 = arith.index_cast %parallel_loop3A_531 : i32 to index
        %parallel_loop3A_539 = tpu.vector_load %arg9[%parallel_loop3A_537, %parallel_loop3A_538] {strides = array<i32>} : memref<16x1024xf32, #tpu.memory_space<vmem>>, vector<1x16xf32>,
        %parallel_loop3A_540 = vector.shape_cast %parallel_loop3A_539 : vector<1x16xf32> to vector<16xf32>
        %parallel_loop3A_541 = vector.shape_cast %parallel_loop3A_535 : vector<16xf32> to vector<1x16xf32>
        tpu.vector_store %arg9[%parallel_loop3A_537, %parallel_loop3A_538], %parallel_loop3A_541 {add = true, strides = array<i32>} : memref<16x1024xf32, #tpu.memory_space<vmem>>, vector<1x16xf32>,
      } {sc.loop_unroll_factor = 8 : i64, sc.parallel_access}
      %slice3A_100 = vector.extract_strided_slice %get3A_72 {offsets = [6], sizes = [1], strides = [1]} : vector<16xi32> to vector<1xi32>
      %squeeze3A_101 = vector.extract %slice3A_100[0] : i32 from vector<1xi32>
      %parallel_loop3A_102 = arith.constant 0 : i32
      %parallel_loop3A_103 = arith.constant 1024 : i32
      %parallel_loop3A_104 = arith.constant 16 : i32
      scf.for %parallel_loop3A_531 = %parallel_loop3A_102 to %parallel_loop3A_103 step %parallel_loop3A_104  : i32 {
        %parallel_loop3A_532 = arith.index_cast %squeeze3A_101 : i32 to index
        %parallel_loop3A_533 = arith.index_cast %parallel_loop3A_531 : i32 to index
        %parallel_loop3A_534 = tpu.vector_load %arg6[%parallel_loop3A_532, %parallel_loop3A_533] {strides = array<i32>} : memref<16x1024xf32, #tpu.memory_space<vmem>>, vector<1x16xf32>,
        %parallel_loop3A_535 = vector.shape_cast %parallel_loop3A_534 : vector<1x16xf32> to vector<16xf32>
        %parallel_loop3A_536 = arith.constant 6 : i32
        %parallel_loop3A_537 = arith.index_cast %parallel_loop3A_536 : i32 to index
        %parallel_loop3A_538 = arith.index_cast %parallel_loop3A_531 : i32 to index
        %parallel_loop3A_539 = tpu.vector_load %arg9[%parallel_loop3A_537, %parallel_loop3A_538] {strides = array<i32>} : memref<16x1024xf32, #tpu.memory_space<vmem>>, vector<1x16xf32>,
        %parallel_loop3A_540 = vector.shape_cast %parallel_loop3A_539 : vector<1x16xf32> to vector<16xf32>
        %parallel_loop3A_541 = vector.shape_cast %parallel_loop3A_535 : vector<16xf32> to vector<1x16xf32>
        tpu.vector_store %arg9[%parallel_loop3A_537, %parallel_loop3A_538], %parallel_loop3A_541 {add = true, strides = array<i32>} : memref<16x1024xf32, #tpu.memory_space<vmem>>, vector<1x16xf32>,
      } {sc.loop_unroll_factor = 8 : i64, sc.parallel_access}
      %slice3A_105 = vector.extract_strided_slice %get3A_72 {offsets = [7], sizes = [1], strides = [1]} : vector<16xi32> to vector<1xi32>
      %squeeze3A_106 = vector.extract %slice3A_105[0] : i32 from vector<1xi32>
      %parallel_loop3A_107 = arith.constant 0 : i32
      %parallel_loop3A_108 = arith.constant 1024 : i32
      %parallel_loop3A_109 = arith.constant 16 : i32
      scf.for %parallel_loop3A_531 = %parallel_loop3A_107 to %parallel_loop3A_108 step %parallel_loop3A_109  : i32 {
        %parallel_loop3A_532 = arith.index_cast %squeeze3A_106 : i32 to index
        %parallel_loop3A_533 = arith.index_cast %parallel_loop3A_531 : i32 to index
        %parallel_loop3A_534 = tpu.vector_load %arg6[%parallel_loop3A_532, %parallel_loop3A_533] {strides = array<i32>} : memref<16x1024xf32, #tpu.memory_space<vmem>>, vector<1x16xf32>,
        %parallel_loop3A_535 = vector.shape_cast %parallel_loop3A_534 : vector<1x16xf32> to vector<16xf32>
        %parallel_loop3A_536 = arith.constant 7 : i32
        %parallel_loop3A_537 = arith.index_cast %parallel_loop3A_536 : i32 to index
        %parallel_loop3A_538 = arith.index_cast %parallel_loop3A_531 : i32 to index
        %parallel_loop3A_539 = tpu.vector_load %arg9[%parallel_loop3A_537, %parallel_loop3A_538] {strides = array<i32>} : memref<16x1024xf32, #tpu.memory_space<vmem>>, vector<1x16xf32>,
        %parallel_loop3A_540 = vector.shape_cast %parallel_loop3A_539 : vector<1x16xf32> to vector<16xf32>
        %parallel_loop3A_541 = vector.shape_cast %parallel_loop3A_535 : vector<16xf32> to vector<1x16xf32>
        tpu.vector_store %arg9[%parallel_loop3A_537, %parallel_loop3A_538], %parallel_loop3A_541 {add = true, strides = array<i32>} : memref<16x1024xf32, #tpu.memory_space<vmem>>, vector<1x16xf32>,
      } {sc.loop_unroll_factor = 8 : i64, sc.parallel_access}
      %slice3A_110 = vector.extract_strided_slice %get3A_72 {offsets = [8], sizes = [1], strides = [1]} : vector<16xi32> to vector<1xi32>
      %squeeze3A_111 = vector.extract %slice3A_110[0] : i32 from vector<1xi32>
      %parallel_loop3A_112 = arith.constant 0 : i32
      %parallel_loop3A_113 = arith.constant 1024 : i32
      %parallel_loop3A_114 = arith.constant 16 : i32
      scf.for %parallel_loop3A_531 = %parallel_loop3A_112 to %parallel_loop3A_113 step %parallel_loop3A_114  : i32 {
        %parallel_loop3A_532 = arith.index_cast %squeeze3A_111 : i32 to index
        %parallel_loop3A_533 = arith.index_cast %parallel_loop3A_531 : i32 to index
        %parallel_loop3A_534 = tpu.vector_load %arg6[%parallel_loop3A_532, %parallel_loop3A_533] {strides = array<i32>} : memref<16x1024xf32, #tpu.memory_space<vmem>>, vector<1x16xf32>,
        %parallel_loop3A_535 = vector.shape_cast %parallel_loop3A_534 : vector<1x16xf32> to vector<16xf32>
        %parallel_loop3A_536 = arith.constant 8 : i32
        %parallel_loop3A_537 = arith.index_cast %parallel_loop3A_536 : i32 to index
        %parallel_loop3A_538 = arith.index_cast %parallel_loop3A_531 : i32 to index
        %parallel_loop3A_539 = tpu.vector_load %arg9[%parallel_loop3A_537, %parallel_loop3A_538] {strides = array<i32>} : memref<16x1024xf32, #tpu.memory_space<vmem>>, vector<1x16xf32>,
        %parallel_loop3A_540 = vector.shape_cast %parallel_loop3A_539 : vector<1x16xf32> to vector<16xf32>
        %parallel_loop3A_541 = vector.shape_cast %parallel_loop3A_535 : vector<16xf32> to vector<1x16xf32>
        tpu.vector_store %arg9[%parallel_loop3A_537, %parallel_loop3A_538], %parallel_loop3A_541 {add = true, strides = array<i32>} : memref<16x1024xf32, #tpu.memory_space<vmem>>, vector<1x16xf32>,
      } {sc.loop_unroll_factor = 8 : i64, sc.parallel_access}
      %slice3A_115 = vector.extract_strided_slice %get3A_72 {offsets = [9], sizes = [1], strides = [1]} : vector<16xi32> to vector<1xi32>
      %squeeze3A_116 = vector.extract %slice3A_115[0] : i32 from vector<1xi32>
      %parallel_loop3A_117 = arith.constant 0 : i32
      %parallel_loop3A_118 = arith.constant 1024 : i32
      %parallel_loop3A_119 = arith.constant 16 : i32
      scf.for %parallel_loop3A_531 = %parallel_loop3A_117 to %parallel_loop3A_118 step %parallel_loop3A_119  : i32 {
        %parallel_loop3A_532 = arith.index_cast %squeeze3A_116 : i32 to index
        %parallel_loop3A_533 = arith.index_cast %parallel_loop3A_531 : i32 to index
        %parallel_loop3A_534 = tpu.vector_load %arg6[%parallel_loop3A_532, %parallel_loop3A_533] {strides = array<i32>} : memref<16x1024xf32, #tpu.memory_space<vmem>>, vector<1x16xf32>,
        %parallel_loop3A_535 = vector.shape_cast %parallel_loop3A_534 : vector<1x16xf32> to vector<16xf32>
        %parallel_loop3A_536 = arith.constant 9 : i32
        %parallel_loop3A_537 = arith.index_cast %parallel_loop3A_536 : i32 to index
        %parallel_loop3A_538 = arith.index_cast %parallel_loop3A_531 : i32 to index
        %parallel_loop3A_539 = tpu.vector_load %arg9[%parallel_loop3A_537, %parallel_loop3A_538] {strides = array<i32>} : memref<16x1024xf32, #tpu.memory_space<vmem>>, vector<1x16xf32>,
        %parallel_loop3A_540 = vector.shape_cast %parallel_loop3A_539 : vector<1x16xf32> to vector<16xf32>
        %parallel_loop3A_541 = vector.shape_cast %parallel_loop3A_535 : vector<16xf32> to vector<1x16xf32>
        tpu.vector_store %arg9[%parallel_loop3A_537, %parallel_loop3A_538], %parallel_loop3A_541 {add = true, strides = array<i32>} : memref<16x1024xf32, #tpu.memory_space<vmem>>, vector<1x16xf32>,
      } {sc.loop_unroll_factor = 8 : i64, sc.parallel_access}
      %slice3A_120 = vector.extract_strided_slice %get3A_72 {offsets = [10], sizes = [1], strides = [1]} : vector<16xi32> to vector<1xi32>
      %squeeze3A_121 = vector.extract %slice3A_120[0] : i32 from vector<1xi32>
      %parallel_loop3A_122 = arith.constant 0 : i32
      %parallel_loop3A_123 = arith.constant 1024 : i32
      %parallel_loop3A_124 = arith.constant 16 : i32
      scf.for %parallel_loop3A_531 = %parallel_loop3A_122 to %parallel_loop3A_123 step %parallel_loop3A_124  : i32 {
        %parallel_loop3A_532 = arith.index_cast %squeeze3A_121 : i32 to index
        %parallel_loop3A_533 = arith.index_cast %parallel_loop3A_531 : i32 to index
        %parallel_loop3A_534 = tpu.vector_load %arg6[%parallel_loop3A_532, %parallel_loop3A_533] {strides = array<i32>} : memref<16x1024xf32, #tpu.memory_space<vmem>>, vector<1x16xf32>,
        %parallel_loop3A_535 = vector.shape_cast %parallel_loop3A_534 : vector<1x16xf32> to vector<16xf32>
        %parallel_loop3A_536 = arith.constant 10 : i32
        %parallel_loop3A_537 = arith.index_cast %parallel_loop3A_536 : i32 to index
        %parallel_loop3A_538 = arith.index_cast %parallel_loop3A_531 : i32 to index
        %parallel_loop3A_539 = tpu.vector_load %arg9[%parallel_loop3A_537, %parallel_loop3A_538] {strides = array<i32>} : memref<16x1024xf32, #tpu.memory_space<vmem>>, vector<1x16xf32>,
        %parallel_loop3A_540 = vector.shape_cast %parallel_loop3A_539 : vector<1x16xf32> to vector<16xf32>
        %parallel_loop3A_541 = vector.shape_cast %parallel_loop3A_535 : vector<16xf32> to vector<1x16xf32>
        tpu.vector_store %arg9[%parallel_loop3A_537, %parallel_loop3A_538], %parallel_loop3A_541 {add = true, strides = array<i32>} : memref<16x1024xf32, #tpu.memory_space<vmem>>, vector<1x16xf32>,
      } {sc.loop_unroll_factor = 8 : i64, sc.parallel_access}
      %slice3A_125 = vector.extract_strided_slice %get3A_72 {offsets = [11], sizes = [1], strides = [1]} : vector<16xi32> to vector<1xi32>
      %squeeze3A_126 = vector.extract %slice3A_125[0] : i32 from vector<1xi32>
      %parallel_loop3A_127 = arith.constant 0 : i32
      %parallel_loop3A_128 = arith.constant 1024 : i32
      %parallel_loop3A_129 = arith.constant 16 : i32
      scf.for %parallel_loop3A_531 = %parallel_loop3A_127 to %parallel_loop3A_128 step %parallel_loop3A_129  : i32 {
        %parallel_loop3A_532 = arith.index_cast %squeeze3A_126 : i32 to index
        %parallel_loop3A_533 = arith.index_cast %parallel_loop3A_531 : i32 to index
        %parallel_loop3A_534 = tpu.vector_load %arg6[%parallel_loop3A_532, %parallel_loop3A_533] {strides = array<i32>} : memref<16x1024xf32, #tpu.memory_space<vmem>>, vector<1x16xf32>,
        %parallel_loop3A_535 = vector.shape_cast %parallel_loop3A_534 : vector<1x16xf32> to vector<16xf32>
        %parallel_loop3A_536 = arith.constant 11 : i32
        %parallel_loop3A_537 = arith.index_cast %parallel_loop3A_536 : i32 to index
        %parallel_loop3A_538 = arith.index_cast %parallel_loop3A_531 : i32 to index
        %parallel_loop3A_539 = tpu.vector_load %arg9[%parallel_loop3A_537, %parallel_loop3A_538] {strides = array<i32>} : memref<16x1024xf32, #tpu.memory_space<vmem>>, vector<1x16xf32>,
        %parallel_loop3A_540 = vector.shape_cast %parallel_loop3A_539 : vector<1x16xf32> to vector<16xf32>
        %parallel_loop3A_541 = vector.shape_cast %parallel_loop3A_535 : vector<16xf32> to vector<1x16xf32>
        tpu.vector_store %arg9[%parallel_loop3A_537, %parallel_loop3A_538], %parallel_loop3A_541 {add = true, strides = array<i32>} : memref<16x1024xf32, #tpu.memory_space<vmem>>, vector<1x16xf32>,
      } {sc.loop_unroll_factor = 8 : i64, sc.parallel_access}
      %slice3A_130 = vector.extract_strided_slice %get3A_72 {offsets = [12], sizes = [1], strides = [1]} : vector<16xi32> to vector<1xi32>
      %squeeze3A_131 = vector.extract %slice3A_130[0] : i32 from vector<1xi32>
      %parallel_loop3A_132 = arith.constant 0 : i32
      %parallel_loop3A_133 = arith.constant 1024 : i32
      %parallel_loop3A_134 = arith.constant 16 : i32
      scf.for %parallel_loop3A_531 = %parallel_loop3A_132 to %parallel_loop3A_133 step %parallel_loop3A_134  : i32 {
        %parallel_loop3A_532 = arith.index_cast %squeeze3A_131 : i32 to index
        %parallel_loop3A_533 = arith.index_cast %parallel_loop3A_531 : i32 to index
        %parallel_loop3A_534 = tpu.vector_load %arg6[%parallel_loop3A_532, %parallel_loop3A_533] {strides = array<i32>} : memref<16x1024xf32, #tpu.memory_space<vmem>>, vector<1x16xf32>,
        %parallel_loop3A_535 = vector.shape_cast %parallel_loop3A_534 : vector<1x16xf32> to vector<16xf32>
        %parallel_loop3A_536 = arith.constant 12 : i32
        %parallel_loop3A_537 = arith.index_cast %parallel_loop3A_536 : i32 to index
        %parallel_loop3A_538 = arith.index_cast %parallel_loop3A_531 : i32 to index
        %parallel_loop3A_539 = tpu.vector_load %arg9[%parallel_loop3A_537, %parallel_loop3A_538] {strides = array<i32>} : memref<16x1024xf32, #tpu.memory_space<vmem>>, vector<1x16xf32>,
        %parallel_loop3A_540 = vector.shape_cast %parallel_loop3A_539 : vector<1x16xf32> to vector<16xf32>
        %parallel_loop3A_541 = vector.shape_cast %parallel_loop3A_535 : vector<16xf32> to vector<1x16xf32>
        tpu.vector_store %arg9[%parallel_loop3A_537, %parallel_loop3A_538], %parallel_loop3A_541 {add = true, strides = array<i32>} : memref<16x1024xf32, #tpu.memory_space<vmem>>, vector<1x16xf32>,
      } {sc.loop_unroll_factor = 8 : i64, sc.parallel_access}
      %slice3A_135 = vector.extract_strided_slice %get3A_72 {offsets = [13], sizes = [1], strides = [1]} : vector<16xi32> to vector<1xi32>
      %squeeze3A_136 = vector.extract %slice3A_135[0] : i32 from vector<1xi32>
      %parallel_loop3A_137 = arith.constant 0 : i32
      %parallel_loop3A_138 = arith.constant 1024 : i32
      %parallel_loop3A_139 = arith.constant 16 : i32
      scf.for %parallel_loop3A_531 = %parallel_loop3A_137 to %parallel_loop3A_138 step %parallel_loop3A_139  : i32 {
        %parallel_loop3A_532 = arith.index_cast %squeeze3A_136 : i32 to index
        %parallel_loop3A_533 = arith.index_cast %parallel_loop3A_531 : i32 to index
        %parallel_loop3A_534 = tpu.vector_load %arg6[%parallel_loop3A_532, %parallel_loop3A_533] {strides = array<i32>} : memref<16x1024xf32, #tpu.memory_space<vmem>>, vector<1x16xf32>,
        %parallel_loop3A_535 = vector.shape_cast %parallel_loop3A_534 : vector<1x16xf32> to vector<16xf32>
        %parallel_loop3A_536 = arith.constant 13 : i32
        %parallel_loop3A_537 = arith.index_cast %parallel_loop3A_536 : i32 to index
        %parallel_loop3A_538 = arith.index_cast %parallel_loop3A_531 : i32 to index
        %parallel_loop3A_539 = tpu.vector_load %arg9[%parallel_loop3A_537, %parallel_loop3A_538] {strides = array<i32>} : memref<16x1024xf32, #tpu.memory_space<vmem>>, vector<1x16xf32>,
        %parallel_loop3A_540 = vector.shape_cast %parallel_loop3A_539 : vector<1x16xf32> to vector<16xf32>
        %parallel_loop3A_541 = vector.shape_cast %parallel_loop3A_535 : vector<16xf32> to vector<1x16xf32>
        tpu.vector_store %arg9[%parallel_loop3A_537, %parallel_loop3A_538], %parallel_loop3A_541 {add = true, strides = array<i32>} : memref<16x1024xf32, #tpu.memory_space<vmem>>, vector<1x16xf32>,
      } {sc.loop_unroll_factor = 8 : i64, sc.parallel_access}
      %slice3A_140 = vector.extract_strided_slice %get3A_72 {offsets = [14], sizes = [1], strides = [1]} : vector<16xi32> to vector<1xi32>
      %squeeze3A_141 = vector.extract %slice3A_140[0] : i32 from vector<1xi32>
      %parallel_loop3A_142 = arith.constant 0 : i32
      %parallel_loop3A_143 = arith.constant 1024 : i32
      %parallel_loop3A_144 = arith.constant 16 : i32
      scf.for %parallel_loop3A_531 = %parallel_loop3A_142 to %parallel_loop3A_143 step %parallel_loop3A_144  : i32 {
        %parallel_loop3A_532 = arith.index_cast %squeeze3A_141 : i32 to index
        %parallel_loop3A_533 = arith.index_cast %parallel_loop3A_531 : i32 to index
        %parallel_loop3A_534 = tpu.vector_load %arg6[%parallel_loop3A_532, %parallel_loop3A_533] {strides = array<i32>} : memref<16x1024xf32, #tpu.memory_space<vmem>>, vector<1x16xf32>,
        %parallel_loop3A_535 = vector.shape_cast %parallel_loop3A_534 : vector<1x16xf32> to vector<16xf32>
        %parallel_loop3A_536 = arith.constant 14 : i32
        %parallel_loop3A_537 = arith.index_cast %parallel_loop3A_536 : i32 to index
        %parallel_loop3A_538 = arith.index_cast %parallel_loop3A_531 : i32 to index
        %parallel_loop3A_539 = tpu.vector_load %arg9[%parallel_loop3A_537, %parallel_loop3A_538] {strides = array<i32>} : memref<16x1024xf32, #tpu.memory_space<vmem>>, vector<1x16xf32>,
        %parallel_loop3A_540 = vector.shape_cast %parallel_loop3A_539 : vector<1x16xf32> to vector<16xf32>
        %parallel_loop3A_541 = vector.shape_cast %parallel_loop3A_535 : vector<16xf32> to vector<1x16xf32>
        tpu.vector_store %arg9[%parallel_loop3A_537, %parallel_loop3A_538], %parallel_loop3A_541 {add = true, strides = array<i32>} : memref<16x1024xf32, #tpu.memory_space<vmem>>, vector<1x16xf32>,
      } {sc.loop_unroll_factor = 8 : i64, sc.parallel_access}
      %slice3A_145 = vector.extract_strided_slice %get3A_72 {offsets = [15], sizes = [1], strides = [1]} : vector<16xi32> to vector<1xi32>
      %squeeze3A_146 = vector.extract %slice3A_145[0] : i32 from vector<1xi32>
      %parallel_loop3A_147 = arith.constant 0 : i32
      %parallel_loop3A_148 = arith.constant 1024 : i32
      %parallel_loop3A_149 = arith.constant 16 : i32
      scf.for %parallel_loop3A_531 = %parallel_loop3A_147 to %parallel_loop3A_148 step %parallel_loop3A_149  : i32 {
        %parallel_loop3A_532 = arith.index_cast %squeeze3A_146 : i32 to index
        %parallel_loop3A_533 = arith.index_cast %parallel_loop3A_531 : i32 to index
        %parallel_loop3A_534 = tpu.vector_load %arg6[%parallel_loop3A_532, %parallel_loop3A_533] {strides = array<i32>} : memref<16x1024xf32, #tpu.memory_space<vmem>>, vector<1x16xf32>,
        %parallel_loop3A_535 = vector.shape_cast %parallel_loop3A_534 : vector<1x16xf32> to vector<16xf32>
        %parallel_loop3A_536 = arith.constant 15 : i32
        %parallel_loop3A_537 = arith.index_cast %parallel_loop3A_536 : i32 to index
        %parallel_loop3A_538 = arith.index_cast %parallel_loop3A_531 : i32 to index
        %parallel_loop3A_539 = tpu.vector_load %arg9[%parallel_loop3A_537, %parallel_loop3A_538] {strides = array<i32>} : memref<16x1024xf32, #tpu.memory_space<vmem>>, vector<1x16xf32>,
        %parallel_loop3A_540 = vector.shape_cast %parallel_loop3A_539 : vector<1x16xf32> to vector<16xf32>
        %parallel_loop3A_541 = vector.shape_cast %parallel_loop3A_535 : vector<16xf32> to vector<1x16xf32>
        tpu.vector_store %arg9[%parallel_loop3A_537, %parallel_loop3A_538], %parallel_loop3A_541 {add = true, strides = array<i32>} : memref<16x1024xf32, #tpu.memory_space<vmem>>, vector<1x16xf32>,
      } {sc.loop_unroll_factor = 8 : i64, sc.parallel_access}
      %ge3A = arith.constant 1 : i32
      %ge3A_150 = arith.cmpi sge, %add3A_56, %ge3A : i32
      %convert_element_type3A_151 = arith.extui %ge3A_150 : i1 to i32
      %cond3A_152 = arith.constant 0 : i32
      %cond3A_153 = arith.cmpi ne, %convert_element_type3A_151, %cond3A_152 : i32
      scf.if %cond3A_153 {
        %dma_wait3A_531 = arith.constant 1 : i32
        %dma_wait3A_532 = arith.constant 0 : i32
        %dma_wait3A_533 = arith.constant 0 : i32
        %dma_wait3A_534 = tpu.memref_slice %arg8[%arg1, %dma_wait3A_531, %dma_wait3A_532, %dma_wait3A_533] : memref<16x2x16x1024xf32, #tpu.memory_space<vmem_shared>> -> memref<1x1x16x1024xf32, #tpu.memory_space<vmem_shared>>
        %dma_wait3A_535 = tpu.memref_squeeze %dma_wait3A_534 : memref<1x1x16x1024xf32, #tpu.memory_space<vmem_shared>> -> memref<16x1024xf32, #tpu.memory_space<vmem_shared>>
        %dma_wait3A_536 = arith.constant 0 : i32
        %dma_wait3A_537 = arith.constant 0 : i32
        %dma_wait3A_538 = tpu.memref_slice %arg8[%arg1, %dma_wait3A_531, %dma_wait3A_536, %dma_wait3A_537] : memref<16x2x16x1024xf32, #tpu.memory_space<vmem_shared>> -> memref<1x1x16x1024xf32, #tpu.memory_space<vmem_shared>>
        %dma_wait3A_539 = tpu.memref_squeeze %dma_wait3A_538 : memref<1x1x16x1024xf32, #tpu.memory_space<vmem_shared>> -> memref<16x1024xf32, #tpu.memory_space<vmem_shared>>
        tpu.wait_dma2 semaphore(%arg18 : memref<!tpu.dma_semaphore, #tpu.memory_space<semaphore_mem>>) src(%arg9 : memref<16x1024xf32, #tpu.memory_space<vmem>>) dst(%dma_wait3A_539 : memref<16x1024xf32, #tpu.memory_space<vmem_shared>>)
        %sub3A = arith.constant 1 : i32
        %sub3A_540 = arith.subi %add3A_56, %sub3A : i32
        %mul3A_541 = arith.constant 16 : i32
        %mul3A_542 = arith.muli %sub3A_540, %mul3A_541 : i32
        %add3A_543 = arith.addi %mul3A_2, %mul3A_542 : i32
        %dma_start3A_544 = arith.constant 1 : i32
        %dma_start3A_545 = arith.constant 0 : i32
        %dma_start3A_546 = tpu.memref_slice %arg5[%add3A_543, %dma_start3A_545] : memref<32768x1024xf32, #tpu.memory_space<hbm>> -> memref<16x1024xf32, #tpu.memory_space<hbm>>
        %dma_start3A_547 = arith.constant 0 : i32
        %dma_start3A_548 = arith.constant 0 : i32
        %dma_start3A_549 = tpu.memref_slice %arg8[%arg1, %dma_start3A_544, %dma_start3A_547, %dma_start3A_548] : memref<16x2x16x1024xf32, #tpu.memory_space<vmem_shared>> -> memref<1x1x16x1024xf32, #tpu.memory_space<vmem_shared>>
        %dma_start3A_550 = tpu.memref_squeeze %dma_start3A_549 : memref<1x1x16x1024xf32, #tpu.memory_space<vmem_shared>> -> memref<16x1024xf32, #tpu.memory_space<vmem_shared>>
        tpu.enqueue_dma source(%dma_start3A_550 : memref<16x1024xf32, #tpu.memory_space<vmem_shared>>) target(%dma_start3A_546 : memref<16x1024xf32, #tpu.memory_space<hbm>>) target_semaphore(%arg20 : memref<!tpu.dma_semaphore, #tpu.memory_space<semaphore_mem>>)
      } else {
      }
      %ge3A_154 = arith.constant 2 : i32
      %ge3A_155 = arith.cmpi sge, %add3A_56, %ge3A_154 : i32
      %convert_element_type3A_156 = arith.extui %ge3A_155 : i1 to i32
      %cond3A_157 = arith.constant 0 : i32
      %cond3A_158 = arith.cmpi ne, %convert_element_type3A_156, %cond3A_157 : i32
      scf.if %cond3A_158 {
        %dma_wait3A_531 = arith.constant 0 : i32
        %dma_wait3A_532 = arith.constant 0 : i32
        %dma_wait3A_533 = arith.constant 0 : i32
        %dma_wait3A_534 = tpu.memref_slice %arg5[%dma_wait3A_532, %dma_wait3A_533] : memref<32768x1024xf32, #tpu.memory_space<hbm>> -> memref<16x1024xf32, #tpu.memory_space<hbm>>
        %dma_wait3A_535 = arith.constant 0 : i32
        %dma_wait3A_536 = arith.constant 0 : i32
        %dma_wait3A_537 = tpu.memref_slice %arg8[%arg1, %dma_wait3A_531, %dma_wait3A_535, %dma_wait3A_536] : memref<16x2x16x1024xf32, #tpu.memory_space<vmem_shared>> -> memref<1x1x16x1024xf32, #tpu.memory_space<vmem_shared>>
        %dma_wait3A_538 = tpu.memref_squeeze %dma_wait3A_537 : memref<1x1x16x1024xf32, #tpu.memory_space<vmem_shared>> -> memref<16x1024xf32, #tpu.memory_space<vmem_shared>>
        tpu.wait_dma2 semaphore(%arg19 : memref<!tpu.dma_semaphore, #tpu.memory_space<semaphore_mem>>) src(%dma_wait3A_538 : memref<16x1024xf32, #tpu.memory_space<vmem_shared>>) dst(%dma_wait3A_534 : memref<16x1024xf32, #tpu.memory_space<hbm>>)
      } else {
      }
      %dma_start3A_159 = arith.constant 0 : i32
      %dma_start3A_160 = arith.constant 0 : i32
      %dma_start3A_161 = arith.constant 0 : i32
      %dma_start3A_162 = tpu.memref_slice %arg8[%arg1, %dma_start3A_159, %dma_start3A_160, %dma_start3A_161] : memref<16x2x16x1024xf32, #tpu.memory_space<vmem_shared>> -> memref<1x1x16x1024xf32, #tpu.memory_space<vmem_shared>>
      %dma_start3A_163 = tpu.memref_squeeze %dma_start3A_162 : memref<1x1x16x1024xf32, #tpu.memory_space<vmem_shared>> -> memref<16x1024xf32, #tpu.memory_space<vmem_shared>>
      %dma_start3A_164 = arith.constant 0 : i32
      %dma_start3A_165 = arith.constant 0 : i32
      %dma_start3A_166 = tpu.memref_slice %arg8[%arg1, %dma_start3A_159, %dma_start3A_164, %dma_start3A_165] : memref<16x2x16x1024xf32, #tpu.memory_space<vmem_shared>> -> memref<1x1x16x1024xf32, #tpu.memory_space<vmem_shared>>
      %dma_start3A_167 = tpu.memref_squeeze %dma_start3A_166 : memref<1x1x16x1024xf32, #tpu.memory_space<vmem_shared>> -> memref<16x1024xf32, #tpu.memory_space<vmem_shared>>
      tpu.enqueue_dma source(%arg9 : memref<16x1024xf32, #tpu.memory_space<vmem>>) target(%dma_start3A_167 : memref<16x1024xf32, #tpu.memory_space<vmem_shared>>) target_semaphore(%arg17 : memref<!tpu.dma_semaphore, #tpu.memory_space<semaphore_mem>>)
      %add3A_168 = arith.constant 1 : i32
      %add3A_169 = arith.addi %mul3A_54, %add3A_168 : i32
      %dma_wait3A_170 = arith.constant 0 : i32
      %dma_wait3A_171 = arith.constant 0 : i32
      %dma_wait3A_172 = tpu.memref_slice %arg2[%dma_wait3A_170, %dma_wait3A_171] : memref<32768x1024xf32, #tpu.memory_space<hbm>> -> memref<16x1024xf32, #tpu.memory_space<hbm>>
      %dma_wait3A_173 = arith.constant 0 : i32
      %dma_wait3A_174 = arith.constant 0 : i32
      %dma_wait3A_175 = tpu.memref_slice %arg2[%dma_wait3A_173, %dma_wait3A_174] : memref<32768x1024xf32, #tpu.memory_space<hbm>> -> memref<16x1024xf32, #tpu.memory_space<hbm>>
      tpu.wait_dma2 semaphore(%arg14 : memref<!tpu.dma_semaphore, #tpu.memory_space<semaphore_mem>>) src(%dma_wait3A_175 : memref<16x1024xf32, #tpu.memory_space<hbm>>) dst(%arg10 : memref<16x1024xf32, #tpu.memory_space<vmem>>)
      %add3A_176 = arith.constant 2 : i32
      %add3A_177 = arith.addi %add3A_169, %add3A_176 : i32
      %lt3A_178 = arith.constant 64 : i32
      %lt3A_179 = arith.cmpi slt, %add3A_177, %lt3A_178 : i32
      %convert_element_type3A_180 = arith.extui %lt3A_179 : i1 to i32
      %cond3A_181 = arith.constant 0 : i32
      %cond3A_182 = arith.cmpi ne, %convert_element_type3A_180, %cond3A_181 : i32
      scf.if %cond3A_182 {
        %add3A_531 = arith.constant 2 : i32
        %add3A_532 = arith.addi %add3A_169, %add3A_531 : i32
        %mul3A_533 = arith.constant 16 : i32
        %mul3A_534 = arith.muli %add3A_532, %mul3A_533 : i32
        %add3A_535 = arith.addi %mul3A_2, %mul3A_534 : i32
        %dma_start3A_536 = arith.constant 0 : i32
        %dma_start3A_537 = tpu.memref_slice %arg2[%add3A_535, %dma_start3A_536] : memref<32768x1024xf32, #tpu.memory_space<hbm>> -> memref<16x1024xf32, #tpu.memory_space<hbm>>
        %dma_start3A_538 = arith.constant 0 : i32
        %dma_start3A_539 = tpu.memref_slice %arg2[%add3A_535, %dma_start3A_538] : memref<32768x1024xf32, #tpu.memory_space<hbm>> -> memref<16x1024xf32, #tpu.memory_space<hbm>>
        tpu.enqueue_dma source(%dma_start3A_539 : memref<16x1024xf32, #tpu.memory_space<hbm>>) target(%arg12 : memref<16x1024xf32, #tpu.memory_space<vmem>>) target_semaphore(%arg16 : memref<!tpu.dma_semaphore, #tpu.memory_space<semaphore_mem>>)
      } else {
      }
      %mul3A_183 = arith.constant 16 : i32
      %mul3A_184 = arith.muli %add3A_169, %mul3A_183 : i32
      %add3A_185 = arith.constant 0 : i32
      %add3A_186 = arith.addi %mul3A_184, %add3A_185 : i32
      %get3A_187 = arith.index_cast %add3A_186 : i32 to index
      %get3A_188 = tpu.vector_load %arg7[%get3A_187] {strides = array<i32>} : memref<1024xi32, #tpu.memory_space<vmem>>, vector<16xi32>,
      %get3A_189 = vector.shape_cast %get3A_188 : vector<16xi32> to vector<16xi32>
      %slice3A_190 = vector.extract_strided_slice %get3A_189 {offsets = [0], sizes = [1], strides = [1]} : vector<16xi32> to vector<1xi32>
      %squeeze3A_191 = vector.extract %slice3A_190[0] : i32 from vector<1xi32>
      %parallel_loop3A_192 = arith.constant 0 : i32
      %parallel_loop3A_193 = arith.constant 1024 : i32
      %parallel_loop3A_194 = arith.constant 16 : i32
      scf.for %parallel_loop3A_531 = %parallel_loop3A_192 to %parallel_loop3A_193 step %parallel_loop3A_194  : i32 {
        %parallel_loop3A_532 = arith.index_cast %squeeze3A_191 : i32 to index
        %parallel_loop3A_533 = arith.index_cast %parallel_loop3A_531 : i32 to index
        %parallel_loop3A_534 = tpu.vector_load %arg6[%parallel_loop3A_532, %parallel_loop3A_533] {strides = array<i32>} : memref<16x1024xf32, #tpu.memory_space<vmem>>, vector<1x16xf32>,
        %parallel_loop3A_535 = vector.shape_cast %parallel_loop3A_534 : vector<1x16xf32> to vector<16xf32>
        %parallel_loop3A_536 = arith.constant 0 : i32
        %parallel_loop3A_537 = arith.index_cast %parallel_loop3A_536 : i32 to index
        %parallel_loop3A_538 = arith.index_cast %parallel_loop3A_531 : i32 to index
        %parallel_loop3A_539 = tpu.vector_load %arg10[%parallel_loop3A_537, %parallel_loop3A_538] {strides = array<i32>} : memref<16x1024xf32, #tpu.memory_space<vmem>>, vector<1x16xf32>,
        %parallel_loop3A_540 = vector.shape_cast %parallel_loop3A_539 : vector<1x16xf32> to vector<16xf32>
        %parallel_loop3A_541 = vector.shape_cast %parallel_loop3A_535 : vector<16xf32> to vector<1x16xf32>
        tpu.vector_store %arg10[%parallel_loop3A_537, %parallel_loop3A_538], %parallel_loop3A_541 {add = true, strides = array<i32>} : memref<16x1024xf32, #tpu.memory_space<vmem>>, vector<1x16xf32>,
      } {sc.loop_unroll_factor = 8 : i64, sc.parallel_access}
      %slice3A_195 = vector.extract_strided_slice %get3A_189 {offsets = [1], sizes = [1], strides = [1]} : vector<16xi32> to vector<1xi32>
      %squeeze3A_196 = vector.extract %slice3A_195[0] : i32 from vector<1xi32>
      %parallel_loop3A_197 = arith.constant 0 : i32
      %parallel_loop3A_198 = arith.constant 1024 : i32
      %parallel_loop3A_199 = arith.constant 16 : i32
      scf.for %parallel_loop3A_531 = %parallel_loop3A_197 to %parallel_loop3A_198 step %parallel_loop3A_199  : i32 {
        %parallel_loop3A_532 = arith.index_cast %squeeze3A_196 : i32 to index
        %parallel_loop3A_533 = arith.index_cast %parallel_loop3A_531 : i32 to index
        %parallel_loop3A_534 = tpu.vector_load %arg6[%parallel_loop3A_532, %parallel_loop3A_533] {strides = array<i32>} : memref<16x1024xf32, #tpu.memory_space<vmem>>, vector<1x16xf32>,
        %parallel_loop3A_535 = vector.shape_cast %parallel_loop3A_534 : vector<1x16xf32> to vector<16xf32>
        %parallel_loop3A_536 = arith.constant 1 : i32
        %parallel_loop3A_537 = arith.index_cast %parallel_loop3A_536 : i32 to index
        %parallel_loop3A_538 = arith.index_cast %parallel_loop3A_531 : i32 to index
        %parallel_loop3A_539 = tpu.vector_load %arg10[%parallel_loop3A_537, %parallel_loop3A_538] {strides = array<i32>} : memref<16x1024xf32, #tpu.memory_space<vmem>>, vector<1x16xf32>,
        %parallel_loop3A_540 = vector.shape_cast %parallel_loop3A_539 : vector<1x16xf32> to vector<16xf32>
        %parallel_loop3A_541 = vector.shape_cast %parallel_loop3A_535 : vector<16xf32> to vector<1x16xf32>
        tpu.vector_store %arg10[%parallel_loop3A_537, %parallel_loop3A_538], %parallel_loop3A_541 {add = true, strides = array<i32>} : memref<16x1024xf32, #tpu.memory_space<vmem>>, vector<1x16xf32>,
      } {sc.loop_unroll_factor = 8 : i64, sc.parallel_access}
      %slice3A_200 = vector.extract_strided_slice %get3A_189 {offsets = [2], sizes = [1], strides = [1]} : vector<16xi32> to vector<1xi32>
      %squeeze3A_201 = vector.extract %slice3A_200[0] : i32 from vector<1xi32>
      %parallel_loop3A_202 = arith.constant 0 : i32
      %parallel_loop3A_203 = arith.constant 1024 : i32
      %parallel_loop3A_204 = arith.constant 16 : i32
      scf.for %parallel_loop3A_531 = %parallel_loop3A_202 to %parallel_loop3A_203 step %parallel_loop3A_204  : i32 {
        %parallel_loop3A_532 = arith.index_cast %squeeze3A_201 : i32 to index
        %parallel_loop3A_533 = arith.index_cast %parallel_loop3A_531 : i32 to index
        %parallel_loop3A_534 = tpu.vector_load %arg6[%parallel_loop3A_532, %parallel_loop3A_533] {strides = array<i32>} : memref<16x1024xf32, #tpu.memory_space<vmem>>, vector<1x16xf32>,
        %parallel_loop3A_535 = vector.shape_cast %parallel_loop3A_534 : vector<1x16xf32> to vector<16xf32>
        %parallel_loop3A_536 = arith.constant 2 : i32
        %parallel_loop3A_537 = arith.index_cast %parallel_loop3A_536 : i32 to index
        %parallel_loop3A_538 = arith.index_cast %parallel_loop3A_531 : i32 to index
        %parallel_loop3A_539 = tpu.vector_load %arg10[%parallel_loop3A_537, %parallel_loop3A_538] {strides = array<i32>} : memref<16x1024xf32, #tpu.memory_space<vmem>>, vector<1x16xf32>,
        %parallel_loop3A_540 = vector.shape_cast %parallel_loop3A_539 : vector<1x16xf32> to vector<16xf32>
        %parallel_loop3A_541 = vector.shape_cast %parallel_loop3A_535 : vector<16xf32> to vector<1x16xf32>
        tpu.vector_store %arg10[%parallel_loop3A_537, %parallel_loop3A_538], %parallel_loop3A_541 {add = true, strides = array<i32>} : memref<16x1024xf32, #tpu.memory_space<vmem>>, vector<1x16xf32>,
      } {sc.loop_unroll_factor = 8 : i64, sc.parallel_access}
      %slice3A_205 = vector.extract_strided_slice %get3A_189 {offsets = [3], sizes = [1], strides = [1]} : vector<16xi32> to vector<1xi32>
      %squeeze3A_206 = vector.extract %slice3A_205[0] : i32 from vector<1xi32>
      %parallel_loop3A_207 = arith.constant 0 : i32
      %parallel_loop3A_208 = arith.constant 1024 : i32
      %parallel_loop3A_209 = arith.constant 16 : i32
      scf.for %parallel_loop3A_531 = %parallel_loop3A_207 to %parallel_loop3A_208 step %parallel_loop3A_209  : i32 {
        %parallel_loop3A_532 = arith.index_cast %squeeze3A_206 : i32 to index
        %parallel_loop3A_533 = arith.index_cast %parallel_loop3A_531 : i32 to index
        %parallel_loop3A_534 = tpu.vector_load %arg6[%parallel_loop3A_532, %parallel_loop3A_533] {strides = array<i32>} : memref<16x1024xf32, #tpu.memory_space<vmem>>, vector<1x16xf32>,
        %parallel_loop3A_535 = vector.shape_cast %parallel_loop3A_534 : vector<1x16xf32> to vector<16xf32>
        %parallel_loop3A_536 = arith.constant 3 : i32
        %parallel_loop3A_537 = arith.index_cast %parallel_loop3A_536 : i32 to index
        %parallel_loop3A_538 = arith.index_cast %parallel_loop3A_531 : i32 to index
        %parallel_loop3A_539 = tpu.vector_load %arg10[%parallel_loop3A_537, %parallel_loop3A_538] {strides = array<i32>} : memref<16x1024xf32, #tpu.memory_space<vmem>>, vector<1x16xf32>,
        %parallel_loop3A_540 = vector.shape_cast %parallel_loop3A_539 : vector<1x16xf32> to vector<16xf32>
        %parallel_loop3A_541 = vector.shape_cast %parallel_loop3A_535 : vector<16xf32> to vector<1x16xf32>
        tpu.vector_store %arg10[%parallel_loop3A_537, %parallel_loop3A_538], %parallel_loop3A_541 {add = true, strides = array<i32>} : memref<16x1024xf32, #tpu.memory_space<vmem>>, vector<1x16xf32>,
      } {sc.loop_unroll_factor = 8 : i64, sc.parallel_access}
      %slice3A_210 = vector.extract_strided_slice %get3A_189 {offsets = [4], sizes = [1], strides = [1]} : vector<16xi32> to vector<1xi32>
      %squeeze3A_211 = vector.extract %slice3A_210[0] : i32 from vector<1xi32>
      %parallel_loop3A_212 = arith.constant 0 : i32
      %parallel_loop3A_213 = arith.constant 1024 : i32
      %parallel_loop3A_214 = arith.constant 16 : i32
      scf.for %parallel_loop3A_531 = %parallel_loop3A_212 to %parallel_loop3A_213 step %parallel_loop3A_214  : i32 {
        %parallel_loop3A_532 = arith.index_cast %squeeze3A_211 : i32 to index
        %parallel_loop3A_533 = arith.index_cast %parallel_loop3A_531 : i32 to index
        %parallel_loop3A_534 = tpu.vector_load %arg6[%parallel_loop3A_532, %parallel_loop3A_533] {strides = array<i32>} : memref<16x1024xf32, #tpu.memory_space<vmem>>, vector<1x16xf32>,
        %parallel_loop3A_535 = vector.shape_cast %parallel_loop3A_534 : vector<1x16xf32> to vector<16xf32>
        %parallel_loop3A_536 = arith.constant 4 : i32
        %parallel_loop3A_537 = arith.index_cast %parallel_loop3A_536 : i32 to index
        %parallel_loop3A_538 = arith.index_cast %parallel_loop3A_531 : i32 to index
        %parallel_loop3A_539 = tpu.vector_load %arg10[%parallel_loop3A_537, %parallel_loop3A_538] {strides = array<i32>} : memref<16x1024xf32, #tpu.memory_space<vmem>>, vector<1x16xf32>,
        %parallel_loop3A_540 = vector.shape_cast %parallel_loop3A_539 : vector<1x16xf32> to vector<16xf32>
        %parallel_loop3A_541 = vector.shape_cast %parallel_loop3A_535 : vector<16xf32> to vector<1x16xf32>
        tpu.vector_store %arg10[%parallel_loop3A_537, %parallel_loop3A_538], %parallel_loop3A_541 {add = true, strides = array<i32>} : memref<16x1024xf32, #tpu.memory_space<vmem>>, vector<1x16xf32>,
      } {sc.loop_unroll_factor = 8 : i64, sc.parallel_access}
      %slice3A_215 = vector.extract_strided_slice %get3A_189 {offsets = [5], sizes = [1], strides = [1]} : vector<16xi32> to vector<1xi32>
      %squeeze3A_216 = vector.extract %slice3A_215[0] : i32 from vector<1xi32>
      %parallel_loop3A_217 = arith.constant 0 : i32
      %parallel_loop3A_218 = arith.constant 1024 : i32
      %parallel_loop3A_219 = arith.constant 16 : i32
      scf.for %parallel_loop3A_531 = %parallel_loop3A_217 to %parallel_loop3A_218 step %parallel_loop3A_219  : i32 {
        %parallel_loop3A_532 = arith.index_cast %squeeze3A_216 : i32 to index
        %parallel_loop3A_533 = arith.index_cast %parallel_loop3A_531 : i32 to index
        %parallel_loop3A_534 = tpu.vector_load %arg6[%parallel_loop3A_532, %parallel_loop3A_533] {strides = array<i32>} : memref<16x1024xf32, #tpu.memory_space<vmem>>, vector<1x16xf32>,
        %parallel_loop3A_535 = vector.shape_cast %parallel_loop3A_534 : vector<1x16xf32> to vector<16xf32>
        %parallel_loop3A_536 = arith.constant 5 : i32
        %parallel_loop3A_537 = arith.index_cast %parallel_loop3A_536 : i32 to index
        %parallel_loop3A_538 = arith.index_cast %parallel_loop3A_531 : i32 to index
        %parallel_loop3A_539 = tpu.vector_load %arg10[%parallel_loop3A_537, %parallel_loop3A_538] {strides = array<i32>} : memref<16x1024xf32, #tpu.memory_space<vmem>>, vector<1x16xf32>,
        %parallel_loop3A_540 = vector.shape_cast %parallel_loop3A_539 : vector<1x16xf32> to vector<16xf32>
        %parallel_loop3A_541 = vector.shape_cast %parallel_loop3A_535 : vector<16xf32> to vector<1x16xf32>
        tpu.vector_store %arg10[%parallel_loop3A_537, %parallel_loop3A_538], %parallel_loop3A_541 {add = true, strides = array<i32>} : memref<16x1024xf32, #tpu.memory_space<vmem>>, vector<1x16xf32>,
      } {sc.loop_unroll_factor = 8 : i64, sc.parallel_access}
      %slice3A_220 = vector.extract_strided_slice %get3A_189 {offsets = [6], sizes = [1], strides = [1]} : vector<16xi32> to vector<1xi32>
      %squeeze3A_221 = vector.extract %slice3A_220[0] : i32 from vector<1xi32>
      %parallel_loop3A_222 = arith.constant 0 : i32
      %parallel_loop3A_223 = arith.constant 1024 : i32
      %parallel_loop3A_224 = arith.constant 16 : i32
      scf.for %parallel_loop3A_531 = %parallel_loop3A_222 to %parallel_loop3A_223 step %parallel_loop3A_224  : i32 {
        %parallel_loop3A_532 = arith.index_cast %squeeze3A_221 : i32 to index
        %parallel_loop3A_533 = arith.index_cast %parallel_loop3A_531 : i32 to index
        %parallel_loop3A_534 = tpu.vector_load %arg6[%parallel_loop3A_532, %parallel_loop3A_533] {strides = array<i32>} : memref<16x1024xf32, #tpu.memory_space<vmem>>, vector<1x16xf32>,
        %parallel_loop3A_535 = vector.shape_cast %parallel_loop3A_534 : vector<1x16xf32> to vector<16xf32>
        %parallel_loop3A_536 = arith.constant 6 : i32
        %parallel_loop3A_537 = arith.index_cast %parallel_loop3A_536 : i32 to index
        %parallel_loop3A_538 = arith.index_cast %parallel_loop3A_531 : i32 to index
        %parallel_loop3A_539 = tpu.vector_load %arg10[%parallel_loop3A_537, %parallel_loop3A_538] {strides = array<i32>} : memref<16x1024xf32, #tpu.memory_space<vmem>>, vector<1x16xf32>,
        %parallel_loop3A_540 = vector.shape_cast %parallel_loop3A_539 : vector<1x16xf32> to vector<16xf32>
        %parallel_loop3A_541 = vector.shape_cast %parallel_loop3A_535 : vector<16xf32> to vector<1x16xf32>
        tpu.vector_store %arg10[%parallel_loop3A_537, %parallel_loop3A_538], %parallel_loop3A_541 {add = true, strides = array<i32>} : memref<16x1024xf32, #tpu.memory_space<vmem>>, vector<1x16xf32>,
      } {sc.loop_unroll_factor = 8 : i64, sc.parallel_access}
      %slice3A_225 = vector.extract_strided_slice %get3A_189 {offsets = [7], sizes = [1], strides = [1]} : vector<16xi32> to vector<1xi32>
      %squeeze3A_226 = vector.extract %slice3A_225[0] : i32 from vector<1xi32>
      %parallel_loop3A_227 = arith.constant 0 : i32
      %parallel_loop3A_228 = arith.constant 1024 : i32
      %parallel_loop3A_229 = arith.constant 16 : i32
      scf.for %parallel_loop3A_531 = %parallel_loop3A_227 to %parallel_loop3A_228 step %parallel_loop3A_229  : i32 {
        %parallel_loop3A_532 = arith.index_cast %squeeze3A_226 : i32 to index
        %parallel_loop3A_533 = arith.index_cast %parallel_loop3A_531 : i32 to index
        %parallel_loop3A_534 = tpu.vector_load %arg6[%parallel_loop3A_532, %parallel_loop3A_533] {strides = array<i32>} : memref<16x1024xf32, #tpu.memory_space<vmem>>, vector<1x16xf32>,
        %parallel_loop3A_535 = vector.shape_cast %parallel_loop3A_534 : vector<1x16xf32> to vector<16xf32>
        %parallel_loop3A_536 = arith.constant 7 : i32
        %parallel_loop3A_537 = arith.index_cast %parallel_loop3A_536 : i32 to index
        %parallel_loop3A_538 = arith.index_cast %parallel_loop3A_531 : i32 to index
        %parallel_loop3A_539 = tpu.vector_load %arg10[%parallel_loop3A_537, %parallel_loop3A_538] {strides = array<i32>} : memref<16x1024xf32, #tpu.memory_space<vmem>>, vector<1x16xf32>,
        %parallel_loop3A_540 = vector.shape_cast %parallel_loop3A_539 : vector<1x16xf32> to vector<16xf32>
        %parallel_loop3A_541 = vector.shape_cast %parallel_loop3A_535 : vector<16xf32> to vector<1x16xf32>
        tpu.vector_store %arg10[%parallel_loop3A_537, %parallel_loop3A_538], %parallel_loop3A_541 {add = true, strides = array<i32>} : memref<16x1024xf32, #tpu.memory_space<vmem>>, vector<1x16xf32>,
      } {sc.loop_unroll_factor = 8 : i64, sc.parallel_access}
      %slice3A_230 = vector.extract_strided_slice %get3A_189 {offsets = [8], sizes = [1], strides = [1]} : vector<16xi32> to vector<1xi32>
      %squeeze3A_231 = vector.extract %slice3A_230[0] : i32 from vector<1xi32>
      %parallel_loop3A_232 = arith.constant 0 : i32
      %parallel_loop3A_233 = arith.constant 1024 : i32
      %parallel_loop3A_234 = arith.constant 16 : i32
      scf.for %parallel_loop3A_531 = %parallel_loop3A_232 to %parallel_loop3A_233 step %parallel_loop3A_234  : i32 {
        %parallel_loop3A_532 = arith.index_cast %squeeze3A_231 : i32 to index
        %parallel_loop3A_533 = arith.index_cast %parallel_loop3A_531 : i32 to index
        %parallel_loop3A_534 = tpu.vector_load %arg6[%parallel_loop3A_532, %parallel_loop3A_533] {strides = array<i32>} : memref<16x1024xf32, #tpu.memory_space<vmem>>, vector<1x16xf32>,
        %parallel_loop3A_535 = vector.shape_cast %parallel_loop3A_534 : vector<1x16xf32> to vector<16xf32>
        %parallel_loop3A_536 = arith.constant 8 : i32
        %parallel_loop3A_537 = arith.index_cast %parallel_loop3A_536 : i32 to index
        %parallel_loop3A_538 = arith.index_cast %parallel_loop3A_531 : i32 to index
        %parallel_loop3A_539 = tpu.vector_load %arg10[%parallel_loop3A_537, %parallel_loop3A_538] {strides = array<i32>} : memref<16x1024xf32, #tpu.memory_space<vmem>>, vector<1x16xf32>,
        %parallel_loop3A_540 = vector.shape_cast %parallel_loop3A_539 : vector<1x16xf32> to vector<16xf32>
        %parallel_loop3A_541 = vector.shape_cast %parallel_loop3A_535 : vector<16xf32> to vector<1x16xf32>
        tpu.vector_store %arg10[%parallel_loop3A_537, %parallel_loop3A_538], %parallel_loop3A_541 {add = true, strides = array<i32>} : memref<16x1024xf32, #tpu.memory_space<vmem>>, vector<1x16xf32>,
      } {sc.loop_unroll_factor = 8 : i64, sc.parallel_access}
      %slice3A_235 = vector.extract_strided_slice %get3A_189 {offsets = [9], sizes = [1], strides = [1]} : vector<16xi32> to vector<1xi32>
      %squeeze3A_236 = vector.extract %slice3A_235[0] : i32 from vector<1xi32>
      %parallel_loop3A_237 = arith.constant 0 : i32
      %parallel_loop3A_238 = arith.constant 1024 : i32
      %parallel_loop3A_239 = arith.constant 16 : i32
      scf.for %parallel_loop3A_531 = %parallel_loop3A_237 to %parallel_loop3A_238 step %parallel_loop3A_239  : i32 {
        %parallel_loop3A_532 = arith.index_cast %squeeze3A_236 : i32 to index
        %parallel_loop3A_533 = arith.index_cast %parallel_loop3A_531 : i32 to index
        %parallel_loop3A_534 = tpu.vector_load %arg6[%parallel_loop3A_532, %parallel_loop3A_533] {strides = array<i32>} : memref<16x1024xf32, #tpu.memory_space<vmem>>, vector<1x16xf32>,
        %parallel_loop3A_535 = vector.shape_cast %parallel_loop3A_534 : vector<1x16xf32> to vector<16xf32>
        %parallel_loop3A_536 = arith.constant 9 : i32
        %parallel_loop3A_537 = arith.index_cast %parallel_loop3A_536 : i32 to index
        %parallel_loop3A_538 = arith.index_cast %parallel_loop3A_531 : i32 to index
        %parallel_loop3A_539 = tpu.vector_load %arg10[%parallel_loop3A_537, %parallel_loop3A_538] {strides = array<i32>} : memref<16x1024xf32, #tpu.memory_space<vmem>>, vector<1x16xf32>,
        %parallel_loop3A_540 = vector.shape_cast %parallel_loop3A_539 : vector<1x16xf32> to vector<16xf32>
        %parallel_loop3A_541 = vector.shape_cast %parallel_loop3A_535 : vector<16xf32> to vector<1x16xf32>
        tpu.vector_store %arg10[%parallel_loop3A_537, %parallel_loop3A_538], %parallel_loop3A_541 {add = true, strides = array<i32>} : memref<16x1024xf32, #tpu.memory_space<vmem>>, vector<1x16xf32>,
      } {sc.loop_unroll_factor = 8 : i64, sc.parallel_access}
      %slice3A_240 = vector.extract_strided_slice %get3A_189 {offsets = [10], sizes = [1], strides = [1]} : vector<16xi32> to vector<1xi32>
      %squeeze3A_241 = vector.extract %slice3A_240[0] : i32 from vector<1xi32>
      %parallel_loop3A_242 = arith.constant 0 : i32
      %parallel_loop3A_243 = arith.constant 1024 : i32
      %parallel_loop3A_244 = arith.constant 16 : i32
      scf.for %parallel_loop3A_531 = %parallel_loop3A_242 to %parallel_loop3A_243 step %parallel_loop3A_244  : i32 {
        %parallel_loop3A_532 = arith.index_cast %squeeze3A_241 : i32 to index
        %parallel_loop3A_533 = arith.index_cast %parallel_loop3A_531 : i32 to index
        %parallel_loop3A_534 = tpu.vector_load %arg6[%parallel_loop3A_532, %parallel_loop3A_533] {strides = array<i32>} : memref<16x1024xf32, #tpu.memory_space<vmem>>, vector<1x16xf32>,
        %parallel_loop3A_535 = vector.shape_cast %parallel_loop3A_534 : vector<1x16xf32> to vector<16xf32>
        %parallel_loop3A_536 = arith.constant 10 : i32
        %parallel_loop3A_537 = arith.index_cast %parallel_loop3A_536 : i32 to index
        %parallel_loop3A_538 = arith.index_cast %parallel_loop3A_531 : i32 to index
        %parallel_loop3A_539 = tpu.vector_load %arg10[%parallel_loop3A_537, %parallel_loop3A_538] {strides = array<i32>} : memref<16x1024xf32, #tpu.memory_space<vmem>>, vector<1x16xf32>,
        %parallel_loop3A_540 = vector.shape_cast %parallel_loop3A_539 : vector<1x16xf32> to vector<16xf32>
        %parallel_loop3A_541 = vector.shape_cast %parallel_loop3A_535 : vector<16xf32> to vector<1x16xf32>
        tpu.vector_store %arg10[%parallel_loop3A_537, %parallel_loop3A_538], %parallel_loop3A_541 {add = true, strides = array<i32>} : memref<16x1024xf32, #tpu.memory_space<vmem>>, vector<1x16xf32>,
      } {sc.loop_unroll_factor = 8 : i64, sc.parallel_access}
      %slice3A_245 = vector.extract_strided_slice %get3A_189 {offsets = [11], sizes = [1], strides = [1]} : vector<16xi32> to vector<1xi32>
      %squeeze3A_246 = vector.extract %slice3A_245[0] : i32 from vector<1xi32>
      %parallel_loop3A_247 = arith.constant 0 : i32
      %parallel_loop3A_248 = arith.constant 1024 : i32
      %parallel_loop3A_249 = arith.constant 16 : i32
      scf.for %parallel_loop3A_531 = %parallel_loop3A_247 to %parallel_loop3A_248 step %parallel_loop3A_249  : i32 {
        %parallel_loop3A_532 = arith.index_cast %squeeze3A_246 : i32 to index
        %parallel_loop3A_533 = arith.index_cast %parallel_loop3A_531 : i32 to index
        %parallel_loop3A_534 = tpu.vector_load %arg6[%parallel_loop3A_532, %parallel_loop3A_533] {strides = array<i32>} : memref<16x1024xf32, #tpu.memory_space<vmem>>, vector<1x16xf32>,
        %parallel_loop3A_535 = vector.shape_cast %parallel_loop3A_534 : vector<1x16xf32> to vector<16xf32>
        %parallel_loop3A_536 = arith.constant 11 : i32
        %parallel_loop3A_537 = arith.index_cast %parallel_loop3A_536 : i32 to index
        %parallel_loop3A_538 = arith.index_cast %parallel_loop3A_531 : i32 to index
        %parallel_loop3A_539 = tpu.vector_load %arg10[%parallel_loop3A_537, %parallel_loop3A_538] {strides = array<i32>} : memref<16x1024xf32, #tpu.memory_space<vmem>>, vector<1x16xf32>,
        %parallel_loop3A_540 = vector.shape_cast %parallel_loop3A_539 : vector<1x16xf32> to vector<16xf32>
        %parallel_loop3A_541 = vector.shape_cast %parallel_loop3A_535 : vector<16xf32> to vector<1x16xf32>
        tpu.vector_store %arg10[%parallel_loop3A_537, %parallel_loop3A_538], %parallel_loop3A_541 {add = true, strides = array<i32>} : memref<16x1024xf32, #tpu.memory_space<vmem>>, vector<1x16xf32>,
      } {sc.loop_unroll_factor = 8 : i64, sc.parallel_access}
      %slice3A_250 = vector.extract_strided_slice %get3A_189 {offsets = [12], sizes = [1], strides = [1]} : vector<16xi32> to vector<1xi32>
      %squeeze3A_251 = vector.extract %slice3A_250[0] : i32 from vector<1xi32>
      %parallel_loop3A_252 = arith.constant 0 : i32
      %parallel_loop3A_253 = arith.constant 1024 : i32
      %parallel_loop3A_254 = arith.constant 16 : i32
      scf.for %parallel_loop3A_531 = %parallel_loop3A_252 to %parallel_loop3A_253 step %parallel_loop3A_254  : i32 {
        %parallel_loop3A_532 = arith.index_cast %squeeze3A_251 : i32 to index
        %parallel_loop3A_533 = arith.index_cast %parallel_loop3A_531 : i32 to index
        %parallel_loop3A_534 = tpu.vector_load %arg6[%parallel_loop3A_532, %parallel_loop3A_533] {strides = array<i32>} : memref<16x1024xf32, #tpu.memory_space<vmem>>, vector<1x16xf32>,
        %parallel_loop3A_535 = vector.shape_cast %parallel_loop3A_534 : vector<1x16xf32> to vector<16xf32>
        %parallel_loop3A_536 = arith.constant 12 : i32
        %parallel_loop3A_537 = arith.index_cast %parallel_loop3A_536 : i32 to index
        %parallel_loop3A_538 = arith.index_cast %parallel_loop3A_531 : i32 to index
        %parallel_loop3A_539 = tpu.vector_load %arg10[%parallel_loop3A_537, %parallel_loop3A_538] {strides = array<i32>} : memref<16x1024xf32, #tpu.memory_space<vmem>>, vector<1x16xf32>,
        %parallel_loop3A_540 = vector.shape_cast %parallel_loop3A_539 : vector<1x16xf32> to vector<16xf32>
        %parallel_loop3A_541 = vector.shape_cast %parallel_loop3A_535 : vector<16xf32> to vector<1x16xf32>
        tpu.vector_store %arg10[%parallel_loop3A_537, %parallel_loop3A_538], %parallel_loop3A_541 {add = true, strides = array<i32>} : memref<16x1024xf32, #tpu.memory_space<vmem>>, vector<1x16xf32>,
      } {sc.loop_unroll_factor = 8 : i64, sc.parallel_access}
      %slice3A_255 = vector.extract_strided_slice %get3A_189 {offsets = [13], sizes = [1], strides = [1]} : vector<16xi32> to vector<1xi32>
      %squeeze3A_256 = vector.extract %slice3A_255[0] : i32 from vector<1xi32>
      %parallel_loop3A_257 = arith.constant 0 : i32
      %parallel_loop3A_258 = arith.constant 1024 : i32
      %parallel_loop3A_259 = arith.constant 16 : i32
      scf.for %parallel_loop3A_531 = %parallel_loop3A_257 to %parallel_loop3A_258 step %parallel_loop3A_259  : i32 {
        %parallel_loop3A_532 = arith.index_cast %squeeze3A_256 : i32 to index
        %parallel_loop3A_533 = arith.index_cast %parallel_loop3A_531 : i32 to index
        %parallel_loop3A_534 = tpu.vector_load %arg6[%parallel_loop3A_532, %parallel_loop3A_533] {strides = array<i32>} : memref<16x1024xf32, #tpu.memory_space<vmem>>, vector<1x16xf32>,
        %parallel_loop3A_535 = vector.shape_cast %parallel_loop3A_534 : vector<1x16xf32> to vector<16xf32>
        %parallel_loop3A_536 = arith.constant 13 : i32
        %parallel_loop3A_537 = arith.index_cast %parallel_loop3A_536 : i32 to index
        %parallel_loop3A_538 = arith.index_cast %parallel_loop3A_531 : i32 to index
        %parallel_loop3A_539 = tpu.vector_load %arg10[%parallel_loop3A_537, %parallel_loop3A_538] {strides = array<i32>} : memref<16x1024xf32, #tpu.memory_space<vmem>>, vector<1x16xf32>,
        %parallel_loop3A_540 = vector.shape_cast %parallel_loop3A_539 : vector<1x16xf32> to vector<16xf32>
        %parallel_loop3A_541 = vector.shape_cast %parallel_loop3A_535 : vector<16xf32> to vector<1x16xf32>
        tpu.vector_store %arg10[%parallel_loop3A_537, %parallel_loop3A_538], %parallel_loop3A_541 {add = true, strides = array<i32>} : memref<16x1024xf32, #tpu.memory_space<vmem>>, vector<1x16xf32>,
      } {sc.loop_unroll_factor = 8 : i64, sc.parallel_access}
      %slice3A_260 = vector.extract_strided_slice %get3A_189 {offsets = [14], sizes = [1], strides = [1]} : vector<16xi32> to vector<1xi32>
      %squeeze3A_261 = vector.extract %slice3A_260[0] : i32 from vector<1xi32>
      %parallel_loop3A_262 = arith.constant 0 : i32
      %parallel_loop3A_263 = arith.constant 1024 : i32
      %parallel_loop3A_264 = arith.constant 16 : i32
      scf.for %parallel_loop3A_531 = %parallel_loop3A_262 to %parallel_loop3A_263 step %parallel_loop3A_264  : i32 {
        %parallel_loop3A_532 = arith.index_cast %squeeze3A_261 : i32 to index
        %parallel_loop3A_533 = arith.index_cast %parallel_loop3A_531 : i32 to index
        %parallel_loop3A_534 = tpu.vector_load %arg6[%parallel_loop3A_532, %parallel_loop3A_533] {strides = array<i32>} : memref<16x1024xf32, #tpu.memory_space<vmem>>, vector<1x16xf32>,
        %parallel_loop3A_535 = vector.shape_cast %parallel_loop3A_534 : vector<1x16xf32> to vector<16xf32>
        %parallel_loop3A_536 = arith.constant 14 : i32
        %parallel_loop3A_537 = arith.index_cast %parallel_loop3A_536 : i32 to index
        %parallel_loop3A_538 = arith.index_cast %parallel_loop3A_531 : i32 to index
        %parallel_loop3A_539 = tpu.vector_load %arg10[%parallel_loop3A_537, %parallel_loop3A_538] {strides = array<i32>} : memref<16x1024xf32, #tpu.memory_space<vmem>>, vector<1x16xf32>,
        %parallel_loop3A_540 = vector.shape_cast %parallel_loop3A_539 : vector<1x16xf32> to vector<16xf32>
        %parallel_loop3A_541 = vector.shape_cast %parallel_loop3A_535 : vector<16xf32> to vector<1x16xf32>
        tpu.vector_store %arg10[%parallel_loop3A_537, %parallel_loop3A_538], %parallel_loop3A_541 {add = true, strides = array<i32>} : memref<16x1024xf32, #tpu.memory_space<vmem>>, vector<1x16xf32>,
      } {sc.loop_unroll_factor = 8 : i64, sc.parallel_access}
      %slice3A_265 = vector.extract_strided_slice %get3A_189 {offsets = [15], sizes = [1], strides = [1]} : vector<16xi32> to vector<1xi32>
      %squeeze3A_266 = vector.extract %slice3A_265[0] : i32 from vector<1xi32>
      %parallel_loop3A_267 = arith.constant 0 : i32
      %parallel_loop3A_268 = arith.constant 1024 : i32
      %parallel_loop3A_269 = arith.constant 16 : i32
      scf.for %parallel_loop3A_531 = %parallel_loop3A_267 to %parallel_loop3A_268 step %parallel_loop3A_269  : i32 {
        %parallel_loop3A_532 = arith.index_cast %squeeze3A_266 : i32 to index
        %parallel_loop3A_533 = arith.index_cast %parallel_loop3A_531 : i32 to index
        %parallel_loop3A_534 = tpu.vector_load %arg6[%parallel_loop3A_532, %parallel_loop3A_533] {strides = array<i32>} : memref<16x1024xf32, #tpu.memory_space<vmem>>, vector<1x16xf32>,
        %parallel_loop3A_535 = vector.shape_cast %parallel_loop3A_534 : vector<1x16xf32> to vector<16xf32>
        %parallel_loop3A_536 = arith.constant 15 : i32
        %parallel_loop3A_537 = arith.index_cast %parallel_loop3A_536 : i32 to index
        %parallel_loop3A_538 = arith.index_cast %parallel_loop3A_531 : i32 to index
        %parallel_loop3A_539 = tpu.vector_load %arg10[%parallel_loop3A_537, %parallel_loop3A_538] {strides = array<i32>} : memref<16x1024xf32, #tpu.memory_space<vmem>>, vector<1x16xf32>,
        %parallel_loop3A_540 = vector.shape_cast %parallel_loop3A_539 : vector<1x16xf32> to vector<16xf32>
        %parallel_loop3A_541 = vector.shape_cast %parallel_loop3A_535 : vector<16xf32> to vector<1x16xf32>
        tpu.vector_store %arg10[%parallel_loop3A_537, %parallel_loop3A_538], %parallel_loop3A_541 {add = true, strides = array<i32>} : memref<16x1024xf32, #tpu.memory_space<vmem>>, vector<1x16xf32>,
      } {sc.loop_unroll_factor = 8 : i64, sc.parallel_access}
      %ge3A_270 = arith.constant 1 : i32
      %ge3A_271 = arith.cmpi sge, %add3A_169, %ge3A_270 : i32
      %convert_element_type3A_272 = arith.extui %ge3A_271 : i1 to i32
      %cond3A_273 = arith.constant 0 : i32
      %cond3A_274 = arith.cmpi ne, %convert_element_type3A_272, %cond3A_273 : i32
      scf.if %cond3A_274 {
        %dma_wait3A_531 = arith.constant 0 : i32
        %dma_wait3A_532 = arith.constant 0 : i32
        %dma_wait3A_533 = arith.constant 0 : i32
        %dma_wait3A_534 = tpu.memref_slice %arg8[%arg1, %dma_wait3A_531, %dma_wait3A_532, %dma_wait3A_533] : memref<16x2x16x1024xf32, #tpu.memory_space<vmem_shared>> -> memref<1x1x16x1024xf32, #tpu.memory_space<vmem_shared>>
        %dma_wait3A_535 = tpu.memref_squeeze %dma_wait3A_534 : memref<1x1x16x1024xf32, #tpu.memory_space<vmem_shared>> -> memref<16x1024xf32, #tpu.memory_space<vmem_shared>>
        %dma_wait3A_536 = arith.constant 0 : i32
        %dma_wait3A_537 = arith.constant 0 : i32
        %dma_wait3A_538 = tpu.memref_slice %arg8[%arg1, %dma_wait3A_531, %dma_wait3A_536, %dma_wait3A_537] : memref<16x2x16x1024xf32, #tpu.memory_space<vmem_shared>> -> memref<1x1x16x1024xf32, #tpu.memory_space<vmem_shared>>
        %dma_wait3A_539 = tpu.memref_squeeze %dma_wait3A_538 : memref<1x1x16x1024xf32, #tpu.memory_space<vmem_shared>> -> memref<16x1024xf32, #tpu.memory_space<vmem_shared>>
        tpu.wait_dma2 semaphore(%arg17 : memref<!tpu.dma_semaphore, #tpu.memory_space<semaphore_mem>>) src(%arg9 : memref<16x1024xf32, #tpu.memory_space<vmem>>) dst(%dma_wait3A_539 : memref<16x1024xf32, #tpu.memory_space<vmem_shared>>)
        %sub3A = arith.constant 1 : i32
        %sub3A_540 = arith.subi %add3A_169, %sub3A : i32
        %mul3A_541 = arith.constant 16 : i32
        %mul3A_542 = arith.muli %sub3A_540, %mul3A_541 : i32
        %add3A_543 = arith.addi %mul3A_2, %mul3A_542 : i32
        %dma_start3A_544 = arith.constant 0 : i32
        %dma_start3A_545 = arith.constant 0 : i32
        %dma_start3A_546 = tpu.memref_slice %arg5[%add3A_543, %dma_start3A_545] : memref<32768x1024xf32, #tpu.memory_space<hbm>> -> memref<16x1024xf32, #tpu.memory_space<hbm>>
        %dma_start3A_547 = arith.constant 0 : i32
        %dma_start3A_548 = arith.constant 0 : i32
        %dma_start3A_549 = tpu.memref_slice %arg8[%arg1, %dma_start3A_544, %dma_start3A_547, %dma_start3A_548] : memref<16x2x16x1024xf32, #tpu.memory_space<vmem_shared>> -> memref<1x1x16x1024xf32, #tpu.memory_space<vmem_shared>>
        %dma_start3A_550 = tpu.memref_squeeze %dma_start3A_549 : memref<1x1x16x1024xf32, #tpu.memory_space<vmem_shared>> -> memref<16x1024xf32, #tpu.memory_space<vmem_shared>>
        tpu.enqueue_dma source(%dma_start3A_550 : memref<16x1024xf32, #tpu.memory_space<vmem_shared>>) target(%dma_start3A_546 : memref<16x1024xf32, #tpu.memory_space<hbm>>) target_semaphore(%arg19 : memref<!tpu.dma_semaphore, #tpu.memory_space<semaphore_mem>>)
      } else {
      }
      %ge3A_275 = arith.constant 2 : i32
      %ge3A_276 = arith.cmpi sge, %add3A_169, %ge3A_275 : i32
      %convert_element_type3A_277 = arith.extui %ge3A_276 : i1 to i32
      %cond3A_278 = arith.constant 0 : i32
      %cond3A_279 = arith.cmpi ne, %convert_element_type3A_277, %cond3A_278 : i32
      scf.if %cond3A_279 {
        %dma_wait3A_531 = arith.constant 1 : i32
        %dma_wait3A_532 = arith.constant 0 : i32
        %dma_wait3A_533 = arith.constant 0 : i32
        %dma_wait3A_534 = tpu.memref_slice %arg5[%dma_wait3A_532, %dma_wait3A_533] : memref<32768x1024xf32, #tpu.memory_space<hbm>> -> memref<16x1024xf32, #tpu.memory_space<hbm>>
        %dma_wait3A_535 = arith.constant 0 : i32
        %dma_wait3A_536 = arith.constant 0 : i32
        %dma_wait3A_537 = tpu.memref_slice %arg8[%arg1, %dma_wait3A_531, %dma_wait3A_535, %dma_wait3A_536] : memref<16x2x16x1024xf32, #tpu.memory_space<vmem_shared>> -> memref<1x1x16x1024xf32, #tpu.memory_space<vmem_shared>>
        %dma_wait3A_538 = tpu.memref_squeeze %dma_wait3A_537 : memref<1x1x16x1024xf32, #tpu.memory_space<vmem_shared>> -> memref<16x1024xf32, #tpu.memory_space<vmem_shared>>
        tpu.wait_dma2 semaphore(%arg20 : memref<!tpu.dma_semaphore, #tpu.memory_space<semaphore_mem>>) src(%dma_wait3A_538 : memref<16x1024xf32, #tpu.memory_space<vmem_shared>>) dst(%dma_wait3A_534 : memref<16x1024xf32, #tpu.memory_space<hbm>>)
      } else {
      }
      %dma_start3A_280 = arith.constant 1 : i32
      %dma_start3A_281 = arith.constant 0 : i32
      %dma_start3A_282 = arith.constant 0 : i32
      %dma_start3A_283 = tpu.memref_slice %arg8[%arg1, %dma_start3A_280, %dma_start3A_281, %dma_start3A_282] : memref<16x2x16x1024xf32, #tpu.memory_space<vmem_shared>> -> memref<1x1x16x1024xf32, #tpu.memory_space<vmem_shared>>
      %dma_start3A_284 = tpu.memref_squeeze %dma_start3A_283 : memref<1x1x16x1024xf32, #tpu.memory_space<vmem_shared>> -> memref<16x1024xf32, #tpu.memory_space<vmem_shared>>
      %dma_start3A_285 = arith.constant 0 : i32
      %dma_start3A_286 = arith.constant 0 : i32
      %dma_start3A_287 = tpu.memref_slice %arg8[%arg1, %dma_start3A_280, %dma_start3A_285, %dma_start3A_286] : memref<16x2x16x1024xf32, #tpu.memory_space<vmem_shared>> -> memref<1x1x16x1024xf32, #tpu.memory_space<vmem_shared>>
      %dma_start3A_288 = tpu.memref_squeeze %dma_start3A_287 : memref<1x1x16x1024xf32, #tpu.memory_space<vmem_shared>> -> memref<16x1024xf32, #tpu.memory_space<vmem_shared>>
      tpu.enqueue_dma source(%arg10 : memref<16x1024xf32, #tpu.memory_space<vmem>>) target(%dma_start3A_288 : memref<16x1024xf32, #tpu.memory_space<vmem_shared>>) target_semaphore(%arg18 : memref<!tpu.dma_semaphore, #tpu.memory_space<semaphore_mem>>)
      %add3A_289 = arith.constant 2 : i32
      %add3A_290 = arith.addi %mul3A_54, %add3A_289 : i32
      %dma_wait3A_291 = arith.constant 0 : i32
      %dma_wait3A_292 = arith.constant 0 : i32
      %dma_wait3A_293 = tpu.memref_slice %arg2[%dma_wait3A_291, %dma_wait3A_292] : memref<32768x1024xf32, #tpu.memory_space<hbm>> -> memref<16x1024xf32, #tpu.memory_space<hbm>>
      %dma_wait3A_294 = arith.constant 0 : i32
      %dma_wait3A_295 = arith.constant 0 : i32
      %dma_wait3A_296 = tpu.memref_slice %arg2[%dma_wait3A_294, %dma_wait3A_295] : memref<32768x1024xf32, #tpu.memory_space<hbm>> -> memref<16x1024xf32, #tpu.memory_space<hbm>>
      tpu.wait_dma2 semaphore(%arg15 : memref<!tpu.dma_semaphore, #tpu.memory_space<semaphore_mem>>) src(%dma_wait3A_296 : memref<16x1024xf32, #tpu.memory_space<hbm>>) dst(%arg11 : memref<16x1024xf32, #tpu.memory_space<vmem>>)
      %add3A_297 = arith.constant 2 : i32
      %add3A_298 = arith.addi %add3A_290, %add3A_297 : i32
      %lt3A_299 = arith.constant 64 : i32
      %lt3A_300 = arith.cmpi slt, %add3A_298, %lt3A_299 : i32
      %convert_element_type3A_301 = arith.extui %lt3A_300 : i1 to i32
      %cond3A_302 = arith.constant 0 : i32
      %cond3A_303 = arith.cmpi ne, %convert_element_type3A_301, %cond3A_302 : i32
      scf.if %cond3A_303 {
        %add3A_531 = arith.constant 2 : i32
        %add3A_532 = arith.addi %add3A_290, %add3A_531 : i32
        %mul3A_533 = arith.constant 16 : i32
        %mul3A_534 = arith.muli %add3A_532, %mul3A_533 : i32
        %add3A_535 = arith.addi %mul3A_2, %mul3A_534 : i32
        %dma_start3A_536 = arith.constant 0 : i32
        %dma_start3A_537 = tpu.memref_slice %arg2[%add3A_535, %dma_start3A_536] : memref<32768x1024xf32, #tpu.memory_space<hbm>> -> memref<16x1024xf32, #tpu.memory_space<hbm>>
        %dma_start3A_538 = arith.constant 0 : i32
        %dma_start3A_539 = tpu.memref_slice %arg2[%add3A_535, %dma_start3A_538] : memref<32768x1024xf32, #tpu.memory_space<hbm>> -> memref<16x1024xf32, #tpu.memory_space<hbm>>
        tpu.enqueue_dma source(%dma_start3A_539 : memref<16x1024xf32, #tpu.memory_space<hbm>>) target(%arg9 : memref<16x1024xf32, #tpu.memory_space<vmem>>) target_semaphore(%arg13 : memref<!tpu.dma_semaphore, #tpu.memory_space<semaphore_mem>>)
      } else {
      }
      %mul3A_304 = arith.constant 16 : i32
      %mul3A_305 = arith.muli %add3A_290, %mul3A_304 : i32
      %add3A_306 = arith.constant 0 : i32
      %add3A_307 = arith.addi %mul3A_305, %add3A_306 : i32
      %get3A_308 = arith.index_cast %add3A_307 : i32 to index
      %get3A_309 = tpu.vector_load %arg7[%get3A_308] {strides = array<i32>} : memref<1024xi32, #tpu.memory_space<vmem>>, vector<16xi32>,
      %get3A_310 = vector.shape_cast %get3A_309 : vector<16xi32> to vector<16xi32>
      %slice3A_311 = vector.extract_strided_slice %get3A_310 {offsets = [0], sizes = [1], strides = [1]} : vector<16xi32> to vector<1xi32>
      %squeeze3A_312 = vector.extract %slice3A_311[0] : i32 from vector<1xi32>
      %parallel_loop3A_313 = arith.constant 0 : i32
      %parallel_loop3A_314 = arith.constant 1024 : i32
      %parallel_loop3A_315 = arith.constant 16 : i32
      scf.for %parallel_loop3A_531 = %parallel_loop3A_313 to %parallel_loop3A_314 step %parallel_loop3A_315  : i32 {
        %parallel_loop3A_532 = arith.index_cast %squeeze3A_312 : i32 to index
        %parallel_loop3A_533 = arith.index_cast %parallel_loop3A_531 : i32 to index
        %parallel_loop3A_534 = tpu.vector_load %arg6[%parallel_loop3A_532, %parallel_loop3A_533] {strides = array<i32>} : memref<16x1024xf32, #tpu.memory_space<vmem>>, vector<1x16xf32>,
        %parallel_loop3A_535 = vector.shape_cast %parallel_loop3A_534 : vector<1x16xf32> to vector<16xf32>
        %parallel_loop3A_536 = arith.constant 0 : i32
        %parallel_loop3A_537 = arith.index_cast %parallel_loop3A_536 : i32 to index
        %parallel_loop3A_538 = arith.index_cast %parallel_loop3A_531 : i32 to index
        %parallel_loop3A_539 = tpu.vector_load %arg11[%parallel_loop3A_537, %parallel_loop3A_538] {strides = array<i32>} : memref<16x1024xf32, #tpu.memory_space<vmem>>, vector<1x16xf32>,
        %parallel_loop3A_540 = vector.shape_cast %parallel_loop3A_539 : vector<1x16xf32> to vector<16xf32>
        %parallel_loop3A_541 = vector.shape_cast %parallel_loop3A_535 : vector<16xf32> to vector<1x16xf32>
        tpu.vector_store %arg11[%parallel_loop3A_537, %parallel_loop3A_538], %parallel_loop3A_541 {add = true, strides = array<i32>} : memref<16x1024xf32, #tpu.memory_space<vmem>>, vector<1x16xf32>,
      } {sc.loop_unroll_factor = 8 : i64, sc.parallel_access}
      %slice3A_316 = vector.extract_strided_slice %get3A_310 {offsets = [1], sizes = [1], strides = [1]} : vector<16xi32> to vector<1xi32>
      %squeeze3A_317 = vector.extract %slice3A_316[0] : i32 from vector<1xi32>
      %parallel_loop3A_318 = arith.constant 0 : i32
      %parallel_loop3A_319 = arith.constant 1024 : i32
      %parallel_loop3A_320 = arith.constant 16 : i32
      scf.for %parallel_loop3A_531 = %parallel_loop3A_318 to %parallel_loop3A_319 step %parallel_loop3A_320  : i32 {
        %parallel_loop3A_532 = arith.index_cast %squeeze3A_317 : i32 to index
        %parallel_loop3A_533 = arith.index_cast %parallel_loop3A_531 : i32 to index
        %parallel_loop3A_534 = tpu.vector_load %arg6[%parallel_loop3A_532, %parallel_loop3A_533] {strides = array<i32>} : memref<16x1024xf32, #tpu.memory_space<vmem>>, vector<1x16xf32>,
        %parallel_loop3A_535 = vector.shape_cast %parallel_loop3A_534 : vector<1x16xf32> to vector<16xf32>
        %parallel_loop3A_536 = arith.constant 1 : i32
        %parallel_loop3A_537 = arith.index_cast %parallel_loop3A_536 : i32 to index
        %parallel_loop3A_538 = arith.index_cast %parallel_loop3A_531 : i32 to index
        %parallel_loop3A_539 = tpu.vector_load %arg11[%parallel_loop3A_537, %parallel_loop3A_538] {strides = array<i32>} : memref<16x1024xf32, #tpu.memory_space<vmem>>, vector<1x16xf32>,
        %parallel_loop3A_540 = vector.shape_cast %parallel_loop3A_539 : vector<1x16xf32> to vector<16xf32>
        %parallel_loop3A_541 = vector.shape_cast %parallel_loop3A_535 : vector<16xf32> to vector<1x16xf32>
        tpu.vector_store %arg11[%parallel_loop3A_537, %parallel_loop3A_538], %parallel_loop3A_541 {add = true, strides = array<i32>} : memref<16x1024xf32, #tpu.memory_space<vmem>>, vector<1x16xf32>,
      } {sc.loop_unroll_factor = 8 : i64, sc.parallel_access}
      %slice3A_321 = vector.extract_strided_slice %get3A_310 {offsets = [2], sizes = [1], strides = [1]} : vector<16xi32> to vector<1xi32>
      %squeeze3A_322 = vector.extract %slice3A_321[0] : i32 from vector<1xi32>
      %parallel_loop3A_323 = arith.constant 0 : i32
      %parallel_loop3A_324 = arith.constant 1024 : i32
      %parallel_loop3A_325 = arith.constant 16 : i32
      scf.for %parallel_loop3A_531 = %parallel_loop3A_323 to %parallel_loop3A_324 step %parallel_loop3A_325  : i32 {
        %parallel_loop3A_532 = arith.index_cast %squeeze3A_322 : i32 to index
        %parallel_loop3A_533 = arith.index_cast %parallel_loop3A_531 : i32 to index
        %parallel_loop3A_534 = tpu.vector_load %arg6[%parallel_loop3A_532, %parallel_loop3A_533] {strides = array<i32>} : memref<16x1024xf32, #tpu.memory_space<vmem>>, vector<1x16xf32>,
        %parallel_loop3A_535 = vector.shape_cast %parallel_loop3A_534 : vector<1x16xf32> to vector<16xf32>
        %parallel_loop3A_536 = arith.constant 2 : i32
        %parallel_loop3A_537 = arith.index_cast %parallel_loop3A_536 : i32 to index
        %parallel_loop3A_538 = arith.index_cast %parallel_loop3A_531 : i32 to index
        %parallel_loop3A_539 = tpu.vector_load %arg11[%parallel_loop3A_537, %parallel_loop3A_538] {strides = array<i32>} : memref<16x1024xf32, #tpu.memory_space<vmem>>, vector<1x16xf32>,
        %parallel_loop3A_540 = vector.shape_cast %parallel_loop3A_539 : vector<1x16xf32> to vector<16xf32>
        %parallel_loop3A_541 = vector.shape_cast %parallel_loop3A_535 : vector<16xf32> to vector<1x16xf32>
        tpu.vector_store %arg11[%parallel_loop3A_537, %parallel_loop3A_538], %parallel_loop3A_541 {add = true, strides = array<i32>} : memref<16x1024xf32, #tpu.memory_space<vmem>>, vector<1x16xf32>,
      } {sc.loop_unroll_factor = 8 : i64, sc.parallel_access}
      %slice3A_326 = vector.extract_strided_slice %get3A_310 {offsets = [3], sizes = [1], strides = [1]} : vector<16xi32> to vector<1xi32>
      %squeeze3A_327 = vector.extract %slice3A_326[0] : i32 from vector<1xi32>
      %parallel_loop3A_328 = arith.constant 0 : i32
      %parallel_loop3A_329 = arith.constant 1024 : i32
      %parallel_loop3A_330 = arith.constant 16 : i32
      scf.for %parallel_loop3A_531 = %parallel_loop3A_328 to %parallel_loop3A_329 step %parallel_loop3A_330  : i32 {
        %parallel_loop3A_532 = arith.index_cast %squeeze3A_327 : i32 to index
        %parallel_loop3A_533 = arith.index_cast %parallel_loop3A_531 : i32 to index
        %parallel_loop3A_534 = tpu.vector_load %arg6[%parallel_loop3A_532, %parallel_loop3A_533] {strides = array<i32>} : memref<16x1024xf32, #tpu.memory_space<vmem>>, vector<1x16xf32>,
        %parallel_loop3A_535 = vector.shape_cast %parallel_loop3A_534 : vector<1x16xf32> to vector<16xf32>
        %parallel_loop3A_536 = arith.constant 3 : i32
        %parallel_loop3A_537 = arith.index_cast %parallel_loop3A_536 : i32 to index
        %parallel_loop3A_538 = arith.index_cast %parallel_loop3A_531 : i32 to index
        %parallel_loop3A_539 = tpu.vector_load %arg11[%parallel_loop3A_537, %parallel_loop3A_538] {strides = array<i32>} : memref<16x1024xf32, #tpu.memory_space<vmem>>, vector<1x16xf32>,
        %parallel_loop3A_540 = vector.shape_cast %parallel_loop3A_539 : vector<1x16xf32> to vector<16xf32>
        %parallel_loop3A_541 = vector.shape_cast %parallel_loop3A_535 : vector<16xf32> to vector<1x16xf32>
        tpu.vector_store %arg11[%parallel_loop3A_537, %parallel_loop3A_538], %parallel_loop3A_541 {add = true, strides = array<i32>} : memref<16x1024xf32, #tpu.memory_space<vmem>>, vector<1x16xf32>,
      } {sc.loop_unroll_factor = 8 : i64, sc.parallel_access}
      %slice3A_331 = vector.extract_strided_slice %get3A_310 {offsets = [4], sizes = [1], strides = [1]} : vector<16xi32> to vector<1xi32>
      %squeeze3A_332 = vector.extract %slice3A_331[0] : i32 from vector<1xi32>
      %parallel_loop3A_333 = arith.constant 0 : i32
      %parallel_loop3A_334 = arith.constant 1024 : i32
      %parallel_loop3A_335 = arith.constant 16 : i32
      scf.for %parallel_loop3A_531 = %parallel_loop3A_333 to %parallel_loop3A_334 step %parallel_loop3A_335  : i32 {
        %parallel_loop3A_532 = arith.index_cast %squeeze3A_332 : i32 to index
        %parallel_loop3A_533 = arith.index_cast %parallel_loop3A_531 : i32 to index
        %parallel_loop3A_534 = tpu.vector_load %arg6[%parallel_loop3A_532, %parallel_loop3A_533] {strides = array<i32>} : memref<16x1024xf32, #tpu.memory_space<vmem>>, vector<1x16xf32>,
        %parallel_loop3A_535 = vector.shape_cast %parallel_loop3A_534 : vector<1x16xf32> to vector<16xf32>
        %parallel_loop3A_536 = arith.constant 4 : i32
        %parallel_loop3A_537 = arith.index_cast %parallel_loop3A_536 : i32 to index
        %parallel_loop3A_538 = arith.index_cast %parallel_loop3A_531 : i32 to index
        %parallel_loop3A_539 = tpu.vector_load %arg11[%parallel_loop3A_537, %parallel_loop3A_538] {strides = array<i32>} : memref<16x1024xf32, #tpu.memory_space<vmem>>, vector<1x16xf32>,
        %parallel_loop3A_540 = vector.shape_cast %parallel_loop3A_539 : vector<1x16xf32> to vector<16xf32>
        %parallel_loop3A_541 = vector.shape_cast %parallel_loop3A_535 : vector<16xf32> to vector<1x16xf32>
        tpu.vector_store %arg11[%parallel_loop3A_537, %parallel_loop3A_538], %parallel_loop3A_541 {add = true, strides = array<i32>} : memref<16x1024xf32, #tpu.memory_space<vmem>>, vector<1x16xf32>,
      } {sc.loop_unroll_factor = 8 : i64, sc.parallel_access}
      %slice3A_336 = vector.extract_strided_slice %get3A_310 {offsets = [5], sizes = [1], strides = [1]} : vector<16xi32> to vector<1xi32>
      %squeeze3A_337 = vector.extract %slice3A_336[0] : i32 from vector<1xi32>
      %parallel_loop3A_338 = arith.constant 0 : i32
      %parallel_loop3A_339 = arith.constant 1024 : i32
      %parallel_loop3A_340 = arith.constant 16 : i32
      scf.for %parallel_loop3A_531 = %parallel_loop3A_338 to %parallel_loop3A_339 step %parallel_loop3A_340  : i32 {
        %parallel_loop3A_532 = arith.index_cast %squeeze3A_337 : i32 to index
        %parallel_loop3A_533 = arith.index_cast %parallel_loop3A_531 : i32 to index
        %parallel_loop3A_534 = tpu.vector_load %arg6[%parallel_loop3A_532, %parallel_loop3A_533] {strides = array<i32>} : memref<16x1024xf32, #tpu.memory_space<vmem>>, vector<1x16xf32>,
        %parallel_loop3A_535 = vector.shape_cast %parallel_loop3A_534 : vector<1x16xf32> to vector<16xf32>
        %parallel_loop3A_536 = arith.constant 5 : i32
        %parallel_loop3A_537 = arith.index_cast %parallel_loop3A_536 : i32 to index
        %parallel_loop3A_538 = arith.index_cast %parallel_loop3A_531 : i32 to index
        %parallel_loop3A_539 = tpu.vector_load %arg11[%parallel_loop3A_537, %parallel_loop3A_538] {strides = array<i32>} : memref<16x1024xf32, #tpu.memory_space<vmem>>, vector<1x16xf32>,
        %parallel_loop3A_540 = vector.shape_cast %parallel_loop3A_539 : vector<1x16xf32> to vector<16xf32>
        %parallel_loop3A_541 = vector.shape_cast %parallel_loop3A_535 : vector<16xf32> to vector<1x16xf32>
        tpu.vector_store %arg11[%parallel_loop3A_537, %parallel_loop3A_538], %parallel_loop3A_541 {add = true, strides = array<i32>} : memref<16x1024xf32, #tpu.memory_space<vmem>>, vector<1x16xf32>,
      } {sc.loop_unroll_factor = 8 : i64, sc.parallel_access}
      %slice3A_341 = vector.extract_strided_slice %get3A_310 {offsets = [6], sizes = [1], strides = [1]} : vector<16xi32> to vector<1xi32>
      %squeeze3A_342 = vector.extract %slice3A_341[0] : i32 from vector<1xi32>
      %parallel_loop3A_343 = arith.constant 0 : i32
      %parallel_loop3A_344 = arith.constant 1024 : i32
      %parallel_loop3A_345 = arith.constant 16 : i32
      scf.for %parallel_loop3A_531 = %parallel_loop3A_343 to %parallel_loop3A_344 step %parallel_loop3A_345  : i32 {
        %parallel_loop3A_532 = arith.index_cast %squeeze3A_342 : i32 to index
        %parallel_loop3A_533 = arith.index_cast %parallel_loop3A_531 : i32 to index
        %parallel_loop3A_534 = tpu.vector_load %arg6[%parallel_loop3A_532, %parallel_loop3A_533] {strides = array<i32>} : memref<16x1024xf32, #tpu.memory_space<vmem>>, vector<1x16xf32>,
        %parallel_loop3A_535 = vector.shape_cast %parallel_loop3A_534 : vector<1x16xf32> to vector<16xf32>
        %parallel_loop3A_536 = arith.constant 6 : i32
        %parallel_loop3A_537 = arith.index_cast %parallel_loop3A_536 : i32 to index
        %parallel_loop3A_538 = arith.index_cast %parallel_loop3A_531 : i32 to index
        %parallel_loop3A_539 = tpu.vector_load %arg11[%parallel_loop3A_537, %parallel_loop3A_538] {strides = array<i32>} : memref<16x1024xf32, #tpu.memory_space<vmem>>, vector<1x16xf32>,
        %parallel_loop3A_540 = vector.shape_cast %parallel_loop3A_539 : vector<1x16xf32> to vector<16xf32>
        %parallel_loop3A_541 = vector.shape_cast %parallel_loop3A_535 : vector<16xf32> to vector<1x16xf32>
        tpu.vector_store %arg11[%parallel_loop3A_537, %parallel_loop3A_538], %parallel_loop3A_541 {add = true, strides = array<i32>} : memref<16x1024xf32, #tpu.memory_space<vmem>>, vector<1x16xf32>,
      } {sc.loop_unroll_factor = 8 : i64, sc.parallel_access}
      %slice3A_346 = vector.extract_strided_slice %get3A_310 {offsets = [7], sizes = [1], strides = [1]} : vector<16xi32> to vector<1xi32>
      %squeeze3A_347 = vector.extract %slice3A_346[0] : i32 from vector<1xi32>
      %parallel_loop3A_348 = arith.constant 0 : i32
      %parallel_loop3A_349 = arith.constant 1024 : i32
      %parallel_loop3A_350 = arith.constant 16 : i32
      scf.for %parallel_loop3A_531 = %parallel_loop3A_348 to %parallel_loop3A_349 step %parallel_loop3A_350  : i32 {
        %parallel_loop3A_532 = arith.index_cast %squeeze3A_347 : i32 to index
        %parallel_loop3A_533 = arith.index_cast %parallel_loop3A_531 : i32 to index
        %parallel_loop3A_534 = tpu.vector_load %arg6[%parallel_loop3A_532, %parallel_loop3A_533] {strides = array<i32>} : memref<16x1024xf32, #tpu.memory_space<vmem>>, vector<1x16xf32>,
        %parallel_loop3A_535 = vector.shape_cast %parallel_loop3A_534 : vector<1x16xf32> to vector<16xf32>
        %parallel_loop3A_536 = arith.constant 7 : i32
        %parallel_loop3A_537 = arith.index_cast %parallel_loop3A_536 : i32 to index
        %parallel_loop3A_538 = arith.index_cast %parallel_loop3A_531 : i32 to index
        %parallel_loop3A_539 = tpu.vector_load %arg11[%parallel_loop3A_537, %parallel_loop3A_538] {strides = array<i32>} : memref<16x1024xf32, #tpu.memory_space<vmem>>, vector<1x16xf32>,
        %parallel_loop3A_540 = vector.shape_cast %parallel_loop3A_539 : vector<1x16xf32> to vector<16xf32>
        %parallel_loop3A_541 = vector.shape_cast %parallel_loop3A_535 : vector<16xf32> to vector<1x16xf32>
        tpu.vector_store %arg11[%parallel_loop3A_537, %parallel_loop3A_538], %parallel_loop3A_541 {add = true, strides = array<i32>} : memref<16x1024xf32, #tpu.memory_space<vmem>>, vector<1x16xf32>,
      } {sc.loop_unroll_factor = 8 : i64, sc.parallel_access}
      %slice3A_351 = vector.extract_strided_slice %get3A_310 {offsets = [8], sizes = [1], strides = [1]} : vector<16xi32> to vector<1xi32>
      %squeeze3A_352 = vector.extract %slice3A_351[0] : i32 from vector<1xi32>
      %parallel_loop3A_353 = arith.constant 0 : i32
      %parallel_loop3A_354 = arith.constant 1024 : i32
      %parallel_loop3A_355 = arith.constant 16 : i32
      scf.for %parallel_loop3A_531 = %parallel_loop3A_353 to %parallel_loop3A_354 step %parallel_loop3A_355  : i32 {
        %parallel_loop3A_532 = arith.index_cast %squeeze3A_352 : i32 to index
        %parallel_loop3A_533 = arith.index_cast %parallel_loop3A_531 : i32 to index
        %parallel_loop3A_534 = tpu.vector_load %arg6[%parallel_loop3A_532, %parallel_loop3A_533] {strides = array<i32>} : memref<16x1024xf32, #tpu.memory_space<vmem>>, vector<1x16xf32>,
        %parallel_loop3A_535 = vector.shape_cast %parallel_loop3A_534 : vector<1x16xf32> to vector<16xf32>
        %parallel_loop3A_536 = arith.constant 8 : i32
        %parallel_loop3A_537 = arith.index_cast %parallel_loop3A_536 : i32 to index
        %parallel_loop3A_538 = arith.index_cast %parallel_loop3A_531 : i32 to index
        %parallel_loop3A_539 = tpu.vector_load %arg11[%parallel_loop3A_537, %parallel_loop3A_538] {strides = array<i32>} : memref<16x1024xf32, #tpu.memory_space<vmem>>, vector<1x16xf32>,
        %parallel_loop3A_540 = vector.shape_cast %parallel_loop3A_539 : vector<1x16xf32> to vector<16xf32>
        %parallel_loop3A_541 = vector.shape_cast %parallel_loop3A_535 : vector<16xf32> to vector<1x16xf32>
        tpu.vector_store %arg11[%parallel_loop3A_537, %parallel_loop3A_538], %parallel_loop3A_541 {add = true, strides = array<i32>} : memref<16x1024xf32, #tpu.memory_space<vmem>>, vector<1x16xf32>,
      } {sc.loop_unroll_factor = 8 : i64, sc.parallel_access}
      %slice3A_356 = vector.extract_strided_slice %get3A_310 {offsets = [9], sizes = [1], strides = [1]} : vector<16xi32> to vector<1xi32>
      %squeeze3A_357 = vector.extract %slice3A_356[0] : i32 from vector<1xi32>
      %parallel_loop3A_358 = arith.constant 0 : i32
      %parallel_loop3A_359 = arith.constant 1024 : i32
      %parallel_loop3A_360 = arith.constant 16 : i32
      scf.for %parallel_loop3A_531 = %parallel_loop3A_358 to %parallel_loop3A_359 step %parallel_loop3A_360  : i32 {
        %parallel_loop3A_532 = arith.index_cast %squeeze3A_357 : i32 to index
        %parallel_loop3A_533 = arith.index_cast %parallel_loop3A_531 : i32 to index
        %parallel_loop3A_534 = tpu.vector_load %arg6[%parallel_loop3A_532, %parallel_loop3A_533] {strides = array<i32>} : memref<16x1024xf32, #tpu.memory_space<vmem>>, vector<1x16xf32>,
        %parallel_loop3A_535 = vector.shape_cast %parallel_loop3A_534 : vector<1x16xf32> to vector<16xf32>
        %parallel_loop3A_536 = arith.constant 9 : i32
        %parallel_loop3A_537 = arith.index_cast %parallel_loop3A_536 : i32 to index
        %parallel_loop3A_538 = arith.index_cast %parallel_loop3A_531 : i32 to index
        %parallel_loop3A_539 = tpu.vector_load %arg11[%parallel_loop3A_537, %parallel_loop3A_538] {strides = array<i32>} : memref<16x1024xf32, #tpu.memory_space<vmem>>, vector<1x16xf32>,
        %parallel_loop3A_540 = vector.shape_cast %parallel_loop3A_539 : vector<1x16xf32> to vector<16xf32>
        %parallel_loop3A_541 = vector.shape_cast %parallel_loop3A_535 : vector<16xf32> to vector<1x16xf32>
        tpu.vector_store %arg11[%parallel_loop3A_537, %parallel_loop3A_538], %parallel_loop3A_541 {add = true, strides = array<i32>} : memref<16x1024xf32, #tpu.memory_space<vmem>>, vector<1x16xf32>,
      } {sc.loop_unroll_factor = 8 : i64, sc.parallel_access}
      %slice3A_361 = vector.extract_strided_slice %get3A_310 {offsets = [10], sizes = [1], strides = [1]} : vector<16xi32> to vector<1xi32>
      %squeeze3A_362 = vector.extract %slice3A_361[0] : i32 from vector<1xi32>
      %parallel_loop3A_363 = arith.constant 0 : i32
      %parallel_loop3A_364 = arith.constant 1024 : i32
      %parallel_loop3A_365 = arith.constant 16 : i32
      scf.for %parallel_loop3A_531 = %parallel_loop3A_363 to %parallel_loop3A_364 step %parallel_loop3A_365  : i32 {
        %parallel_loop3A_532 = arith.index_cast %squeeze3A_362 : i32 to index
        %parallel_loop3A_533 = arith.index_cast %parallel_loop3A_531 : i32 to index
        %parallel_loop3A_534 = tpu.vector_load %arg6[%parallel_loop3A_532, %parallel_loop3A_533] {strides = array<i32>} : memref<16x1024xf32, #tpu.memory_space<vmem>>, vector<1x16xf32>,
        %parallel_loop3A_535 = vector.shape_cast %parallel_loop3A_534 : vector<1x16xf32> to vector<16xf32>
        %parallel_loop3A_536 = arith.constant 10 : i32
        %parallel_loop3A_537 = arith.index_cast %parallel_loop3A_536 : i32 to index
        %parallel_loop3A_538 = arith.index_cast %parallel_loop3A_531 : i32 to index
        %parallel_loop3A_539 = tpu.vector_load %arg11[%parallel_loop3A_537, %parallel_loop3A_538] {strides = array<i32>} : memref<16x1024xf32, #tpu.memory_space<vmem>>, vector<1x16xf32>,
        %parallel_loop3A_540 = vector.shape_cast %parallel_loop3A_539 : vector<1x16xf32> to vector<16xf32>
        %parallel_loop3A_541 = vector.shape_cast %parallel_loop3A_535 : vector<16xf32> to vector<1x16xf32>
        tpu.vector_store %arg11[%parallel_loop3A_537, %parallel_loop3A_538], %parallel_loop3A_541 {add = true, strides = array<i32>} : memref<16x1024xf32, #tpu.memory_space<vmem>>, vector<1x16xf32>,
      } {sc.loop_unroll_factor = 8 : i64, sc.parallel_access}
      %slice3A_366 = vector.extract_strided_slice %get3A_310 {offsets = [11], sizes = [1], strides = [1]} : vector<16xi32> to vector<1xi32>
      %squeeze3A_367 = vector.extract %slice3A_366[0] : i32 from vector<1xi32>
      %parallel_loop3A_368 = arith.constant 0 : i32
      %parallel_loop3A_369 = arith.constant 1024 : i32
      %parallel_loop3A_370 = arith.constant 16 : i32
      scf.for %parallel_loop3A_531 = %parallel_loop3A_368 to %parallel_loop3A_369 step %parallel_loop3A_370  : i32 {
        %parallel_loop3A_532 = arith.index_cast %squeeze3A_367 : i32 to index
        %parallel_loop3A_533 = arith.index_cast %parallel_loop3A_531 : i32 to index
        %parallel_loop3A_534 = tpu.vector_load %arg6[%parallel_loop3A_532, %parallel_loop3A_533] {strides = array<i32>} : memref<16x1024xf32, #tpu.memory_space<vmem>>, vector<1x16xf32>,
        %parallel_loop3A_535 = vector.shape_cast %parallel_loop3A_534 : vector<1x16xf32> to vector<16xf32>
        %parallel_loop3A_536 = arith.constant 11 : i32
        %parallel_loop3A_537 = arith.index_cast %parallel_loop3A_536 : i32 to index
        %parallel_loop3A_538 = arith.index_cast %parallel_loop3A_531 : i32 to index
        %parallel_loop3A_539 = tpu.vector_load %arg11[%parallel_loop3A_537, %parallel_loop3A_538] {strides = array<i32>} : memref<16x1024xf32, #tpu.memory_space<vmem>>, vector<1x16xf32>,
        %parallel_loop3A_540 = vector.shape_cast %parallel_loop3A_539 : vector<1x16xf32> to vector<16xf32>
        %parallel_loop3A_541 = vector.shape_cast %parallel_loop3A_535 : vector<16xf32> to vector<1x16xf32>
        tpu.vector_store %arg11[%parallel_loop3A_537, %parallel_loop3A_538], %parallel_loop3A_541 {add = true, strides = array<i32>} : memref<16x1024xf32, #tpu.memory_space<vmem>>, vector<1x16xf32>,
      } {sc.loop_unroll_factor = 8 : i64, sc.parallel_access}
      %slice3A_371 = vector.extract_strided_slice %get3A_310 {offsets = [12], sizes = [1], strides = [1]} : vector<16xi32> to vector<1xi32>
      %squeeze3A_372 = vector.extract %slice3A_371[0] : i32 from vector<1xi32>
      %parallel_loop3A_373 = arith.constant 0 : i32
      %parallel_loop3A_374 = arith.constant 1024 : i32
      %parallel_loop3A_375 = arith.constant 16 : i32
      scf.for %parallel_loop3A_531 = %parallel_loop3A_373 to %parallel_loop3A_374 step %parallel_loop3A_375  : i32 {
        %parallel_loop3A_532 = arith.index_cast %squeeze3A_372 : i32 to index
        %parallel_loop3A_533 = arith.index_cast %parallel_loop3A_531 : i32 to index
        %parallel_loop3A_534 = tpu.vector_load %arg6[%parallel_loop3A_532, %parallel_loop3A_533] {strides = array<i32>} : memref<16x1024xf32, #tpu.memory_space<vmem>>, vector<1x16xf32>,
        %parallel_loop3A_535 = vector.shape_cast %parallel_loop3A_534 : vector<1x16xf32> to vector<16xf32>
        %parallel_loop3A_536 = arith.constant 12 : i32
        %parallel_loop3A_537 = arith.index_cast %parallel_loop3A_536 : i32 to index
        %parallel_loop3A_538 = arith.index_cast %parallel_loop3A_531 : i32 to index
        %parallel_loop3A_539 = tpu.vector_load %arg11[%parallel_loop3A_537, %parallel_loop3A_538] {strides = array<i32>} : memref<16x1024xf32, #tpu.memory_space<vmem>>, vector<1x16xf32>,
        %parallel_loop3A_540 = vector.shape_cast %parallel_loop3A_539 : vector<1x16xf32> to vector<16xf32>
        %parallel_loop3A_541 = vector.shape_cast %parallel_loop3A_535 : vector<16xf32> to vector<1x16xf32>
        tpu.vector_store %arg11[%parallel_loop3A_537, %parallel_loop3A_538], %parallel_loop3A_541 {add = true, strides = array<i32>} : memref<16x1024xf32, #tpu.memory_space<vmem>>, vector<1x16xf32>,
      } {sc.loop_unroll_factor = 8 : i64, sc.parallel_access}
      %slice3A_376 = vector.extract_strided_slice %get3A_310 {offsets = [13], sizes = [1], strides = [1]} : vector<16xi32> to vector<1xi32>
      %squeeze3A_377 = vector.extract %slice3A_376[0] : i32 from vector<1xi32>
      %parallel_loop3A_378 = arith.constant 0 : i32
      %parallel_loop3A_379 = arith.constant 1024 : i32
      %parallel_loop3A_380 = arith.constant 16 : i32
      scf.for %parallel_loop3A_531 = %parallel_loop3A_378 to %parallel_loop3A_379 step %parallel_loop3A_380  : i32 {
        %parallel_loop3A_532 = arith.index_cast %squeeze3A_377 : i32 to index
        %parallel_loop3A_533 = arith.index_cast %parallel_loop3A_531 : i32 to index
        %parallel_loop3A_534 = tpu.vector_load %arg6[%parallel_loop3A_532, %parallel_loop3A_533] {strides = array<i32>} : memref<16x1024xf32, #tpu.memory_space<vmem>>, vector<1x16xf32>,
        %parallel_loop3A_535 = vector.shape_cast %parallel_loop3A_534 : vector<1x16xf32> to vector<16xf32>
        %parallel_loop3A_536 = arith.constant 13 : i32
        %parallel_loop3A_537 = arith.index_cast %parallel_loop3A_536 : i32 to index
        %parallel_loop3A_538 = arith.index_cast %parallel_loop3A_531 : i32 to index
        %parallel_loop3A_539 = tpu.vector_load %arg11[%parallel_loop3A_537, %parallel_loop3A_538] {strides = array<i32>} : memref<16x1024xf32, #tpu.memory_space<vmem>>, vector<1x16xf32>,
        %parallel_loop3A_540 = vector.shape_cast %parallel_loop3A_539 : vector<1x16xf32> to vector<16xf32>
        %parallel_loop3A_541 = vector.shape_cast %parallel_loop3A_535 : vector<16xf32> to vector<1x16xf32>
        tpu.vector_store %arg11[%parallel_loop3A_537, %parallel_loop3A_538], %parallel_loop3A_541 {add = true, strides = array<i32>} : memref<16x1024xf32, #tpu.memory_space<vmem>>, vector<1x16xf32>,
      } {sc.loop_unroll_factor = 8 : i64, sc.parallel_access}
      %slice3A_381 = vector.extract_strided_slice %get3A_310 {offsets = [14], sizes = [1], strides = [1]} : vector<16xi32> to vector<1xi32>
      %squeeze3A_382 = vector.extract %slice3A_381[0] : i32 from vector<1xi32>
      %parallel_loop3A_383 = arith.constant 0 : i32
      %parallel_loop3A_384 = arith.constant 1024 : i32
      %parallel_loop3A_385 = arith.constant 16 : i32
      scf.for %parallel_loop3A_531 = %parallel_loop3A_383 to %parallel_loop3A_384 step %parallel_loop3A_385  : i32 {
        %parallel_loop3A_532 = arith.index_cast %squeeze3A_382 : i32 to index
        %parallel_loop3A_533 = arith.index_cast %parallel_loop3A_531 : i32 to index
        %parallel_loop3A_534 = tpu.vector_load %arg6[%parallel_loop3A_532, %parallel_loop3A_533] {strides = array<i32>} : memref<16x1024xf32, #tpu.memory_space<vmem>>, vector<1x16xf32>,
        %parallel_loop3A_535 = vector.shape_cast %parallel_loop3A_534 : vector<1x16xf32> to vector<16xf32>
        %parallel_loop3A_536 = arith.constant 14 : i32
        %parallel_loop3A_537 = arith.index_cast %parallel_loop3A_536 : i32 to index
        %parallel_loop3A_538 = arith.index_cast %parallel_loop3A_531 : i32 to index
        %parallel_loop3A_539 = tpu.vector_load %arg11[%parallel_loop3A_537, %parallel_loop3A_538] {strides = array<i32>} : memref<16x1024xf32, #tpu.memory_space<vmem>>, vector<1x16xf32>,
        %parallel_loop3A_540 = vector.shape_cast %parallel_loop3A_539 : vector<1x16xf32> to vector<16xf32>
        %parallel_loop3A_541 = vector.shape_cast %parallel_loop3A_535 : vector<16xf32> to vector<1x16xf32>
        tpu.vector_store %arg11[%parallel_loop3A_537, %parallel_loop3A_538], %parallel_loop3A_541 {add = true, strides = array<i32>} : memref<16x1024xf32, #tpu.memory_space<vmem>>, vector<1x16xf32>,
      } {sc.loop_unroll_factor = 8 : i64, sc.parallel_access}
      %slice3A_386 = vector.extract_strided_slice %get3A_310 {offsets = [15], sizes = [1], strides = [1]} : vector<16xi32> to vector<1xi32>
      %squeeze3A_387 = vector.extract %slice3A_386[0] : i32 from vector<1xi32>
      %parallel_loop3A_388 = arith.constant 0 : i32
      %parallel_loop3A_389 = arith.constant 1024 : i32
      %parallel_loop3A_390 = arith.constant 16 : i32
      scf.for %parallel_loop3A_531 = %parallel_loop3A_388 to %parallel_loop3A_389 step %parallel_loop3A_390  : i32 {
        %parallel_loop3A_532 = arith.index_cast %squeeze3A_387 : i32 to index
        %parallel_loop3A_533 = arith.index_cast %parallel_loop3A_531 : i32 to index
        %parallel_loop3A_534 = tpu.vector_load %arg6[%parallel_loop3A_532, %parallel_loop3A_533] {strides = array<i32>} : memref<16x1024xf32, #tpu.memory_space<vmem>>, vector<1x16xf32>,
        %parallel_loop3A_535 = vector.shape_cast %parallel_loop3A_534 : vector<1x16xf32> to vector<16xf32>
        %parallel_loop3A_536 = arith.constant 15 : i32
        %parallel_loop3A_537 = arith.index_cast %parallel_loop3A_536 : i32 to index
        %parallel_loop3A_538 = arith.index_cast %parallel_loop3A_531 : i32 to index
        %parallel_loop3A_539 = tpu.vector_load %arg11[%parallel_loop3A_537, %parallel_loop3A_538] {strides = array<i32>} : memref<16x1024xf32, #tpu.memory_space<vmem>>, vector<1x16xf32>,
        %parallel_loop3A_540 = vector.shape_cast %parallel_loop3A_539 : vector<1x16xf32> to vector<16xf32>
        %parallel_loop3A_541 = vector.shape_cast %parallel_loop3A_535 : vector<16xf32> to vector<1x16xf32>
        tpu.vector_store %arg11[%parallel_loop3A_537, %parallel_loop3A_538], %parallel_loop3A_541 {add = true, strides = array<i32>} : memref<16x1024xf32, #tpu.memory_space<vmem>>, vector<1x16xf32>,
      } {sc.loop_unroll_factor = 8 : i64, sc.parallel_access}
      %ge3A_391 = arith.constant 1 : i32
      %ge3A_392 = arith.cmpi sge, %add3A_290, %ge3A_391 : i32
      %convert_element_type3A_393 = arith.extui %ge3A_392 : i1 to i32
      %cond3A_394 = arith.constant 0 : i32
      %cond3A_395 = arith.cmpi ne, %convert_element_type3A_393, %cond3A_394 : i32
      scf.if %cond3A_395 {
        %dma_wait3A_531 = arith.constant 1 : i32
        %dma_wait3A_532 = arith.constant 0 : i32
        %dma_wait3A_533 = arith.constant 0 : i32
        %dma_wait3A_534 = tpu.memref_slice %arg8[%arg1, %dma_wait3A_531, %dma_wait3A_532, %dma_wait3A_533] : memref<16x2x16x1024xf32, #tpu.memory_space<vmem_shared>> -> memref<1x1x16x1024xf32, #tpu.memory_space<vmem_shared>>
        %dma_wait3A_535 = tpu.memref_squeeze %dma_wait3A_534 : memref<1x1x16x1024xf32, #tpu.memory_space<vmem_shared>> -> memref<16x1024xf32, #tpu.memory_space<vmem_shared>>
        %dma_wait3A_536 = arith.constant 0 : i32
        %dma_wait3A_537 = arith.constant 0 : i32
        %dma_wait3A_538 = tpu.memref_slice %arg8[%arg1, %dma_wait3A_531, %dma_wait3A_536, %dma_wait3A_537] : memref<16x2x16x1024xf32, #tpu.memory_space<vmem_shared>> -> memref<1x1x16x1024xf32, #tpu.memory_space<vmem_shared>>
        %dma_wait3A_539 = tpu.memref_squeeze %dma_wait3A_538 : memref<1x1x16x1024xf32, #tpu.memory_space<vmem_shared>> -> memref<16x1024xf32, #tpu.memory_space<vmem_shared>>
        tpu.wait_dma2 semaphore(%arg18 : memref<!tpu.dma_semaphore, #tpu.memory_space<semaphore_mem>>) src(%arg9 : memref<16x1024xf32, #tpu.memory_space<vmem>>) dst(%dma_wait3A_539 : memref<16x1024xf32, #tpu.memory_space<vmem_shared>>)
        %sub3A = arith.constant 1 : i32
        %sub3A_540 = arith.subi %add3A_290, %sub3A : i32
        %mul3A_541 = arith.constant 16 : i32
        %mul3A_542 = arith.muli %sub3A_540, %mul3A_541 : i32
        %add3A_543 = arith.addi %mul3A_2, %mul3A_542 : i32
        %dma_start3A_544 = arith.constant 1 : i32
        %dma_start3A_545 = arith.constant 0 : i32
        %dma_start3A_546 = tpu.memref_slice %arg5[%add3A_543, %dma_start3A_545] : memref<32768x1024xf32, #tpu.memory_space<hbm>> -> memref<16x1024xf32, #tpu.memory_space<hbm>>
        %dma_start3A_547 = arith.constant 0 : i32
        %dma_start3A_548 = arith.constant 0 : i32
        %dma_start3A_549 = tpu.memref_slice %arg8[%arg1, %dma_start3A_544, %dma_start3A_547, %dma_start3A_548] : memref<16x2x16x1024xf32, #tpu.memory_space<vmem_shared>> -> memref<1x1x16x1024xf32, #tpu.memory_space<vmem_shared>>
        %dma_start3A_550 = tpu.memref_squeeze %dma_start3A_549 : memref<1x1x16x1024xf32, #tpu.memory_space<vmem_shared>> -> memref<16x1024xf32, #tpu.memory_space<vmem_shared>>
        tpu.enqueue_dma source(%dma_start3A_550 : memref<16x1024xf32, #tpu.memory_space<vmem_shared>>) target(%dma_start3A_546 : memref<16x1024xf32, #tpu.memory_space<hbm>>) target_semaphore(%arg20 : memref<!tpu.dma_semaphore, #tpu.memory_space<semaphore_mem>>)
      } else {
      }
      %ge3A_396 = arith.constant 2 : i32
      %ge3A_397 = arith.cmpi sge, %add3A_290, %ge3A_396 : i32
      %convert_element_type3A_398 = arith.extui %ge3A_397 : i1 to i32
      %cond3A_399 = arith.constant 0 : i32
      %cond3A_400 = arith.cmpi ne, %convert_element_type3A_398, %cond3A_399 : i32
      scf.if %cond3A_400 {
        %dma_wait3A_531 = arith.constant 0 : i32
        %dma_wait3A_532 = arith.constant 0 : i32
        %dma_wait3A_533 = arith.constant 0 : i32
        %dma_wait3A_534 = tpu.memref_slice %arg5[%dma_wait3A_532, %dma_wait3A_533] : memref<32768x1024xf32, #tpu.memory_space<hbm>> -> memref<16x1024xf32, #tpu.memory_space<hbm>>
        %dma_wait3A_535 = arith.constant 0 : i32
        %dma_wait3A_536 = arith.constant 0 : i32
        %dma_wait3A_537 = tpu.memref_slice %arg8[%arg1, %dma_wait3A_531, %dma_wait3A_535, %dma_wait3A_536] : memref<16x2x16x1024xf32, #tpu.memory_space<vmem_shared>> -> memref<1x1x16x1024xf32, #tpu.memory_space<vmem_shared>>
        %dma_wait3A_538 = tpu.memref_squeeze %dma_wait3A_537 : memref<1x1x16x1024xf32, #tpu.memory_space<vmem_shared>> -> memref<16x1024xf32, #tpu.memory_space<vmem_shared>>
        tpu.wait_dma2 semaphore(%arg19 : memref<!tpu.dma_semaphore, #tpu.memory_space<semaphore_mem>>) src(%dma_wait3A_538 : memref<16x1024xf32, #tpu.memory_space<vmem_shared>>) dst(%dma_wait3A_534 : memref<16x1024xf32, #tpu.memory_space<hbm>>)
      } else {
      }
      %dma_start3A_401 = arith.constant 0 : i32
      %dma_start3A_402 = arith.constant 0 : i32
      %dma_start3A_403 = arith.constant 0 : i32
      %dma_start3A_404 = tpu.memref_slice %arg8[%arg1, %dma_start3A_401, %dma_start3A_402, %dma_start3A_403] : memref<16x2x16x1024xf32, #tpu.memory_space<vmem_shared>> -> memref<1x1x16x1024xf32, #tpu.memory_space<vmem_shared>>
      %dma_start3A_405 = tpu.memref_squeeze %dma_start3A_404 : memref<1x1x16x1024xf32, #tpu.memory_space<vmem_shared>> -> memref<16x1024xf32, #tpu.memory_space<vmem_shared>>
      %dma_start3A_406 = arith.constant 0 : i32
      %dma_start3A_407 = arith.constant 0 : i32
      %dma_start3A_408 = tpu.memref_slice %arg8[%arg1, %dma_start3A_401, %dma_start3A_406, %dma_start3A_407] : memref<16x2x16x1024xf32, #tpu.memory_space<vmem_shared>> -> memref<1x1x16x1024xf32, #tpu.memory_space<vmem_shared>>
      %dma_start3A_409 = tpu.memref_squeeze %dma_start3A_408 : memref<1x1x16x1024xf32, #tpu.memory_space<vmem_shared>> -> memref<16x1024xf32, #tpu.memory_space<vmem_shared>>
      tpu.enqueue_dma source(%arg11 : memref<16x1024xf32, #tpu.memory_space<vmem>>) target(%dma_start3A_409 : memref<16x1024xf32, #tpu.memory_space<vmem_shared>>) target_semaphore(%arg17 : memref<!tpu.dma_semaphore, #tpu.memory_space<semaphore_mem>>)
      %add3A_410 = arith.constant 3 : i32
      %add3A_411 = arith.addi %mul3A_54, %add3A_410 : i32
      %dma_wait3A_412 = arith.constant 0 : i32
      %dma_wait3A_413 = arith.constant 0 : i32
      %dma_wait3A_414 = tpu.memref_slice %arg2[%dma_wait3A_412, %dma_wait3A_413] : memref<32768x1024xf32, #tpu.memory_space<hbm>> -> memref<16x1024xf32, #tpu.memory_space<hbm>>
      %dma_wait3A_415 = arith.constant 0 : i32
      %dma_wait3A_416 = arith.constant 0 : i32
      %dma_wait3A_417 = tpu.memref_slice %arg2[%dma_wait3A_415, %dma_wait3A_416] : memref<32768x1024xf32, #tpu.memory_space<hbm>> -> memref<16x1024xf32, #tpu.memory_space<hbm>>
      tpu.wait_dma2 semaphore(%arg16 : memref<!tpu.dma_semaphore, #tpu.memory_space<semaphore_mem>>) src(%dma_wait3A_417 : memref<16x1024xf32, #tpu.memory_space<hbm>>) dst(%arg12 : memref<16x1024xf32, #tpu.memory_space<vmem>>)
      %add3A_418 = arith.constant 2 : i32
      %add3A_419 = arith.addi %add3A_411, %add3A_418 : i32
      %lt3A_420 = arith.constant 64 : i32
      %lt3A_421 = arith.cmpi slt, %add3A_419, %lt3A_420 : i32
      %convert_element_type3A_422 = arith.extui %lt3A_421 : i1 to i32
      %cond3A_423 = arith.constant 0 : i32
      %cond3A_424 = arith.cmpi ne, %convert_element_type3A_422, %cond3A_423 : i32
      scf.if %cond3A_424 {
        %add3A_531 = arith.constant 2 : i32
        %add3A_532 = arith.addi %add3A_411, %add3A_531 : i32
        %mul3A_533 = arith.constant 16 : i32
        %mul3A_534 = arith.muli %add3A_532, %mul3A_533 : i32
        %add3A_535 = arith.addi %mul3A_2, %mul3A_534 : i32
        %dma_start3A_536 = arith.constant 0 : i32
        %dma_start3A_537 = tpu.memref_slice %arg2[%add3A_535, %dma_start3A_536] : memref<32768x1024xf32, #tpu.memory_space<hbm>> -> memref<16x1024xf32, #tpu.memory_space<hbm>>
        %dma_start3A_538 = arith.constant 0 : i32
        %dma_start3A_539 = tpu.memref_slice %arg2[%add3A_535, %dma_start3A_538] : memref<32768x1024xf32, #tpu.memory_space<hbm>> -> memref<16x1024xf32, #tpu.memory_space<hbm>>
        tpu.enqueue_dma source(%dma_start3A_539 : memref<16x1024xf32, #tpu.memory_space<hbm>>) target(%arg10 : memref<16x1024xf32, #tpu.memory_space<vmem>>) target_semaphore(%arg14 : memref<!tpu.dma_semaphore, #tpu.memory_space<semaphore_mem>>)
      } else {
      }
      %mul3A_425 = arith.constant 16 : i32
      %mul3A_426 = arith.muli %add3A_411, %mul3A_425 : i32
      %add3A_427 = arith.constant 0 : i32
      %add3A_428 = arith.addi %mul3A_426, %add3A_427 : i32
      %get3A_429 = arith.index_cast %add3A_428 : i32 to index
      %get3A_430 = tpu.vector_load %arg7[%get3A_429] {strides = array<i32>} : memref<1024xi32, #tpu.memory_space<vmem>>, vector<16xi32>,
      %get3A_431 = vector.shape_cast %get3A_430 : vector<16xi32> to vector<16xi32>
      %slice3A_432 = vector.extract_strided_slice %get3A_431 {offsets = [0], sizes = [1], strides = [1]} : vector<16xi32> to vector<1xi32>
      %squeeze3A_433 = vector.extract %slice3A_432[0] : i32 from vector<1xi32>
      %parallel_loop3A_434 = arith.constant 0 : i32
      %parallel_loop3A_435 = arith.constant 1024 : i32
      %parallel_loop3A_436 = arith.constant 16 : i32
      scf.for %parallel_loop3A_531 = %parallel_loop3A_434 to %parallel_loop3A_435 step %parallel_loop3A_436  : i32 {
        %parallel_loop3A_532 = arith.index_cast %squeeze3A_433 : i32 to index
        %parallel_loop3A_533 = arith.index_cast %parallel_loop3A_531 : i32 to index
        %parallel_loop3A_534 = tpu.vector_load %arg6[%parallel_loop3A_532, %parallel_loop3A_533] {strides = array<i32>} : memref<16x1024xf32, #tpu.memory_space<vmem>>, vector<1x16xf32>,
        %parallel_loop3A_535 = vector.shape_cast %parallel_loop3A_534 : vector<1x16xf32> to vector<16xf32>
        %parallel_loop3A_536 = arith.constant 0 : i32
        %parallel_loop3A_537 = arith.index_cast %parallel_loop3A_536 : i32 to index
        %parallel_loop3A_538 = arith.index_cast %parallel_loop3A_531 : i32 to index
        %parallel_loop3A_539 = tpu.vector_load %arg12[%parallel_loop3A_537, %parallel_loop3A_538] {strides = array<i32>} : memref<16x1024xf32, #tpu.memory_space<vmem>>, vector<1x16xf32>,
        %parallel_loop3A_540 = vector.shape_cast %parallel_loop3A_539 : vector<1x16xf32> to vector<16xf32>
        %parallel_loop3A_541 = vector.shape_cast %parallel_loop3A_535 : vector<16xf32> to vector<1x16xf32>
        tpu.vector_store %arg12[%parallel_loop3A_537, %parallel_loop3A_538], %parallel_loop3A_541 {add = true, strides = array<i32>} : memref<16x1024xf32, #tpu.memory_space<vmem>>, vector<1x16xf32>,
      } {sc.loop_unroll_factor = 8 : i64, sc.parallel_access}
      %slice3A_437 = vector.extract_strided_slice %get3A_431 {offsets = [1], sizes = [1], strides = [1]} : vector<16xi32> to vector<1xi32>
      %squeeze3A_438 = vector.extract %slice3A_437[0] : i32 from vector<1xi32>
      %parallel_loop3A_439 = arith.constant 0 : i32
      %parallel_loop3A_440 = arith.constant 1024 : i32
      %parallel_loop3A_441 = arith.constant 16 : i32
      scf.for %parallel_loop3A_531 = %parallel_loop3A_439 to %parallel_loop3A_440 step %parallel_loop3A_441  : i32 {
        %parallel_loop3A_532 = arith.index_cast %squeeze3A_438 : i32 to index
        %parallel_loop3A_533 = arith.index_cast %parallel_loop3A_531 : i32 to index
        %parallel_loop3A_534 = tpu.vector_load %arg6[%parallel_loop3A_532, %parallel_loop3A_533] {strides = array<i32>} : memref<16x1024xf32, #tpu.memory_space<vmem>>, vector<1x16xf32>,
        %parallel_loop3A_535 = vector.shape_cast %parallel_loop3A_534 : vector<1x16xf32> to vector<16xf32>
        %parallel_loop3A_536 = arith.constant 1 : i32
        %parallel_loop3A_537 = arith.index_cast %parallel_loop3A_536 : i32 to index
        %parallel_loop3A_538 = arith.index_cast %parallel_loop3A_531 : i32 to index
        %parallel_loop3A_539 = tpu.vector_load %arg12[%parallel_loop3A_537, %parallel_loop3A_538] {strides = array<i32>} : memref<16x1024xf32, #tpu.memory_space<vmem>>, vector<1x16xf32>,
        %parallel_loop3A_540 = vector.shape_cast %parallel_loop3A_539 : vector<1x16xf32> to vector<16xf32>
        %parallel_loop3A_541 = vector.shape_cast %parallel_loop3A_535 : vector<16xf32> to vector<1x16xf32>
        tpu.vector_store %arg12[%parallel_loop3A_537, %parallel_loop3A_538], %parallel_loop3A_541 {add = true, strides = array<i32>} : memref<16x1024xf32, #tpu.memory_space<vmem>>, vector<1x16xf32>,
      } {sc.loop_unroll_factor = 8 : i64, sc.parallel_access}
      %slice3A_442 = vector.extract_strided_slice %get3A_431 {offsets = [2], sizes = [1], strides = [1]} : vector<16xi32> to vector<1xi32>
      %squeeze3A_443 = vector.extract %slice3A_442[0] : i32 from vector<1xi32>
      %parallel_loop3A_444 = arith.constant 0 : i32
      %parallel_loop3A_445 = arith.constant 1024 : i32
      %parallel_loop3A_446 = arith.constant 16 : i32
      scf.for %parallel_loop3A_531 = %parallel_loop3A_444 to %parallel_loop3A_445 step %parallel_loop3A_446  : i32 {
        %parallel_loop3A_532 = arith.index_cast %squeeze3A_443 : i32 to index
        %parallel_loop3A_533 = arith.index_cast %parallel_loop3A_531 : i32 to index
        %parallel_loop3A_534 = tpu.vector_load %arg6[%parallel_loop3A_532, %parallel_loop3A_533] {strides = array<i32>} : memref<16x1024xf32, #tpu.memory_space<vmem>>, vector<1x16xf32>,
        %parallel_loop3A_535 = vector.shape_cast %parallel_loop3A_534 : vector<1x16xf32> to vector<16xf32>
        %parallel_loop3A_536 = arith.constant 2 : i32
        %parallel_loop3A_537 = arith.index_cast %parallel_loop3A_536 : i32 to index
        %parallel_loop3A_538 = arith.index_cast %parallel_loop3A_531 : i32 to index
        %parallel_loop3A_539 = tpu.vector_load %arg12[%parallel_loop3A_537, %parallel_loop3A_538] {strides = array<i32>} : memref<16x1024xf32, #tpu.memory_space<vmem>>, vector<1x16xf32>,
        %parallel_loop3A_540 = vector.shape_cast %parallel_loop3A_539 : vector<1x16xf32> to vector<16xf32>
        %parallel_loop3A_541 = vector.shape_cast %parallel_loop3A_535 : vector<16xf32> to vector<1x16xf32>
        tpu.vector_store %arg12[%parallel_loop3A_537, %parallel_loop3A_538], %parallel_loop3A_541 {add = true, strides = array<i32>} : memref<16x1024xf32, #tpu.memory_space<vmem>>, vector<1x16xf32>,
      } {sc.loop_unroll_factor = 8 : i64, sc.parallel_access}
      %slice3A_447 = vector.extract_strided_slice %get3A_431 {offsets = [3], sizes = [1], strides = [1]} : vector<16xi32> to vector<1xi32>
      %squeeze3A_448 = vector.extract %slice3A_447[0] : i32 from vector<1xi32>
      %parallel_loop3A_449 = arith.constant 0 : i32
      %parallel_loop3A_450 = arith.constant 1024 : i32
      %parallel_loop3A_451 = arith.constant 16 : i32
      scf.for %parallel_loop3A_531 = %parallel_loop3A_449 to %parallel_loop3A_450 step %parallel_loop3A_451  : i32 {
        %parallel_loop3A_532 = arith.index_cast %squeeze3A_448 : i32 to index
        %parallel_loop3A_533 = arith.index_cast %parallel_loop3A_531 : i32 to index
        %parallel_loop3A_534 = tpu.vector_load %arg6[%parallel_loop3A_532, %parallel_loop3A_533] {strides = array<i32>} : memref<16x1024xf32, #tpu.memory_space<vmem>>, vector<1x16xf32>,
        %parallel_loop3A_535 = vector.shape_cast %parallel_loop3A_534 : vector<1x16xf32> to vector<16xf32>
        %parallel_loop3A_536 = arith.constant 3 : i32
        %parallel_loop3A_537 = arith.index_cast %parallel_loop3A_536 : i32 to index
        %parallel_loop3A_538 = arith.index_cast %parallel_loop3A_531 : i32 to index
        %parallel_loop3A_539 = tpu.vector_load %arg12[%parallel_loop3A_537, %parallel_loop3A_538] {strides = array<i32>} : memref<16x1024xf32, #tpu.memory_space<vmem>>, vector<1x16xf32>,
        %parallel_loop3A_540 = vector.shape_cast %parallel_loop3A_539 : vector<1x16xf32> to vector<16xf32>
        %parallel_loop3A_541 = vector.shape_cast %parallel_loop3A_535 : vector<16xf32> to vector<1x16xf32>
        tpu.vector_store %arg12[%parallel_loop3A_537, %parallel_loop3A_538], %parallel_loop3A_541 {add = true, strides = array<i32>} : memref<16x1024xf32, #tpu.memory_space<vmem>>, vector<1x16xf32>,
      } {sc.loop_unroll_factor = 8 : i64, sc.parallel_access}
      %slice3A_452 = vector.extract_strided_slice %get3A_431 {offsets = [4], sizes = [1], strides = [1]} : vector<16xi32> to vector<1xi32>
      %squeeze3A_453 = vector.extract %slice3A_452[0] : i32 from vector<1xi32>
      %parallel_loop3A_454 = arith.constant 0 : i32
      %parallel_loop3A_455 = arith.constant 1024 : i32
      %parallel_loop3A_456 = arith.constant 16 : i32
      scf.for %parallel_loop3A_531 = %parallel_loop3A_454 to %parallel_loop3A_455 step %parallel_loop3A_456  : i32 {
        %parallel_loop3A_532 = arith.index_cast %squeeze3A_453 : i32 to index
        %parallel_loop3A_533 = arith.index_cast %parallel_loop3A_531 : i32 to index
        %parallel_loop3A_534 = tpu.vector_load %arg6[%parallel_loop3A_532, %parallel_loop3A_533] {strides = array<i32>} : memref<16x1024xf32, #tpu.memory_space<vmem>>, vector<1x16xf32>,
        %parallel_loop3A_535 = vector.shape_cast %parallel_loop3A_534 : vector<1x16xf32> to vector<16xf32>
        %parallel_loop3A_536 = arith.constant 4 : i32
        %parallel_loop3A_537 = arith.index_cast %parallel_loop3A_536 : i32 to index
        %parallel_loop3A_538 = arith.index_cast %parallel_loop3A_531 : i32 to index
        %parallel_loop3A_539 = tpu.vector_load %arg12[%parallel_loop3A_537, %parallel_loop3A_538] {strides = array<i32>} : memref<16x1024xf32, #tpu.memory_space<vmem>>, vector<1x16xf32>,
        %parallel_loop3A_540 = vector.shape_cast %parallel_loop3A_539 : vector<1x16xf32> to vector<16xf32>
        %parallel_loop3A_541 = vector.shape_cast %parallel_loop3A_535 : vector<16xf32> to vector<1x16xf32>
        tpu.vector_store %arg12[%parallel_loop3A_537, %parallel_loop3A_538], %parallel_loop3A_541 {add = true, strides = array<i32>} : memref<16x1024xf32, #tpu.memory_space<vmem>>, vector<1x16xf32>,
      } {sc.loop_unroll_factor = 8 : i64, sc.parallel_access}
      %slice3A_457 = vector.extract_strided_slice %get3A_431 {offsets = [5], sizes = [1], strides = [1]} : vector<16xi32> to vector<1xi32>
      %squeeze3A_458 = vector.extract %slice3A_457[0] : i32 from vector<1xi32>
      %parallel_loop3A_459 = arith.constant 0 : i32
      %parallel_loop3A_460 = arith.constant 1024 : i32
      %parallel_loop3A_461 = arith.constant 16 : i32
      scf.for %parallel_loop3A_531 = %parallel_loop3A_459 to %parallel_loop3A_460 step %parallel_loop3A_461  : i32 {
        %parallel_loop3A_532 = arith.index_cast %squeeze3A_458 : i32 to index
        %parallel_loop3A_533 = arith.index_cast %parallel_loop3A_531 : i32 to index
        %parallel_loop3A_534 = tpu.vector_load %arg6[%parallel_loop3A_532, %parallel_loop3A_533] {strides = array<i32>} : memref<16x1024xf32, #tpu.memory_space<vmem>>, vector<1x16xf32>,
        %parallel_loop3A_535 = vector.shape_cast %parallel_loop3A_534 : vector<1x16xf32> to vector<16xf32>
        %parallel_loop3A_536 = arith.constant 5 : i32
        %parallel_loop3A_537 = arith.index_cast %parallel_loop3A_536 : i32 to index
        %parallel_loop3A_538 = arith.index_cast %parallel_loop3A_531 : i32 to index
        %parallel_loop3A_539 = tpu.vector_load %arg12[%parallel_loop3A_537, %parallel_loop3A_538] {strides = array<i32>} : memref<16x1024xf32, #tpu.memory_space<vmem>>, vector<1x16xf32>,
        %parallel_loop3A_540 = vector.shape_cast %parallel_loop3A_539 : vector<1x16xf32> to vector<16xf32>
        %parallel_loop3A_541 = vector.shape_cast %parallel_loop3A_535 : vector<16xf32> to vector<1x16xf32>
        tpu.vector_store %arg12[%parallel_loop3A_537, %parallel_loop3A_538], %parallel_loop3A_541 {add = true, strides = array<i32>} : memref<16x1024xf32, #tpu.memory_space<vmem>>, vector<1x16xf32>,
      } {sc.loop_unroll_factor = 8 : i64, sc.parallel_access}
      %slice3A_462 = vector.extract_strided_slice %get3A_431 {offsets = [6], sizes = [1], strides = [1]} : vector<16xi32> to vector<1xi32>
      %squeeze3A_463 = vector.extract %slice3A_462[0] : i32 from vector<1xi32>
      %parallel_loop3A_464 = arith.constant 0 : i32
      %parallel_loop3A_465 = arith.constant 1024 : i32
      %parallel_loop3A_466 = arith.constant 16 : i32
      scf.for %parallel_loop3A_531 = %parallel_loop3A_464 to %parallel_loop3A_465 step %parallel_loop3A_466  : i32 {
        %parallel_loop3A_532 = arith.index_cast %squeeze3A_463 : i32 to index
        %parallel_loop3A_533 = arith.index_cast %parallel_loop3A_531 : i32 to index
        %parallel_loop3A_534 = tpu.vector_load %arg6[%parallel_loop3A_532, %parallel_loop3A_533] {strides = array<i32>} : memref<16x1024xf32, #tpu.memory_space<vmem>>, vector<1x16xf32>,
        %parallel_loop3A_535 = vector.shape_cast %parallel_loop3A_534 : vector<1x16xf32> to vector<16xf32>
        %parallel_loop3A_536 = arith.constant 6 : i32
        %parallel_loop3A_537 = arith.index_cast %parallel_loop3A_536 : i32 to index
        %parallel_loop3A_538 = arith.index_cast %parallel_loop3A_531 : i32 to index
        %parallel_loop3A_539 = tpu.vector_load %arg12[%parallel_loop3A_537, %parallel_loop3A_538] {strides = array<i32>} : memref<16x1024xf32, #tpu.memory_space<vmem>>, vector<1x16xf32>,
        %parallel_loop3A_540 = vector.shape_cast %parallel_loop3A_539 : vector<1x16xf32> to vector<16xf32>
        %parallel_loop3A_541 = vector.shape_cast %parallel_loop3A_535 : vector<16xf32> to vector<1x16xf32>
        tpu.vector_store %arg12[%parallel_loop3A_537, %parallel_loop3A_538], %parallel_loop3A_541 {add = true, strides = array<i32>} : memref<16x1024xf32, #tpu.memory_space<vmem>>, vector<1x16xf32>,
      } {sc.loop_unroll_factor = 8 : i64, sc.parallel_access}
      %slice3A_467 = vector.extract_strided_slice %get3A_431 {offsets = [7], sizes = [1], strides = [1]} : vector<16xi32> to vector<1xi32>
      %squeeze3A_468 = vector.extract %slice3A_467[0] : i32 from vector<1xi32>
      %parallel_loop3A_469 = arith.constant 0 : i32
      %parallel_loop3A_470 = arith.constant 1024 : i32
      %parallel_loop3A_471 = arith.constant 16 : i32
      scf.for %parallel_loop3A_531 = %parallel_loop3A_469 to %parallel_loop3A_470 step %parallel_loop3A_471  : i32 {
        %parallel_loop3A_532 = arith.index_cast %squeeze3A_468 : i32 to index
        %parallel_loop3A_533 = arith.index_cast %parallel_loop3A_531 : i32 to index
        %parallel_loop3A_534 = tpu.vector_load %arg6[%parallel_loop3A_532, %parallel_loop3A_533] {strides = array<i32>} : memref<16x1024xf32, #tpu.memory_space<vmem>>, vector<1x16xf32>,
        %parallel_loop3A_535 = vector.shape_cast %parallel_loop3A_534 : vector<1x16xf32> to vector<16xf32>
        %parallel_loop3A_536 = arith.constant 7 : i32
        %parallel_loop3A_537 = arith.index_cast %parallel_loop3A_536 : i32 to index
        %parallel_loop3A_538 = arith.index_cast %parallel_loop3A_531 : i32 to index
        %parallel_loop3A_539 = tpu.vector_load %arg12[%parallel_loop3A_537, %parallel_loop3A_538] {strides = array<i32>} : memref<16x1024xf32, #tpu.memory_space<vmem>>, vector<1x16xf32>,
        %parallel_loop3A_540 = vector.shape_cast %parallel_loop3A_539 : vector<1x16xf32> to vector<16xf32>
        %parallel_loop3A_541 = vector.shape_cast %parallel_loop3A_535 : vector<16xf32> to vector<1x16xf32>
        tpu.vector_store %arg12[%parallel_loop3A_537, %parallel_loop3A_538], %parallel_loop3A_541 {add = true, strides = array<i32>} : memref<16x1024xf32, #tpu.memory_space<vmem>>, vector<1x16xf32>,
      } {sc.loop_unroll_factor = 8 : i64, sc.parallel_access}
      %slice3A_472 = vector.extract_strided_slice %get3A_431 {offsets = [8], sizes = [1], strides = [1]} : vector<16xi32> to vector<1xi32>
      %squeeze3A_473 = vector.extract %slice3A_472[0] : i32 from vector<1xi32>
      %parallel_loop3A_474 = arith.constant 0 : i32
      %parallel_loop3A_475 = arith.constant 1024 : i32
      %parallel_loop3A_476 = arith.constant 16 : i32
      scf.for %parallel_loop3A_531 = %parallel_loop3A_474 to %parallel_loop3A_475 step %parallel_loop3A_476  : i32 {
        %parallel_loop3A_532 = arith.index_cast %squeeze3A_473 : i32 to index
        %parallel_loop3A_533 = arith.index_cast %parallel_loop3A_531 : i32 to index
        %parallel_loop3A_534 = tpu.vector_load %arg6[%parallel_loop3A_532, %parallel_loop3A_533] {strides = array<i32>} : memref<16x1024xf32, #tpu.memory_space<vmem>>, vector<1x16xf32>,
        %parallel_loop3A_535 = vector.shape_cast %parallel_loop3A_534 : vector<1x16xf32> to vector<16xf32>
        %parallel_loop3A_536 = arith.constant 8 : i32
        %parallel_loop3A_537 = arith.index_cast %parallel_loop3A_536 : i32 to index
        %parallel_loop3A_538 = arith.index_cast %parallel_loop3A_531 : i32 to index
        %parallel_loop3A_539 = tpu.vector_load %arg12[%parallel_loop3A_537, %parallel_loop3A_538] {strides = array<i32>} : memref<16x1024xf32, #tpu.memory_space<vmem>>, vector<1x16xf32>,
        %parallel_loop3A_540 = vector.shape_cast %parallel_loop3A_539 : vector<1x16xf32> to vector<16xf32>
        %parallel_loop3A_541 = vector.shape_cast %parallel_loop3A_535 : vector<16xf32> to vector<1x16xf32>
        tpu.vector_store %arg12[%parallel_loop3A_537, %parallel_loop3A_538], %parallel_loop3A_541 {add = true, strides = array<i32>} : memref<16x1024xf32, #tpu.memory_space<vmem>>, vector<1x16xf32>,
      } {sc.loop_unroll_factor = 8 : i64, sc.parallel_access}
      %slice3A_477 = vector.extract_strided_slice %get3A_431 {offsets = [9], sizes = [1], strides = [1]} : vector<16xi32> to vector<1xi32>
      %squeeze3A_478 = vector.extract %slice3A_477[0] : i32 from vector<1xi32>
      %parallel_loop3A_479 = arith.constant 0 : i32
      %parallel_loop3A_480 = arith.constant 1024 : i32
      %parallel_loop3A_481 = arith.constant 16 : i32
      scf.for %parallel_loop3A_531 = %parallel_loop3A_479 to %parallel_loop3A_480 step %parallel_loop3A_481  : i32 {
        %parallel_loop3A_532 = arith.index_cast %squeeze3A_478 : i32 to index
        %parallel_loop3A_533 = arith.index_cast %parallel_loop3A_531 : i32 to index
        %parallel_loop3A_534 = tpu.vector_load %arg6[%parallel_loop3A_532, %parallel_loop3A_533] {strides = array<i32>} : memref<16x1024xf32, #tpu.memory_space<vmem>>, vector<1x16xf32>,
        %parallel_loop3A_535 = vector.shape_cast %parallel_loop3A_534 : vector<1x16xf32> to vector<16xf32>
        %parallel_loop3A_536 = arith.constant 9 : i32
        %parallel_loop3A_537 = arith.index_cast %parallel_loop3A_536 : i32 to index
        %parallel_loop3A_538 = arith.index_cast %parallel_loop3A_531 : i32 to index
        %parallel_loop3A_539 = tpu.vector_load %arg12[%parallel_loop3A_537, %parallel_loop3A_538] {strides = array<i32>} : memref<16x1024xf32, #tpu.memory_space<vmem>>, vector<1x16xf32>,
        %parallel_loop3A_540 = vector.shape_cast %parallel_loop3A_539 : vector<1x16xf32> to vector<16xf32>
        %parallel_loop3A_541 = vector.shape_cast %parallel_loop3A_535 : vector<16xf32> to vector<1x16xf32>
        tpu.vector_store %arg12[%parallel_loop3A_537, %parallel_loop3A_538], %parallel_loop3A_541 {add = true, strides = array<i32>} : memref<16x1024xf32, #tpu.memory_space<vmem>>, vector<1x16xf32>,
      } {sc.loop_unroll_factor = 8 : i64, sc.parallel_access}
      %slice3A_482 = vector.extract_strided_slice %get3A_431 {offsets = [10], sizes = [1], strides = [1]} : vector<16xi32> to vector<1xi32>
      %squeeze3A_483 = vector.extract %slice3A_482[0] : i32 from vector<1xi32>
      %parallel_loop3A_484 = arith.constant 0 : i32
      %parallel_loop3A_485 = arith.constant 1024 : i32
      %parallel_loop3A_486 = arith.constant 16 : i32
      scf.for %parallel_loop3A_531 = %parallel_loop3A_484 to %parallel_loop3A_485 step %parallel_loop3A_486  : i32 {
        %parallel_loop3A_532 = arith.index_cast %squeeze3A_483 : i32 to index
        %parallel_loop3A_533 = arith.index_cast %parallel_loop3A_531 : i32 to index
        %parallel_loop3A_534 = tpu.vector_load %arg6[%parallel_loop3A_532, %parallel_loop3A_533] {strides = array<i32>} : memref<16x1024xf32, #tpu.memory_space<vmem>>, vector<1x16xf32>,
        %parallel_loop3A_535 = vector.shape_cast %parallel_loop3A_534 : vector<1x16xf32> to vector<16xf32>
        %parallel_loop3A_536 = arith.constant 10 : i32
        %parallel_loop3A_537 = arith.index_cast %parallel_loop3A_536 : i32 to index
        %parallel_loop3A_538 = arith.index_cast %parallel_loop3A_531 : i32 to index
        %parallel_loop3A_539 = tpu.vector_load %arg12[%parallel_loop3A_537, %parallel_loop3A_538] {strides = array<i32>} : memref<16x1024xf32, #tpu.memory_space<vmem>>, vector<1x16xf32>,
        %parallel_loop3A_540 = vector.shape_cast %parallel_loop3A_539 : vector<1x16xf32> to vector<16xf32>
        %parallel_loop3A_541 = vector.shape_cast %parallel_loop3A_535 : vector<16xf32> to vector<1x16xf32>
        tpu.vector_store %arg12[%parallel_loop3A_537, %parallel_loop3A_538], %parallel_loop3A_541 {add = true, strides = array<i32>} : memref<16x1024xf32, #tpu.memory_space<vmem>>, vector<1x16xf32>,
      } {sc.loop_unroll_factor = 8 : i64, sc.parallel_access}
      %slice3A_487 = vector.extract_strided_slice %get3A_431 {offsets = [11], sizes = [1], strides = [1]} : vector<16xi32> to vector<1xi32>
      %squeeze3A_488 = vector.extract %slice3A_487[0] : i32 from vector<1xi32>
      %parallel_loop3A_489 = arith.constant 0 : i32
      %parallel_loop3A_490 = arith.constant 1024 : i32
      %parallel_loop3A_491 = arith.constant 16 : i32
      scf.for %parallel_loop3A_531 = %parallel_loop3A_489 to %parallel_loop3A_490 step %parallel_loop3A_491  : i32 {
        %parallel_loop3A_532 = arith.index_cast %squeeze3A_488 : i32 to index
        %parallel_loop3A_533 = arith.index_cast %parallel_loop3A_531 : i32 to index
        %parallel_loop3A_534 = tpu.vector_load %arg6[%parallel_loop3A_532, %parallel_loop3A_533] {strides = array<i32>} : memref<16x1024xf32, #tpu.memory_space<vmem>>, vector<1x16xf32>,
        %parallel_loop3A_535 = vector.shape_cast %parallel_loop3A_534 : vector<1x16xf32> to vector<16xf32>
        %parallel_loop3A_536 = arith.constant 11 : i32
        %parallel_loop3A_537 = arith.index_cast %parallel_loop3A_536 : i32 to index
        %parallel_loop3A_538 = arith.index_cast %parallel_loop3A_531 : i32 to index
        %parallel_loop3A_539 = tpu.vector_load %arg12[%parallel_loop3A_537, %parallel_loop3A_538] {strides = array<i32>} : memref<16x1024xf32, #tpu.memory_space<vmem>>, vector<1x16xf32>,
        %parallel_loop3A_540 = vector.shape_cast %parallel_loop3A_539 : vector<1x16xf32> to vector<16xf32>
        %parallel_loop3A_541 = vector.shape_cast %parallel_loop3A_535 : vector<16xf32> to vector<1x16xf32>
        tpu.vector_store %arg12[%parallel_loop3A_537, %parallel_loop3A_538], %parallel_loop3A_541 {add = true, strides = array<i32>} : memref<16x1024xf32, #tpu.memory_space<vmem>>, vector<1x16xf32>,
      } {sc.loop_unroll_factor = 8 : i64, sc.parallel_access}
      %slice3A_492 = vector.extract_strided_slice %get3A_431 {offsets = [12], sizes = [1], strides = [1]} : vector<16xi32> to vector<1xi32>
      %squeeze3A_493 = vector.extract %slice3A_492[0] : i32 from vector<1xi32>
      %parallel_loop3A_494 = arith.constant 0 : i32
      %parallel_loop3A_495 = arith.constant 1024 : i32
      %parallel_loop3A_496 = arith.constant 16 : i32
      scf.for %parallel_loop3A_531 = %parallel_loop3A_494 to %parallel_loop3A_495 step %parallel_loop3A_496  : i32 {
        %parallel_loop3A_532 = arith.index_cast %squeeze3A_493 : i32 to index
        %parallel_loop3A_533 = arith.index_cast %parallel_loop3A_531 : i32 to index
        %parallel_loop3A_534 = tpu.vector_load %arg6[%parallel_loop3A_532, %parallel_loop3A_533] {strides = array<i32>} : memref<16x1024xf32, #tpu.memory_space<vmem>>, vector<1x16xf32>,
        %parallel_loop3A_535 = vector.shape_cast %parallel_loop3A_534 : vector<1x16xf32> to vector<16xf32>
        %parallel_loop3A_536 = arith.constant 12 : i32
        %parallel_loop3A_537 = arith.index_cast %parallel_loop3A_536 : i32 to index
        %parallel_loop3A_538 = arith.index_cast %parallel_loop3A_531 : i32 to index
        %parallel_loop3A_539 = tpu.vector_load %arg12[%parallel_loop3A_537, %parallel_loop3A_538] {strides = array<i32>} : memref<16x1024xf32, #tpu.memory_space<vmem>>, vector<1x16xf32>,
        %parallel_loop3A_540 = vector.shape_cast %parallel_loop3A_539 : vector<1x16xf32> to vector<16xf32>
        %parallel_loop3A_541 = vector.shape_cast %parallel_loop3A_535 : vector<16xf32> to vector<1x16xf32>
        tpu.vector_store %arg12[%parallel_loop3A_537, %parallel_loop3A_538], %parallel_loop3A_541 {add = true, strides = array<i32>} : memref<16x1024xf32, #tpu.memory_space<vmem>>, vector<1x16xf32>,
      } {sc.loop_unroll_factor = 8 : i64, sc.parallel_access}
      %slice3A_497 = vector.extract_strided_slice %get3A_431 {offsets = [13], sizes = [1], strides = [1]} : vector<16xi32> to vector<1xi32>
      %squeeze3A_498 = vector.extract %slice3A_497[0] : i32 from vector<1xi32>
      %parallel_loop3A_499 = arith.constant 0 : i32
      %parallel_loop3A_500 = arith.constant 1024 : i32
      %parallel_loop3A_501 = arith.constant 16 : i32
      scf.for %parallel_loop3A_531 = %parallel_loop3A_499 to %parallel_loop3A_500 step %parallel_loop3A_501  : i32 {
        %parallel_loop3A_532 = arith.index_cast %squeeze3A_498 : i32 to index
        %parallel_loop3A_533 = arith.index_cast %parallel_loop3A_531 : i32 to index
        %parallel_loop3A_534 = tpu.vector_load %arg6[%parallel_loop3A_532, %parallel_loop3A_533] {strides = array<i32>} : memref<16x1024xf32, #tpu.memory_space<vmem>>, vector<1x16xf32>,
        %parallel_loop3A_535 = vector.shape_cast %parallel_loop3A_534 : vector<1x16xf32> to vector<16xf32>
        %parallel_loop3A_536 = arith.constant 13 : i32
        %parallel_loop3A_537 = arith.index_cast %parallel_loop3A_536 : i32 to index
        %parallel_loop3A_538 = arith.index_cast %parallel_loop3A_531 : i32 to index
        %parallel_loop3A_539 = tpu.vector_load %arg12[%parallel_loop3A_537, %parallel_loop3A_538] {strides = array<i32>} : memref<16x1024xf32, #tpu.memory_space<vmem>>, vector<1x16xf32>,
        %parallel_loop3A_540 = vector.shape_cast %parallel_loop3A_539 : vector<1x16xf32> to vector<16xf32>
        %parallel_loop3A_541 = vector.shape_cast %parallel_loop3A_535 : vector<16xf32> to vector<1x16xf32>
        tpu.vector_store %arg12[%parallel_loop3A_537, %parallel_loop3A_538], %parallel_loop3A_541 {add = true, strides = array<i32>} : memref<16x1024xf32, #tpu.memory_space<vmem>>, vector<1x16xf32>,
      } {sc.loop_unroll_factor = 8 : i64, sc.parallel_access}
      %slice3A_502 = vector.extract_strided_slice %get3A_431 {offsets = [14], sizes = [1], strides = [1]} : vector<16xi32> to vector<1xi32>
      %squeeze3A_503 = vector.extract %slice3A_502[0] : i32 from vector<1xi32>
      %parallel_loop3A_504 = arith.constant 0 : i32
      %parallel_loop3A_505 = arith.constant 1024 : i32
      %parallel_loop3A_506 = arith.constant 16 : i32
      scf.for %parallel_loop3A_531 = %parallel_loop3A_504 to %parallel_loop3A_505 step %parallel_loop3A_506  : i32 {
        %parallel_loop3A_532 = arith.index_cast %squeeze3A_503 : i32 to index
        %parallel_loop3A_533 = arith.index_cast %parallel_loop3A_531 : i32 to index
        %parallel_loop3A_534 = tpu.vector_load %arg6[%parallel_loop3A_532, %parallel_loop3A_533] {strides = array<i32>} : memref<16x1024xf32, #tpu.memory_space<vmem>>, vector<1x16xf32>,
        %parallel_loop3A_535 = vector.shape_cast %parallel_loop3A_534 : vector<1x16xf32> to vector<16xf32>
        %parallel_loop3A_536 = arith.constant 14 : i32
        %parallel_loop3A_537 = arith.index_cast %parallel_loop3A_536 : i32 to index
        %parallel_loop3A_538 = arith.index_cast %parallel_loop3A_531 : i32 to index
        %parallel_loop3A_539 = tpu.vector_load %arg12[%parallel_loop3A_537, %parallel_loop3A_538] {strides = array<i32>} : memref<16x1024xf32, #tpu.memory_space<vmem>>, vector<1x16xf32>,
        %parallel_loop3A_540 = vector.shape_cast %parallel_loop3A_539 : vector<1x16xf32> to vector<16xf32>
        %parallel_loop3A_541 = vector.shape_cast %parallel_loop3A_535 : vector<16xf32> to vector<1x16xf32>
        tpu.vector_store %arg12[%parallel_loop3A_537, %parallel_loop3A_538], %parallel_loop3A_541 {add = true, strides = array<i32>} : memref<16x1024xf32, #tpu.memory_space<vmem>>, vector<1x16xf32>,
      } {sc.loop_unroll_factor = 8 : i64, sc.parallel_access}
      %slice3A_507 = vector.extract_strided_slice %get3A_431 {offsets = [15], sizes = [1], strides = [1]} : vector<16xi32> to vector<1xi32>
      %squeeze3A_508 = vector.extract %slice3A_507[0] : i32 from vector<1xi32>
      %parallel_loop3A_509 = arith.constant 0 : i32
      %parallel_loop3A_510 = arith.constant 1024 : i32
      %parallel_loop3A_511 = arith.constant 16 : i32
      scf.for %parallel_loop3A_531 = %parallel_loop3A_509 to %parallel_loop3A_510 step %parallel_loop3A_511  : i32 {
        %parallel_loop3A_532 = arith.index_cast %squeeze3A_508 : i32 to index
        %parallel_loop3A_533 = arith.index_cast %parallel_loop3A_531 : i32 to index
        %parallel_loop3A_534 = tpu.vector_load %arg6[%parallel_loop3A_532, %parallel_loop3A_533] {strides = array<i32>} : memref<16x1024xf32, #tpu.memory_space<vmem>>, vector<1x16xf32>,
        %parallel_loop3A_535 = vector.shape_cast %parallel_loop3A_534 : vector<1x16xf32> to vector<16xf32>
        %parallel_loop3A_536 = arith.constant 15 : i32
        %parallel_loop3A_537 = arith.index_cast %parallel_loop3A_536 : i32 to index
        %parallel_loop3A_538 = arith.index_cast %parallel_loop3A_531 : i32 to index
        %parallel_loop3A_539 = tpu.vector_load %arg12[%parallel_loop3A_537, %parallel_loop3A_538] {strides = array<i32>} : memref<16x1024xf32, #tpu.memory_space<vmem>>, vector<1x16xf32>,
        %parallel_loop3A_540 = vector.shape_cast %parallel_loop3A_539 : vector<1x16xf32> to vector<16xf32>
        %parallel_loop3A_541 = vector.shape_cast %parallel_loop3A_535 : vector<16xf32> to vector<1x16xf32>
        tpu.vector_store %arg12[%parallel_loop3A_537, %parallel_loop3A_538], %parallel_loop3A_541 {add = true, strides = array<i32>} : memref<16x1024xf32, #tpu.memory_space<vmem>>, vector<1x16xf32>,
      } {sc.loop_unroll_factor = 8 : i64, sc.parallel_access}
      %ge3A_512 = arith.constant 1 : i32
      %ge3A_513 = arith.cmpi sge, %add3A_411, %ge3A_512 : i32
      %convert_element_type3A_514 = arith.extui %ge3A_513 : i1 to i32
      %cond3A_515 = arith.constant 0 : i32
      %cond3A_516 = arith.cmpi ne, %convert_element_type3A_514, %cond3A_515 : i32
      scf.if %cond3A_516 {
        %dma_wait3A_531 = arith.constant 0 : i32
        %dma_wait3A_532 = arith.constant 0 : i32
        %dma_wait3A_533 = arith.constant 0 : i32
        %dma_wait3A_534 = tpu.memref_slice %arg8[%arg1, %dma_wait3A_531, %dma_wait3A_532, %dma_wait3A_533] : memref<16x2x16x1024xf32, #tpu.memory_space<vmem_shared>> -> memref<1x1x16x1024xf32, #tpu.memory_space<vmem_shared>>
        %dma_wait3A_535 = tpu.memref_squeeze %dma_wait3A_534 : memref<1x1x16x1024xf32, #tpu.memory_space<vmem_shared>> -> memref<16x1024xf32, #tpu.memory_space<vmem_shared>>
        %dma_wait3A_536 = arith.constant 0 : i32
        %dma_wait3A_537 = arith.constant 0 : i32
        %dma_wait3A_538 = tpu.memref_slice %arg8[%arg1, %dma_wait3A_531, %dma_wait3A_536, %dma_wait3A_537] : memref<16x2x16x1024xf32, #tpu.memory_space<vmem_shared>> -> memref<1x1x16x1024xf32, #tpu.memory_space<vmem_shared>>
        %dma_wait3A_539 = tpu.memref_squeeze %dma_wait3A_538 : memref<1x1x16x1024xf32, #tpu.memory_space<vmem_shared>> -> memref<16x1024xf32, #tpu.memory_space<vmem_shared>>
        tpu.wait_dma2 semaphore(%arg17 : memref<!tpu.dma_semaphore, #tpu.memory_space<semaphore_mem>>) src(%arg9 : memref<16x1024xf32, #tpu.memory_space<vmem>>) dst(%dma_wait3A_539 : memref<16x1024xf32, #tpu.memory_space<vmem_shared>>)
        %sub3A = arith.constant 1 : i32
        %sub3A_540 = arith.subi %add3A_411, %sub3A : i32
        %mul3A_541 = arith.constant 16 : i32
        %mul3A_542 = arith.muli %sub3A_540, %mul3A_541 : i32
        %add3A_543 = arith.addi %mul3A_2, %mul3A_542 : i32
        %dma_start3A_544 = arith.constant 0 : i32
        %dma_start3A_545 = arith.constant 0 : i32
        %dma_start3A_546 = tpu.memref_slice %arg5[%add3A_543, %dma_start3A_545] : memref<32768x1024xf32, #tpu.memory_space<hbm>> -> memref<16x1024xf32, #tpu.memory_space<hbm>>
        %dma_start3A_547 = arith.constant 0 : i32
        %dma_start3A_548 = arith.constant 0 : i32
        %dma_start3A_549 = tpu.memref_slice %arg8[%arg1, %dma_start3A_544, %dma_start3A_547, %dma_start3A_548] : memref<16x2x16x1024xf32, #tpu.memory_space<vmem_shared>> -> memref<1x1x16x1024xf32, #tpu.memory_space<vmem_shared>>
        %dma_start3A_550 = tpu.memref_squeeze %dma_start3A_549 : memref<1x1x16x1024xf32, #tpu.memory_space<vmem_shared>> -> memref<16x1024xf32, #tpu.memory_space<vmem_shared>>
        tpu.enqueue_dma source(%dma_start3A_550 : memref<16x1024xf32, #tpu.memory_space<vmem_shared>>) target(%dma_start3A_546 : memref<16x1024xf32, #tpu.memory_space<hbm>>) target_semaphore(%arg19 : memref<!tpu.dma_semaphore, #tpu.memory_space<semaphore_mem>>)
      } else {
      }
      %ge3A_517 = arith.constant 2 : i32
      %ge3A_518 = arith.cmpi sge, %add3A_411, %ge3A_517 : i32
      %convert_element_type3A_519 = arith.extui %ge3A_518 : i1 to i32
      %cond3A_520 = arith.constant 0 : i32
      %cond3A_521 = arith.cmpi ne, %convert_element_type3A_519, %cond3A_520 : i32
      scf.if %cond3A_521 {
        %dma_wait3A_531 = arith.constant 1 : i32
        %dma_wait3A_532 = arith.constant 0 : i32
        %dma_wait3A_533 = arith.constant 0 : i32
        %dma_wait3A_534 = tpu.memref_slice %arg5[%dma_wait3A_532, %dma_wait3A_533] : memref<32768x1024xf32, #tpu.memory_space<hbm>> -> memref<16x1024xf32, #tpu.memory_space<hbm>>
        %dma_wait3A_535 = arith.constant 0 : i32
        %dma_wait3A_536 = arith.constant 0 : i32
        %dma_wait3A_537 = tpu.memref_slice %arg8[%arg1, %dma_wait3A_531, %dma_wait3A_535, %dma_wait3A_536] : memref<16x2x16x1024xf32, #tpu.memory_space<vmem_shared>> -> memref<1x1x16x1024xf32, #tpu.memory_space<vmem_shared>>
        %dma_wait3A_538 = tpu.memref_squeeze %dma_wait3A_537 : memref<1x1x16x1024xf32, #tpu.memory_space<vmem_shared>> -> memref<16x1024xf32, #tpu.memory_space<vmem_shared>>
        tpu.wait_dma2 semaphore(%arg20 : memref<!tpu.dma_semaphore, #tpu.memory_space<semaphore_mem>>) src(%dma_wait3A_538 : memref<16x1024xf32, #tpu.memory_space<vmem_shared>>) dst(%dma_wait3A_534 : memref<16x1024xf32, #tpu.memory_space<hbm>>)
      } else {
      }
      %dma_start3A_522 = arith.constant 1 : i32
      %dma_start3A_523 = arith.constant 0 : i32
      %dma_start3A_524 = arith.constant 0 : i32
      %dma_start3A_525 = tpu.memref_slice %arg8[%arg1, %dma_start3A_522, %dma_start3A_523, %dma_start3A_524] : memref<16x2x16x1024xf32, #tpu.memory_space<vmem_shared>> -> memref<1x1x16x1024xf32, #tpu.memory_space<vmem_shared>>
      %dma_start3A_526 = tpu.memref_squeeze %dma_start3A_525 : memref<1x1x16x1024xf32, #tpu.memory_space<vmem_shared>> -> memref<16x1024xf32, #tpu.memory_space<vmem_shared>>
      %dma_start3A_527 = arith.constant 0 : i32
      %dma_start3A_528 = arith.constant 0 : i32
      %dma_start3A_529 = tpu.memref_slice %arg8[%arg1, %dma_start3A_522, %dma_start3A_527, %dma_start3A_528] : memref<16x2x16x1024xf32, #tpu.memory_space<vmem_shared>> -> memref<1x1x16x1024xf32, #tpu.memory_space<vmem_shared>>
      %dma_start3A_530 = tpu.memref_squeeze %dma_start3A_529 : memref<1x1x16x1024xf32, #tpu.memory_space<vmem_shared>> -> memref<16x1024xf32, #tpu.memory_space<vmem_shared>>
      tpu.enqueue_dma source(%arg12 : memref<16x1024xf32, #tpu.memory_space<vmem>>) target(%dma_start3A_530 : memref<16x1024xf32, #tpu.memory_space<vmem_shared>>) target_semaphore(%arg18 : memref<!tpu.dma_semaphore, #tpu.memory_space<semaphore_mem>>)
    }
    %scan3A_18 = arith.constant 16 : i32
    %dma_wait3A = arith.constant 1 : i32
    %dma_wait3A_19 = arith.constant 0 : i32
    %dma_wait3A_20 = arith.constant 0 : i32
    %dma_wait3A_21 = tpu.memref_slice %arg8[%arg1, %dma_wait3A, %dma_wait3A_19, %dma_wait3A_20] : memref<16x2x16x1024xf32, #tpu.memory_space<vmem_shared>> -> memref<1x1x16x1024xf32, #tpu.memory_space<vmem_shared>>
    %dma_wait3A_22 = tpu.memref_squeeze %dma_wait3A_21 : memref<1x1x16x1024xf32, #tpu.memory_space<vmem_shared>> -> memref<16x1024xf32, #tpu.memory_space<vmem_shared>>
    %dma_wait3A_23 = arith.constant 0 : i32
    %dma_wait3A_24 = arith.constant 0 : i32
    %dma_wait3A_25 = tpu.memref_slice %arg8[%arg1, %dma_wait3A, %dma_wait3A_23, %dma_wait3A_24] : memref<16x2x16x1024xf32, #tpu.memory_space<vmem_shared>> -> memref<1x1x16x1024xf32, #tpu.memory_space<vmem_shared>>
    %dma_wait3A_26 = tpu.memref_squeeze %dma_wait3A_25 : memref<1x1x16x1024xf32, #tpu.memory_space<vmem_shared>> -> memref<16x1024xf32, #tpu.memory_space<vmem_shared>>
    tpu.wait_dma2 semaphore(%arg18 : memref<!tpu.dma_semaphore, #tpu.memory_space<semaphore_mem>>) src(%arg9 : memref<16x1024xf32, #tpu.memory_space<vmem>>) dst(%dma_wait3A_26 : memref<16x1024xf32, #tpu.memory_space<vmem_shared>>)
    %add3A_27 = arith.constant 1008 : i32
    %add3A_28 = arith.addi %mul3A_2, %add3A_27 : i32
    %dma_start3A_29 = arith.constant 1 : i32
    %dma_start3A_30 = arith.constant 0 : i32
    %dma_start3A_31 = tpu.memref_slice %arg5[%add3A_28, %dma_start3A_30] : memref<32768x1024xf32, #tpu.memory_space<hbm>> -> memref<16x1024xf32, #tpu.memory_space<hbm>>
    %dma_start3A_32 = arith.constant 0 : i32
    %dma_start3A_33 = arith.constant 0 : i32
    %dma_start3A_34 = tpu.memref_slice %arg8[%arg1, %dma_start3A_29, %dma_start3A_32, %dma_start3A_33] : memref<16x2x16x1024xf32, #tpu.memory_space<vmem_shared>> -> memref<1x1x16x1024xf32, #tpu.memory_space<vmem_shared>>
    %dma_start3A_35 = tpu.memref_squeeze %dma_start3A_34 : memref<1x1x16x1024xf32, #tpu.memory_space<vmem_shared>> -> memref<16x1024xf32, #tpu.memory_space<vmem_shared>>
    tpu.enqueue_dma source(%dma_start3A_35 : memref<16x1024xf32, #tpu.memory_space<vmem_shared>>) target(%dma_start3A_31 : memref<16x1024xf32, #tpu.memory_space<hbm>>) target_semaphore(%arg20 : memref<!tpu.dma_semaphore, #tpu.memory_space<semaphore_mem>>)
    %dma_wait3A_36 = arith.constant 0 : i32
    %dma_wait3A_37 = arith.constant 0 : i32
    %dma_wait3A_38 = arith.constant 0 : i32
    %dma_wait3A_39 = tpu.memref_slice %arg5[%dma_wait3A_37, %dma_wait3A_38] : memref<32768x1024xf32, #tpu.memory_space<hbm>> -> memref<16x1024xf32, #tpu.memory_space<hbm>>
    %dma_wait3A_40 = arith.constant 0 : i32
    %dma_wait3A_41 = arith.constant 0 : i32
    %dma_wait3A_42 = tpu.memref_slice %arg8[%arg1, %dma_wait3A_36, %dma_wait3A_40, %dma_wait3A_41] : memref<16x2x16x1024xf32, #tpu.memory_space<vmem_shared>> -> memref<1x1x16x1024xf32, #tpu.memory_space<vmem_shared>>
    %dma_wait3A_43 = tpu.memref_squeeze %dma_wait3A_42 : memref<1x1x16x1024xf32, #tpu.memory_space<vmem_shared>> -> memref<16x1024xf32, #tpu.memory_space<vmem_shared>>
    tpu.wait_dma2 semaphore(%arg19 : memref<!tpu.dma_semaphore, #tpu.memory_space<semaphore_mem>>) src(%dma_wait3A_43 : memref<16x1024xf32, #tpu.memory_space<vmem_shared>>) dst(%dma_wait3A_39 : memref<16x1024xf32, #tpu.memory_space<hbm>>)
    %dma_wait3A_44 = arith.constant 1 : i32
    %dma_wait3A_45 = arith.constant 0 : i32
    %dma_wait3A_46 = arith.constant 0 : i32
    %dma_wait3A_47 = tpu.memref_slice %arg5[%dma_wait3A_45, %dma_wait3A_46] : memref<32768x1024xf32, #tpu.memory_space<hbm>> -> memref<16x1024xf32, #tpu.memory_space<hbm>>
    %dma_wait3A_48 = arith.constant 0 : i32
    %dma_wait3A_49 = arith.constant 0 : i32
    %dma_wait3A_50 = tpu.memref_slice %arg8[%arg1, %dma_wait3A_44, %dma_wait3A_48, %dma_wait3A_49] : memref<16x2x16x1024xf32, #tpu.memory_space<vmem_shared>> -> memref<1x1x16x1024xf32, #tpu.memory_space<vmem_shared>>
    %dma_wait3A_51 = tpu.memref_squeeze %dma_wait3A_50 : memref<1x1x16x1024xf32, #tpu.memory_space<vmem_shared>> -> memref<16x1024xf32, #tpu.memory_space<vmem_shared>>
    tpu.wait_dma2 semaphore(%arg20 : memref<!tpu.dma_semaphore, #tpu.memory_space<semaphore_mem>>) src(%dma_wait3A_51 : memref<16x1024xf32, #tpu.memory_space<vmem_shared>>) dst(%dma_wait3A_47 : memref<16x1024xf32, #tpu.memory_space<hbm>>)
    return
  }
}

</mosaic_0001>

<sc_bundles>
// kernel: _seg_encode.3.cloned.1.call-start
scs
__scs_entry_jumppad:
0x0: {  	(pc) =	sbr.rel $0x88, $3  }
0x1: {  	(tag) =	ssettag $0x0;
	lr =	simm.s32 $0x1  }
0x2: {  	[smem:$0x3F9E] =	sst lr;
	_ =	strace $0xD0000000  }
0x3: {  	_ = 	snop  }
0x4: {  	_ = 	snop  }
0x5: {  	_ = 	snop  }
0x6: {  	_ = 	snop  }
0x7: {  	_ = 	snop  }
__scs_overlays_trampoline_lowered:
0x8: {  	[smem:$0x3FAD] =	sst s0  }
0x9: {  	[smem:$0x3FAE] =	sst s1  }
0xa: {  	[smem:$0x3FAF] =	sst s2  }
0xb: {  	[smem:$0x3FB0] =	sst s3  }
0xc: {  	[smem:$0x3FB1] =	sst s4  }
0xd: {  	[smem:$0x3FB2] =	sst s5  }
0xe: {  	[smem:$0x3FB3] =	sst s6  }
0xf: {  	[smem:$0x3FB4] =	sst s7  }
0x10: {  	[smem:$0x3FB5] =	sst s8  }
0x11: {  	[smem:$0x3FB6] =	sst s9;
	s0 =	simm.s32 @!p0 $0x0  }
0x12: {  	s1 =	sld [smem:$0x3F9C];
	s0 =	simm.s32 @p0 $0x1  }
0x13: {  	[smem:$0x3FB7] =	sst s0;
	s0 =	simm.s32 @!p1 $0x0  }
0x14: {  	s2 =	sld [smem:$0x3F9B];
	s0 =	simm.s32 @p1 $0x1  }
0x15: {  	[smem:$0x3FB8] =	sst s0;
	s0 =	simm.s32 @!p2 $0x0  }
0x16: {  	s3 =	sld [smem:$0x3FDB];
	s0 =	simm.s32 @p2 $0x1  }
0x17: {  	s4 =	simm.s32 $0x1BF5;
	[smem:$0x3FBA] =	sst s0  }
0x18: {  	s0 =	sld [smem:$0x3F9D];
	_ =	swait.ge [sflag:s4], $0x0  }
0x19: {  	s7 =	sld [smem:$0x3F9E]  }
0x1a: {  	s8 =	sadd.s32 $0xFFFFE003, lr  }
0x1b: {  	s9 =	sadd.s32 $0xFFFFFEF7, lr;
	s5 =	simm.s32 $0xFFFFFFFF;
	p2 =	slt.u32 s8, $0xFFFFF086  }
0x1c: {  	p1 =	slt.u32 s9, $0xF7A;
	s5 =	simm.s32 @!p2 $0x0  }
0x1d: {  	s5 =	simm.s32 @p1 $0x1;
	p0 =	seq.s32 s7, s2  }
0x1e: {  	s7 =	smul.u32 @!p0 $0xF7A, s2;
	p2 =	seq.s32 @!p0 s5, $0x0  }
0x1f: {  	s9 =	smul.u32 $0xF7A, s1;
	s8 =	simm.s32 @!p0 $0x1BF5;
	p2 =	por !p2, p0  }
0x20: {  	[sflag:s8] =	ssyncset.s32 @!p0 $0xFFFFF086;
	s6 =	sadd.s32 @!p0 s3, s7;
	s7 =	simm.s32 @!p0 $0x108  }
0x21: {  	s3 =	sadd.s32 s3, s9;
	s6 =	sadd.s32 @!p0 $0x88, s6;
	s7 =	simm.s32 @p2 $0x1082  }
0x22: {  	[simem:s7], [sflag:s8] =	dma.local @!p0 [hbm:s6], $0xF7A  }
0x23: {  	s9 =	sor.u32 $0xD0000000, s2;
	s6 =	simm.s32 $0x108;
	_ =	swait.ge @!p0 [sflag:s8], $0x0  }
0x24: {  	s3 =	sadd.s32 $0x88, s3;
	s6 =	simm.s32 @!p1 $0x1082;
	[sflag:s4] =	ssyncset.s32 $0xFFFFF086  }
0x25: {  	[simem:s6], [sflag:s4] =	dma.local [hbm:s3], $0xF7A  }
0x26: {  	[smem:$0x3F9E] =	sst s1;
	(tag) =	ssettag s2;
	_ =	strace s9  }
0x27: {  	s1 =	sld [smem:$0x3FAE]  }
0x28: {  	s2 =	sld [smem:$0x3FAF]  }
0x29: {  	s4 =	sld [smem:$0x3FB1]  }
0x2a: {  	p0 =	seq.s32 s5, $0x0;
	s5 =	sld [smem:$0x3FB2]  }
0x2b: {  	s6 =	sld [smem:$0x3FB3]  }
0x2c: {  	s7 =	sld [smem:$0x3FB4]  }
0x2d: {  	s3 =	simm.s32 $0x108;
	s8 =	sld [smem:$0x3FB5]  }
0x2e: {  	s3 =	simm.s32 @!p0 $0x1082;
	s9 =	sld [smem:$0x3FB6]  }
0x2f: {  	lr =	sadd.s32 s0, s3;
	s0 =	sld [smem:$0x3FAD]  }
0x30: {  	s3 =	sld [smem:$0x3FB0]  }
0x31: {  	[smem:$0x3FB9] =	sst s10  }
0x32: {  	s10 =	sld [smem:$0x3FB7];
	_ =	sdelay $0x3  }
0x33: {  	p0 =	seq.s32 s10, $0x1;
	s10 =	sld [smem:$0x3FB9];
	_ =	sdelay $0x3  }
0x34: {  	[smem:$0x3FB9] =	sst s10  }
0x35: {  	s10 =	sld [smem:$0x3FB8];
	_ =	sdelay $0x3  }
0x36: {  	p1 =	seq.s32 s10, $0x1;
	s10 =	sld [smem:$0x3FB9];
	_ =	sdelay $0x3  }
0x37: {  	[smem:$0x3FB9] =	sst s10  }
0x38: {  	s10 =	sld [smem:$0x3FBA]  }
0x39: {  	_ = 	snop;
	(pc) =	sbr.ind lr, $3  }
0x3a: {  	_ = 	snop  }
0x3b: {  	_ = 	snop  }
0x3c: {  	p2 =	seq.s32 s10, $0x1;
	s10 =	sld [smem:$0x3FB9]  }
0x3d: {  	_ =	shalt  }
0x3e: {  	_ =	shalt  }
0x3f: {  	_ =	shalt  }
0x40: {  	_ =	shalt  }
0x41: {  	_ =	shalt  }
0x42: {  	_ =	shalt  }
0x43: {  	_ =	shalt  }
0x44: {  	_ =	shalt  }
0x45: {  	_ =	shalt  }
0x46: {  	_ =	shalt  }
0x47: {  	_ =	shalt  }
0x48: {  	_ =	shalt  }
0x49: {  	_ =	shalt  }
0x4a: {  	_ =	shalt  }
0x4b: {  	_ =	shalt  }
0x4c: {  	_ =	shalt  }
0x4d: {  	_ =	shalt  }
0x4e: {  	_ =	shalt  }
0x4f: {  	_ =	shalt  }
0x50: {  	_ =	shalt  }
0x51: {  	_ =	shalt  }
0x52: {  	_ =	shalt  }
0x53: {  	_ =	shalt  }
0x54: {  	_ =	shalt  }
0x55: {  	_ =	shalt  }
0x56: {  	_ =	shalt  }
0x57: {  	_ =	shalt  }
0x58: {  	_ =	shalt  }
0x59: {  	_ =	shalt  }
0x5a: {  	_ =	shalt  }
0x5b: {  	_ =	shalt  }
0x5c: {  	_ =	shalt  }
0x5d: {  	_ =	shalt  }
0x5e: {  	_ =	shalt  }
0x5f: {  	_ =	shalt  }
0x60: {  	_ =	shalt  }
0x61: {  	_ =	shalt  }
0x62: {  	_ =	shalt  }
0x63: {  	_ =	shalt  }
0x64: {  	_ =	shalt  }
0x65: {  	_ =	shalt  }
0x66: {  	_ =	shalt  }
0x67: {  	_ =	shalt  }
0x68: {  	_ =	shalt  }
0x69: {  	_ =	shalt  }
0x6a: {  	_ =	shalt  }
0x6b: {  	_ =	shalt  }
0x6c: {  	_ =	shalt  }
0x6d: {  	_ =	shalt  }
0x6e: {  	_ =	shalt  }
0x6f: {  	_ =	shalt  }
0x70: {  	_ =	shalt  }
0x71: {  	_ =	shalt  }
0x72: {  	_ =	shalt  }
0x73: {  	_ =	shalt  }
0x74: {  	_ =	shalt  }
0x75: {  	_ =	shalt  }
0x76: {  	_ =	shalt  }
0x77: {  	_ =	shalt  }
0x78: {  	_ =	shalt  }
0x79: {  	_ =	shalt  }
0x7a: {  	_ =	shalt  }
0x7b: {  	_ =	shalt  }
0x7c: {  	_ =	shalt  }
0x7d: {  	_ =	shalt  }
0x7e: {  	_ =	shalt  }
0x7f: {  	_ =	shalt  }
0x80: {  	_ =	shalt  }
0x81: {  	_ =	shalt  }
0x82: {  	_ =	shalt  }
0x83: {  	_ =	shalt  }
0x84: {  	_ =	shalt  }
0x85: {  	_ =	shalt  }
0x86: {  	_ =	shalt  }
0x87: {  	_ =	shalt  }
.Lfunc_end0:
.L_simem_size_0:
called_computation_lowered:
.L_overlay_start_0:
0x88: {  	s2 =	sld [smem:$0x3FD9]  }
0x89: {  	s3 =	sld [smem:$0x3FFE];
	_ =	sdelay $0x1  }
0x8a: {  	s1 =	srdreg.scid  }
0x8b: {  	s0 =	sand.u32 $0x1, s1  }
0x8c: {  	s18 =	sshll.u32 s0, $0xA;
	s2 =	sadd.s32 s3, s2  }
0x8d: {  	s2 =	sadd.s32 s2, s18  }
0x8e: {  	[smem:$0x3FC5] =	sst s2  }
0x8f: {  	_ = 	snop  }
0x90: {  	s2 =	sld [smem:$0x3FC9]  }
0x91: {  	s19 =	sld [smem:$0x3FC8]  }
0x92: {  	s4 =	sld [smem:$0x3FC7]  }
0x93: {  	s5 =	sld [smem:$0x3FD0];
	(tm) =	ssettm $0x1  }
0x94: {  	s6 =	sld [smem:$0x3FFB];
	_ =	sdelay $0x3  }
0x95: {  	_ =	strace s6  }
0x96: {  	s6 =	sld [smem:$0x3FFC];
	_ =	sdelay $0x3  }
0x97: {  	_ =	strace s6  }
0x98: {  	s6 =	sld [smem:$0x3FFD];
	_ =	sdelay $0x3  }
0x99: {  	_ =	strace s6  }
0x9a: {  	_ =	strace $0x8FFFFFFF  }
0x9b: {  	s20 =	sld [smem:$0x3FDB];
	_ =	sdelay $0x1  }
0x9c: {  	s7 =	simm.s32 $_scs_section_size  }
0x9d: {  	s8 =	simm.s32 $_size__tile_overlayer_lowered;
	s9 =	simm.s32 $_tile_overlayer_lowered  }
0x9e: {  	s23 =	simm.s32 $0x1BFF;
	s22 =	sshll.u32 s9, $0x1;
	s6 =	sadd.s32 s7, s20  }
0x9f: {  	s10 =	simm.s32 $0x0;
	s21 =	sshll.u32 s8, $0x1;
	s8 =	sadd.s32 s22, s6  }
0xa0: {  	[timem:s10], [sflag:s23] =	dma.local [hbm:s8], s21  }
0xa1: {  	_ =	swait.ge [sflag:s23], s21  }
0xa2: {  	s7 =	ssub.s32 $0x0, s21;
	[sflag:s23] =	ssyncset.done $0x0  }
0xa3: {  	[sflag:s23] =	ssyncadd.s32 s7;
	_ =	sdelay $0x1  }
0xa4: {  	s24 =	simm.s32 $0x1B8B  }
0xa5: {  	_ =	swait.ge [sflag:s24], $0x1  }
0xa6: {  	[sflag:s24] =	ssyncset.done $0x0  }
0xa7: {  	s25 =	simm.s32 $0x1B8E;
	[sflag:s24] =	ssyncadd.s32 $0xFFFFFFFF  }
0xa8: {  	s26 =	simm.s32 $execute0_lowered;
	[smem:$0x3FD2] =	sst s25  }
0xa9: {  	s7 =	sshll.u32 s26, $0x1;
	_ =	strace $0x80000046;
	[dreg:$0x1] =	wrdreg $0xFFFFFFFF  }
0xaa: {  	s28 =	simm.s32 $_size_execute0_lowered;
	s6 =	sadd.s32 s6, s7;
	[dreg:$0x0] =	wrdreg $0x0  }
0xab: {  	s7 =	sshll.u32 s28, $0x1;
	[dreg:$0x2] =	wrdreg s6  }
0xac: {  	[dreg:$0x3] =	wrdreg s7  }
0xad: {  	[dreg:$0x4] =	wrdreg $0xC0  }
0xae: {  	_ =	task [dreg:s10], $0x5FFFF  }
0xaf: {  	[dreg:$0x1] =	wrdreg $0xFFFFFFFF  }
0xb0: {  	[dreg:$0x0] =	wrdreg $0x60  }
0xb1: {  	[dreg:$0x2] =	wrdreg s2  }
0xb2: {  	[dreg:$0x3] =	wrdreg s19  }
0xb3: {  	[dreg:$0x4] =	wrdreg s4  }
0xb4: {  	[dreg:$0x5] =	wrdreg s5  }
0xb5: {  	[dreg:$0x6] =	wrdreg $0x44000  }
0xb6: {  	[dreg:$0x7] =	wrdreg $0x9  }
0xb7: {  	_ =	task.clear_ibuf [dreg:s10], $0x8FFFF;
	_ =	strace $0x90000046  }
0xb8: {  	s29 =	simm.s32 $0x9;
	_ =	strace $0x80000048  }
0xb9: {  	_ =	swait.ge [sflag:s29], $0x1  }
0xba: {  	[sflag:s29] =	ssyncadd.s32 $0xFFFFFFFF  }
0xbb: {  	_ =	strace $0x90000048  }
0xbc: {  	_ =	sfence  }
0xbd: {  	s30 =	sld [smem:$0x0];
	_ =	sdelay $0x2  }
0xbe: {  	s31 =	sshll.u32 s1, $0xD;
	s1 =	sshrl.u32 s1, $0x2  }
0xbf: {  	s3 =	sand.u32 $0x4000, s31;
	s1 =	sadd.s32 s1, s30  }
0xc0: {  	s0 =	sor.u32 s3, s0;
	s1 =	sshll.u32 s1, $0x11  }
0xc1: {  	s0 =	sor.u32 s1, s0  }
0xc2: {  	s0 =	sadd.s32 $0x8F2B, s0  }
0xc3: {  	[sflag:s0] =	ssyncadd.remote.s32 $0x1  }
0xc4: {  	_ =	sfence.sel $0xFFFF  }
0xc5: {  	[dreg:$0x0] =	wrdreg $0xFFFFFFFF;
	(pc) =	sbr.abs _section_cstart, $3  }
0xc6: {  	[dreg:$0x1] =	wrdreg $0xFFFFFFFF  }
0xc7: {  	_ =	task.clear_ibuf [dreg:s10], $0x2FFFF;
	_ =	strace $0x9FFFFFFF  }
0xc8: {  	(tm) =	ssettm $0x7FFFFFFF  }
0xc9: {  	_ =	shalt  }
tec
execute0_lowered:
.L_overlay_start_1:
0x0: {  	(tag) =	ssettag $0x1  }
0x1: {  	s0 =	rddreg [dreg:$0x0]  }
0x2: {  	s2 =	rddreg [dreg:$0x1]  }
0x3: {  	s3 =	rddreg [dreg:$0x3];
	s4 =	srdreg.scid  }
0x4: {  	s7 =	rddreg [dreg:$0x4];
	s1 =	stileid.u32;
	s8 =	simm.s32 $0x0  }
0x5: {  	s17 =	simm.s32 $0x10400;
	s20 =	simm.s32 $0x1;
	s21 =	simm.s32 $0x14400  }
0x6: {  	s22 =	simm.s32 $0x2;
	s28 =	simm.s32 $0x7;
	s29 =	simm.s32 $0x4  }
0x7: {  	s30 =	simm.s32 $0x8;
	s4 =	sand.u32 $0x1, s4;
	s5 =	sshll.u32 s1, $0xB  }
0x8: {  	[smem:$0x7FF] =	sst s8;
	s10 =	sshll.u32 s1, $0xF;
	s6 =	sshll.u32 s4, $0xA  }
0x9: {  	s4 =	ssub.s32 $0x2, s4;
	_ =	strace $0x80000047;
	s10 =	sadd.s32 s10, s7  }
0xa: {  	s5 =	sor.u32 s6, s5;
	s23 =	sshrl.u32 s4, $0x1;
	s11 =	sadd.s32 $0x4000, s10  }
0xb: {  	s24 =	sshll.u32 s5, $0x7;
	s4 =	ssub.s32 s4, s23;
	s25 =	sshrl.u32 s5, $0x3  }
0xc: {  	s9 =	sadd.s32 $0xFFFFFFF0, s5;
	s23 =	simm.s32 $0x18400;
	s6 =	sadd.s32 s0, s24  }
0xd: {  	s26 =	sadd.s32 s24, s3;
	s31 =	smax.u32 s4, $0x1;
	s24 =	simm.s32 $0x5  }
0xe: {  	s0 =	sadd.s32 $0x800, s6;
	s12 =	sadd.s32 $0x2000, s6;
	[dreg:$0x9] =	wrdreg s31  }
0xf: {  	s13 =	sadd.s32 $0x2800, s6;
	[dreg:$0x6] =	wrdreg s0;
	s0 =	sadd.s32 s2, s25  }
0x10: {  	s25 =	simm.s32 $0x3;
	[dreg:$0x7] =	wrdreg s0;
	s0 =	sadd.s32 $0x1F800, s26  }
0x11: {  	s2 =	simm.s32 $0x0;
	s26 =	simm.s32 $0x6;
	[dreg:$0x8] =	wrdreg s0  }
.LBB2_1:
0x12: {  	[dreg:$0xa] =	wrdreg s2;
	s16 =	simm.s32 $0x0;
	s0 =	simm.s32 $0xC400  }
0x13: {  	[tilespmem:s0], [sflag:$0x1] =	stream.linear.gather [hbm4b:s6+s16], $0x4000, $0x38;
	[tilespmem:$0x1C400] =	vst v63  }
0x14: {  	s18 =	rddreg [dreg:$0x6]  }
0x15: {  	[tilespmem:s17], [sflag:$0x2] =	stream.linear.gather [hbm4b:s18+s16], $0x4000, $0x38;
	[tilespmem:$0x1C400] =	vst v63  }
0x16: {  	s19 =	rddreg [dreg:$0x2];
	s4 =	simm.s32 $0x9  }
0x17: {  	[tilespmem:s16], [sflag:$0x9] =	stream.linear.gather [hbm4b:s19+s16], $0x4000, $0x38;
	[tilespmem:$0x1C400] =	vst v63  }
0x18: {  	_ =	swait.ge [sflag:s4], $0x4000  }
0x19: {  	[sflag:s4] =	ssyncset.done $0x0  }
0x1a: {  	s7 =	simm.s32 $0x4000;
	s31 =	rddreg [dreg:$0x7];
	[sflag:s4] =	ssyncadd.s32 $0xFFFFC000  }
0x1b: {  	[tilespmem:s7], [sflag:$0x9] =	stream.linear.gather [hbm4b:s31+s16], $0x400, $0x38;
	[tilespmem:$0x1C400] =	vst v63  }
0x1c: {  	_ =	swait.ge [sflag:s4], $0x400  }
0x1d: {  	[sflag:s4] =	ssyncset.done $0x0  }
0x1e: {  	s0 =	simm.s32 $0x0;
	[sflag:s4] =	ssyncadd.s32 $0xFFFFFC00  }
.LBB2_2:
0x1f: {  	s8 =	sshll.u32 s0, $0x2  }
0x20: {  	_ =	swait.ge [sflag:s20], $0x4000;
	s2 =	sor.u32 $0x2, s8  }
0x21: {  	[sflag:s20] =	ssyncset.done $0x0;
	s4 =	sshll.u32 s2, $0xB  }
0x22: {  	s7 =	simm.s32 $0x0;
	[sflag:s20] =	ssyncadd.s32 $0xFFFFC000;
	s4 =	sadd.s32 s4, s6  }
0x23: {  	[tilespmem:s21], [sflag:$0x3] =	stream.linear.gather [hbm4b:s4+s7], $0x4000, $0x38;
	[tilespmem:$0x1C400] =	vst v63  }
0x24: {  	s7 =	sshll.u32 s0, $0x6  }
0x25: {  	v0 =	vld [tilespmem:s7+$0x4000];
	_ =	sdelay $0x4  }
0x26: {  	(v2sf) =	vpush v0, $0x0;
	_ =	sdelay $0xe  }
0x27: {  	s31 =	spop (v2sf)  }
0x28: {  	s14 =	sshll.u32 s31, $0xC;
	s4 =	sand.u32 $0x7, s31  }
0x29: {  	s14 =	sand.u32 $0xFFFF8000, s14;
	s4 =	sshll.u32 s4, $0x9  }
0x2a: {  	s4 =	sor.u32 s4, s14  }
0x2b: {  	s4 =	sshra.s32 s4, $0x2  }
0x2c: {  	s4 =	sor.u32 $0x70, s4  }
0x2d: {  	v1 =	vmov s4;
	_ =	sdelay $0x3  }
0x2e: {  	s4 =	simm.s32 $0x0  }
0x2f: {  	v2 =	vld.idx.msk [tilespmem:v1+s4+$0x0 ss:$0x1], $0xffff  }
0x30: {  	v3 =	vld.idx.msk [tilespmem:v1+s4+$0xFFFFFF90 ss:$0x1], $0xffff  }
0x31: {  	v4 =	vld.idx.msk [tilespmem:v1+s4+$0xFFFFFFA0 ss:$0x1], $0xffff  }
0x32: {  	v5 =	vld.idx.msk [tilespmem:v1+s4+$0xFFFFFFB0 ss:$0x1], $0xffff  }
0x33: {  	v6 =	vld.idx.msk [tilespmem:v1+s4+$0xFFFFFFC0 ss:$0x1], $0xffff  }
0x34: {  	v7 =	vld.idx.msk [tilespmem:v1+s4+$0xFFFFFFD0 ss:$0x1], $0xffff  }
0x35: {  	v8 =	vld.idx.msk [tilespmem:v1+s4+$0xFFFFFFE0 ss:$0x1], $0xffff  }
0x36: {  	[tilespmem:s4+$0xC470] =	vst.add.f32.msk $0xffff, v2  }
0x37: {  	v2 =	vld.idx.msk [tilespmem:v1+s4+$0xFFFFFFF0 ss:$0x1], $0xffff  }
0x38: {  	[tilespmem:s4+$0xC400] =	vst.add.f32.msk $0xffff, v3  }
0x39: {  	[tilespmem:s4+$0xC410] =	vst.add.f32.msk $0xffff, v4  }
0x3a: {  	[tilespmem:s4+$0xC420] =	vst.add.f32.msk $0xffff, v5  }
0x3b: {  	[tilespmem:s4+$0xC430] =	vst.add.f32.msk $0xffff, v6  }
0x3c: {  	[tilespmem:s4+$0xC440] =	vst.add.f32.msk $0xffff, v7  }
0x3d: {  	s15 =	simm.s32 $0x1000;
	s14 =	simm.s32 $0x0;
	[tilespmem:s4+$0xC450] =	vst.add.f32.msk $0xffff, v8  }
.LBB2_3:
0x3e: {  	s14 =	sadd.s32 $0x80, s14;
	[tilespmem:s4+$0xC460] =	vst.add.f32.msk $0xffff, v2;
	s4 =	sshra.s32 s15, $0x2  }
0x3f: {  	v2 =	vld.idx.msk [tilespmem:v1+s4+$0x0 ss:$0x1], $0xffff;
	p0 =	slt.u32 s14, $0x380  }
0x40: {  	v3 =	vld.idx.msk [tilespmem:v1+s4+$0xFFFFFF90 ss:$0x1], $0xffff  }
0x41: {  	v4 =	vld.idx.msk [tilespmem:v1+s4+$0xFFFFFFA0 ss:$0x1], $0xffff  }
0x42: {  	v5 =	vld.idx.msk [tilespmem:v1+s4+$0xFFFFFFB0 ss:$0x1], $0xffff  }
0x43: {  	v6 =	vld.idx.msk [tilespmem:v1+s4+$0xFFFFFFC0 ss:$0x1], $0xffff  }
0x44: {  	v7 =	vld.idx.msk [tilespmem:v1+s4+$0xFFFFFFD0 ss:$0x1], $0xffff  }
0x45: {  	[tilespmem:s4+$0xC470] =	vst.add.f32.msk $0xffff, v2  }
0x46: {  	v8 =	vld.idx.msk [tilespmem:v1+s4+$0xFFFFFFE0 ss:$0x1], $0xffff  }
0x47: {  	v2 =	vld.idx.msk [tilespmem:v1+s4+$0xFFFFFFF0 ss:$0x1], $0xffff  }
0x48: {  	[tilespmem:s4+$0xC400] =	vst.add.f32.msk $0xffff, v3  }
.Ltmp0:
0x49: {  	[tilespmem:s4+$0xC410] =	vst.add.f32.msk $0xffff, v4;
	(pc) =	sbr.rel @p0 .LBB2_3-.Ltmp0, $4  }
0x4a: {  	[tilespmem:s4+$0xC420] =	vst.add.f32.msk $0xffff, v5  }
0x4b: {  	[tilespmem:s4+$0xC430] =	vst.add.f32.msk $0xffff, v6  }
0x4c: {  	[tilespmem:s4+$0xC440] =	vst.add.f32.msk $0xffff, v7  }
0x4d: {  	s15 =	sadd.s32 $0x1000, s15;
	[tilespmem:s4+$0xC450] =	vst.add.f32.msk $0xffff, v8  }
0x4e: {  	(v2sf) =	vpush v0, $0x1;
	_ =	sdelay $0xe  }
0x4f: {  	s14 =	spop (v2sf)  }
0x50: {  	s15 =	sshll.u32 s14, $0xC;
	s14 =	sand.u32 $0x7, s14  }
0x51: {  	s15 =	sand.u32 $0xFFFF8000, s15;
	s14 =	sshll.u32 s14, $0x9  }
0x52: {  	s14 =	sor.u32 s14, s15  }
0x53: {  	s14 =	sshra.s32 s14, $0x2  }
0x54: {  	s14 =	sor.u32 $0x70, s14  }
0x55: {  	v1 =	vmov s14;
	_ =	sdelay $0x3  }
0x56: {  	[tilespmem:s4+$0xC460] =	vst.add.f32.msk $0xffff, v2;
	s4 =	simm.s32 $0x0  }
0x57: {  	v2 =	vld.idx.msk [tilespmem:v1+s4+$0x0 ss:$0x1], $0xffff  }
0x58: {  	v3 =	vld.idx.msk [tilespmem:v1+s4+$0xFFFFFF90 ss:$0x1], $0xffff  }
0x59: {  	v4 =	vld.idx.msk [tilespmem:v1+s4+$0xFFFFFFA0 ss:$0x1], $0xffff  }
0x5a: {  	v5 =	vld.idx.msk [tilespmem:v1+s4+$0xFFFFFFB0 ss:$0x1], $0xffff  }
0x5b: {  	v6 =	vld.idx.msk [tilespmem:v1+s4+$0xFFFFFFC0 ss:$0x1], $0xffff  }
0x5c: {  	v7 =	vld.idx.msk [tilespmem:v1+s4+$0xFFFFFFD0 ss:$0x1], $0xffff  }
0x5d: {  	v8 =	vld.idx.msk [tilespmem:v1+s4+$0xFFFFFFE0 ss:$0x1], $0xffff  }
0x5e: {  	[tilespmem:s4+$0xC4F0] =	vst.add.f32.msk $0xffff, v2  }
0x5f: {  	v2 =	vld.idx.msk [tilespmem:v1+s4+$0xFFFFFFF0 ss:$0x1], $0xffff  }
0x60: {  	[tilespmem:s4+$0xC480] =	vst.add.f32.msk $0xffff, v3  }
0x61: {  	[tilespmem:s4+$0xC490] =	vst.add.f32.msk $0xffff, v4  }
0x62: {  	[tilespmem:s4+$0xC4A0] =	vst.add.f32.msk $0xffff, v5  }
0x63: {  	[tilespmem:s4+$0xC4B0] =	vst.add.f32.msk $0xffff, v6  }
0x64: {  	[tilespmem:s4+$0xC4C0] =	vst.add.f32.msk $0xffff, v7  }
0x65: {  	s15 =	simm.s32 $0x1000;
	s14 =	simm.s32 $0x0;
	[tilespmem:s4+$0xC4D0] =	vst.add.f32.msk $0xffff, v8  }
.LBB2_5:
0x66: {  	s14 =	sadd.s32 $0x80, s14;
	[tilespmem:s4+$0xC4E0] =	vst.add.f32.msk $0xffff, v2;
	s4 =	sshra.s32 s15, $0x2  }
0x67: {  	v2 =	vld.idx.msk [tilespmem:v1+s4+$0x0 ss:$0x1], $0xffff;
	p0 =	slt.u32 s14, $0x380  }
0x68: {  	v3 =	vld.idx.msk [tilespmem:v1+s4+$0xFFFFFF90 ss:$0x1], $0xffff  }
0x69: {  	v4 =	vld.idx.msk [tilespmem:v1+s4+$0xFFFFFFA0 ss:$0x1], $0xffff  }
0x6a: {  	v5 =	vld.idx.msk [tilespmem:v1+s4+$0xFFFFFFB0 ss:$0x1], $0xffff  }
0x6b: {  	v6 =	vld.idx.msk [tilespmem:v1+s4+$0xFFFFFFC0 ss:$0x1], $0xffff  }
0x6c: {  	v7 =	vld.idx.msk [tilespmem:v1+s4+$0xFFFFFFD0 ss:$0x1], $0xffff  }
0x6d: {  	[tilespmem:s4+$0xC4F0] =	vst.add.f32.msk $0xffff, v2  }
0x6e: {  	v8 =	vld.idx.msk [tilespmem:v1+s4+$0xFFFFFFE0 ss:$0x1], $0xffff  }
0x6f: {  	v2 =	vld.idx.msk [tilespmem:v1+s4+$0xFFFFFFF0 ss:$0x1], $0xffff  }
0x70: {  	[tilespmem:s4+$0xC480] =	vst.add.f32.msk $0xffff, v3  }
.Ltmp1:
0x71: {  	[tilespmem:s4+$0xC490] =	vst.add.f32.msk $0xffff, v4;
	(pc) =	sbr.rel @p0 .LBB2_5-.Ltmp1, $4  }
0x72: {  	[tilespmem:s4+$0xC4A0] =	vst.add.f32.msk $0xffff, v5  }
0x73: {  	[tilespmem:s4+$0xC4B0] =	vst.add.f32.msk $0xffff, v6  }
0x74: {  	[tilespmem:s4+$0xC4C0] =	vst.add.f32.msk $0xffff, v7  }
0x75: {  	s15 =	sadd.s32 $0x1000, s15;
	[tilespmem:s4+$0xC4D0] =	vst.add.f32.msk $0xffff, v8  }
0x76: {  	(v2sf) =	vpush v0, $0x2;
	_ =	sdelay $0xe  }
0x77: {  	s14 =	spop (v2sf)  }
0x78: {  	s15 =	sshll.u32 s14, $0xC;
	s14 =	sand.u32 $0x7, s14  }
0x79: {  	s15 =	sand.u32 $0xFFFF8000, s15;
	s14 =	sshll.u32 s14, $0x9  }
0x7a: {  	s14 =	sor.u32 s14, s15  }
0x7b: {  	s14 =	sshra.s32 s14, $0x2  }
0x7c: {  	s14 =	sor.u32 $0x70, s14  }
0x7d: {  	v1 =	vmov s14;
	_ =	sdelay $0x3  }
0x7e: {  	[tilespmem:s4+$0xC4E0] =	vst.add.f32.msk $0xffff, v2;
	s4 =	simm.s32 $0x0  }
0x7f: {  	v2 =	vld.idx.msk [tilespmem:v1+s4+$0x0 ss:$0x1], $0xffff  }
0x80: {  	v3 =	vld.idx.msk [tilespmem:v1+s4+$0xFFFFFF90 ss:$0x1], $0xffff  }
0x81: {  	v4 =	vld.idx.msk [tilespmem:v1+s4+$0xFFFFFFA0 ss:$0x1], $0xffff  }
0x82: {  	v5 =	vld.idx.msk [tilespmem:v1+s4+$0xFFFFFFB0 ss:$0x1], $0xffff  }
0x83: {  	v6 =	vld.idx.msk [tilespmem:v1+s4+$0xFFFFFFC0 ss:$0x1], $0xffff  }
0x84: {  	v7 =	vld.idx.msk [tilespmem:v1+s4+$0xFFFFFFD0 ss:$0x1], $0xffff  }
0x85: {  	v8 =	vld.idx.msk [tilespmem:v1+s4+$0xFFFFFFE0 ss:$0x1], $0xffff  }
0x86: {  	[tilespmem:s4+$0xC570] =	vst.add.f32.msk $0xffff, v2  }
0x87: {  	v2 =	vld.idx.msk [tilespmem:v1+s4+$0xFFFFFFF0 ss:$0x1], $0xffff  }
0x88: {  	[tilespmem:s4+$0xC500] =	vst.add.f32.msk $0xffff, v3  }
0x89: {  	[tilespmem:s4+$0xC510] =	vst.add.f32.msk $0xffff, v4  }
0x8a: {  	[tilespmem:s4+$0xC520] =	vst.add.f32.msk $0xffff, v5  }
0x8b: {  	[tilespmem:s4+$0xC530] =	vst.add.f32.msk $0xffff, v6  }
0x8c: {  	[tilespmem:s4+$0xC540] =	vst.add.f32.msk $0xffff, v7  }
0x8d: {  	s15 =	simm.s32 $0x1000;
	s14 =	simm.s32 $0x0;
	[tilespmem:s4+$0xC550] =	vst.add.f32.msk $0xffff, v8  }
.LBB2_7:
0x8e: {  	s14 =	sadd.s32 $0x80, s14;
	[tilespmem:s4+$0xC560] =	vst.add.f32.msk $0xffff, v2;
	s4 =	sshra.s32 s15, $0x2  }
0x8f: {  	v2 =	vld.idx.msk [tilespmem:v1+s4+$0x0 ss:$0x1], $0xffff;
	p0 =	slt.u32 s14, $0x380  }
0x90: {  	v3 =	vld.idx.msk [tilespmem:v1+s4+$0xFFFFFF90 ss:$0x1], $0xffff  }
0x91: {  	v4 =	vld.idx.msk [tilespmem:v1+s4+$0xFFFFFFA0 ss:$0x1], $0xffff  }
0x92: {  	v5 =	vld.idx.msk [tilespmem:v1+s4+$0xFFFFFFB0 ss:$0x1], $0xffff  }
0x93: {  	v6 =	vld.idx.msk [tilespmem:v1+s4+$0xFFFFFFC0 ss:$0x1], $0xffff  }
0x94: {  	v7 =	vld.idx.msk [tilespmem:v1+s4+$0xFFFFFFD0 ss:$0x1], $0xffff  }
0x95: {  	[tilespmem:s4+$0xC570] =	vst.add.f32.msk $0xffff, v2  }
0x96: {  	v8 =	vld.idx.msk [tilespmem:v1+s4+$0xFFFFFFE0 ss:$0x1], $0xffff  }
0x97: {  	v2 =	vld.idx.msk [tilespmem:v1+s4+$0xFFFFFFF0 ss:$0x1], $0xffff  }
0x98: {  	[tilespmem:s4+$0xC500] =	vst.add.f32.msk $0xffff, v3  }
.Ltmp2:
0x99: {  	[tilespmem:s4+$0xC510] =	vst.add.f32.msk $0xffff, v4;
	(pc) =	sbr.rel @p0 .LBB2_7-.Ltmp2, $4  }
0x9a: {  	[tilespmem:s4+$0xC520] =	vst.add.f32.msk $0xffff, v5  }
0x9b: {  	[tilespmem:s4+$0xC530] =	vst.add.f32.msk $0xffff, v6  }
0x9c: {  	[tilespmem:s4+$0xC540] =	vst.add.f32.msk $0xffff, v7  }
0x9d: {  	s15 =	sadd.s32 $0x1000, s15;
	[tilespmem:s4+$0xC550] =	vst.add.f32.msk $0xffff, v8  }
0x9e: {  	(v2sf) =	vpush v0, $0x3;
	_ =	sdelay $0xe  }
0x9f: {  	s14 =	spop (v2sf)  }
0xa0: {  	s15 =	sshll.u32 s14, $0xC;
	s14 =	sand.u32 $0x7, s14  }
0xa1: {  	s15 =	sand.u32 $0xFFFF8000, s15;
	s14 =	sshll.u32 s14, $0x9  }
0xa2: {  	s14 =	sor.u32 s14, s15  }
0xa3: {  	s14 =	sshra.s32 s14, $0x2  }
0xa4: {  	s14 =	sor.u32 $0x70, s14  }
0xa5: {  	v1 =	vmov s14;
	_ =	sdelay $0x3  }
0xa6: {  	[tilespmem:s4+$0xC560] =	vst.add.f32.msk $0xffff, v2;
	s4 =	simm.s32 $0x0  }
0xa7: {  	v2 =	vld.idx.msk [tilespmem:v1+s4+$0x0 ss:$0x1], $0xffff  }
0xa8: {  	v3 =	vld.idx.msk [tilespmem:v1+s4+$0xFFFFFF90 ss:$0x1], $0xffff  }
0xa9: {  	v4 =	vld.idx.msk [tilespmem:v1+s4+$0xFFFFFFA0 ss:$0x1], $0xffff  }
0xaa: {  	v5 =	vld.idx.msk [tilespmem:v1+s4+$0xFFFFFFB0 ss:$0x1], $0xffff  }
0xab: {  	v6 =	vld.idx.msk [tilespmem:v1+s4+$0xFFFFFFC0 ss:$0x1], $0xffff  }
0xac: {  	v7 =	vld.idx.msk [tilespmem:v1+s4+$0xFFFFFFD0 ss:$0x1], $0xffff  }
0xad: {  	v8 =	vld.idx.msk [tilespmem:v1+s4+$0xFFFFFFE0 ss:$0x1], $0xffff  }
0xae: {  	[tilespmem:s4+$0xC5F0] =	vst.add.f32.msk $0xffff, v2  }
0xaf: {  	v2 =	vld.idx.msk [tilespmem:v1+s4+$0xFFFFFFF0 ss:$0x1], $0xffff  }
0xb0: {  	[tilespmem:s4+$0xC580] =	vst.add.f32.msk $0xffff, v3  }
0xb1: {  	[tilespmem:s4+$0xC590] =	vst.add.f32.msk $0xffff, v4  }
0xb2: {  	[tilespmem:s4+$0xC5A0] =	vst.add.f32.msk $0xffff, v5  }
0xb3: {  	[tilespmem:s4+$0xC5B0] =	vst.add.f32.msk $0xffff, v6  }
0xb4: {  	[tilespmem:s4+$0xC5C0] =	vst.add.f32.msk $0xffff, v7  }
0xb5: {  	s15 =	simm.s32 $0x1000;
	s14 =	simm.s32 $0x0;
	[tilespmem:s4+$0xC5D0] =	vst.add.f32.msk $0xffff, v8  }
.LBB2_9:
0xb6: {  	s14 =	sadd.s32 $0x80, s14;
	[tilespmem:s4+$0xC5E0] =	vst.add.f32.msk $0xffff, v2;
	s4 =	sshra.s32 s15, $0x2  }
0xb7: {  	v2 =	vld.idx.msk [tilespmem:v1+s4+$0x0 ss:$0x1], $0xffff;
	p0 =	slt.u32 s14, $0x380  }
0xb8: {  	v3 =	vld.idx.msk [tilespmem:v1+s4+$0xFFFFFF90 ss:$0x1], $0xffff  }
0xb9: {  	v4 =	vld.idx.msk [tilespmem:v1+s4+$0xFFFFFFA0 ss:$0x1], $0xffff  }
0xba: {  	v5 =	vld.idx.msk [tilespmem:v1+s4+$0xFFFFFFB0 ss:$0x1], $0xffff  }
0xbb: {  	v6 =	vld.idx.msk [tilespmem:v1+s4+$0xFFFFFFC0 ss:$0x1], $0xffff  }
0xbc: {  	v7 =	vld.idx.msk [tilespmem:v1+s4+$0xFFFFFFD0 ss:$0x1], $0xffff  }
0xbd: {  	[tilespmem:s4+$0xC5F0] =	vst.add.f32.msk $0xffff, v2  }
0xbe: {  	v8 =	vld.idx.msk [tilespmem:v1+s4+$0xFFFFFFE0 ss:$0x1], $0xffff  }
0xbf: {  	v2 =	vld.idx.msk [tilespmem:v1+s4+$0xFFFFFFF0 ss:$0x1], $0xffff  }
0xc0: {  	[tilespmem:s4+$0xC580] =	vst.add.f32.msk $0xffff, v3  }
.Ltmp3:
0xc1: {  	[tilespmem:s4+$0xC590] =	vst.add.f32.msk $0xffff, v4;
	(pc) =	sbr.rel @p0 .LBB2_9-.Ltmp3, $4  }
0xc2: {  	[tilespmem:s4+$0xC5A0] =	vst.add.f32.msk $0xffff, v5  }
0xc3: {  	[tilespmem:s4+$0xC5B0] =	vst.add.f32.msk $0xffff, v6  }
0xc4: {  	[tilespmem:s4+$0xC5C0] =	vst.add.f32.msk $0xffff, v7  }
0xc5: {  	s15 =	sadd.s32 $0x1000, s15;
	[tilespmem:s4+$0xC5D0] =	vst.add.f32.msk $0xffff, v8  }
0xc6: {  	(v2sf) =	vpush v0, $0x4;
	_ =	sdelay $0xe  }
0xc7: {  	s14 =	spop (v2sf)  }
0xc8: {  	s15 =	sshll.u32 s14, $0xC;
	s14 =	sand.u32 $0x7, s14  }
0xc9: {  	s15 =	sand.u32 $0xFFFF8000, s15;
	s14 =	sshll.u32 s14, $0x9  }
0xca: {  	s14 =	sor.u32 s14, s15  }
0xcb: {  	s14 =	sshra.s32 s14, $0x2  }
0xcc: {  	s14 =	sor.u32 $0x70, s14  }
0xcd: {  	v1 =	vmov s14;
	_ =	sdelay $0x3  }
0xce: {  	[tilespmem:s4+$0xC5E0] =	vst.add.f32.msk $0xffff, v2;
	s4 =	simm.s32 $0x0  }
0xcf: {  	v2 =	vld.idx.msk [tilespmem:v1+s4+$0x0 ss:$0x1], $0xffff  }
0xd0: {  	v3 =	vld.idx.msk [tilespmem:v1+s4+$0xFFFFFF90 ss:$0x1], $0xffff  }
0xd1: {  	v4 =	vld.idx.msk [tilespmem:v1+s4+$0xFFFFFFA0 ss:$0x1], $0xffff  }
0xd2: {  	v5 =	vld.idx.msk [tilespmem:v1+s4+$0xFFFFFFB0 ss:$0x1], $0xffff  }
0xd3: {  	v6 =	vld.idx.msk [tilespmem:v1+s4+$0xFFFFFFC0 ss:$0x1], $0xffff  }
0xd4: {  	v7 =	vld.idx.msk [tilespmem:v1+s4+$0xFFFFFFD0 ss:$0x1], $0xffff  }
0xd5: {  	v8 =	vld.idx.msk [tilespmem:v1+s4+$0xFFFFFFE0 ss:$0x1], $0xffff  }
0xd6: {  	[tilespmem:s4+$0xC670] =	vst.add.f32.msk $0xffff, v2  }
0xd7: {  	v2 =	vld.idx.msk [tilespmem:v1+s4+$0xFFFFFFF0 ss:$0x1], $0xffff  }
0xd8: {  	[tilespmem:s4+$0xC600] =	vst.add.f32.msk $0xffff, v3  }
0xd9: {  	[tilespmem:s4+$0xC610] =	vst.add.f32.msk $0xffff, v4  }
0xda: {  	[tilespmem:s4+$0xC620] =	vst.add.f32.msk $0xffff, v5  }
0xdb: {  	[tilespmem:s4+$0xC630] =	vst.add.f32.msk $0xffff, v6  }
0xdc: {  	[tilespmem:s4+$0xC640] =	vst.add.f32.msk $0xffff, v7  }
0xdd: {  	s15 =	simm.s32 $0x1000;
	s14 =	simm.s32 $0x0;
	[tilespmem:s4+$0xC650] =	vst.add.f32.msk $0xffff, v8  }
.LBB2_11:
0xde: {  	s14 =	sadd.s32 $0x80, s14;
	[tilespmem:s4+$0xC660] =	vst.add.f32.msk $0xffff, v2;
	s4 =	sshra.s32 s15, $0x2  }
0xdf: {  	v2 =	vld.idx.msk [tilespmem:v1+s4+$0x0 ss:$0x1], $0xffff;
	p0 =	slt.u32 s14, $0x380  }
0xe0: {  	v3 =	vld.idx.msk [tilespmem:v1+s4+$0xFFFFFF90 ss:$0x1], $0xffff  }
0xe1: {  	v4 =	vld.idx.msk [tilespmem:v1+s4+$0xFFFFFFA0 ss:$0x1], $0xffff  }
0xe2: {  	v5 =	vld.idx.msk [tilespmem:v1+s4+$0xFFFFFFB0 ss:$0x1], $0xffff  }
0xe3: {  	v6 =	vld.idx.msk [tilespmem:v1+s4+$0xFFFFFFC0 ss:$0x1], $0xffff  }
0xe4: {  	v7 =	vld.idx.msk [tilespmem:v1+s4+$0xFFFFFFD0 ss:$0x1], $0xffff  }
0xe5: {  	[tilespmem:s4+$0xC670] =	vst.add.f32.msk $0xffff, v2  }
0xe6: {  	v8 =	vld.idx.msk [tilespmem:v1+s4+$0xFFFFFFE0 ss:$0x1], $0xffff  }
0xe7: {  	v2 =	vld.idx.msk [tilespmem:v1+s4+$0xFFFFFFF0 ss:$0x1], $0xffff  }
0xe8: {  	[tilespmem:s4+$0xC600] =	vst.add.f32.msk $0xffff, v3  }
.Ltmp4:
0xe9: {  	[tilespmem:s4+$0xC610] =	vst.add.f32.msk $0xffff, v4;
	(pc) =	sbr.rel @p0 .LBB2_11-.Ltmp4, $4  }
0xea: {  	[tilespmem:s4+$0xC620] =	vst.add.f32.msk $0xffff, v5  }
0xeb: {  	[tilespmem:s4+$0xC630] =	vst.add.f32.msk $0xffff, v6  }
0xec: {  	[tilespmem:s4+$0xC640] =	vst.add.f32.msk $0xffff, v7  }
0xed: {  	s15 =	sadd.s32 $0x1000, s15;
	[tilespmem:s4+$0xC650] =	vst.add.f32.msk $0xffff, v8  }
0xee: {  	(v2sf) =	vpush v0, $0x5;
	_ =	sdelay $0xe  }
0xef: {  	s14 =	spop (v2sf)  }
0xf0: {  	s15 =	sshll.u32 s14, $0xC;
	s14 =	sand.u32 $0x7, s14  }
0xf1: {  	s15 =	sand.u32 $0xFFFF8000, s15;
	s14 =	sshll.u32 s14, $0x9  }
0xf2: {  	s14 =	sor.u32 s14, s15  }
0xf3: {  	s14 =	sshra.s32 s14, $0x2  }
0xf4: {  	s14 =	sor.u32 $0x70, s14  }
0xf5: {  	v1 =	vmov s14;
	_ =	sdelay $0x3  }
0xf6: {  	[tilespmem:s4+$0xC660] =	vst.add.f32.msk $0xffff, v2;
	s4 =	simm.s32 $0x0  }
0xf7: {  	v2 =	vld.idx.msk [tilespmem:v1+s4+$0x0 ss:$0x1], $0xffff  }
0xf8: {  	v3 =	vld.idx.msk [tilespmem:v1+s4+$0xFFFFFF90 ss:$0x1], $0xffff  }
0xf9: {  	v4 =	vld.idx.msk [tilespmem:v1+s4+$0xFFFFFFA0 ss:$0x1], $0xffff  }
0xfa: {  	v5 =	vld.idx.msk [tilespmem:v1+s4+$0xFFFFFFB0 ss:$0x1], $0xffff  }
0xfb: {  	v6 =	vld.idx.msk [tilespmem:v1+s4+$0xFFFFFFC0 ss:$0x1], $0xffff  }
0xfc: {  	v7 =	vld.idx.msk [tilespmem:v1+s4+$0xFFFFFFD0 ss:$0x1], $0xffff  }
0xfd: {  	v8 =	vld.idx.msk [tilespmem:v1+s4+$0xFFFFFFE0 ss:$0x1], $0xffff  }
0xfe: {  	[tilespmem:s4+$0xC6F0] =	vst.add.f32.msk $0xffff, v2  }
0xff: {  	v2 =	vld.idx.msk [tilespmem:v1+s4+$0xFFFFFFF0 ss:$0x1], $0xffff  }
0x100: {  	[tilespmem:s4+$0xC680] =	vst.add.f32.msk $0xffff, v3  }
0x101: {  	[tilespmem:s4+$0xC690] =	vst.add.f32.msk $0xffff, v4  }
0x102: {  	[tilespmem:s4+$0xC6A0] =	vst.add.f32.msk $0xffff, v5  }
0x103: {  	[tilespmem:s4+$0xC6B0] =	vst.add.f32.msk $0xffff, v6  }
0x104: {  	[tilespmem:s4+$0xC6C0] =	vst.add.f32.msk $0xffff, v7  }
0x105: {  	s15 =	simm.s32 $0x1000;
	s14 =	simm.s32 $0x0;
	[tilespmem:s4+$0xC6D0] =	vst.add.f32.msk $0xffff, v8  }
.LBB2_13:
0x106: {  	s14 =	sadd.s32 $0x80, s14;
	[tilespmem:s4+$0xC6E0] =	vst.add.f32.msk $0xffff, v2;
	s4 =	sshra.s32 s15, $0x2  }
0x107: {  	v2 =	vld.idx.msk [tilespmem:v1+s4+$0x0 ss:$0x1], $0xffff;
	p0 =	slt.u32 s14, $0x380  }
0x108: {  	v3 =	vld.idx.msk [tilespmem:v1+s4+$0xFFFFFF90 ss:$0x1], $0xffff  }
0x109: {  	v4 =	vld.idx.msk [tilespmem:v1+s4+$0xFFFFFFA0 ss:$0x1], $0xffff  }
0x10a: {  	v5 =	vld.idx.msk [tilespmem:v1+s4+$0xFFFFFFB0 ss:$0x1], $0xffff  }
0x10b: {  	v6 =	vld.idx.msk [tilespmem:v1+s4+$0xFFFFFFC0 ss:$0x1], $0xffff  }
0x10c: {  	v7 =	vld.idx.msk [tilespmem:v1+s4+$0xFFFFFFD0 ss:$0x1], $0xffff  }
0x10d: {  	[tilespmem:s4+$0xC6F0] =	vst.add.f32.msk $0xffff, v2  }
0x10e: {  	v8 =	vld.idx.msk [tilespmem:v1+s4+$0xFFFFFFE0 ss:$0x1], $0xffff  }
0x10f: {  	v2 =	vld.idx.msk [tilespmem:v1+s4+$0xFFFFFFF0 ss:$0x1], $0xffff  }
0x110: {  	[tilespmem:s4+$0xC680] =	vst.add.f32.msk $0xffff, v3  }
.Ltmp5:
0x111: {  	[tilespmem:s4+$0xC690] =	vst.add.f32.msk $0xffff, v4;
	(pc) =	sbr.rel @p0 .LBB2_13-.Ltmp5, $4  }
0x112: {  	[tilespmem:s4+$0xC6A0] =	vst.add.f32.msk $0xffff, v5  }
0x113: {  	[tilespmem:s4+$0xC6B0] =	vst.add.f32.msk $0xffff, v6  }
0x114: {  	[tilespmem:s4+$0xC6C0] =	vst.add.f32.msk $0xffff, v7  }
0x115: {  	s15 =	sadd.s32 $0x1000, s15;
	[tilespmem:s4+$0xC6D0] =	vst.add.f32.msk $0xffff, v8  }
0x116: {  	(v2sf) =	vpush v0, $0x6;
	_ =	sdelay $0xe  }
0x117: {  	s14 =	spop (v2sf)  }
0x118: {  	s15 =	sshll.u32 s14, $0xC;
	s14 =	sand.u32 $0x7, s14  }
0x119: {  	s15 =	sand.u32 $0xFFFF8000, s15;
	s14 =	sshll.u32 s14, $0x9  }
0x11a: {  	s14 =	sor.u32 s14, s15  }
0x11b: {  	s14 =	sshra.s32 s14, $0x2  }
0x11c: {  	s14 =	sor.u32 $0x70, s14  }
0x11d: {  	v1 =	vmov s14;
	_ =	sdelay $0x3  }
0x11e: {  	[tilespmem:s4+$0xC6E0] =	vst.add.f32.msk $0xffff, v2;
	s4 =	simm.s32 $0x0  }
0x11f: {  	v2 =	vld.idx.msk [tilespmem:v1+s4+$0x0 ss:$0x1], $0xffff  }
0x120: {  	v3 =	vld.idx.msk [tilespmem:v1+s4+$0xFFFFFF90 ss:$0x1], $0xffff  }
0x121: {  	v4 =	vld.idx.msk [tilespmem:v1+s4+$0xFFFFFFA0 ss:$0x1], $0xffff  }
0x122: {  	v5 =	vld.idx.msk [tilespmem:v1+s4+$0xFFFFFFB0 ss:$0x1], $0xffff  }
0x123: {  	v6 =	vld.idx.msk [tilespmem:v1+s4+$0xFFFFFFC0 ss:$0x1], $0xffff  }
0x124: {  	v7 =	vld.idx.msk [tilespmem:v1+s4+$0xFFFFFFD0 ss:$0x1], $0xffff  }
0x125: {  	v8 =	vld.idx.msk [tilespmem:v1+s4+$0xFFFFFFE0 ss:$0x1], $0xffff  }
0x126: {  	[tilespmem:s4+$0xC770] =	vst.add.f32.msk $0xffff, v2  }
0x127: {  	v2 =	vld.idx.msk [tilespmem:v1+s4+$0xFFFFFFF0 ss:$0x1], $0xffff  }
0x128: {  	[tilespmem:s4+$0xC700] =	vst.add.f32.msk $0xffff, v3  }
0x129: {  	[tilespmem:s4+$0xC710] =	vst.add.f32.msk $0xffff, v4  }
0x12a: {  	[tilespmem:s4+$0xC720] =	vst.add.f32.msk $0xffff, v5  }
0x12b: {  	[tilespmem:s4+$0xC730] =	vst.add.f32.msk $0xffff, v6  }
0x12c: {  	[tilespmem:s4+$0xC740] =	vst.add.f32.msk $0xffff, v7  }
0x12d: {  	s15 =	simm.s32 $0x1000;
	s14 =	simm.s32 $0x0;
	[tilespmem:s4+$0xC750] =	vst.add.f32.msk $0xffff, v8  }
.LBB2_15:
0x12e: {  	s14 =	sadd.s32 $0x80, s14;
	[tilespmem:s4+$0xC760] =	vst.add.f32.msk $0xffff, v2;
	s4 =	sshra.s32 s15, $0x2  }
0x12f: {  	v2 =	vld.idx.msk [tilespmem:v1+s4+$0x0 ss:$0x1], $0xffff;
	p0 =	slt.u32 s14, $0x380  }
0x130: {  	v3 =	vld.idx.msk [tilespmem:v1+s4+$0xFFFFFF90 ss:$0x1], $0xffff  }
0x131: {  	v4 =	vld.idx.msk [tilespmem:v1+s4+$0xFFFFFFA0 ss:$0x1], $0xffff  }
0x132: {  	v5 =	vld.idx.msk [tilespmem:v1+s4+$0xFFFFFFB0 ss:$0x1], $0xffff  }
0x133: {  	v6 =	vld.idx.msk [tilespmem:v1+s4+$0xFFFFFFC0 ss:$0x1], $0xffff  }
0x134: {  	v7 =	vld.idx.msk [tilespmem:v1+s4+$0xFFFFFFD0 ss:$0x1], $0xffff  }
0x135: {  	[tilespmem:s4+$0xC770] =	vst.add.f32.msk $0xffff, v2  }
0x136: {  	v8 =	vld.idx.msk [tilespmem:v1+s4+$0xFFFFFFE0 ss:$0x1], $0xffff  }
0x137: {  	v2 =	vld.idx.msk [tilespmem:v1+s4+$0xFFFFFFF0 ss:$0x1], $0xffff  }
0x138: {  	[tilespmem:s4+$0xC700] =	vst.add.f32.msk $0xffff, v3  }
.Ltmp6:
0x139: {  	[tilespmem:s4+$0xC710] =	vst.add.f32.msk $0xffff, v4;
	(pc) =	sbr.rel @p0 .LBB2_15-.Ltmp6, $4  }
0x13a: {  	[tilespmem:s4+$0xC720] =	vst.add.f32.msk $0xffff, v5  }
0x13b: {  	[tilespmem:s4+$0xC730] =	vst.add.f32.msk $0xffff, v6  }
0x13c: {  	[tilespmem:s4+$0xC740] =	vst.add.f32.msk $0xffff, v7  }
0x13d: {  	s15 =	sadd.s32 $0x1000, s15;
	[tilespmem:s4+$0xC750] =	vst.add.f32.msk $0xffff, v8  }
0x13e: {  	(v2sf) =	vpush v0, $0x7;
	_ =	sdelay $0xe  }
0x13f: {  	s14 =	spop (v2sf)  }
0x140: {  	s15 =	sshll.u32 s14, $0xC;
	s14 =	sand.u32 $0x7, s14  }
0x141: {  	s15 =	sand.u32 $0xFFFF8000, s15;
	s14 =	sshll.u32 s14, $0x9  }
0x142: {  	s14 =	sor.u32 s14, s15  }
0x143: {  	s14 =	sshra.s32 s14, $0x2  }
0x144: {  	s14 =	sor.u32 $0x70, s14  }
0x145: {  	v1 =	vmov s14;
	_ =	sdelay $0x3  }
0x146: {  	[tilespmem:s4+$0xC760] =	vst.add.f32.msk $0xffff, v2;
	s4 =	simm.s32 $0x0  }
0x147: {  	v2 =	vld.idx.msk [tilespmem:v1+s4+$0x0 ss:$0x1], $0xffff  }
0x148: {  	v3 =	vld.idx.msk [tilespmem:v1+s4+$0xFFFFFF90 ss:$0x1], $0xffff  }
0x149: {  	v4 =	vld.idx.msk [tilespmem:v1+s4+$0xFFFFFFA0 ss:$0x1], $0xffff  }
0x14a: {  	v5 =	vld.idx.msk [tilespmem:v1+s4+$0xFFFFFFB0 ss:$0x1], $0xffff  }
0x14b: {  	v6 =	vld.idx.msk [tilespmem:v1+s4+$0xFFFFFFC0 ss:$0x1], $0xffff  }
0x14c: {  	v7 =	vld.idx.msk [tilespmem:v1+s4+$0xFFFFFFD0 ss:$0x1], $0xffff  }
0x14d: {  	v8 =	vld.idx.msk [tilespmem:v1+s4+$0xFFFFFFE0 ss:$0x1], $0xffff  }
0x14e: {  	[tilespmem:s4+$0xC7F0] =	vst.add.f32.msk $0xffff, v2  }
0x14f: {  	v2 =	vld.idx.msk [tilespmem:v1+s4+$0xFFFFFFF0 ss:$0x1], $0xffff  }
0x150: {  	[tilespmem:s4+$0xC780] =	vst.add.f32.msk $0xffff, v3  }
0x151: {  	[tilespmem:s4+$0xC790] =	vst.add.f32.msk $0xffff, v4  }
0x152: {  	[tilespmem:s4+$0xC7A0] =	vst.add.f32.msk $0xffff, v5  }
0x153: {  	[tilespmem:s4+$0xC7B0] =	vst.add.f32.msk $0xffff, v6  }
0x154: {  	[tilespmem:s4+$0xC7C0] =	vst.add.f32.msk $0xffff, v7  }
0x155: {  	s15 =	simm.s32 $0x1000;
	s14 =	simm.s32 $0x0;
	[tilespmem:s4+$0xC7D0] =	vst.add.f32.msk $0xffff, v8  }
.LBB2_17:
0x156: {  	s14 =	sadd.s32 $0x80, s14;
	[tilespmem:s4+$0xC7E0] =	vst.add.f32.msk $0xffff, v2;
	s4 =	sshra.s32 s15, $0x2  }
0x157: {  	v2 =	vld.idx.msk [tilespmem:v1+s4+$0x0 ss:$0x1], $0xffff;
	p0 =	slt.u32 s14, $0x380  }
0x158: {  	v3 =	vld.idx.msk [tilespmem:v1+s4+$0xFFFFFF90 ss:$0x1], $0xffff  }
0x159: {  	v4 =	vld.idx.msk [tilespmem:v1+s4+$0xFFFFFFA0 ss:$0x1], $0xffff  }
0x15a: {  	v5 =	vld.idx.msk [tilespmem:v1+s4+$0xFFFFFFB0 ss:$0x1], $0xffff  }
0x15b: {  	v6 =	vld.idx.msk [tilespmem:v1+s4+$0xFFFFFFC0 ss:$0x1], $0xffff  }
0x15c: {  	v7 =	vld.idx.msk [tilespmem:v1+s4+$0xFFFFFFD0 ss:$0x1], $0xffff  }
0x15d: {  	[tilespmem:s4+$0xC7F0] =	vst.add.f32.msk $0xffff, v2  }
0x15e: {  	v8 =	vld.idx.msk [tilespmem:v1+s4+$0xFFFFFFE0 ss:$0x1], $0xffff  }
0x15f: {  	v2 =	vld.idx.msk [tilespmem:v1+s4+$0xFFFFFFF0 ss:$0x1], $0xffff  }
0x160: {  	[tilespmem:s4+$0xC780] =	vst.add.f32.msk $0xffff, v3  }
.Ltmp7:
0x161: {  	[tilespmem:s4+$0xC790] =	vst.add.f32.msk $0xffff, v4;
	(pc) =	sbr.rel @p0 .LBB2_17-.Ltmp7, $4  }
0x162: {  	[tilespmem:s4+$0xC7A0] =	vst.add.f32.msk $0xffff, v5  }
0x163: {  	[tilespmem:s4+$0xC7B0] =	vst.add.f32.msk $0xffff, v6  }
0x164: {  	[tilespmem:s4+$0xC7C0] =	vst.add.f32.msk $0xffff, v7  }
0x165: {  	s15 =	sadd.s32 $0x1000, s15;
	[tilespmem:s4+$0xC7D0] =	vst.add.f32.msk $0xffff, v8  }
0x166: {  	(v2sf) =	vpush v0, $0x8;
	_ =	sdelay $0xe  }
0x167: {  	s14 =	spop (v2sf)  }
0x168: {  	s15 =	sshll.u32 s14, $0xC;
	s14 =	sand.u32 $0x7, s14  }
0x169: {  	s15 =	sand.u32 $0xFFFF8000, s15;
	s14 =	sshll.u32 s14, $0x9  }
0x16a: {  	s14 =	sor.u32 s14, s15  }
0x16b: {  	s14 =	sshra.s32 s14, $0x2  }
0x16c: {  	s14 =	sor.u32 $0x70, s14  }
0x16d: {  	v1 =	vmov s14;
	_ =	sdelay $0x3  }
0x16e: {  	[tilespmem:s4+$0xC7E0] =	vst.add.f32.msk $0xffff, v2;
	s4 =	simm.s32 $0x0  }
0x16f: {  	v2 =	vld.idx.msk [tilespmem:v1+s4+$0x0 ss:$0x1], $0xffff  }
0x170: {  	v3 =	vld.idx.msk [tilespmem:v1+s4+$0xFFFFFF90 ss:$0x1], $0xffff  }
0x171: {  	v4 =	vld.idx.msk [tilespmem:v1+s4+$0xFFFFFFA0 ss:$0x1], $0xffff  }
0x172: {  	v5 =	vld.idx.msk [tilespmem:v1+s4+$0xFFFFFFB0 ss:$0x1], $0xffff  }
0x173: {  	v6 =	vld.idx.msk [tilespmem:v1+s4+$0xFFFFFFC0 ss:$0x1], $0xffff  }
0x174: {  	v7 =	vld.idx.msk [tilespmem:v1+s4+$0xFFFFFFD0 ss:$0x1], $0xffff  }
0x175: {  	v8 =	vld.idx.msk [tilespmem:v1+s4+$0xFFFFFFE0 ss:$0x1], $0xffff  }
0x176: {  	[tilespmem:s4+$0xE470] =	vst.add.f32.msk $0xffff, v2  }
0x177: {  	v2 =	vld.idx.msk [tilespmem:v1+s4+$0xFFFFFFF0 ss:$0x1], $0xffff  }
0x178: {  	[tilespmem:s4+$0xE400] =	vst.add.f32.msk $0xffff, v3  }
0x179: {  	[tilespmem:s4+$0xE410] =	vst.add.f32.msk $0xffff, v4  }
0x17a: {  	[tilespmem:s4+$0xE420] =	vst.add.f32.msk $0xffff, v5  }
0x17b: {  	[tilespmem:s4+$0xE430] =	vst.add.f32.msk $0xffff, v6  }
0x17c: {  	[tilespmem:s4+$0xE440] =	vst.add.f32.msk $0xffff, v7  }
0x17d: {  	s15 =	simm.s32 $0x1000;
	s14 =	simm.s32 $0x0;
	[tilespmem:s4+$0xE450] =	vst.add.f32.msk $0xffff, v8  }
.LBB2_19:
0x17e: {  	s14 =	sadd.s32 $0x80, s14;
	[tilespmem:s4+$0xE460] =	vst.add.f32.msk $0xffff, v2;
	s4 =	sshra.s32 s15, $0x2  }
0x17f: {  	v2 =	vld.idx.msk [tilespmem:v1+s4+$0x0 ss:$0x1], $0xffff;
	p0 =	slt.u32 s14, $0x380  }
0x180: {  	v3 =	vld.idx.msk [tilespmem:v1+s4+$0xFFFFFF90 ss:$0x1], $0xffff  }
0x181: {  	v4 =	vld.idx.msk [tilespmem:v1+s4+$0xFFFFFFA0 ss:$0x1], $0xffff  }
0x182: {  	v5 =	vld.idx.msk [tilespmem:v1+s4+$0xFFFFFFB0 ss:$0x1], $0xffff  }
0x183: {  	v6 =	vld.idx.msk [tilespmem:v1+s4+$0xFFFFFFC0 ss:$0x1], $0xffff  }
0x184: {  	v7 =	vld.idx.msk [tilespmem:v1+s4+$0xFFFFFFD0 ss:$0x1], $0xffff  }
0x185: {  	[tilespmem:s4+$0xE470] =	vst.add.f32.msk $0xffff, v2  }
0x186: {  	v8 =	vld.idx.msk [tilespmem:v1+s4+$0xFFFFFFE0 ss:$0x1], $0xffff  }
0x187: {  	v2 =	vld.idx.msk [tilespmem:v1+s4+$0xFFFFFFF0 ss:$0x1], $0xffff  }
0x188: {  	[tilespmem:s4+$0xE400] =	vst.add.f32.msk $0xffff, v3  }
.Ltmp8:
0x189: {  	[tilespmem:s4+$0xE410] =	vst.add.f32.msk $0xffff, v4;
	(pc) =	sbr.rel @p0 .LBB2_19-.Ltmp8, $4  }
0x18a: {  	[tilespmem:s4+$0xE420] =	vst.add.f32.msk $0xffff, v5  }
0x18b: {  	[tilespmem:s4+$0xE430] =	vst.add.f32.msk $0xffff, v6  }
0x18c: {  	[tilespmem:s4+$0xE440] =	vst.add.f32.msk $0xffff, v7  }
0x18d: {  	s15 =	sadd.s32 $0x1000, s15;
	[tilespmem:s4+$0xE450] =	vst.add.f32.msk $0xffff, v8  }
0x18e: {  	(v2sf) =	vpush v0, $0x9;
	_ =	sdelay $0xe  }
0x18f: {  	s14 =	spop (v2sf)  }
0x190: {  	s15 =	sshll.u32 s14, $0xC;
	s14 =	sand.u32 $0x7, s14  }
0x191: {  	s15 =	sand.u32 $0xFFFF8000, s15;
	s14 =	sshll.u32 s14, $0x9  }
0x192: {  	s14 =	sor.u32 s14, s15  }
0x193: {  	s14 =	sshra.s32 s14, $0x2  }
0x194: {  	s14 =	sor.u32 $0x70, s14  }
0x195: {  	v1 =	vmov s14;
	_ =	sdelay $0x3  }
0x196: {  	[tilespmem:s4+$0xE460] =	vst.add.f32.msk $0xffff, v2;
	s4 =	simm.s32 $0x0  }
0x197: {  	v2 =	vld.idx.msk [tilespmem:v1+s4+$0x0 ss:$0x1], $0xffff  }
0x198: {  	v3 =	vld.idx.msk [tilespmem:v1+s4+$0xFFFFFF90 ss:$0x1], $0xffff  }
0x199: {  	v4 =	vld.idx.msk [tilespmem:v1+s4+$0xFFFFFFA0 ss:$0x1], $0xffff  }
0x19a: {  	v5 =	vld.idx.msk [tilespmem:v1+s4+$0xFFFFFFB0 ss:$0x1], $0xffff  }
0x19b: {  	v6 =	vld.idx.msk [tilespmem:v1+s4+$0xFFFFFFC0 ss:$0x1], $0xffff  }
0x19c: {  	v7 =	vld.idx.msk [tilespmem:v1+s4+$0xFFFFFFD0 ss:$0x1], $0xffff  }
0x19d: {  	v8 =	vld.idx.msk [tilespmem:v1+s4+$0xFFFFFFE0 ss:$0x1], $0xffff  }
0x19e: {  	[tilespmem:s4+$0xE4F0] =	vst.add.f32.msk $0xffff, v2  }
0x19f: {  	v2 =	vld.idx.msk [tilespmem:v1+s4+$0xFFFFFFF0 ss:$0x1], $0xffff  }
0x1a0: {  	[tilespmem:s4+$0xE480] =	vst.add.f32.msk $0xffff, v3  }
0x1a1: {  	[tilespmem:s4+$0xE490] =	vst.add.f32.msk $0xffff, v4  }
0x1a2: {  	[tilespmem:s4+$0xE4A0] =	vst.add.f32.msk $0xffff, v5  }
0x1a3: {  	[tilespmem:s4+$0xE4B0] =	vst.add.f32.msk $0xffff, v6  }
0x1a4: {  	[tilespmem:s4+$0xE4C0] =	vst.add.f32.msk $0xffff, v7  }
0x1a5: {  	s15 =	simm.s32 $0x1000;
	s14 =	simm.s32 $0x0;
	[tilespmem:s4+$0xE4D0] =	vst.add.f32.msk $0xffff, v8  }
.LBB2_21:
0x1a6: {  	s14 =	sadd.s32 $0x80, s14;
	[tilespmem:s4+$0xE4E0] =	vst.add.f32.msk $0xffff, v2;
	s4 =	sshra.s32 s15, $0x2  }
0x1a7: {  	v2 =	vld.idx.msk [tilespmem:v1+s4+$0x0 ss:$0x1], $0xffff;
	p0 =	slt.u32 s14, $0x380  }
0x1a8: {  	v3 =	vld.idx.msk [tilespmem:v1+s4+$0xFFFFFF90 ss:$0x1], $0xffff  }
0x1a9: {  	v4 =	vld.idx.msk [tilespmem:v1+s4+$0xFFFFFFA0 ss:$0x1], $0xffff  }
0x1aa: {  	v5 =	vld.idx.msk [tilespmem:v1+s4+$0xFFFFFFB0 ss:$0x1], $0xffff  }
0x1ab: {  	v6 =	vld.idx.msk [tilespmem:v1+s4+$0xFFFFFFC0 ss:$0x1], $0xffff  }
0x1ac: {  	v7 =	vld.idx.msk [tilespmem:v1+s4+$0xFFFFFFD0 ss:$0x1], $0xffff  }
0x1ad: {  	[tilespmem:s4+$0xE4F0] =	vst.add.f32.msk $0xffff, v2  }
0x1ae: {  	v8 =	vld.idx.msk [tilespmem:v1+s4+$0xFFFFFFE0 ss:$0x1], $0xffff  }
0x1af: {  	v2 =	vld.idx.msk [tilespmem:v1+s4+$0xFFFFFFF0 ss:$0x1], $0xffff  }
0x1b0: {  	[tilespmem:s4+$0xE480] =	vst.add.f32.msk $0xffff, v3  }
.Ltmp9:
0x1b1: {  	[tilespmem:s4+$0xE490] =	vst.add.f32.msk $0xffff, v4;
	(pc) =	sbr.rel @p0 .LBB2_21-.Ltmp9, $4  }
0x1b2: {  	[tilespmem:s4+$0xE4A0] =	vst.add.f32.msk $0xffff, v5  }
0x1b3: {  	[tilespmem:s4+$0xE4B0] =	vst.add.f32.msk $0xffff, v6  }
0x1b4: {  	[tilespmem:s4+$0xE4C0] =	vst.add.f32.msk $0xffff, v7  }
0x1b5: {  	s15 =	sadd.s32 $0x1000, s15;
	[tilespmem:s4+$0xE4D0] =	vst.add.f32.msk $0xffff, v8  }
0x1b6: {  	(v2sf) =	vpush v0, $0xA;
	_ =	sdelay $0xe  }
0x1b7: {  	s14 =	spop (v2sf)  }
0x1b8: {  	s15 =	sshll.u32 s14, $0xC;
	s14 =	sand.u32 $0x7, s14  }
0x1b9: {  	s15 =	sand.u32 $0xFFFF8000, s15;
	s14 =	sshll.u32 s14, $0x9  }
0x1ba: {  	s14 =	sor.u32 s14, s15  }
0x1bb: {  	s14 =	sshra.s32 s14, $0x2  }
0x1bc: {  	s14 =	sor.u32 $0x70, s14  }
0x1bd: {  	v1 =	vmov s14;
	_ =	sdelay $0x3  }
0x1be: {  	[tilespmem:s4+$0xE4E0] =	vst.add.f32.msk $0xffff, v2;
	s4 =	simm.s32 $0x0  }
0x1bf: {  	v2 =	vld.idx.msk [tilespmem:v1+s4+$0x0 ss:$0x1], $0xffff  }
0x1c0: {  	v3 =	vld.idx.msk [tilespmem:v1+s4+$0xFFFFFF90 ss:$0x1], $0xffff  }
0x1c1: {  	v4 =	vld.idx.msk [tilespmem:v1+s4+$0xFFFFFFA0 ss:$0x1], $0xffff  }
0x1c2: {  	v5 =	vld.idx.msk [tilespmem:v1+s4+$0xFFFFFFB0 ss:$0x1], $0xffff  }
0x1c3: {  	v6 =	vld.idx.msk [tilespmem:v1+s4+$0xFFFFFFC0 ss:$0x1], $0xffff  }
0x1c4: {  	v7 =	vld.idx.msk [tilespmem:v1+s4+$0xFFFFFFD0 ss:$0x1], $0xffff  }
0x1c5: {  	v8 =	vld.idx.msk [tilespmem:v1+s4+$0xFFFFFFE0 ss:$0x1], $0xffff  }
0x1c6: {  	[tilespmem:s4+$0xE570] =	vst.add.f32.msk $0xffff, v2  }
0x1c7: {  	v2 =	vld.idx.msk [tilespmem:v1+s4+$0xFFFFFFF0 ss:$0x1], $0xffff  }
0x1c8: {  	[tilespmem:s4+$0xE500] =	vst.add.f32.msk $0xffff, v3  }
0x1c9: {  	[tilespmem:s4+$0xE510] =	vst.add.f32.msk $0xffff, v4  }
0x1ca: {  	[tilespmem:s4+$0xE520] =	vst.add.f32.msk $0xffff, v5  }
0x1cb: {  	[tilespmem:s4+$0xE530] =	vst.add.f32.msk $0xffff, v6  }
0x1cc: {  	[tilespmem:s4+$0xE540] =	vst.add.f32.msk $0xffff, v7  }
0x1cd: {  	s15 =	simm.s32 $0x1000;
	s14 =	simm.s32 $0x0;
	[tilespmem:s4+$0xE550] =	vst.add.f32.msk $0xffff, v8  }
.LBB2_23:
0x1ce: {  	s14 =	sadd.s32 $0x80, s14;
	[tilespmem:s4+$0xE560] =	vst.add.f32.msk $0xffff, v2;
	s4 =	sshra.s32 s15, $0x2  }
0x1cf: {  	v2 =	vld.idx.msk [tilespmem:v1+s4+$0x0 ss:$0x1], $0xffff;
	p0 =	slt.u32 s14, $0x380  }
0x1d0: {  	v3 =	vld.idx.msk [tilespmem:v1+s4+$0xFFFFFF90 ss:$0x1], $0xffff  }
0x1d1: {  	v4 =	vld.idx.msk [tilespmem:v1+s4+$0xFFFFFFA0 ss:$0x1], $0xffff  }
0x1d2: {  	v5 =	vld.idx.msk [tilespmem:v1+s4+$0xFFFFFFB0 ss:$0x1], $0xffff  }
0x1d3: {  	v6 =	vld.idx.msk [tilespmem:v1+s4+$0xFFFFFFC0 ss:$0x1], $0xffff  }
0x1d4: {  	v7 =	vld.idx.msk [tilespmem:v1+s4+$0xFFFFFFD0 ss:$0x1], $0xffff  }
0x1d5: {  	[tilespmem:s4+$0xE570] =	vst.add.f32.msk $0xffff, v2  }
0x1d6: {  	v8 =	vld.idx.msk [tilespmem:v1+s4+$0xFFFFFFE0 ss:$0x1], $0xffff  }
0x1d7: {  	v2 =	vld.idx.msk [tilespmem:v1+s4+$0xFFFFFFF0 ss:$0x1], $0xffff  }
0x1d8: {  	[tilespmem:s4+$0xE500] =	vst.add.f32.msk $0xffff, v3  }
.Ltmp10:
0x1d9: {  	[tilespmem:s4+$0xE510] =	vst.add.f32.msk $0xffff, v4;
	(pc) =	sbr.rel @p0 .LBB2_23-.Ltmp10, $4  }
0x1da: {  	[tilespmem:s4+$0xE520] =	vst.add.f32.msk $0xffff, v5  }
0x1db: {  	[tilespmem:s4+$0xE530] =	vst.add.f32.msk $0xffff, v6  }
0x1dc: {  	[tilespmem:s4+$0xE540] =	vst.add.f32.msk $0xffff, v7  }
0x1dd: {  	s15 =	sadd.s32 $0x1000, s15;
	[tilespmem:s4+$0xE550] =	vst.add.f32.msk $0xffff, v8  }
0x1de: {  	(v2sf) =	vpush v0, $0xB;
	_ =	sdelay $0xe  }
0x1df: {  	s14 =	spop (v2sf)  }
0x1e0: {  	s15 =	sshll.u32 s14, $0xC;
	s14 =	sand.u32 $0x7, s14  }
0x1e1: {  	s15 =	sand.u32 $0xFFFF8000, s15;
	s14 =	sshll.u32 s14, $0x9  }
0x1e2: {  	s14 =	sor.u32 s14, s15  }
0x1e3: {  	s14 =	sshra.s32 s14, $0x2  }
0x1e4: {  	s14 =	sor.u32 $0x70, s14  }
0x1e5: {  	v1 =	vmov s14;
	_ =	sdelay $0x3  }
0x1e6: {  	[tilespmem:s4+$0xE560] =	vst.add.f32.msk $0xffff, v2;
	s4 =	simm.s32 $0x0  }
0x1e7: {  	v2 =	vld.idx.msk [tilespmem:v1+s4+$0x0 ss:$0x1], $0xffff  }
0x1e8: {  	v3 =	vld.idx.msk [tilespmem:v1+s4+$0xFFFFFF90 ss:$0x1], $0xffff  }
0x1e9: {  	v4 =	vld.idx.msk [tilespmem:v1+s4+$0xFFFFFFA0 ss:$0x1], $0xffff  }
0x1ea: {  	v5 =	vld.idx.msk [tilespmem:v1+s4+$0xFFFFFFB0 ss:$0x1], $0xffff  }
0x1eb: {  	v6 =	vld.idx.msk [tilespmem:v1+s4+$0xFFFFFFC0 ss:$0x1], $0xffff  }
0x1ec: {  	v7 =	vld.idx.msk [tilespmem:v1+s4+$0xFFFFFFD0 ss:$0x1], $0xffff  }
0x1ed: {  	v8 =	vld.idx.msk [tilespmem:v1+s4+$0xFFFFFFE0 ss:$0x1], $0xffff  }
0x1ee: {  	[tilespmem:s4+$0xE5F0] =	vst.add.f32.msk $0xffff, v2  }
0x1ef: {  	v2 =	vld.idx.msk [tilespmem:v1+s4+$0xFFFFFFF0 ss:$0x1], $0xffff  }
0x1f0: {  	[tilespmem:s4+$0xE580] =	vst.add.f32.msk $0xffff, v3  }
0x1f1: {  	[tilespmem:s4+$0xE590] =	vst.add.f32.msk $0xffff, v4  }
0x1f2: {  	[tilespmem:s4+$0xE5A0] =	vst.add.f32.msk $0xffff, v5  }
0x1f3: {  	[tilespmem:s4+$0xE5B0] =	vst.add.f32.msk $0xffff, v6  }
0x1f4: {  	[tilespmem:s4+$0xE5C0] =	vst.add.f32.msk $0xffff, v7  }
0x1f5: {  	s15 =	simm.s32 $0x1000;
	s14 =	simm.s32 $0x0;
	[tilespmem:s4+$0xE5D0] =	vst.add.f32.msk $0xffff, v8  }
.LBB2_25:
0x1f6: {  	s14 =	sadd.s32 $0x80, s14;
	[tilespmem:s4+$0xE5E0] =	vst.add.f32.msk $0xffff, v2;
	s4 =	sshra.s32 s15, $0x2  }
0x1f7: {  	v2 =	vld.idx.msk [tilespmem:v1+s4+$0x0 ss:$0x1], $0xffff;
	p0 =	slt.u32 s14, $0x380  }
0x1f8: {  	v3 =	vld.idx.msk [tilespmem:v1+s4+$0xFFFFFF90 ss:$0x1], $0xffff  }
0x1f9: {  	v4 =	vld.idx.msk [tilespmem:v1+s4+$0xFFFFFFA0 ss:$0x1], $0xffff  }
0x1fa: {  	v5 =	vld.idx.msk [tilespmem:v1+s4+$0xFFFFFFB0 ss:$0x1], $0xffff  }
0x1fb: {  	v6 =	vld.idx.msk [tilespmem:v1+s4+$0xFFFFFFC0 ss:$0x1], $0xffff  }
0x1fc: {  	v7 =	vld.idx.msk [tilespmem:v1+s4+$0xFFFFFFD0 ss:$0x1], $0xffff  }
0x1fd: {  	[tilespmem:s4+$0xE5F0] =	vst.add.f32.msk $0xffff, v2  }
0x1fe: {  	v8 =	vld.idx.msk [tilespmem:v1+s4+$0xFFFFFFE0 ss:$0x1], $0xffff  }
0x1ff: {  	v2 =	vld.idx.msk [tilespmem:v1+s4+$0xFFFFFFF0 ss:$0x1], $0xffff  }
0x200: {  	[tilespmem:s4+$0xE580] =	vst.add.f32.msk $0xffff, v3  }
.Ltmp11:
0x201: {  	[tilespmem:s4+$0xE590] =	vst.add.f32.msk $0xffff, v4;
	(pc) =	sbr.rel @p0 .LBB2_25-.Ltmp11, $4  }
0x202: {  	[tilespmem:s4+$0xE5A0] =	vst.add.f32.msk $0xffff, v5  }
0x203: {  	[tilespmem:s4+$0xE5B0] =	vst.add.f32.msk $0xffff, v6  }
0x204: {  	[tilespmem:s4+$0xE5C0] =	vst.add.f32.msk $0xffff, v7  }
0x205: {  	s15 =	sadd.s32 $0x1000, s15;
	[tilespmem:s4+$0xE5D0] =	vst.add.f32.msk $0xffff, v8  }
0x206: {  	(v2sf) =	vpush v0, $0xC;
	_ =	sdelay $0xe  }
0x207: {  	s14 =	spop (v2sf)  }
0x208: {  	s15 =	sshll.u32 s14, $0xC;
	s14 =	sand.u32 $0x7, s14  }
0x209: {  	s15 =	sand.u32 $0xFFFF8000, s15;
	s14 =	sshll.u32 s14, $0x9  }
0x20a: {  	s14 =	sor.u32 s14, s15  }
0x20b: {  	s14 =	sshra.s32 s14, $0x2  }
0x20c: {  	s14 =	sor.u32 $0x70, s14  }
0x20d: {  	v1 =	vmov s14;
	_ =	sdelay $0x3  }
0x20e: {  	[tilespmem:s4+$0xE5E0] =	vst.add.f32.msk $0xffff, v2;
	s4 =	simm.s32 $0x0  }
0x20f: {  	v2 =	vld.idx.msk [tilespmem:v1+s4+$0x0 ss:$0x1], $0xffff  }
0x210: {  	v3 =	vld.idx.msk [tilespmem:v1+s4+$0xFFFFFF90 ss:$0x1], $0xffff  }
0x211: {  	v4 =	vld.idx.msk [tilespmem:v1+s4+$0xFFFFFFA0 ss:$0x1], $0xffff  }
0x212: {  	v5 =	vld.idx.msk [tilespmem:v1+s4+$0xFFFFFFB0 ss:$0x1], $0xffff  }
0x213: {  	v6 =	vld.idx.msk [tilespmem:v1+s4+$0xFFFFFFC0 ss:$0x1], $0xffff  }
0x214: {  	v7 =	vld.idx.msk [tilespmem:v1+s4+$0xFFFFFFD0 ss:$0x1], $0xffff  }
0x215: {  	v8 =	vld.idx.msk [tilespmem:v1+s4+$0xFFFFFFE0 ss:$0x1], $0xffff  }
0x216: {  	[tilespmem:s4+$0xE670] =	vst.add.f32.msk $0xffff, v2  }
0x217: {  	v2 =	vld.idx.msk [tilespmem:v1+s4+$0xFFFFFFF0 ss:$0x1], $0xffff  }
0x218: {  	[tilespmem:s4+$0xE600] =	vst.add.f32.msk $0xffff, v3  }
0x219: {  	[tilespmem:s4+$0xE610] =	vst.add.f32.msk $0xffff, v4  }
0x21a: {  	[tilespmem:s4+$0xE620] =	vst.add.f32.msk $0xffff, v5  }
0x21b: {  	[tilespmem:s4+$0xE630] =	vst.add.f32.msk $0xffff, v6  }
0x21c: {  	[tilespmem:s4+$0xE640] =	vst.add.f32.msk $0xffff, v7  }
0x21d: {  	s15 =	simm.s32 $0x1000;
	s14 =	simm.s32 $0x0;
	[tilespmem:s4+$0xE650] =	vst.add.f32.msk $0xffff, v8  }
.LBB2_27:
0x21e: {  	s14 =	sadd.s32 $0x80, s14;
	[tilespmem:s4+$0xE660] =	vst.add.f32.msk $0xffff, v2;
	s4 =	sshra.s32 s15, $0x2  }
0x21f: {  	v2 =	vld.idx.msk [tilespmem:v1+s4+$0x0 ss:$0x1], $0xffff;
	p0 =	slt.u32 s14, $0x380  }
0x220: {  	v3 =	vld.idx.msk [tilespmem:v1+s4+$0xFFFFFF90 ss:$0x1], $0xffff  }
0x221: {  	v4 =	vld.idx.msk [tilespmem:v1+s4+$0xFFFFFFA0 ss:$0x1], $0xffff  }
0x222: {  	v5 =	vld.idx.msk [tilespmem:v1+s4+$0xFFFFFFB0 ss:$0x1], $0xffff  }
0x223: {  	v6 =	vld.idx.msk [tilespmem:v1+s4+$0xFFFFFFC0 ss:$0x1], $0xffff  }
0x224: {  	v7 =	vld.idx.msk [tilespmem:v1+s4+$0xFFFFFFD0 ss:$0x1], $0xffff  }
0x225: {  	[tilespmem:s4+$0xE670] =	vst.add.f32.msk $0xffff, v2  }
0x226: {  	v8 =	vld.idx.msk [tilespmem:v1+s4+$0xFFFFFFE0 ss:$0x1], $0xffff  }
0x227: {  	v2 =	vld.idx.msk [tilespmem:v1+s4+$0xFFFFFFF0 ss:$0x1], $0xffff  }
0x228: {  	[tilespmem:s4+$0xE600] =	vst.add.f32.msk $0xffff, v3  }
.Ltmp12:
0x229: {  	[tilespmem:s4+$0xE610] =	vst.add.f32.msk $0xffff, v4;
	(pc) =	sbr.rel @p0 .LBB2_27-.Ltmp12, $4  }
0x22a: {  	[tilespmem:s4+$0xE620] =	vst.add.f32.msk $0xffff, v5  }
0x22b: {  	[tilespmem:s4+$0xE630] =	vst.add.f32.msk $0xffff, v6  }
0x22c: {  	[tilespmem:s4+$0xE640] =	vst.add.f32.msk $0xffff, v7  }
0x22d: {  	s15 =	sadd.s32 $0x1000, s15;
	[tilespmem:s4+$0xE650] =	vst.add.f32.msk $0xffff, v8  }
0x22e: {  	(v2sf) =	vpush v0, $0xD;
	_ =	sdelay $0xe  }
0x22f: {  	s14 =	spop (v2sf)  }
0x230: {  	s15 =	sshll.u32 s14, $0xC;
	s14 =	sand.u32 $0x7, s14  }
0x231: {  	s15 =	sand.u32 $0xFFFF8000, s15;
	s14 =	sshll.u32 s14, $0x9  }
0x232: {  	s14 =	sor.u32 s14, s15  }
0x233: {  	s14 =	sshra.s32 s14, $0x2  }
0x234: {  	s14 =	sor.u32 $0x70, s14  }
0x235: {  	v1 =	vmov s14;
	_ =	sdelay $0x3  }
0x236: {  	[tilespmem:s4+$0xE660] =	vst.add.f32.msk $0xffff, v2;
	s4 =	simm.s32 $0x0  }
0x237: {  	v2 =	vld.idx.msk [tilespmem:v1+s4+$0x0 ss:$0x1], $0xffff  }
0x238: {  	v3 =	vld.idx.msk [tilespmem:v1+s4+$0xFFFFFF90 ss:$0x1], $0xffff  }
0x239: {  	v4 =	vld.idx.msk [tilespmem:v1+s4+$0xFFFFFFA0 ss:$0x1], $0xffff  }
0x23a: {  	v5 =	vld.idx.msk [tilespmem:v1+s4+$0xFFFFFFB0 ss:$0x1], $0xffff  }
0x23b: {  	v6 =	vld.idx.msk [tilespmem:v1+s4+$0xFFFFFFC0 ss:$0x1], $0xffff  }
0x23c: {  	v7 =	vld.idx.msk [tilespmem:v1+s4+$0xFFFFFFD0 ss:$0x1], $0xffff  }
0x23d: {  	v8 =	vld.idx.msk [tilespmem:v1+s4+$0xFFFFFFE0 ss:$0x1], $0xffff  }
0x23e: {  	[tilespmem:s4+$0xE6F0] =	vst.add.f32.msk $0xffff, v2  }
0x23f: {  	v2 =	vld.idx.msk [tilespmem:v1+s4+$0xFFFFFFF0 ss:$0x1], $0xffff  }
0x240: {  	[tilespmem:s4+$0xE680] =	vst.add.f32.msk $0xffff, v3  }
0x241: {  	[tilespmem:s4+$0xE690] =	vst.add.f32.msk $0xffff, v4  }
0x242: {  	[tilespmem:s4+$0xE6A0] =	vst.add.f32.msk $0xffff, v5  }
0x243: {  	[tilespmem:s4+$0xE6B0] =	vst.add.f32.msk $0xffff, v6  }
0x244: {  	[tilespmem:s4+$0xE6C0] =	vst.add.f32.msk $0xffff, v7  }
0x245: {  	s15 =	simm.s32 $0x1000;
	s14 =	simm.s32 $0x0;
	[tilespmem:s4+$0xE6D0] =	vst.add.f32.msk $0xffff, v8  }
.LBB2_29:
0x246: {  	s14 =	sadd.s32 $0x80, s14;
	[tilespmem:s4+$0xE6E0] =	vst.add.f32.msk $0xffff, v2;
	s4 =	sshra.s32 s15, $0x2  }
0x247: {  	v2 =	vld.idx.msk [tilespmem:v1+s4+$0x0 ss:$0x1], $0xffff;
	p0 =	slt.u32 s14, $0x380  }
0x248: {  	v3 =	vld.idx.msk [tilespmem:v1+s4+$0xFFFFFF90 ss:$0x1], $0xffff  }
0x249: {  	v4 =	vld.idx.msk [tilespmem:v1+s4+$0xFFFFFFA0 ss:$0x1], $0xffff  }
0x24a: {  	v5 =	vld.idx.msk [tilespmem:v1+s4+$0xFFFFFFB0 ss:$0x1], $0xffff  }
0x24b: {  	v6 =	vld.idx.msk [tilespmem:v1+s4+$0xFFFFFFC0 ss:$0x1], $0xffff  }
0x24c: {  	v7 =	vld.idx.msk [tilespmem:v1+s4+$0xFFFFFFD0 ss:$0x1], $0xffff  }
0x24d: {  	[tilespmem:s4+$0xE6F0] =	vst.add.f32.msk $0xffff, v2  }
0x24e: {  	v8 =	vld.idx.msk [tilespmem:v1+s4+$0xFFFFFFE0 ss:$0x1], $0xffff  }
0x24f: {  	v2 =	vld.idx.msk [tilespmem:v1+s4+$0xFFFFFFF0 ss:$0x1], $0xffff  }
0x250: {  	[tilespmem:s4+$0xE680] =	vst.add.f32.msk $0xffff, v3  }
.Ltmp13:
0x251: {  	[tilespmem:s4+$0xE690] =	vst.add.f32.msk $0xffff, v4;
	(pc) =	sbr.rel @p0 .LBB2_29-.Ltmp13, $4  }
0x252: {  	[tilespmem:s4+$0xE6A0] =	vst.add.f32.msk $0xffff, v5  }
0x253: {  	[tilespmem:s4+$0xE6B0] =	vst.add.f32.msk $0xffff, v6  }
0x254: {  	[tilespmem:s4+$0xE6C0] =	vst.add.f32.msk $0xffff, v7  }
0x255: {  	s15 =	sadd.s32 $0x1000, s15;
	[tilespmem:s4+$0xE6D0] =	vst.add.f32.msk $0xffff, v8  }
0x256: {  	(v2sf) =	vpush v0, $0xE;
	_ =	sdelay $0xe  }
0x257: {  	s14 =	spop (v2sf)  }
0x258: {  	s15 =	sshll.u32 s14, $0xC;
	s14 =	sand.u32 $0x7, s14  }
0x259: {  	s15 =	sand.u32 $0xFFFF8000, s15;
	s14 =	sshll.u32 s14, $0x9  }
0x25a: {  	s14 =	sor.u32 s14, s15  }
0x25b: {  	s14 =	sshra.s32 s14, $0x2  }
0x25c: {  	s14 =	sor.u32 $0x70, s14  }
0x25d: {  	v1 =	vmov s14;
	_ =	sdelay $0x3  }
0x25e: {  	[tilespmem:s4+$0xE6E0] =	vst.add.f32.msk $0xffff, v2;
	s4 =	simm.s32 $0x0  }
0x25f: {  	v2 =	vld.idx.msk [tilespmem:v1+s4+$0x0 ss:$0x1], $0xffff  }
0x260: {  	v3 =	vld.idx.msk [tilespmem:v1+s4+$0xFFFFFF90 ss:$0x1], $0xffff  }
0x261: {  	v4 =	vld.idx.msk [tilespmem:v1+s4+$0xFFFFFFA0 ss:$0x1], $0xffff  }
0x262: {  	v5 =	vld.idx.msk [tilespmem:v1+s4+$0xFFFFFFB0 ss:$0x1], $0xffff  }
0x263: {  	v6 =	vld.idx.msk [tilespmem:v1+s4+$0xFFFFFFC0 ss:$0x1], $0xffff  }
0x264: {  	v7 =	vld.idx.msk [tilespmem:v1+s4+$0xFFFFFFD0 ss:$0x1], $0xffff  }
0x265: {  	v8 =	vld.idx.msk [tilespmem:v1+s4+$0xFFFFFFE0 ss:$0x1], $0xffff  }
0x266: {  	[tilespmem:s4+$0xE770] =	vst.add.f32.msk $0xffff, v2  }
0x267: {  	v2 =	vld.idx.msk [tilespmem:v1+s4+$0xFFFFFFF0 ss:$0x1], $0xffff  }
0x268: {  	[tilespmem:s4+$0xE700] =	vst.add.f32.msk $0xffff, v3  }
0x269: {  	[tilespmem:s4+$0xE710] =	vst.add.f32.msk $0xffff, v4  }
0x26a: {  	[tilespmem:s4+$0xE720] =	vst.add.f32.msk $0xffff, v5  }
0x26b: {  	[tilespmem:s4+$0xE730] =	vst.add.f32.msk $0xffff, v6  }
0x26c: {  	[tilespmem:s4+$0xE740] =	vst.add.f32.msk $0xffff, v7  }
0x26d: {  	s15 =	simm.s32 $0x1000;
	s14 =	simm.s32 $0x0;
	[tilespmem:s4+$0xE750] =	vst.add.f32.msk $0xffff, v8  }
.LBB2_31:
0x26e: {  	s14 =	sadd.s32 $0x80, s14;
	[tilespmem:s4+$0xE760] =	vst.add.f32.msk $0xffff, v2;
	s4 =	sshra.s32 s15, $0x2  }
0x26f: {  	v2 =	vld.idx.msk [tilespmem:v1+s4+$0x0 ss:$0x1], $0xffff;
	p0 =	slt.u32 s14, $0x380  }
0x270: {  	v3 =	vld.idx.msk [tilespmem:v1+s4+$0xFFFFFF90 ss:$0x1], $0xffff  }
0x271: {  	v4 =	vld.idx.msk [tilespmem:v1+s4+$0xFFFFFFA0 ss:$0x1], $0xffff  }
0x272: {  	v5 =	vld.idx.msk [tilespmem:v1+s4+$0xFFFFFFB0 ss:$0x1], $0xffff  }
0x273: {  	v6 =	vld.idx.msk [tilespmem:v1+s4+$0xFFFFFFC0 ss:$0x1], $0xffff  }
0x274: {  	v7 =	vld.idx.msk [tilespmem:v1+s4+$0xFFFFFFD0 ss:$0x1], $0xffff  }
0x275: {  	[tilespmem:s4+$0xE770] =	vst.add.f32.msk $0xffff, v2  }
0x276: {  	v8 =	vld.idx.msk [tilespmem:v1+s4+$0xFFFFFFE0 ss:$0x1], $0xffff  }
0x277: {  	v2 =	vld.idx.msk [tilespmem:v1+s4+$0xFFFFFFF0 ss:$0x1], $0xffff  }
0x278: {  	[tilespmem:s4+$0xE700] =	vst.add.f32.msk $0xffff, v3  }
.Ltmp14:
0x279: {  	[tilespmem:s4+$0xE710] =	vst.add.f32.msk $0xffff, v4;
	(pc) =	sbr.rel @p0 .LBB2_31-.Ltmp14, $4  }
0x27a: {  	[tilespmem:s4+$0xE720] =	vst.add.f32.msk $0xffff, v5  }
0x27b: {  	[tilespmem:s4+$0xE730] =	vst.add.f32.msk $0xffff, v6  }
0x27c: {  	[tilespmem:s4+$0xE740] =	vst.add.f32.msk $0xffff, v7  }
0x27d: {  	s15 =	sadd.s32 $0x1000, s15;
	[tilespmem:s4+$0xE750] =	vst.add.f32.msk $0xffff, v8  }
0x27e: {  	(v2sf) =	vpush v0, $0xF;
	_ =	sdelay $0xe  }
0x27f: {  	s14 =	spop (v2sf)  }
0x280: {  	s15 =	sshll.u32 s14, $0xC;
	s14 =	sand.u32 $0x7, s14  }
0x281: {  	s15 =	sand.u32 $0xFFFF8000, s15;
	s14 =	sshll.u32 s14, $0x9  }
0x282: {  	s14 =	sor.u32 s14, s15  }
0x283: {  	s14 =	sshra.s32 s14, $0x2  }
0x284: {  	s14 =	sor.u32 $0x70, s14  }
0x285: {  	v0 =	vmov s14;
	_ =	sdelay $0x3  }
0x286: {  	[tilespmem:s4+$0xE760] =	vst.add.f32.msk $0xffff, v2;
	s4 =	simm.s32 $0x0  }
0x287: {  	v1 =	vld.idx.msk [tilespmem:v0+s4+$0x0 ss:$0x1], $0xffff  }
0x288: {  	v2 =	vld.idx.msk [tilespmem:v0+s4+$0xFFFFFF90 ss:$0x1], $0xffff  }
0x289: {  	v3 =	vld.idx.msk [tilespmem:v0+s4+$0xFFFFFFA0 ss:$0x1], $0xffff  }
0x28a: {  	v4 =	vld.idx.msk [tilespmem:v0+s4+$0xFFFFFFB0 ss:$0x1], $0xffff  }
0x28b: {  	v5 =	vld.idx.msk [tilespmem:v0+s4+$0xFFFFFFC0 ss:$0x1], $0xffff  }
0x28c: {  	v6 =	vld.idx.msk [tilespmem:v0+s4+$0xFFFFFFD0 ss:$0x1], $0xffff  }
0x28d: {  	v7 =	vld.idx.msk [tilespmem:v0+s4+$0xFFFFFFE0 ss:$0x1], $0xffff  }
0x28e: {  	[tilespmem:s4+$0xE7F0] =	vst.add.f32.msk $0xffff, v1  }
0x28f: {  	v1 =	vld.idx.msk [tilespmem:v0+s4+$0xFFFFFFF0 ss:$0x1], $0xffff  }
0x290: {  	[tilespmem:s4+$0xE780] =	vst.add.f32.msk $0xffff, v2  }
0x291: {  	[tilespmem:s4+$0xE790] =	vst.add.f32.msk $0xffff, v3  }
0x292: {  	[tilespmem:s4+$0xE7A0] =	vst.add.f32.msk $0xffff, v4  }
0x293: {  	[tilespmem:s4+$0xE7B0] =	vst.add.f32.msk $0xffff, v5  }
0x294: {  	[tilespmem:s4+$0xE7C0] =	vst.add.f32.msk $0xffff, v6  }
0x295: {  	s15 =	simm.s32 $0x1000;
	s14 =	simm.s32 $0x0;
	[tilespmem:s4+$0xE7D0] =	vst.add.f32.msk $0xffff, v7  }
.LBB2_33:
0x296: {  	s14 =	sadd.s32 $0x80, s14;
	[tilespmem:s4+$0xE7E0] =	vst.add.f32.msk $0xffff, v1;
	s4 =	sshra.s32 s15, $0x2  }
0x297: {  	v1 =	vld.idx.msk [tilespmem:v0+s4+$0x0 ss:$0x1], $0xffff;
	p0 =	slt.u32 s14, $0x380  }
0x298: {  	v2 =	vld.idx.msk [tilespmem:v0+s4+$0xFFFFFF90 ss:$0x1], $0xffff  }
0x299: {  	v3 =	vld.idx.msk [tilespmem:v0+s4+$0xFFFFFFA0 ss:$0x1], $0xffff  }
0x29a: {  	v4 =	vld.idx.msk [tilespmem:v0+s4+$0xFFFFFFB0 ss:$0x1], $0xffff  }
0x29b: {  	v5 =	vld.idx.msk [tilespmem:v0+s4+$0xFFFFFFC0 ss:$0x1], $0xffff  }
0x29c: {  	v6 =	vld.idx.msk [tilespmem:v0+s4+$0xFFFFFFD0 ss:$0x1], $0xffff  }
0x29d: {  	[tilespmem:s4+$0xE7F0] =	vst.add.f32.msk $0xffff, v1  }
0x29e: {  	v7 =	vld.idx.msk [tilespmem:v0+s4+$0xFFFFFFE0 ss:$0x1], $0xffff  }
0x29f: {  	v1 =	vld.idx.msk [tilespmem:v0+s4+$0xFFFFFFF0 ss:$0x1], $0xffff  }
0x2a0: {  	[tilespmem:s4+$0xE780] =	vst.add.f32.msk $0xffff, v2  }
.Ltmp15:
0x2a1: {  	[tilespmem:s4+$0xE790] =	vst.add.f32.msk $0xffff, v3;
	(pc) =	sbr.rel @p0 .LBB2_33-.Ltmp15, $4  }
0x2a2: {  	[tilespmem:s4+$0xE7A0] =	vst.add.f32.msk $0xffff, v4  }
0x2a3: {  	[tilespmem:s4+$0xE7B0] =	vst.add.f32.msk $0xffff, v5  }
0x2a4: {  	[tilespmem:s4+$0xE7C0] =	vst.add.f32.msk $0xffff, v6  }
0x2a5: {  	s15 =	sadd.s32 $0x1000, s15;
	[tilespmem:s4+$0xE7D0] =	vst.add.f32.msk $0xffff, v7  }
0x2a6: {  	p0 =	seq.s32 s0, $0x0  }
0x2a7: {  	[tilespmem:s4+$0xE7E0] =	vst.add.f32.msk $0xffff, v1;
	s4 =	simm.s32 @!p0 $0x6  }
0x2a8: {  	_ =	swait.ge @!p0 [sflag:s4], $0x4000  }
0x2a9: {  	s14 =	sadd.s32 @!p0 s7, s9;
	[sflag:s4] =	ssyncset.done @!p0 $0x0  }
0x2aa: {  	[sflag:s4] =	ssyncadd.s32 @!p0 $0xFFFFC000;
	s4 =	sshll.u32 @!p0 s14, $0x7;
	s14 =	sshll.u32 @!p0 s1, $0x6  }
0x2ab: {  	s15 =	sshrl.u32 @!p0 s11, $0x3;
	s4 =	sadd.s32 @!p0 s3, s4;
	s14 =	sor.u32 @!p0 $0x1C08, s14  }
0x2ac: {  	[hbm:s4], [sflag:s14] =	dma.local @!p0 [spmem:s15], $0x800  }
0x2ad: {  	s4 =	simm.s32 @!p0 $0x7  }
0x2ae: {  	_ =	swait.ge @!p0 [sflag:s4], $0x800  }
0x2af: {  	[sflag:s4] =	ssyncset.done @!p0 $0x0  }
0x2b0: {  	s14 =	simm.s32 $0xC400;
	[sflag:s4] =	ssyncadd.s32 @!p0 $0xFFFFF800  }
0x2b1: {  	[spmem:s10] =	stream.linear.scatter [tilespmem:s14], [sflag:$0x5], $0x4000, $0x38;
	[tilespmem:$0x1C400] =	vst v63  }
0x2b2: {  	s19 =	sor.u32 $0x3, s8;
	_ =	swait.ge [sflag:s22], $0x4000  }
0x2b3: {  	s15 =	sshll.u32 s19, $0xB;
	[sflag:s22] =	ssyncset.done $0x0  }
0x2b4: {  	s16 =	simm.s32 $0x0;
	s4 =	sadd.s32 s15, s6;
	[sflag:s22] =	ssyncadd.s32 $0xFFFFC000  }
0x2b5: {  	[tilespmem:s23], [sflag:$0x4] =	stream.linear.gather [hbm4b:s4+s16], $0x4000, $0x38;
	[tilespmem:$0x1C400] =	vst v63  }
0x2b6: {  	v0 =	vld [tilespmem:s7+$0x4010];
	_ =	sdelay $0x4  }
0x2b7: {  	(v2sf) =	vpush v0, $0x0;
	_ =	sdelay $0xe  }
0x2b8: {  	s18 =	spop (v2sf)  }
0x2b9: {  	s31 =	sshll.u32 s18, $0xC;
	s4 =	sand.u32 $0x7, s18  }
0x2ba: {  	s8 =	sand.u32 $0xFFFF8000, s31;
	s4 =	sshll.u32 s4, $0x9  }
0x2bb: {  	s4 =	sor.u32 s4, s8  }
0x2bc: {  	s4 =	sshra.s32 s4, $0x2  }
0x2bd: {  	s4 =	sor.u32 $0x70, s4  }
0x2be: {  	v1 =	vmov s4;
	_ =	sdelay $0x3  }
0x2bf: {  	s4 =	simm.s32 $0x0  }
0x2c0: {  	v2 =	vld.idx.msk [tilespmem:v1+s4+$0x0 ss:$0x1], $0xffff  }
0x2c1: {  	v3 =	vld.idx.msk [tilespmem:v1+s4+$0xFFFFFF90 ss:$0x1], $0xffff  }
0x2c2: {  	v4 =	vld.idx.msk [tilespmem:v1+s4+$0xFFFFFFA0 ss:$0x1], $0xffff  }
0x2c3: {  	v5 =	vld.idx.msk [tilespmem:v1+s4+$0xFFFFFFB0 ss:$0x1], $0xffff  }
0x2c4: {  	v6 =	vld.idx.msk [tilespmem:v1+s4+$0xFFFFFFC0 ss:$0x1], $0xffff  }
0x2c5: {  	v7 =	vld.idx.msk [tilespmem:v1+s4+$0xFFFFFFD0 ss:$0x1], $0xffff  }
0x2c6: {  	v8 =	vld.idx.msk [tilespmem:v1+s4+$0xFFFFFFE0 ss:$0x1], $0xffff  }
0x2c7: {  	[tilespmem:s4+$0x10470] =	vst.add.f32.msk $0xffff, v2  }
0x2c8: {  	v2 =	vld.idx.msk [tilespmem:v1+s4+$0xFFFFFFF0 ss:$0x1], $0xffff  }
0x2c9: {  	[tilespmem:s4+$0x10400] =	vst.add.f32.msk $0xffff, v3  }
0x2ca: {  	[tilespmem:s4+$0x10410] =	vst.add.f32.msk $0xffff, v4  }
0x2cb: {  	[tilespmem:s4+$0x10420] =	vst.add.f32.msk $0xffff, v5  }
0x2cc: {  	[tilespmem:s4+$0x10430] =	vst.add.f32.msk $0xffff, v6  }
0x2cd: {  	[tilespmem:s4+$0x10440] =	vst.add.f32.msk $0xffff, v7  }
0x2ce: {  	s15 =	simm.s32 $0x1000;
	s14 =	sor.u32 $0x10, s7;
	s8 =	simm.s32 $0x0;
	[tilespmem:s4+$0x10450] =	vst.add.f32.msk $0xffff, v8  }
.LBB2_35:
0x2cf: {  	s8 =	sadd.s32 $0x80, s8;
	[tilespmem:s4+$0x10460] =	vst.add.f32.msk $0xffff, v2;
	s4 =	sshra.s32 s15, $0x2  }
0x2d0: {  	v2 =	vld.idx.msk [tilespmem:v1+s4+$0x0 ss:$0x1], $0xffff;
	p1 =	slt.u32 s8, $0x380  }
0x2d1: {  	v3 =	vld.idx.msk [tilespmem:v1+s4+$0xFFFFFF90 ss:$0x1], $0xffff  }
0x2d2: {  	v4 =	vld.idx.msk [tilespmem:v1+s4+$0xFFFFFFA0 ss:$0x1], $0xffff  }
0x2d3: {  	v5 =	vld.idx.msk [tilespmem:v1+s4+$0xFFFFFFB0 ss:$0x1], $0xffff  }
0x2d4: {  	v6 =	vld.idx.msk [tilespmem:v1+s4+$0xFFFFFFC0 ss:$0x1], $0xffff  }
0x2d5: {  	v7 =	vld.idx.msk [tilespmem:v1+s4+$0xFFFFFFD0 ss:$0x1], $0xffff  }
0x2d6: {  	[tilespmem:s4+$0x10470] =	vst.add.f32.msk $0xffff, v2  }
0x2d7: {  	v8 =	vld.idx.msk [tilespmem:v1+s4+$0xFFFFFFE0 ss:$0x1], $0xffff  }
0x2d8: {  	v2 =	vld.idx.msk [tilespmem:v1+s4+$0xFFFFFFF0 ss:$0x1], $0xffff  }
0x2d9: {  	[tilespmem:s4+$0x10400] =	vst.add.f32.msk $0xffff, v3  }
.Ltmp16:
0x2da: {  	[tilespmem:s4+$0x10410] =	vst.add.f32.msk $0xffff, v4;
	(pc) =	sbr.rel @p1 .LBB2_35-.Ltmp16, $4  }
0x2db: {  	[tilespmem:s4+$0x10420] =	vst.add.f32.msk $0xffff, v5  }
0x2dc: {  	[tilespmem:s4+$0x10430] =	vst.add.f32.msk $0xffff, v6  }
0x2dd: {  	[tilespmem:s4+$0x10440] =	vst.add.f32.msk $0xffff, v7  }
0x2de: {  	s15 =	sadd.s32 $0x1000, s15;
	[tilespmem:s4+$0x10450] =	vst.add.f32.msk $0xffff, v8  }
0x2df: {  	(v2sf) =	vpush v0, $0x1;
	_ =	sdelay $0xe  }
0x2e0: {  	s8 =	spop (v2sf)  }
0x2e1: {  	s15 =	sshll.u32 s8, $0xC;
	s8 =	sand.u32 $0x7, s8  }
0x2e2: {  	s15 =	sand.u32 $0xFFFF8000, s15;
	s8 =	sshll.u32 s8, $0x9  }
0x2e3: {  	s8 =	sor.u32 s8, s15  }
0x2e4: {  	s8 =	sshra.s32 s8, $0x2  }
0x2e5: {  	s8 =	sor.u32 $0x70, s8  }
0x2e6: {  	v1 =	vmov s8;
	_ =	sdelay $0x3  }
0x2e7: {  	[tilespmem:s4+$0x10460] =	vst.add.f32.msk $0xffff, v2;
	s4 =	simm.s32 $0x0  }
0x2e8: {  	v2 =	vld.idx.msk [tilespmem:v1+s4+$0x0 ss:$0x1], $0xffff  }
0x2e9: {  	v3 =	vld.idx.msk [tilespmem:v1+s4+$0xFFFFFF90 ss:$0x1], $0xffff  }
0x2ea: {  	v4 =	vld.idx.msk [tilespmem:v1+s4+$0xFFFFFFA0 ss:$0x1], $0xffff  }
0x2eb: {  	v5 =	vld.idx.msk [tilespmem:v1+s4+$0xFFFFFFB0 ss:$0x1], $0xffff  }
0x2ec: {  	v6 =	vld.idx.msk [tilespmem:v1+s4+$0xFFFFFFC0 ss:$0x1], $0xffff  }
0x2ed: {  	v7 =	vld.idx.msk [tilespmem:v1+s4+$0xFFFFFFD0 ss:$0x1], $0xffff  }
0x2ee: {  	v8 =	vld.idx.msk [tilespmem:v1+s4+$0xFFFFFFE0 ss:$0x1], $0xffff  }
0x2ef: {  	[tilespmem:s4+$0x104F0] =	vst.add.f32.msk $0xffff, v2  }
0x2f0: {  	v2 =	vld.idx.msk [tilespmem:v1+s4+$0xFFFFFFF0 ss:$0x1], $0xffff  }
0x2f1: {  	[tilespmem:s4+$0x10480] =	vst.add.f32.msk $0xffff, v3  }
0x2f2: {  	[tilespmem:s4+$0x10490] =	vst.add.f32.msk $0xffff, v4  }
0x2f3: {  	[tilespmem:s4+$0x104A0] =	vst.add.f32.msk $0xffff, v5  }
0x2f4: {  	[tilespmem:s4+$0x104B0] =	vst.add.f32.msk $0xffff, v6  }
0x2f5: {  	[tilespmem:s4+$0x104C0] =	vst.add.f32.msk $0xffff, v7  }
0x2f6: {  	s15 =	simm.s32 $0x1000;
	s8 =	simm.s32 $0x0;
	[tilespmem:s4+$0x104D0] =	vst.add.f32.msk $0xffff, v8  }
.LBB2_37:
0x2f7: {  	s8 =	sadd.s32 $0x80, s8;
	[tilespmem:s4+$0x104E0] =	vst.add.f32.msk $0xffff, v2;
	s4 =	sshra.s32 s15, $0x2  }
0x2f8: {  	v2 =	vld.idx.msk [tilespmem:v1+s4+$0x0 ss:$0x1], $0xffff;
	p1 =	slt.u32 s8, $0x380  }
0x2f9: {  	v3 =	vld.idx.msk [tilespmem:v1+s4+$0xFFFFFF90 ss:$0x1], $0xffff  }
0x2fa: {  	v4 =	vld.idx.msk [tilespmem:v1+s4+$0xFFFFFFA0 ss:$0x1], $0xffff  }
0x2fb: {  	v5 =	vld.idx.msk [tilespmem:v1+s4+$0xFFFFFFB0 ss:$0x1], $0xffff  }
0x2fc: {  	v6 =	vld.idx.msk [tilespmem:v1+s4+$0xFFFFFFC0 ss:$0x1], $0xffff  }
0x2fd: {  	v7 =	vld.idx.msk [tilespmem:v1+s4+$0xFFFFFFD0 ss:$0x1], $0xffff  }
0x2fe: {  	[tilespmem:s4+$0x104F0] =	vst.add.f32.msk $0xffff, v2  }
0x2ff: {  	v8 =	vld.idx.msk [tilespmem:v1+s4+$0xFFFFFFE0 ss:$0x1], $0xffff  }
0x300: {  	v2 =	vld.idx.msk [tilespmem:v1+s4+$0xFFFFFFF0 ss:$0x1], $0xffff  }
0x301: {  	[tilespmem:s4+$0x10480] =	vst.add.f32.msk $0xffff, v3  }
.Ltmp17:
0x302: {  	[tilespmem:s4+$0x10490] =	vst.add.f32.msk $0xffff, v4;
	(pc) =	sbr.rel @p1 .LBB2_37-.Ltmp17, $4  }
0x303: {  	[tilespmem:s4+$0x104A0] =	vst.add.f32.msk $0xffff, v5  }
0x304: {  	[tilespmem:s4+$0x104B0] =	vst.add.f32.msk $0xffff, v6  }
0x305: {  	[tilespmem:s4+$0x104C0] =	vst.add.f32.msk $0xffff, v7  }
0x306: {  	s15 =	sadd.s32 $0x1000, s15;
	[tilespmem:s4+$0x104D0] =	vst.add.f32.msk $0xffff, v8  }
0x307: {  	(v2sf) =	vpush v0, $0x2;
	_ =	sdelay $0xe  }
0x308: {  	s8 =	spop (v2sf)  }
0x309: {  	s15 =	sshll.u32 s8, $0xC;
	s8 =	sand.u32 $0x7, s8  }
0x30a: {  	s15 =	sand.u32 $0xFFFF8000, s15;
	s8 =	sshll.u32 s8, $0x9  }
0x30b: {  	s8 =	sor.u32 s8, s15  }
0x30c: {  	s8 =	sshra.s32 s8, $0x2  }
0x30d: {  	s8 =	sor.u32 $0x70, s8  }
0x30e: {  	v1 =	vmov s8;
	_ =	sdelay $0x3  }
0x30f: {  	[tilespmem:s4+$0x104E0] =	vst.add.f32.msk $0xffff, v2;
	s4 =	simm.s32 $0x0  }
0x310: {  	v2 =	vld.idx.msk [tilespmem:v1+s4+$0x0 ss:$0x1], $0xffff  }
0x311: {  	v3 =	vld.idx.msk [tilespmem:v1+s4+$0xFFFFFF90 ss:$0x1], $0xffff  }
0x312: {  	v4 =	vld.idx.msk [tilespmem:v1+s4+$0xFFFFFFA0 ss:$0x1], $0xffff  }
0x313: {  	v5 =	vld.idx.msk [tilespmem:v1+s4+$0xFFFFFFB0 ss:$0x1], $0xffff  }
0x314: {  	v6 =	vld.idx.msk [tilespmem:v1+s4+$0xFFFFFFC0 ss:$0x1], $0xffff  }
0x315: {  	v7 =	vld.idx.msk [tilespmem:v1+s4+$0xFFFFFFD0 ss:$0x1], $0xffff  }
0x316: {  	v8 =	vld.idx.msk [tilespmem:v1+s4+$0xFFFFFFE0 ss:$0x1], $0xffff  }
0x317: {  	[tilespmem:s4+$0x10570] =	vst.add.f32.msk $0xffff, v2  }
0x318: {  	v2 =	vld.idx.msk [tilespmem:v1+s4+$0xFFFFFFF0 ss:$0x1], $0xffff  }
0x319: {  	[tilespmem:s4+$0x10500] =	vst.add.f32.msk $0xffff, v3  }
0x31a: {  	[tilespmem:s4+$0x10510] =	vst.add.f32.msk $0xffff, v4  }
0x31b: {  	[tilespmem:s4+$0x10520] =	vst.add.f32.msk $0xffff, v5  }
0x31c: {  	[tilespmem:s4+$0x10530] =	vst.add.f32.msk $0xffff, v6  }
0x31d: {  	[tilespmem:s4+$0x10540] =	vst.add.f32.msk $0xffff, v7  }
0x31e: {  	s15 =	simm.s32 $0x1000;
	s8 =	simm.s32 $0x0;
	[tilespmem:s4+$0x10550] =	vst.add.f32.msk $0xffff, v8  }
.LBB2_39:
0x31f: {  	s8 =	sadd.s32 $0x80, s8;
	[tilespmem:s4+$0x10560] =	vst.add.f32.msk $0xffff, v2;
	s4 =	sshra.s32 s15, $0x2  }
0x320: {  	v2 =	vld.idx.msk [tilespmem:v1+s4+$0x0 ss:$0x1], $0xffff;
	p1 =	slt.u32 s8, $0x380  }
0x321: {  	v3 =	vld.idx.msk [tilespmem:v1+s4+$0xFFFFFF90 ss:$0x1], $0xffff  }
0x322: {  	v4 =	vld.idx.msk [tilespmem:v1+s4+$0xFFFFFFA0 ss:$0x1], $0xffff  }
0x323: {  	v5 =	vld.idx.msk [tilespmem:v1+s4+$0xFFFFFFB0 ss:$0x1], $0xffff  }
0x324: {  	v6 =	vld.idx.msk [tilespmem:v1+s4+$0xFFFFFFC0 ss:$0x1], $0xffff  }
0x325: {  	v7 =	vld.idx.msk [tilespmem:v1+s4+$0xFFFFFFD0 ss:$0x1], $0xffff  }
0x326: {  	[tilespmem:s4+$0x10570] =	vst.add.f32.msk $0xffff, v2  }
0x327: {  	v8 =	vld.idx.msk [tilespmem:v1+s4+$0xFFFFFFE0 ss:$0x1], $0xffff  }
0x328: {  	v2 =	vld.idx.msk [tilespmem:v1+s4+$0xFFFFFFF0 ss:$0x1], $0xffff  }
0x329: {  	[tilespmem:s4+$0x10500] =	vst.add.f32.msk $0xffff, v3  }
.Ltmp18:
0x32a: {  	[tilespmem:s4+$0x10510] =	vst.add.f32.msk $0xffff, v4;
	(pc) =	sbr.rel @p1 .LBB2_39-.Ltmp18, $4  }
0x32b: {  	[tilespmem:s4+$0x10520] =	vst.add.f32.msk $0xffff, v5  }
0x32c: {  	[tilespmem:s4+$0x10530] =	vst.add.f32.msk $0xffff, v6  }
0x32d: {  	[tilespmem:s4+$0x10540] =	vst.add.f32.msk $0xffff, v7  }
0x32e: {  	s15 =	sadd.s32 $0x1000, s15;
	[tilespmem:s4+$0x10550] =	vst.add.f32.msk $0xffff, v8  }
0x32f: {  	(v2sf) =	vpush v0, $0x3;
	_ =	sdelay $0xe  }
0x330: {  	s8 =	spop (v2sf)  }
0x331: {  	s15 =	sshll.u32 s8, $0xC;
	s8 =	sand.u32 $0x7, s8  }
0x332: {  	s15 =	sand.u32 $0xFFFF8000, s15;
	s8 =	sshll.u32 s8, $0x9  }
0x333: {  	s8 =	sor.u32 s8, s15  }
0x334: {  	s8 =	sshra.s32 s8, $0x2  }
0x335: {  	s8 =	sor.u32 $0x70, s8  }
0x336: {  	v1 =	vmov s8;
	_ =	sdelay $0x3  }
0x337: {  	[tilespmem:s4+$0x10560] =	vst.add.f32.msk $0xffff, v2;
	s4 =	simm.s32 $0x0  }
0x338: {  	v2 =	vld.idx.msk [tilespmem:v1+s4+$0x0 ss:$0x1], $0xffff  }
0x339: {  	v3 =	vld.idx.msk [tilespmem:v1+s4+$0xFFFFFF90 ss:$0x1], $0xffff  }
0x33a: {  	v4 =	vld.idx.msk [tilespmem:v1+s4+$0xFFFFFFA0 ss:$0x1], $0xffff  }
0x33b: {  	v5 =	vld.idx.msk [tilespmem:v1+s4+$0xFFFFFFB0 ss:$0x1], $0xffff  }
0x33c: {  	v6 =	vld.idx.msk [tilespmem:v1+s4+$0xFFFFFFC0 ss:$0x1], $0xffff  }
0x33d: {  	v7 =	vld.idx.msk [tilespmem:v1+s4+$0xFFFFFFD0 ss:$0x1], $0xffff  }
0x33e: {  	v8 =	vld.idx.msk [tilespmem:v1+s4+$0xFFFFFFE0 ss:$0x1], $0xffff  }
0x33f: {  	[tilespmem:s4+$0x105F0] =	vst.add.f32.msk $0xffff, v2  }
0x340: {  	v2 =	vld.idx.msk [tilespmem:v1+s4+$0xFFFFFFF0 ss:$0x1], $0xffff  }
0x341: {  	[tilespmem:s4+$0x10580] =	vst.add.f32.msk $0xffff, v3  }
0x342: {  	[tilespmem:s4+$0x10590] =	vst.add.f32.msk $0xffff, v4  }
0x343: {  	[tilespmem:s4+$0x105A0] =	vst.add.f32.msk $0xffff, v5  }
0x344: {  	[tilespmem:s4+$0x105B0] =	vst.add.f32.msk $0xffff, v6  }
0x345: {  	[tilespmem:s4+$0x105C0] =	vst.add.f32.msk $0xffff, v7  }
0x346: {  	s15 =	simm.s32 $0x1000;
	s8 =	simm.s32 $0x0;
	[tilespmem:s4+$0x105D0] =	vst.add.f32.msk $0xffff, v8  }
.LBB2_41:
0x347: {  	s8 =	sadd.s32 $0x80, s8;
	[tilespmem:s4+$0x105E0] =	vst.add.f32.msk $0xffff, v2;
	s4 =	sshra.s32 s15, $0x2  }
0x348: {  	v2 =	vld.idx.msk [tilespmem:v1+s4+$0x0 ss:$0x1], $0xffff;
	p1 =	slt.u32 s8, $0x380  }
0x349: {  	v3 =	vld.idx.msk [tilespmem:v1+s4+$0xFFFFFF90 ss:$0x1], $0xffff  }
0x34a: {  	v4 =	vld.idx.msk [tilespmem:v1+s4+$0xFFFFFFA0 ss:$0x1], $0xffff  }
0x34b: {  	v5 =	vld.idx.msk [tilespmem:v1+s4+$0xFFFFFFB0 ss:$0x1], $0xffff  }
0x34c: {  	v6 =	vld.idx.msk [tilespmem:v1+s4+$0xFFFFFFC0 ss:$0x1], $0xffff  }
0x34d: {  	v7 =	vld.idx.msk [tilespmem:v1+s4+$0xFFFFFFD0 ss:$0x1], $0xffff  }
0x34e: {  	[tilespmem:s4+$0x105F0] =	vst.add.f32.msk $0xffff, v2  }
0x34f: {  	v8 =	vld.idx.msk [tilespmem:v1+s4+$0xFFFFFFE0 ss:$0x1], $0xffff  }
0x350: {  	v2 =	vld.idx.msk [tilespmem:v1+s4+$0xFFFFFFF0 ss:$0x1], $0xffff  }
0x351: {  	[tilespmem:s4+$0x10580] =	vst.add.f32.msk $0xffff, v3  }
.Ltmp19:
0x352: {  	[tilespmem:s4+$0x10590] =	vst.add.f32.msk $0xffff, v4;
	(pc) =	sbr.rel @p1 .LBB2_41-.Ltmp19, $4  }
0x353: {  	[tilespmem:s4+$0x105A0] =	vst.add.f32.msk $0xffff, v5  }
0x354: {  	[tilespmem:s4+$0x105B0] =	vst.add.f32.msk $0xffff, v6  }
0x355: {  	[tilespmem:s4+$0x105C0] =	vst.add.f32.msk $0xffff, v7  }
0x356: {  	s15 =	sadd.s32 $0x1000, s15;
	[tilespmem:s4+$0x105D0] =	vst.add.f32.msk $0xffff, v8  }
0x357: {  	(v2sf) =	vpush v0, $0x4;
	_ =	sdelay $0xe  }
0x358: {  	s8 =	spop (v2sf)  }
0x359: {  	s15 =	sshll.u32 s8, $0xC;
	s8 =	sand.u32 $0x7, s8  }
0x35a: {  	s15 =	sand.u32 $0xFFFF8000, s15;
	s8 =	sshll.u32 s8, $0x9  }
0x35b: {  	s8 =	sor.u32 s8, s15  }
0x35c: {  	s8 =	sshra.s32 s8, $0x2  }
0x35d: {  	s8 =	sor.u32 $0x70, s8  }
0x35e: {  	v1 =	vmov s8;
	_ =	sdelay $0x3  }
0x35f: {  	[tilespmem:s4+$0x105E0] =	vst.add.f32.msk $0xffff, v2;
	s4 =	simm.s32 $0x0  }
0x360: {  	v2 =	vld.idx.msk [tilespmem:v1+s4+$0x0 ss:$0x1], $0xffff  }
0x361: {  	v3 =	vld.idx.msk [tilespmem:v1+s4+$0xFFFFFF90 ss:$0x1], $0xffff  }
0x362: {  	v4 =	vld.idx.msk [tilespmem:v1+s4+$0xFFFFFFA0 ss:$0x1], $0xffff  }
0x363: {  	v5 =	vld.idx.msk [tilespmem:v1+s4+$0xFFFFFFB0 ss:$0x1], $0xffff  }
0x364: {  	v6 =	vld.idx.msk [tilespmem:v1+s4+$0xFFFFFFC0 ss:$0x1], $0xffff  }
0x365: {  	v7 =	vld.idx.msk [tilespmem:v1+s4+$0xFFFFFFD0 ss:$0x1], $0xffff  }
0x366: {  	v8 =	vld.idx.msk [tilespmem:v1+s4+$0xFFFFFFE0 ss:$0x1], $0xffff  }
0x367: {  	[tilespmem:s4+$0x10670] =	vst.add.f32.msk $0xffff, v2  }
0x368: {  	v2 =	vld.idx.msk [tilespmem:v1+s4+$0xFFFFFFF0 ss:$0x1], $0xffff  }
0x369: {  	[tilespmem:s4+$0x10600] =	vst.add.f32.msk $0xffff, v3  }
0x36a: {  	[tilespmem:s4+$0x10610] =	vst.add.f32.msk $0xffff, v4  }
0x36b: {  	[tilespmem:s4+$0x10620] =	vst.add.f32.msk $0xffff, v5  }
0x36c: {  	[tilespmem:s4+$0x10630] =	vst.add.f32.msk $0xffff, v6  }
0x36d: {  	[tilespmem:s4+$0x10640] =	vst.add.f32.msk $0xffff, v7  }
0x36e: {  	s15 =	simm.s32 $0x1000;
	s8 =	simm.s32 $0x0;
	[tilespmem:s4+$0x10650] =	vst.add.f32.msk $0xffff, v8  }
.LBB2_43:
0x36f: {  	s8 =	sadd.s32 $0x80, s8;
	[tilespmem:s4+$0x10660] =	vst.add.f32.msk $0xffff, v2;
	s4 =	sshra.s32 s15, $0x2  }
0x370: {  	v2 =	vld.idx.msk [tilespmem:v1+s4+$0x0 ss:$0x1], $0xffff;
	p1 =	slt.u32 s8, $0x380  }
0x371: {  	v3 =	vld.idx.msk [tilespmem:v1+s4+$0xFFFFFF90 ss:$0x1], $0xffff  }
0x372: {  	v4 =	vld.idx.msk [tilespmem:v1+s4+$0xFFFFFFA0 ss:$0x1], $0xffff  }
0x373: {  	v5 =	vld.idx.msk [tilespmem:v1+s4+$0xFFFFFFB0 ss:$0x1], $0xffff  }
0x374: {  	v6 =	vld.idx.msk [tilespmem:v1+s4+$0xFFFFFFC0 ss:$0x1], $0xffff  }
0x375: {  	v7 =	vld.idx.msk [tilespmem:v1+s4+$0xFFFFFFD0 ss:$0x1], $0xffff  }
0x376: {  	[tilespmem:s4+$0x10670] =	vst.add.f32.msk $0xffff, v2  }
0x377: {  	v8 =	vld.idx.msk [tilespmem:v1+s4+$0xFFFFFFE0 ss:$0x1], $0xffff  }
0x378: {  	v2 =	vld.idx.msk [tilespmem:v1+s4+$0xFFFFFFF0 ss:$0x1], $0xffff  }
0x379: {  	[tilespmem:s4+$0x10600] =	vst.add.f32.msk $0xffff, v3  }
.Ltmp20:
0x37a: {  	[tilespmem:s4+$0x10610] =	vst.add.f32.msk $0xffff, v4;
	(pc) =	sbr.rel @p1 .LBB2_43-.Ltmp20, $4  }
0x37b: {  	[tilespmem:s4+$0x10620] =	vst.add.f32.msk $0xffff, v5  }
0x37c: {  	[tilespmem:s4+$0x10630] =	vst.add.f32.msk $0xffff, v6  }
0x37d: {  	[tilespmem:s4+$0x10640] =	vst.add.f32.msk $0xffff, v7  }
0x37e: {  	s15 =	sadd.s32 $0x1000, s15;
	[tilespmem:s4+$0x10650] =	vst.add.f32.msk $0xffff, v8  }
0x37f: {  	(v2sf) =	vpush v0, $0x5;
	_ =	sdelay $0xe  }
0x380: {  	s8 =	spop (v2sf)  }
0x381: {  	s15 =	sshll.u32 s8, $0xC;
	s8 =	sand.u32 $0x7, s8  }
0x382: {  	s15 =	sand.u32 $0xFFFF8000, s15;
	s8 =	sshll.u32 s8, $0x9  }
0x383: {  	s8 =	sor.u32 s8, s15  }
0x384: {  	s8 =	sshra.s32 s8, $0x2  }
0x385: {  	s8 =	sor.u32 $0x70, s8  }
0x386: {  	v1 =	vmov s8;
	_ =	sdelay $0x3  }
0x387: {  	[tilespmem:s4+$0x10660] =	vst.add.f32.msk $0xffff, v2;
	s4 =	simm.s32 $0x0  }
0x388: {  	v2 =	vld.idx.msk [tilespmem:v1+s4+$0x0 ss:$0x1], $0xffff  }
0x389: {  	v3 =	vld.idx.msk [tilespmem:v1+s4+$0xFFFFFF90 ss:$0x1], $0xffff  }
0x38a: {  	v4 =	vld.idx.msk [tilespmem:v1+s4+$0xFFFFFFA0 ss:$0x1], $0xffff  }
0x38b: {  	v5 =	vld.idx.msk [tilespmem:v1+s4+$0xFFFFFFB0 ss:$0x1], $0xffff  }
0x38c: {  	v6 =	vld.idx.msk [tilespmem:v1+s4+$0xFFFFFFC0 ss:$0x1], $0xffff  }
0x38d: {  	v7 =	vld.idx.msk [tilespmem:v1+s4+$0xFFFFFFD0 ss:$0x1], $0xffff  }
0x38e: {  	v8 =	vld.idx.msk [tilespmem:v1+s4+$0xFFFFFFE0 ss:$0x1], $0xffff  }
0x38f: {  	[tilespmem:s4+$0x106F0] =	vst.add.f32.msk $0xffff, v2  }
0x390: {  	v2 =	vld.idx.msk [tilespmem:v1+s4+$0xFFFFFFF0 ss:$0x1], $0xffff  }
0x391: {  	[tilespmem:s4+$0x10680] =	vst.add.f32.msk $0xffff, v3  }
0x392: {  	[tilespmem:s4+$0x10690] =	vst.add.f32.msk $0xffff, v4  }
0x393: {  	[tilespmem:s4+$0x106A0] =	vst.add.f32.msk $0xffff, v5  }
0x394: {  	[tilespmem:s4+$0x106B0] =	vst.add.f32.msk $0xffff, v6  }
0x395: {  	[tilespmem:s4+$0x106C0] =	vst.add.f32.msk $0xffff, v7  }
0x396: {  	s15 =	simm.s32 $0x1000;
	s8 =	simm.s32 $0x0;
	[tilespmem:s4+$0x106D0] =	vst.add.f32.msk $0xffff, v8  }
.LBB2_45:
0x397: {  	s8 =	sadd.s32 $0x80, s8;
	[tilespmem:s4+$0x106E0] =	vst.add.f32.msk $0xffff, v2;
	s4 =	sshra.s32 s15, $0x2  }
0x398: {  	v2 =	vld.idx.msk [tilespmem:v1+s4+$0x0 ss:$0x1], $0xffff;
	p1 =	slt.u32 s8, $0x380  }
0x399: {  	v3 =	vld.idx.msk [tilespmem:v1+s4+$0xFFFFFF90 ss:$0x1], $0xffff  }
0x39a: {  	v4 =	vld.idx.msk [tilespmem:v1+s4+$0xFFFFFFA0 ss:$0x1], $0xffff  }
0x39b: {  	v5 =	vld.idx.msk [tilespmem:v1+s4+$0xFFFFFFB0 ss:$0x1], $0xffff  }
0x39c: {  	v6 =	vld.idx.msk [tilespmem:v1+s4+$0xFFFFFFC0 ss:$0x1], $0xffff  }
0x39d: {  	v7 =	vld.idx.msk [tilespmem:v1+s4+$0xFFFFFFD0 ss:$0x1], $0xffff  }
0x39e: {  	[tilespmem:s4+$0x106F0] =	vst.add.f32.msk $0xffff, v2  }
0x39f: {  	v8 =	vld.idx.msk [tilespmem:v1+s4+$0xFFFFFFE0 ss:$0x1], $0xffff  }
0x3a0: {  	v2 =	vld.idx.msk [tilespmem:v1+s4+$0xFFFFFFF0 ss:$0x1], $0xffff  }
0x3a1: {  	[tilespmem:s4+$0x10680] =	vst.add.f32.msk $0xffff, v3  }
.Ltmp21:
0x3a2: {  	[tilespmem:s4+$0x10690] =	vst.add.f32.msk $0xffff, v4;
	(pc) =	sbr.rel @p1 .LBB2_45-.Ltmp21, $4  }
0x3a3: {  	[tilespmem:s4+$0x106A0] =	vst.add.f32.msk $0xffff, v5  }
0x3a4: {  	[tilespmem:s4+$0x106B0] =	vst.add.f32.msk $0xffff, v6  }
0x3a5: {  	[tilespmem:s4+$0x106C0] =	vst.add.f32.msk $0xffff, v7  }
0x3a6: {  	s15 =	sadd.s32 $0x1000, s15;
	[tilespmem:s4+$0x106D0] =	vst.add.f32.msk $0xffff, v8  }
0x3a7: {  	(v2sf) =	vpush v0, $0x6;
	_ =	sdelay $0xe  }
0x3a8: {  	s8 =	spop (v2sf)  }
0x3a9: {  	s15 =	sshll.u32 s8, $0xC;
	s8 =	sand.u32 $0x7, s8  }
0x3aa: {  	s15 =	sand.u32 $0xFFFF8000, s15;
	s8 =	sshll.u32 s8, $0x9  }
0x3ab: {  	s8 =	sor.u32 s8, s15  }
0x3ac: {  	s8 =	sshra.s32 s8, $0x2  }
0x3ad: {  	s8 =	sor.u32 $0x70, s8  }
0x3ae: {  	v1 =	vmov s8;
	_ =	sdelay $0x3  }
0x3af: {  	[tilespmem:s4+$0x106E0] =	vst.add.f32.msk $0xffff, v2;
	s4 =	simm.s32 $0x0  }
0x3b0: {  	v2 =	vld.idx.msk [tilespmem:v1+s4+$0x0 ss:$0x1], $0xffff  }
0x3b1: {  	v3 =	vld.idx.msk [tilespmem:v1+s4+$0xFFFFFF90 ss:$0x1], $0xffff  }
0x3b2: {  	v4 =	vld.idx.msk [tilespmem:v1+s4+$0xFFFFFFA0 ss:$0x1], $0xffff  }
0x3b3: {  	v5 =	vld.idx.msk [tilespmem:v1+s4+$0xFFFFFFB0 ss:$0x1], $0xffff  }
0x3b4: {  	v6 =	vld.idx.msk [tilespmem:v1+s4+$0xFFFFFFC0 ss:$0x1], $0xffff  }
0x3b5: {  	v7 =	vld.idx.msk [tilespmem:v1+s4+$0xFFFFFFD0 ss:$0x1], $0xffff  }
0x3b6: {  	v8 =	vld.idx.msk [tilespmem:v1+s4+$0xFFFFFFE0 ss:$0x1], $0xffff  }
0x3b7: {  	[tilespmem:s4+$0x10770] =	vst.add.f32.msk $0xffff, v2  }
0x3b8: {  	v2 =	vld.idx.msk [tilespmem:v1+s4+$0xFFFFFFF0 ss:$0x1], $0xffff  }
0x3b9: {  	[tilespmem:s4+$0x10700] =	vst.add.f32.msk $0xffff, v3  }
0x3ba: {  	[tilespmem:s4+$0x10710] =	vst.add.f32.msk $0xffff, v4  }
0x3bb: {  	[tilespmem:s4+$0x10720] =	vst.add.f32.msk $0xffff, v5  }
0x3bc: {  	[tilespmem:s4+$0x10730] =	vst.add.f32.msk $0xffff, v6  }
0x3bd: {  	[tilespmem:s4+$0x10740] =	vst.add.f32.msk $0xffff, v7  }
0x3be: {  	s15 =	simm.s32 $0x1000;
	s8 =	simm.s32 $0x0;
	[tilespmem:s4+$0x10750] =	vst.add.f32.msk $0xffff, v8  }
.LBB2_47:
0x3bf: {  	s8 =	sadd.s32 $0x80, s8;
	[tilespmem:s4+$0x10760] =	vst.add.f32.msk $0xffff, v2;
	s4 =	sshra.s32 s15, $0x2  }
0x3c0: {  	v2 =	vld.idx.msk [tilespmem:v1+s4+$0x0 ss:$0x1], $0xffff;
	p1 =	slt.u32 s8, $0x380  }
0x3c1: {  	v3 =	vld.idx.msk [tilespmem:v1+s4+$0xFFFFFF90 ss:$0x1], $0xffff  }
0x3c2: {  	v4 =	vld.idx.msk [tilespmem:v1+s4+$0xFFFFFFA0 ss:$0x1], $0xffff  }
0x3c3: {  	v5 =	vld.idx.msk [tilespmem:v1+s4+$0xFFFFFFB0 ss:$0x1], $0xffff  }
0x3c4: {  	v6 =	vld.idx.msk [tilespmem:v1+s4+$0xFFFFFFC0 ss:$0x1], $0xffff  }
0x3c5: {  	v7 =	vld.idx.msk [tilespmem:v1+s4+$0xFFFFFFD0 ss:$0x1], $0xffff  }
0x3c6: {  	[tilespmem:s4+$0x10770] =	vst.add.f32.msk $0xffff, v2  }
0x3c7: {  	v8 =	vld.idx.msk [tilespmem:v1+s4+$0xFFFFFFE0 ss:$0x1], $0xffff  }
0x3c8: {  	v2 =	vld.idx.msk [tilespmem:v1+s4+$0xFFFFFFF0 ss:$0x1], $0xffff  }
0x3c9: {  	[tilespmem:s4+$0x10700] =	vst.add.f32.msk $0xffff, v3  }
.Ltmp22:
0x3ca: {  	[tilespmem:s4+$0x10710] =	vst.add.f32.msk $0xffff, v4;
	(pc) =	sbr.rel @p1 .LBB2_47-.Ltmp22, $4  }
0x3cb: {  	[tilespmem:s4+$0x10720] =	vst.add.f32.msk $0xffff, v5  }
0x3cc: {  	[tilespmem:s4+$0x10730] =	vst.add.f32.msk $0xffff, v6  }
0x3cd: {  	[tilespmem:s4+$0x10740] =	vst.add.f32.msk $0xffff, v7  }
0x3ce: {  	s15 =	sadd.s32 $0x1000, s15;
	[tilespmem:s4+$0x10750] =	vst.add.f32.msk $0xffff, v8  }
0x3cf: {  	(v2sf) =	vpush v0, $0x7;
	_ =	sdelay $0xe  }
0x3d0: {  	s8 =	spop (v2sf)  }
0x3d1: {  	s15 =	sshll.u32 s8, $0xC;
	s8 =	sand.u32 $0x7, s8  }
0x3d2: {  	s15 =	sand.u32 $0xFFFF8000, s15;
	s8 =	sshll.u32 s8, $0x9  }
0x3d3: {  	s8 =	sor.u32 s8, s15  }
0x3d4: {  	s8 =	sshra.s32 s8, $0x2  }
0x3d5: {  	s8 =	sor.u32 $0x70, s8  }
0x3d6: {  	v1 =	vmov s8;
	_ =	sdelay $0x3  }
0x3d7: {  	[tilespmem:s4+$0x10760] =	vst.add.f32.msk $0xffff, v2;
	s4 =	simm.s32 $0x0  }
0x3d8: {  	v2 =	vld.idx.msk [tilespmem:v1+s4+$0x0 ss:$0x1], $0xffff  }
0x3d9: {  	v3 =	vld.idx.msk [tilespmem:v1+s4+$0xFFFFFF90 ss:$0x1], $0xffff  }
0x3da: {  	v4 =	vld.idx.msk [tilespmem:v1+s4+$0xFFFFFFA0 ss:$0x1], $0xffff  }
0x3db: {  	v5 =	vld.idx.msk [tilespmem:v1+s4+$0xFFFFFFB0 ss:$0x1], $0xffff  }
0x3dc: {  	v6 =	vld.idx.msk [tilespmem:v1+s4+$0xFFFFFFC0 ss:$0x1], $0xffff  }
0x3dd: {  	v7 =	vld.idx.msk [tilespmem:v1+s4+$0xFFFFFFD0 ss:$0x1], $0xffff  }
0x3de: {  	v8 =	vld.idx.msk [tilespmem:v1+s4+$0xFFFFFFE0 ss:$0x1], $0xffff  }
0x3df: {  	[tilespmem:s4+$0x107F0] =	vst.add.f32.msk $0xffff, v2  }
0x3e0: {  	v2 =	vld.idx.msk [tilespmem:v1+s4+$0xFFFFFFF0 ss:$0x1], $0xffff  }
0x3e1: {  	[tilespmem:s4+$0x10780] =	vst.add.f32.msk $0xffff, v3  }
0x3e2: {  	[tilespmem:s4+$0x10790] =	vst.add.f32.msk $0xffff, v4  }
0x3e3: {  	[tilespmem:s4+$0x107A0] =	vst.add.f32.msk $0xffff, v5  }
0x3e4: {  	[tilespmem:s4+$0x107B0] =	vst.add.f32.msk $0xffff, v6  }
0x3e5: {  	[tilespmem:s4+$0x107C0] =	vst.add.f32.msk $0xffff, v7  }
0x3e6: {  	s15 =	simm.s32 $0x1000;
	s8 =	simm.s32 $0x0;
	[tilespmem:s4+$0x107D0] =	vst.add.f32.msk $0xffff, v8  }
.LBB2_49:
0x3e7: {  	s8 =	sadd.s32 $0x80, s8;
	[tilespmem:s4+$0x107E0] =	vst.add.f32.msk $0xffff, v2;
	s4 =	sshra.s32 s15, $0x2  }
0x3e8: {  	v2 =	vld.idx.msk [tilespmem:v1+s4+$0x0 ss:$0x1], $0xffff;
	p1 =	slt.u32 s8, $0x380  }
0x3e9: {  	v3 =	vld.idx.msk [tilespmem:v1+s4+$0xFFFFFF90 ss:$0x1], $0xffff  }
0x3ea: {  	v4 =	vld.idx.msk [tilespmem:v1+s4+$0xFFFFFFA0 ss:$0x1], $0xffff  }
0x3eb: {  	v5 =	vld.idx.msk [tilespmem:v1+s4+$0xFFFFFFB0 ss:$0x1], $0xffff  }
0x3ec: {  	v6 =	vld.idx.msk [tilespmem:v1+s4+$0xFFFFFFC0 ss:$0x1], $0xffff  }
0x3ed: {  	v7 =	vld.idx.msk [tilespmem:v1+s4+$0xFFFFFFD0 ss:$0x1], $0xffff  }
0x3ee: {  	[tilespmem:s4+$0x107F0] =	vst.add.f32.msk $0xffff, v2  }
0x3ef: {  	v8 =	vld.idx.msk [tilespmem:v1+s4+$0xFFFFFFE0 ss:$0x1], $0xffff  }
0x3f0: {  	v2 =	vld.idx.msk [tilespmem:v1+s4+$0xFFFFFFF0 ss:$0x1], $0xffff  }
0x3f1: {  	[tilespmem:s4+$0x10780] =	vst.add.f32.msk $0xffff, v3  }
.Ltmp23:
0x3f2: {  	[tilespmem:s4+$0x10790] =	vst.add.f32.msk $0xffff, v4;
	(pc) =	sbr.rel @p1 .LBB2_49-.Ltmp23, $4  }
0x3f3: {  	[tilespmem:s4+$0x107A0] =	vst.add.f32.msk $0xffff, v5  }
0x3f4: {  	[tilespmem:s4+$0x107B0] =	vst.add.f32.msk $0xffff, v6  }
0x3f5: {  	[tilespmem:s4+$0x107C0] =	vst.add.f32.msk $0xffff, v7  }
0x3f6: {  	s15 =	sadd.s32 $0x1000, s15;
	[tilespmem:s4+$0x107D0] =	vst.add.f32.msk $0xffff, v8  }
0x3f7: {  	(v2sf) =	vpush v0, $0x8;
	_ =	sdelay $0xe  }
0x3f8: {  	s8 =	spop (v2sf)  }
0x3f9: {  	s15 =	sshll.u32 s8, $0xC;
	s8 =	sand.u32 $0x7, s8  }
0x3fa: {  	s15 =	sand.u32 $0xFFFF8000, s15;
	s8 =	sshll.u32 s8, $0x9  }
0x3fb: {  	s8 =	sor.u32 s8, s15  }
0x3fc: {  	s8 =	sshra.s32 s8, $0x2  }
0x3fd: {  	s8 =	sor.u32 $0x70, s8  }
0x3fe: {  	v1 =	vmov s8;
	_ =	sdelay $0x3  }
0x3ff: {  	[tilespmem:s4+$0x107E0] =	vst.add.f32.msk $0xffff, v2;
	s4 =	simm.s32 $0x0  }
0x400: {  	v2 =	vld.idx.msk [tilespmem:v1+s4+$0x0 ss:$0x1], $0xffff  }
0x401: {  	v3 =	vld.idx.msk [tilespmem:v1+s4+$0xFFFFFF90 ss:$0x1], $0xffff  }
0x402: {  	v4 =	vld.idx.msk [tilespmem:v1+s4+$0xFFFFFFA0 ss:$0x1], $0xffff  }
0x403: {  	v5 =	vld.idx.msk [tilespmem:v1+s4+$0xFFFFFFB0 ss:$0x1], $0xffff  }
0x404: {  	v6 =	vld.idx.msk [tilespmem:v1+s4+$0xFFFFFFC0 ss:$0x1], $0xffff  }
0x405: {  	v7 =	vld.idx.msk [tilespmem:v1+s4+$0xFFFFFFD0 ss:$0x1], $0xffff  }
0x406: {  	v8 =	vld.idx.msk [tilespmem:v1+s4+$0xFFFFFFE0 ss:$0x1], $0xffff  }
0x407: {  	[tilespmem:s4+$0x12470] =	vst.add.f32.msk $0xffff, v2  }
0x408: {  	v2 =	vld.idx.msk [tilespmem:v1+s4+$0xFFFFFFF0 ss:$0x1], $0xffff  }
0x409: {  	[tilespmem:s4+$0x12400] =	vst.add.f32.msk $0xffff, v3  }
0x40a: {  	[tilespmem:s4+$0x12410] =	vst.add.f32.msk $0xffff, v4  }
0x40b: {  	[tilespmem:s4+$0x12420] =	vst.add.f32.msk $0xffff, v5  }
0x40c: {  	[tilespmem:s4+$0x12430] =	vst.add.f32.msk $0xffff, v6  }
0x40d: {  	[tilespmem:s4+$0x12440] =	vst.add.f32.msk $0xffff, v7  }
0x40e: {  	s15 =	simm.s32 $0x1000;
	s8 =	simm.s32 $0x0;
	[tilespmem:s4+$0x12450] =	vst.add.f32.msk $0xffff, v8  }
.LBB2_51:
0x40f: {  	s8 =	sadd.s32 $0x80, s8;
	[tilespmem:s4+$0x12460] =	vst.add.f32.msk $0xffff, v2;
	s4 =	sshra.s32 s15, $0x2  }
0x410: {  	v2 =	vld.idx.msk [tilespmem:v1+s4+$0x0 ss:$0x1], $0xffff;
	p1 =	slt.u32 s8, $0x380  }
0x411: {  	v3 =	vld.idx.msk [tilespmem:v1+s4+$0xFFFFFF90 ss:$0x1], $0xffff  }
0x412: {  	v4 =	vld.idx.msk [tilespmem:v1+s4+$0xFFFFFFA0 ss:$0x1], $0xffff  }
0x413: {  	v5 =	vld.idx.msk [tilespmem:v1+s4+$0xFFFFFFB0 ss:$0x1], $0xffff  }
0x414: {  	v6 =	vld.idx.msk [tilespmem:v1+s4+$0xFFFFFFC0 ss:$0x1], $0xffff  }
0x415: {  	v7 =	vld.idx.msk [tilespmem:v1+s4+$0xFFFFFFD0 ss:$0x1], $0xffff  }
0x416: {  	[tilespmem:s4+$0x12470] =	vst.add.f32.msk $0xffff, v2  }
0x417: {  	v8 =	vld.idx.msk [tilespmem:v1+s4+$0xFFFFFFE0 ss:$0x1], $0xffff  }
0x418: {  	v2 =	vld.idx.msk [tilespmem:v1+s4+$0xFFFFFFF0 ss:$0x1], $0xffff  }
0x419: {  	[tilespmem:s4+$0x12400] =	vst.add.f32.msk $0xffff, v3  }
.Ltmp24:
0x41a: {  	[tilespmem:s4+$0x12410] =	vst.add.f32.msk $0xffff, v4;
	(pc) =	sbr.rel @p1 .LBB2_51-.Ltmp24, $4  }
0x41b: {  	[tilespmem:s4+$0x12420] =	vst.add.f32.msk $0xffff, v5  }
0x41c: {  	[tilespmem:s4+$0x12430] =	vst.add.f32.msk $0xffff, v6  }
0x41d: {  	[tilespmem:s4+$0x12440] =	vst.add.f32.msk $0xffff, v7  }
0x41e: {  	s15 =	sadd.s32 $0x1000, s15;
	[tilespmem:s4+$0x12450] =	vst.add.f32.msk $0xffff, v8  }
0x41f: {  	(v2sf) =	vpush v0, $0x9;
	_ =	sdelay $0xe  }
0x420: {  	s8 =	spop (v2sf)  }
0x421: {  	s15 =	sshll.u32 s8, $0xC;
	s8 =	sand.u32 $0x7, s8  }
0x422: {  	s15 =	sand.u32 $0xFFFF8000, s15;
	s8 =	sshll.u32 s8, $0x9  }
0x423: {  	s8 =	sor.u32 s8, s15  }
0x424: {  	s8 =	sshra.s32 s8, $0x2  }
0x425: {  	s8 =	sor.u32 $0x70, s8  }
0x426: {  	v1 =	vmov s8;
	_ =	sdelay $0x3  }
0x427: {  	[tilespmem:s4+$0x12460] =	vst.add.f32.msk $0xffff, v2;
	s4 =	simm.s32 $0x0  }
0x428: {  	v2 =	vld.idx.msk [tilespmem:v1+s4+$0x0 ss:$0x1], $0xffff  }
0x429: {  	v3 =	vld.idx.msk [tilespmem:v1+s4+$0xFFFFFF90 ss:$0x1], $0xffff  }
0x42a: {  	v4 =	vld.idx.msk [tilespmem:v1+s4+$0xFFFFFFA0 ss:$0x1], $0xffff  }
0x42b: {  	v5 =	vld.idx.msk [tilespmem:v1+s4+$0xFFFFFFB0 ss:$0x1], $0xffff  }
0x42c: {  	v6 =	vld.idx.msk [tilespmem:v1+s4+$0xFFFFFFC0 ss:$0x1], $0xffff  }
0x42d: {  	v7 =	vld.idx.msk [tilespmem:v1+s4+$0xFFFFFFD0 ss:$0x1], $0xffff  }
0x42e: {  	v8 =	vld.idx.msk [tilespmem:v1+s4+$0xFFFFFFE0 ss:$0x1], $0xffff  }
0x42f: {  	[tilespmem:s4+$0x124F0] =	vst.add.f32.msk $0xffff, v2  }
0x430: {  	v2 =	vld.idx.msk [tilespmem:v1+s4+$0xFFFFFFF0 ss:$0x1], $0xffff  }
0x431: {  	[tilespmem:s4+$0x12480] =	vst.add.f32.msk $0xffff, v3  }
0x432: {  	[tilespmem:s4+$0x12490] =	vst.add.f32.msk $0xffff, v4  }
0x433: {  	[tilespmem:s4+$0x124A0] =	vst.add.f32.msk $0xffff, v5  }
0x434: {  	[tilespmem:s4+$0x124B0] =	vst.add.f32.msk $0xffff, v6  }
0x435: {  	[tilespmem:s4+$0x124C0] =	vst.add.f32.msk $0xffff, v7  }
0x436: {  	s15 =	simm.s32 $0x1000;
	s8 =	simm.s32 $0x0;
	[tilespmem:s4+$0x124D0] =	vst.add.f32.msk $0xffff, v8  }
.LBB2_53:
0x437: {  	s8 =	sadd.s32 $0x80, s8;
	[tilespmem:s4+$0x124E0] =	vst.add.f32.msk $0xffff, v2;
	s4 =	sshra.s32 s15, $0x2  }
0x438: {  	v2 =	vld.idx.msk [tilespmem:v1+s4+$0x0 ss:$0x1], $0xffff;
	p1 =	slt.u32 s8, $0x380  }
0x439: {  	v3 =	vld.idx.msk [tilespmem:v1+s4+$0xFFFFFF90 ss:$0x1], $0xffff  }
0x43a: {  	v4 =	vld.idx.msk [tilespmem:v1+s4+$0xFFFFFFA0 ss:$0x1], $0xffff  }
0x43b: {  	v5 =	vld.idx.msk [tilespmem:v1+s4+$0xFFFFFFB0 ss:$0x1], $0xffff  }
0x43c: {  	v6 =	vld.idx.msk [tilespmem:v1+s4+$0xFFFFFFC0 ss:$0x1], $0xffff  }
0x43d: {  	v7 =	vld.idx.msk [tilespmem:v1+s4+$0xFFFFFFD0 ss:$0x1], $0xffff  }
0x43e: {  	[tilespmem:s4+$0x124F0] =	vst.add.f32.msk $0xffff, v2  }
0x43f: {  	v8 =	vld.idx.msk [tilespmem:v1+s4+$0xFFFFFFE0 ss:$0x1], $0xffff  }
0x440: {  	v2 =	vld.idx.msk [tilespmem:v1+s4+$0xFFFFFFF0 ss:$0x1], $0xffff  }
0x441: {  	[tilespmem:s4+$0x12480] =	vst.add.f32.msk $0xffff, v3  }
.Ltmp25:
0x442: {  	[tilespmem:s4+$0x12490] =	vst.add.f32.msk $0xffff, v4;
	(pc) =	sbr.rel @p1 .LBB2_53-.Ltmp25, $4  }
0x443: {  	[tilespmem:s4+$0x124A0] =	vst.add.f32.msk $0xffff, v5  }
0x444: {  	[tilespmem:s4+$0x124B0] =	vst.add.f32.msk $0xffff, v6  }
0x445: {  	[tilespmem:s4+$0x124C0] =	vst.add.f32.msk $0xffff, v7  }
0x446: {  	s15 =	sadd.s32 $0x1000, s15;
	[tilespmem:s4+$0x124D0] =	vst.add.f32.msk $0xffff, v8  }
0x447: {  	(v2sf) =	vpush v0, $0xA;
	_ =	sdelay $0xe  }
0x448: {  	s8 =	spop (v2sf)  }
0x449: {  	s15 =	sshll.u32 s8, $0xC;
	s8 =	sand.u32 $0x7, s8  }
0x44a: {  	s15 =	sand.u32 $0xFFFF8000, s15;
	s8 =	sshll.u32 s8, $0x9  }
0x44b: {  	s8 =	sor.u32 s8, s15  }
0x44c: {  	s8 =	sshra.s32 s8, $0x2  }
0x44d: {  	s8 =	sor.u32 $0x70, s8  }
0x44e: {  	v1 =	vmov s8;
	_ =	sdelay $0x3  }
0x44f: {  	[tilespmem:s4+$0x124E0] =	vst.add.f32.msk $0xffff, v2;
	s4 =	simm.s32 $0x0  }
0x450: {  	v2 =	vld.idx.msk [tilespmem:v1+s4+$0x0 ss:$0x1], $0xffff  }
0x451: {  	v3 =	vld.idx.msk [tilespmem:v1+s4+$0xFFFFFF90 ss:$0x1], $0xffff  }
0x452: {  	v4 =	vld.idx.msk [tilespmem:v1+s4+$0xFFFFFFA0 ss:$0x1], $0xffff  }
0x453: {  	v5 =	vld.idx.msk [tilespmem:v1+s4+$0xFFFFFFB0 ss:$0x1], $0xffff  }
0x454: {  	v6 =	vld.idx.msk [tilespmem:v1+s4+$0xFFFFFFC0 ss:$0x1], $0xffff  }
0x455: {  	v7 =	vld.idx.msk [tilespmem:v1+s4+$0xFFFFFFD0 ss:$0x1], $0xffff  }
0x456: {  	v8 =	vld.idx.msk [tilespmem:v1+s4+$0xFFFFFFE0 ss:$0x1], $0xffff  }
0x457: {  	[tilespmem:s4+$0x12570] =	vst.add.f32.msk $0xffff, v2  }
0x458: {  	v2 =	vld.idx.msk [tilespmem:v1+s4+$0xFFFFFFF0 ss:$0x1], $0xffff  }
0x459: {  	[tilespmem:s4+$0x12500] =	vst.add.f32.msk $0xffff, v3  }
0x45a: {  	[tilespmem:s4+$0x12510] =	vst.add.f32.msk $0xffff, v4  }
0x45b: {  	[tilespmem:s4+$0x12520] =	vst.add.f32.msk $0xffff, v5  }
0x45c: {  	[tilespmem:s4+$0x12530] =	vst.add.f32.msk $0xffff, v6  }
0x45d: {  	[tilespmem:s4+$0x12540] =	vst.add.f32.msk $0xffff, v7  }
0x45e: {  	s15 =	simm.s32 $0x1000;
	s8 =	simm.s32 $0x0;
	[tilespmem:s4+$0x12550] =	vst.add.f32.msk $0xffff, v8  }
.LBB2_55:
0x45f: {  	s8 =	sadd.s32 $0x80, s8;
	[tilespmem:s4+$0x12560] =	vst.add.f32.msk $0xffff, v2;
	s4 =	sshra.s32 s15, $0x2  }
0x460: {  	v2 =	vld.idx.msk [tilespmem:v1+s4+$0x0 ss:$0x1], $0xffff;
	p1 =	slt.u32 s8, $0x380  }
0x461: {  	v3 =	vld.idx.msk [tilespmem:v1+s4+$0xFFFFFF90 ss:$0x1], $0xffff  }
0x462: {  	v4 =	vld.idx.msk [tilespmem:v1+s4+$0xFFFFFFA0 ss:$0x1], $0xffff  }
0x463: {  	v5 =	vld.idx.msk [tilespmem:v1+s4+$0xFFFFFFB0 ss:$0x1], $0xffff  }
0x464: {  	v6 =	vld.idx.msk [tilespmem:v1+s4+$0xFFFFFFC0 ss:$0x1], $0xffff  }
0x465: {  	v7 =	vld.idx.msk [tilespmem:v1+s4+$0xFFFFFFD0 ss:$0x1], $0xffff  }
0x466: {  	[tilespmem:s4+$0x12570] =	vst.add.f32.msk $0xffff, v2  }
0x467: {  	v8 =	vld.idx.msk [tilespmem:v1+s4+$0xFFFFFFE0 ss:$0x1], $0xffff  }
0x468: {  	v2 =	vld.idx.msk [tilespmem:v1+s4+$0xFFFFFFF0 ss:$0x1], $0xffff  }
0x469: {  	[tilespmem:s4+$0x12500] =	vst.add.f32.msk $0xffff, v3  }
.Ltmp26:
0x46a: {  	[tilespmem:s4+$0x12510] =	vst.add.f32.msk $0xffff, v4;
	(pc) =	sbr.rel @p1 .LBB2_55-.Ltmp26, $4  }
0x46b: {  	[tilespmem:s4+$0x12520] =	vst.add.f32.msk $0xffff, v5  }
0x46c: {  	[tilespmem:s4+$0x12530] =	vst.add.f32.msk $0xffff, v6  }
0x46d: {  	[tilespmem:s4+$0x12540] =	vst.add.f32.msk $0xffff, v7  }
0x46e: {  	s15 =	sadd.s32 $0x1000, s15;
	[tilespmem:s4+$0x12550] =	vst.add.f32.msk $0xffff, v8  }
0x46f: {  	(v2sf) =	vpush v0, $0xB;
	_ =	sdelay $0xe  }
0x470: {  	s8 =	spop (v2sf)  }
0x471: {  	s15 =	sshll.u32 s8, $0xC;
	s8 =	sand.u32 $0x7, s8  }
0x472: {  	s15 =	sand.u32 $0xFFFF8000, s15;
	s8 =	sshll.u32 s8, $0x9  }
0x473: {  	s8 =	sor.u32 s8, s15  }
0x474: {  	s8 =	sshra.s32 s8, $0x2  }
0x475: {  	s8 =	sor.u32 $0x70, s8  }
0x476: {  	v1 =	vmov s8;
	_ =	sdelay $0x3  }
0x477: {  	[tilespmem:s4+$0x12560] =	vst.add.f32.msk $0xffff, v2;
	s4 =	simm.s32 $0x0  }
0x478: {  	v2 =	vld.idx.msk [tilespmem:v1+s4+$0x0 ss:$0x1], $0xffff  }
0x479: {  	v3 =	vld.idx.msk [tilespmem:v1+s4+$0xFFFFFF90 ss:$0x1], $0xffff  }
0x47a: {  	v4 =	vld.idx.msk [tilespmem:v1+s4+$0xFFFFFFA0 ss:$0x1], $0xffff  }
0x47b: {  	v5 =	vld.idx.msk [tilespmem:v1+s4+$0xFFFFFFB0 ss:$0x1], $0xffff  }
0x47c: {  	v6 =	vld.idx.msk [tilespmem:v1+s4+$0xFFFFFFC0 ss:$0x1], $0xffff  }
0x47d: {  	v7 =	vld.idx.msk [tilespmem:v1+s4+$0xFFFFFFD0 ss:$0x1], $0xffff  }
0x47e: {  	v8 =	vld.idx.msk [tilespmem:v1+s4+$0xFFFFFFE0 ss:$0x1], $0xffff  }
0x47f: {  	[tilespmem:s4+$0x125F0] =	vst.add.f32.msk $0xffff, v2  }
0x480: {  	v2 =	vld.idx.msk [tilespmem:v1+s4+$0xFFFFFFF0 ss:$0x1], $0xffff  }
0x481: {  	[tilespmem:s4+$0x12580] =	vst.add.f32.msk $0xffff, v3  }
0x482: {  	[tilespmem:s4+$0x12590] =	vst.add.f32.msk $0xffff, v4  }
0x483: {  	[tilespmem:s4+$0x125A0] =	vst.add.f32.msk $0xffff, v5  }
0x484: {  	[tilespmem:s4+$0x125B0] =	vst.add.f32.msk $0xffff, v6  }
0x485: {  	[tilespmem:s4+$0x125C0] =	vst.add.f32.msk $0xffff, v7  }
0x486: {  	s15 =	simm.s32 $0x1000;
	s8 =	simm.s32 $0x0;
	[tilespmem:s4+$0x125D0] =	vst.add.f32.msk $0xffff, v8  }
.LBB2_57:
0x487: {  	s8 =	sadd.s32 $0x80, s8;
	[tilespmem:s4+$0x125E0] =	vst.add.f32.msk $0xffff, v2;
	s4 =	sshra.s32 s15, $0x2  }
0x488: {  	v2 =	vld.idx.msk [tilespmem:v1+s4+$0x0 ss:$0x1], $0xffff;
	p1 =	slt.u32 s8, $0x380  }
0x489: {  	v3 =	vld.idx.msk [tilespmem:v1+s4+$0xFFFFFF90 ss:$0x1], $0xffff  }
0x48a: {  	v4 =	vld.idx.msk [tilespmem:v1+s4+$0xFFFFFFA0 ss:$0x1], $0xffff  }
0x48b: {  	v5 =	vld.idx.msk [tilespmem:v1+s4+$0xFFFFFFB0 ss:$0x1], $0xffff  }
0x48c: {  	v6 =	vld.idx.msk [tilespmem:v1+s4+$0xFFFFFFC0 ss:$0x1], $0xffff  }
0x48d: {  	v7 =	vld.idx.msk [tilespmem:v1+s4+$0xFFFFFFD0 ss:$0x1], $0xffff  }
0x48e: {  	[tilespmem:s4+$0x125F0] =	vst.add.f32.msk $0xffff, v2  }
0x48f: {  	v8 =	vld.idx.msk [tilespmem:v1+s4+$0xFFFFFFE0 ss:$0x1], $0xffff  }
0x490: {  	v2 =	vld.idx.msk [tilespmem:v1+s4+$0xFFFFFFF0 ss:$0x1], $0xffff  }
0x491: {  	[tilespmem:s4+$0x12580] =	vst.add.f32.msk $0xffff, v3  }
.Ltmp27:
0x492: {  	[tilespmem:s4+$0x12590] =	vst.add.f32.msk $0xffff, v4;
	(pc) =	sbr.rel @p1 .LBB2_57-.Ltmp27, $4  }
0x493: {  	[tilespmem:s4+$0x125A0] =	vst.add.f32.msk $0xffff, v5  }
0x494: {  	[tilespmem:s4+$0x125B0] =	vst.add.f32.msk $0xffff, v6  }
0x495: {  	[tilespmem:s4+$0x125C0] =	vst.add.f32.msk $0xffff, v7  }
0x496: {  	s15 =	sadd.s32 $0x1000, s15;
	[tilespmem:s4+$0x125D0] =	vst.add.f32.msk $0xffff, v8  }
0x497: {  	(v2sf) =	vpush v0, $0xC;
	_ =	sdelay $0xe  }
0x498: {  	s8 =	spop (v2sf)  }
0x499: {  	s15 =	sshll.u32 s8, $0xC;
	s8 =	sand.u32 $0x7, s8  }
0x49a: {  	s15 =	sand.u32 $0xFFFF8000, s15;
	s8 =	sshll.u32 s8, $0x9  }
0x49b: {  	s8 =	sor.u32 s8, s15  }
0x49c: {  	s8 =	sshra.s32 s8, $0x2  }
0x49d: {  	s8 =	sor.u32 $0x70, s8  }
0x49e: {  	v1 =	vmov s8;
	_ =	sdelay $0x3  }
0x49f: {  	[tilespmem:s4+$0x125E0] =	vst.add.f32.msk $0xffff, v2;
	s4 =	simm.s32 $0x0  }
0x4a0: {  	v2 =	vld.idx.msk [tilespmem:v1+s4+$0x0 ss:$0x1], $0xffff  }
0x4a1: {  	v3 =	vld.idx.msk [tilespmem:v1+s4+$0xFFFFFF90 ss:$0x1], $0xffff  }
0x4a2: {  	v4 =	vld.idx.msk [tilespmem:v1+s4+$0xFFFFFFA0 ss:$0x1], $0xffff  }
0x4a3: {  	v5 =	vld.idx.msk [tilespmem:v1+s4+$0xFFFFFFB0 ss:$0x1], $0xffff  }
0x4a4: {  	v6 =	vld.idx.msk [tilespmem:v1+s4+$0xFFFFFFC0 ss:$0x1], $0xffff  }
0x4a5: {  	v7 =	vld.idx.msk [tilespmem:v1+s4+$0xFFFFFFD0 ss:$0x1], $0xffff  }
0x4a6: {  	v8 =	vld.idx.msk [tilespmem:v1+s4+$0xFFFFFFE0 ss:$0x1], $0xffff  }
0x4a7: {  	[tilespmem:s4+$0x12670] =	vst.add.f32.msk $0xffff, v2  }
0x4a8: {  	v2 =	vld.idx.msk [tilespmem:v1+s4+$0xFFFFFFF0 ss:$0x1], $0xffff  }
0x4a9: {  	[tilespmem:s4+$0x12600] =	vst.add.f32.msk $0xffff, v3  }
0x4aa: {  	[tilespmem:s4+$0x12610] =	vst.add.f32.msk $0xffff, v4  }
0x4ab: {  	[tilespmem:s4+$0x12620] =	vst.add.f32.msk $0xffff, v5  }
0x4ac: {  	[tilespmem:s4+$0x12630] =	vst.add.f32.msk $0xffff, v6  }
0x4ad: {  	[tilespmem:s4+$0x12640] =	vst.add.f32.msk $0xffff, v7  }
0x4ae: {  	s15 =	simm.s32 $0x1000;
	s8 =	simm.s32 $0x0;
	[tilespmem:s4+$0x12650] =	vst.add.f32.msk $0xffff, v8  }
.LBB2_59:
0x4af: {  	s8 =	sadd.s32 $0x80, s8;
	[tilespmem:s4+$0x12660] =	vst.add.f32.msk $0xffff, v2;
	s4 =	sshra.s32 s15, $0x2  }
0x4b0: {  	v2 =	vld.idx.msk [tilespmem:v1+s4+$0x0 ss:$0x1], $0xffff;
	p1 =	slt.u32 s8, $0x380  }
0x4b1: {  	v3 =	vld.idx.msk [tilespmem:v1+s4+$0xFFFFFF90 ss:$0x1], $0xffff  }
0x4b2: {  	v4 =	vld.idx.msk [tilespmem:v1+s4+$0xFFFFFFA0 ss:$0x1], $0xffff  }
0x4b3: {  	v5 =	vld.idx.msk [tilespmem:v1+s4+$0xFFFFFFB0 ss:$0x1], $0xffff  }
0x4b4: {  	v6 =	vld.idx.msk [tilespmem:v1+s4+$0xFFFFFFC0 ss:$0x1], $0xffff  }
0x4b5: {  	v7 =	vld.idx.msk [tilespmem:v1+s4+$0xFFFFFFD0 ss:$0x1], $0xffff  }
0x4b6: {  	[tilespmem:s4+$0x12670] =	vst.add.f32.msk $0xffff, v2  }
0x4b7: {  	v8 =	vld.idx.msk [tilespmem:v1+s4+$0xFFFFFFE0 ss:$0x1], $0xffff  }
0x4b8: {  	v2 =	vld.idx.msk [tilespmem:v1+s4+$0xFFFFFFF0 ss:$0x1], $0xffff  }
0x4b9: {  	[tilespmem:s4+$0x12600] =	vst.add.f32.msk $0xffff, v3  }
.Ltmp28:
0x4ba: {  	[tilespmem:s4+$0x12610] =	vst.add.f32.msk $0xffff, v4;
	(pc) =	sbr.rel @p1 .LBB2_59-.Ltmp28, $4  }
0x4bb: {  	[tilespmem:s4+$0x12620] =	vst.add.f32.msk $0xffff, v5  }
0x4bc: {  	[tilespmem:s4+$0x12630] =	vst.add.f32.msk $0xffff, v6  }
0x4bd: {  	[tilespmem:s4+$0x12640] =	vst.add.f32.msk $0xffff, v7  }
0x4be: {  	s15 =	sadd.s32 $0x1000, s15;
	[tilespmem:s4+$0x12650] =	vst.add.f32.msk $0xffff, v8  }
0x4bf: {  	(v2sf) =	vpush v0, $0xD;
	_ =	sdelay $0xe  }
0x4c0: {  	s8 =	spop (v2sf)  }
0x4c1: {  	s15 =	sshll.u32 s8, $0xC;
	s8 =	sand.u32 $0x7, s8  }
0x4c2: {  	s15 =	sand.u32 $0xFFFF8000, s15;
	s8 =	sshll.u32 s8, $0x9  }
0x4c3: {  	s8 =	sor.u32 s8, s15  }
0x4c4: {  	s8 =	sshra.s32 s8, $0x2  }
0x4c5: {  	s8 =	sor.u32 $0x70, s8  }
0x4c6: {  	v1 =	vmov s8;
	_ =	sdelay $0x3  }
0x4c7: {  	[tilespmem:s4+$0x12660] =	vst.add.f32.msk $0xffff, v2;
	s4 =	simm.s32 $0x0  }
0x4c8: {  	v2 =	vld.idx.msk [tilespmem:v1+s4+$0x0 ss:$0x1], $0xffff  }
0x4c9: {  	v3 =	vld.idx.msk [tilespmem:v1+s4+$0xFFFFFF90 ss:$0x1], $0xffff  }
0x4ca: {  	v4 =	vld.idx.msk [tilespmem:v1+s4+$0xFFFFFFA0 ss:$0x1], $0xffff  }
0x4cb: {  	v5 =	vld.idx.msk [tilespmem:v1+s4+$0xFFFFFFB0 ss:$0x1], $0xffff  }
0x4cc: {  	v6 =	vld.idx.msk [tilespmem:v1+s4+$0xFFFFFFC0 ss:$0x1], $0xffff  }
0x4cd: {  	v7 =	vld.idx.msk [tilespmem:v1+s4+$0xFFFFFFD0 ss:$0x1], $0xffff  }
0x4ce: {  	v8 =	vld.idx.msk [tilespmem:v1+s4+$0xFFFFFFE0 ss:$0x1], $0xffff  }
0x4cf: {  	[tilespmem:s4+$0x126F0] =	vst.add.f32.msk $0xffff, v2  }
0x4d0: {  	v2 =	vld.idx.msk [tilespmem:v1+s4+$0xFFFFFFF0 ss:$0x1], $0xffff  }
0x4d1: {  	[tilespmem:s4+$0x12680] =	vst.add.f32.msk $0xffff, v3  }
0x4d2: {  	[tilespmem:s4+$0x12690] =	vst.add.f32.msk $0xffff, v4  }
0x4d3: {  	[tilespmem:s4+$0x126A0] =	vst.add.f32.msk $0xffff, v5  }
0x4d4: {  	[tilespmem:s4+$0x126B0] =	vst.add.f32.msk $0xffff, v6  }
0x4d5: {  	[tilespmem:s4+$0x126C0] =	vst.add.f32.msk $0xffff, v7  }
0x4d6: {  	s15 =	simm.s32 $0x1000;
	s8 =	simm.s32 $0x0;
	[tilespmem:s4+$0x126D0] =	vst.add.f32.msk $0xffff, v8  }
.LBB2_61:
0x4d7: {  	s8 =	sadd.s32 $0x80, s8;
	[tilespmem:s4+$0x126E0] =	vst.add.f32.msk $0xffff, v2;
	s4 =	sshra.s32 s15, $0x2  }
0x4d8: {  	v2 =	vld.idx.msk [tilespmem:v1+s4+$0x0 ss:$0x1], $0xffff;
	p1 =	slt.u32 s8, $0x380  }
0x4d9: {  	v3 =	vld.idx.msk [tilespmem:v1+s4+$0xFFFFFF90 ss:$0x1], $0xffff  }
0x4da: {  	v4 =	vld.idx.msk [tilespmem:v1+s4+$0xFFFFFFA0 ss:$0x1], $0xffff  }
0x4db: {  	v5 =	vld.idx.msk [tilespmem:v1+s4+$0xFFFFFFB0 ss:$0x1], $0xffff  }
0x4dc: {  	v6 =	vld.idx.msk [tilespmem:v1+s4+$0xFFFFFFC0 ss:$0x1], $0xffff  }
0x4dd: {  	v7 =	vld.idx.msk [tilespmem:v1+s4+$0xFFFFFFD0 ss:$0x1], $0xffff  }
0x4de: {  	[tilespmem:s4+$0x126F0] =	vst.add.f32.msk $0xffff, v2  }
0x4df: {  	v8 =	vld.idx.msk [tilespmem:v1+s4+$0xFFFFFFE0 ss:$0x1], $0xffff  }
0x4e0: {  	v2 =	vld.idx.msk [tilespmem:v1+s4+$0xFFFFFFF0 ss:$0x1], $0xffff  }
0x4e1: {  	[tilespmem:s4+$0x12680] =	vst.add.f32.msk $0xffff, v3  }
.Ltmp29:
0x4e2: {  	[tilespmem:s4+$0x12690] =	vst.add.f32.msk $0xffff, v4;
	(pc) =	sbr.rel @p1 .LBB2_61-.Ltmp29, $4  }
0x4e3: {  	[tilespmem:s4+$0x126A0] =	vst.add.f32.msk $0xffff, v5  }
0x4e4: {  	[tilespmem:s4+$0x126B0] =	vst.add.f32.msk $0xffff, v6  }
0x4e5: {  	[tilespmem:s4+$0x126C0] =	vst.add.f32.msk $0xffff, v7  }
0x4e6: {  	s15 =	sadd.s32 $0x1000, s15;
	[tilespmem:s4+$0x126D0] =	vst.add.f32.msk $0xffff, v8  }
0x4e7: {  	(v2sf) =	vpush v0, $0xE;
	_ =	sdelay $0xe  }
0x4e8: {  	s8 =	spop (v2sf)  }
0x4e9: {  	s15 =	sshll.u32 s8, $0xC;
	s8 =	sand.u32 $0x7, s8  }
0x4ea: {  	s15 =	sand.u32 $0xFFFF8000, s15;
	s8 =	sshll.u32 s8, $0x9  }
0x4eb: {  	s8 =	sor.u32 s8, s15  }
0x4ec: {  	s8 =	sshra.s32 s8, $0x2  }
0x4ed: {  	s8 =	sor.u32 $0x70, s8  }
0x4ee: {  	v1 =	vmov s8;
	_ =	sdelay $0x3  }
0x4ef: {  	[tilespmem:s4+$0x126E0] =	vst.add.f32.msk $0xffff, v2;
	s4 =	simm.s32 $0x0  }
0x4f0: {  	v2 =	vld.idx.msk [tilespmem:v1+s4+$0x0 ss:$0x1], $0xffff  }
0x4f1: {  	v3 =	vld.idx.msk [tilespmem:v1+s4+$0xFFFFFF90 ss:$0x1], $0xffff  }
0x4f2: {  	v4 =	vld.idx.msk [tilespmem:v1+s4+$0xFFFFFFA0 ss:$0x1], $0xffff  }
0x4f3: {  	v5 =	vld.idx.msk [tilespmem:v1+s4+$0xFFFFFFB0 ss:$0x1], $0xffff  }
0x4f4: {  	v6 =	vld.idx.msk [tilespmem:v1+s4+$0xFFFFFFC0 ss:$0x1], $0xffff  }
0x4f5: {  	v7 =	vld.idx.msk [tilespmem:v1+s4+$0xFFFFFFD0 ss:$0x1], $0xffff  }
0x4f6: {  	v8 =	vld.idx.msk [tilespmem:v1+s4+$0xFFFFFFE0 ss:$0x1], $0xffff  }
0x4f7: {  	[tilespmem:s4+$0x12770] =	vst.add.f32.msk $0xffff, v2  }
0x4f8: {  	v2 =	vld.idx.msk [tilespmem:v1+s4+$0xFFFFFFF0 ss:$0x1], $0xffff  }
0x4f9: {  	[tilespmem:s4+$0x12700] =	vst.add.f32.msk $0xffff, v3  }
0x4fa: {  	[tilespmem:s4+$0x12710] =	vst.add.f32.msk $0xffff, v4  }
0x4fb: {  	[tilespmem:s4+$0x12720] =	vst.add.f32.msk $0xffff, v5  }
0x4fc: {  	[tilespmem:s4+$0x12730] =	vst.add.f32.msk $0xffff, v6  }
0x4fd: {  	[tilespmem:s4+$0x12740] =	vst.add.f32.msk $0xffff, v7  }
0x4fe: {  	s15 =	simm.s32 $0x1000;
	s8 =	simm.s32 $0x0;
	[tilespmem:s4+$0x12750] =	vst.add.f32.msk $0xffff, v8  }
.LBB2_63:
0x4ff: {  	s8 =	sadd.s32 $0x80, s8;
	[tilespmem:s4+$0x12760] =	vst.add.f32.msk $0xffff, v2;
	s4 =	sshra.s32 s15, $0x2  }
0x500: {  	v2 =	vld.idx.msk [tilespmem:v1+s4+$0x0 ss:$0x1], $0xffff;
	p1 =	slt.u32 s8, $0x380  }
0x501: {  	v3 =	vld.idx.msk [tilespmem:v1+s4+$0xFFFFFF90 ss:$0x1], $0xffff  }
0x502: {  	v4 =	vld.idx.msk [tilespmem:v1+s4+$0xFFFFFFA0 ss:$0x1], $0xffff  }
0x503: {  	v5 =	vld.idx.msk [tilespmem:v1+s4+$0xFFFFFFB0 ss:$0x1], $0xffff  }
0x504: {  	v6 =	vld.idx.msk [tilespmem:v1+s4+$0xFFFFFFC0 ss:$0x1], $0xffff  }
0x505: {  	v7 =	vld.idx.msk [tilespmem:v1+s4+$0xFFFFFFD0 ss:$0x1], $0xffff  }
0x506: {  	[tilespmem:s4+$0x12770] =	vst.add.f32.msk $0xffff, v2  }
0x507: {  	v8 =	vld.idx.msk [tilespmem:v1+s4+$0xFFFFFFE0 ss:$0x1], $0xffff  }
0x508: {  	v2 =	vld.idx.msk [tilespmem:v1+s4+$0xFFFFFFF0 ss:$0x1], $0xffff  }
0x509: {  	[tilespmem:s4+$0x12700] =	vst.add.f32.msk $0xffff, v3  }
.Ltmp30:
0x50a: {  	[tilespmem:s4+$0x12710] =	vst.add.f32.msk $0xffff, v4;
	(pc) =	sbr.rel @p1 .LBB2_63-.Ltmp30, $4  }
0x50b: {  	[tilespmem:s4+$0x12720] =	vst.add.f32.msk $0xffff, v5  }
0x50c: {  	[tilespmem:s4+$0x12730] =	vst.add.f32.msk $0xffff, v6  }
0x50d: {  	[tilespmem:s4+$0x12740] =	vst.add.f32.msk $0xffff, v7  }
0x50e: {  	s15 =	sadd.s32 $0x1000, s15;
	[tilespmem:s4+$0x12750] =	vst.add.f32.msk $0xffff, v8  }
0x50f: {  	(v2sf) =	vpush v0, $0xF;
	_ =	sdelay $0xe  }
0x510: {  	s8 =	spop (v2sf)  }
0x511: {  	s15 =	sshll.u32 s8, $0xC;
	s8 =	sand.u32 $0x7, s8  }
0x512: {  	s15 =	sand.u32 $0xFFFF8000, s15;
	s8 =	sshll.u32 s8, $0x9  }
0x513: {  	s8 =	sor.u32 s8, s15  }
0x514: {  	s8 =	sshra.s32 s8, $0x2  }
0x515: {  	s8 =	sor.u32 $0x70, s8  }
0x516: {  	v0 =	vmov s8;
	_ =	sdelay $0x3  }
0x517: {  	[tilespmem:s4+$0x12760] =	vst.add.f32.msk $0xffff, v2;
	s4 =	simm.s32 $0x0  }
0x518: {  	v1 =	vld.idx.msk [tilespmem:v0+s4+$0x0 ss:$0x1], $0xffff  }
0x519: {  	v2 =	vld.idx.msk [tilespmem:v0+s4+$0xFFFFFF90 ss:$0x1], $0xffff  }
0x51a: {  	v3 =	vld.idx.msk [tilespmem:v0+s4+$0xFFFFFFA0 ss:$0x1], $0xffff  }
0x51b: {  	v4 =	vld.idx.msk [tilespmem:v0+s4+$0xFFFFFFB0 ss:$0x1], $0xffff  }
0x51c: {  	v5 =	vld.idx.msk [tilespmem:v0+s4+$0xFFFFFFC0 ss:$0x1], $0xffff  }
0x51d: {  	v6 =	vld.idx.msk [tilespmem:v0+s4+$0xFFFFFFD0 ss:$0x1], $0xffff  }
0x51e: {  	v7 =	vld.idx.msk [tilespmem:v0+s4+$0xFFFFFFE0 ss:$0x1], $0xffff  }
0x51f: {  	[tilespmem:s4+$0x127F0] =	vst.add.f32.msk $0xffff, v1  }
0x520: {  	v1 =	vld.idx.msk [tilespmem:v0+s4+$0xFFFFFFF0 ss:$0x1], $0xffff  }
0x521: {  	[tilespmem:s4+$0x12780] =	vst.add.f32.msk $0xffff, v2  }
0x522: {  	[tilespmem:s4+$0x12790] =	vst.add.f32.msk $0xffff, v3  }
0x523: {  	[tilespmem:s4+$0x127A0] =	vst.add.f32.msk $0xffff, v4  }
0x524: {  	[tilespmem:s4+$0x127B0] =	vst.add.f32.msk $0xffff, v5  }
0x525: {  	[tilespmem:s4+$0x127C0] =	vst.add.f32.msk $0xffff, v6  }
0x526: {  	s15 =	simm.s32 $0x1000;
	s8 =	simm.s32 $0x0;
	[tilespmem:s4+$0x127D0] =	vst.add.f32.msk $0xffff, v7  }
.LBB2_65:
0x527: {  	s8 =	sadd.s32 $0x80, s8;
	[tilespmem:s4+$0x127E0] =	vst.add.f32.msk $0xffff, v1;
	s4 =	sshra.s32 s15, $0x2  }
0x528: {  	v1 =	vld.idx.msk [tilespmem:v0+s4+$0x0 ss:$0x1], $0xffff;
	p1 =	slt.u32 s8, $0x380  }
0x529: {  	v2 =	vld.idx.msk [tilespmem:v0+s4+$0xFFFFFF90 ss:$0x1], $0xffff  }
0x52a: {  	v3 =	vld.idx.msk [tilespmem:v0+s4+$0xFFFFFFA0 ss:$0x1], $0xffff  }
0x52b: {  	v4 =	vld.idx.msk [tilespmem:v0+s4+$0xFFFFFFB0 ss:$0x1], $0xffff  }
0x52c: {  	v5 =	vld.idx.msk [tilespmem:v0+s4+$0xFFFFFFC0 ss:$0x1], $0xffff  }
0x52d: {  	v6 =	vld.idx.msk [tilespmem:v0+s4+$0xFFFFFFD0 ss:$0x1], $0xffff  }
0x52e: {  	[tilespmem:s4+$0x127F0] =	vst.add.f32.msk $0xffff, v1  }
0x52f: {  	v7 =	vld.idx.msk [tilespmem:v0+s4+$0xFFFFFFE0 ss:$0x1], $0xffff  }
0x530: {  	v1 =	vld.idx.msk [tilespmem:v0+s4+$0xFFFFFFF0 ss:$0x1], $0xffff  }
0x531: {  	[tilespmem:s4+$0x12780] =	vst.add.f32.msk $0xffff, v2  }
.Ltmp31:
0x532: {  	[tilespmem:s4+$0x12790] =	vst.add.f32.msk $0xffff, v3;
	(pc) =	sbr.rel @p1 .LBB2_65-.Ltmp31, $4  }
0x533: {  	[tilespmem:s4+$0x127A0] =	vst.add.f32.msk $0xffff, v4  }
0x534: {  	[tilespmem:s4+$0x127B0] =	vst.add.f32.msk $0xffff, v5  }
0x535: {  	[tilespmem:s4+$0x127C0] =	vst.add.f32.msk $0xffff, v6  }
0x536: {  	s15 =	sadd.s32 $0x1000, s15;
	[tilespmem:s4+$0x127D0] =	vst.add.f32.msk $0xffff, v7  }
0x537: {  	[tilespmem:s4+$0x127E0] =	vst.add.f32.msk $0xffff, v1  }
0x538: {  	s18 =	sadd.s32 s5, s7;
	s15 =	sshll.u32 s1, $0x6;
	_ =	swait.ge [sflag:s24], $0x4000  }
0x539: {  	s8 =	sshrl.u32 s10, $0x3;
	s4 =	sshll.u32 s18, $0x7;
	[sflag:s24] =	ssyncset.done $0x0  }
0x53a: {  	s7 =	sor.u32 $0x1C07, s15;
	s4 =	sadd.s32 s3, s4;
	[sflag:s24] =	ssyncadd.s32 $0xFFFFC000  }
0x53b: {  	[hbm:s4], [sflag:s7] =	dma.local [spmem:s8], $0x800  }
0x53c: {  	s4 =	simm.s32 @!p0 $0x8  }
0x53d: {  	_ =	swait.ge @!p0 [sflag:s4], $0x800  }
0x53e: {  	[sflag:s4] =	ssyncset.done @!p0 $0x0  }
0x53f: {  	[sflag:s4] =	ssyncadd.s32 @!p0 $0xFFFFF800  }
0x540: {  	[spmem:s11] =	stream.linear.scatter [tilespmem:s17], [sflag:$0x6], $0x4000, $0x38;
	[tilespmem:$0x1C400] =	vst v63  }
0x541: {  	s2 =	sshll.u32 s2, $0x4;
	p0 =	seq.s32 s0, $0xF;
	_ =	swait.ge [sflag:s25], $0x4000  }
0x542: {  	s4 =	sshll.u32 @!p0 s0, $0xD;
	s18 =	simm.s32 @!p0 $0x0;
	[sflag:s25] =	ssyncset.done $0x0  }
0x543: {  	s31 =	simm.s32 @!p0 $0xC400;
	s16 =	sadd.s32 @!p0 s4, s12;
	[sflag:s25] =	ssyncadd.s32 $0xFFFFC000  }
0x544: {  	[tilespmem:s31], [sflag:$0x1] =	stream.linear.gather @!p0 [hbm4b:s16+s18], $0x4000, $0x38;
	[tilespmem:$0x1C400] =	vst v63  }
0x545: {  	v0 =	vld [tilespmem:s2+$0x4000];
	_ =	sdelay $0x4  }
0x546: {  	(v2sf) =	vpush v0, $0x0;
	_ =	sdelay $0xe  }
0x547: {  	s16 =	spop (v2sf)  }
0x548: {  	s18 =	sshll.u32 s16, $0xC;
	s16 =	sand.u32 $0x7, s16  }
0x549: {  	s18 =	sand.u32 $0xFFFF8000, s18;
	s16 =	sshll.u32 s16, $0x9  }
0x54a: {  	s16 =	sor.u32 s16, s18  }
0x54b: {  	s16 =	sshra.s32 s16, $0x2  }
0x54c: {  	s16 =	sor.u32 $0x70, s16  }
0x54d: {  	v1 =	vmov s16;
	_ =	sdelay $0x3  }
0x54e: {  	s18 =	simm.s32 $0x0  }
0x54f: {  	v2 =	vld.idx.msk [tilespmem:v1+s18+$0x0 ss:$0x1], $0xffff  }
0x550: {  	v3 =	vld.idx.msk [tilespmem:v1+s18+$0xFFFFFF90 ss:$0x1], $0xffff  }
0x551: {  	v4 =	vld.idx.msk [tilespmem:v1+s18+$0xFFFFFFA0 ss:$0x1], $0xffff  }
0x552: {  	v5 =	vld.idx.msk [tilespmem:v1+s18+$0xFFFFFFB0 ss:$0x1], $0xffff  }
0x553: {  	v6 =	vld.idx.msk [tilespmem:v1+s18+$0xFFFFFFC0 ss:$0x1], $0xffff  }
0x554: {  	v7 =	vld.idx.msk [tilespmem:v1+s18+$0xFFFFFFD0 ss:$0x1], $0xffff  }
0x555: {  	v8 =	vld.idx.msk [tilespmem:v1+s18+$0xFFFFFFE0 ss:$0x1], $0xffff  }
0x556: {  	[tilespmem:s18+$0x14470] =	vst.add.f32.msk $0xffff, v2  }
0x557: {  	v2 =	vld.idx.msk [tilespmem:v1+s18+$0xFFFFFFF0 ss:$0x1], $0xffff  }
0x558: {  	[tilespmem:s18+$0x14400] =	vst.add.f32.msk $0xffff, v3  }
0x559: {  	[tilespmem:s18+$0x14410] =	vst.add.f32.msk $0xffff, v4  }
0x55a: {  	[tilespmem:s18+$0x14420] =	vst.add.f32.msk $0xffff, v5  }
0x55b: {  	[tilespmem:s18+$0x14430] =	vst.add.f32.msk $0xffff, v6  }
0x55c: {  	[tilespmem:s18+$0x14440] =	vst.add.f32.msk $0xffff, v7  }
0x55d: {  	s31 =	simm.s32 $0x0;
	s16 =	simm.s32 $0x1000;
	[tilespmem:s18+$0x14450] =	vst.add.f32.msk $0xffff, v8  }
.LBB2_67:
0x55e: {  	s31 =	sadd.s32 $0x80, s31;
	[tilespmem:s18+$0x14460] =	vst.add.f32.msk $0xffff, v2;
	s18 =	sshra.s32 s16, $0x2  }
0x55f: {  	v2 =	vld.idx.msk [tilespmem:v1+s18+$0x0 ss:$0x1], $0xffff;
	p1 =	slt.u32 s31, $0x380  }
0x560: {  	v3 =	vld.idx.msk [tilespmem:v1+s18+$0xFFFFFF90 ss:$0x1], $0xffff  }
0x561: {  	v4 =	vld.idx.msk [tilespmem:v1+s18+$0xFFFFFFA0 ss:$0x1], $0xffff  }
0x562: {  	v5 =	vld.idx.msk [tilespmem:v1+s18+$0xFFFFFFB0 ss:$0x1], $0xffff  }
0x563: {  	v6 =	vld.idx.msk [tilespmem:v1+s18+$0xFFFFFFC0 ss:$0x1], $0xffff  }
0x564: {  	v7 =	vld.idx.msk [tilespmem:v1+s18+$0xFFFFFFD0 ss:$0x1], $0xffff  }
0x565: {  	[tilespmem:s18+$0x14470] =	vst.add.f32.msk $0xffff, v2  }
0x566: {  	v8 =	vld.idx.msk [tilespmem:v1+s18+$0xFFFFFFE0 ss:$0x1], $0xffff  }
0x567: {  	v2 =	vld.idx.msk [tilespmem:v1+s18+$0xFFFFFFF0 ss:$0x1], $0xffff  }
0x568: {  	[tilespmem:s18+$0x14400] =	vst.add.f32.msk $0xffff, v3  }
.Ltmp32:
0x569: {  	[tilespmem:s18+$0x14410] =	vst.add.f32.msk $0xffff, v4;
	(pc) =	sbr.rel @p1 .LBB2_67-.Ltmp32, $4  }
0x56a: {  	[tilespmem:s18+$0x14420] =	vst.add.f32.msk $0xffff, v5  }
0x56b: {  	[tilespmem:s18+$0x14430] =	vst.add.f32.msk $0xffff, v6  }
0x56c: {  	[tilespmem:s18+$0x14440] =	vst.add.f32.msk $0xffff, v7  }
0x56d: {  	s16 =	sadd.s32 $0x1000, s16;
	[tilespmem:s18+$0x14450] =	vst.add.f32.msk $0xffff, v8  }
0x56e: {  	(v2sf) =	vpush v0, $0x1;
	_ =	sdelay $0xe  }
0x56f: {  	s16 =	spop (v2sf)  }
0x570: {  	s31 =	sshll.u32 s16, $0xC;
	s16 =	sand.u32 $0x7, s16  }
0x571: {  	s31 =	sand.u32 $0xFFFF8000, s31;
	s16 =	sshll.u32 s16, $0x9  }
0x572: {  	s16 =	sor.u32 s16, s31  }
0x573: {  	s16 =	sshra.s32 s16, $0x2  }
0x574: {  	s16 =	sor.u32 $0x70, s16  }
0x575: {  	v1 =	vmov s16;
	_ =	sdelay $0x3  }
0x576: {  	[tilespmem:s18+$0x14460] =	vst.add.f32.msk $0xffff, v2;
	s18 =	simm.s32 $0x0  }
0x577: {  	v2 =	vld.idx.msk [tilespmem:v1+s18+$0x0 ss:$0x1], $0xffff  }
0x578: {  	v3 =	vld.idx.msk [tilespmem:v1+s18+$0xFFFFFF90 ss:$0x1], $0xffff  }
0x579: {  	v4 =	vld.idx.msk [tilespmem:v1+s18+$0xFFFFFFA0 ss:$0x1], $0xffff  }
0x57a: {  	v5 =	vld.idx.msk [tilespmem:v1+s18+$0xFFFFFFB0 ss:$0x1], $0xffff  }
0x57b: {  	v6 =	vld.idx.msk [tilespmem:v1+s18+$0xFFFFFFC0 ss:$0x1], $0xffff  }
0x57c: {  	v7 =	vld.idx.msk [tilespmem:v1+s18+$0xFFFFFFD0 ss:$0x1], $0xffff  }
0x57d: {  	v8 =	vld.idx.msk [tilespmem:v1+s18+$0xFFFFFFE0 ss:$0x1], $0xffff  }
0x57e: {  	[tilespmem:s18+$0x144F0] =	vst.add.f32.msk $0xffff, v2  }
0x57f: {  	v2 =	vld.idx.msk [tilespmem:v1+s18+$0xFFFFFFF0 ss:$0x1], $0xffff  }
0x580: {  	[tilespmem:s18+$0x14480] =	vst.add.f32.msk $0xffff, v3  }
0x581: {  	[tilespmem:s18+$0x14490] =	vst.add.f32.msk $0xffff, v4  }
0x582: {  	[tilespmem:s18+$0x144A0] =	vst.add.f32.msk $0xffff, v5  }
0x583: {  	[tilespmem:s18+$0x144B0] =	vst.add.f32.msk $0xffff, v6  }
0x584: {  	[tilespmem:s18+$0x144C0] =	vst.add.f32.msk $0xffff, v7  }
0x585: {  	s31 =	simm.s32 $0x0;
	s16 =	simm.s32 $0x1000;
	[tilespmem:s18+$0x144D0] =	vst.add.f32.msk $0xffff, v8  }
.LBB2_69:
0x586: {  	s31 =	sadd.s32 $0x80, s31;
	[tilespmem:s18+$0x144E0] =	vst.add.f32.msk $0xffff, v2;
	s18 =	sshra.s32 s16, $0x2  }
0x587: {  	v2 =	vld.idx.msk [tilespmem:v1+s18+$0x0 ss:$0x1], $0xffff;
	p1 =	slt.u32 s31, $0x380  }
0x588: {  	v3 =	vld.idx.msk [tilespmem:v1+s18+$0xFFFFFF90 ss:$0x1], $0xffff  }
0x589: {  	v4 =	vld.idx.msk [tilespmem:v1+s18+$0xFFFFFFA0 ss:$0x1], $0xffff  }
0x58a: {  	v5 =	vld.idx.msk [tilespmem:v1+s18+$0xFFFFFFB0 ss:$0x1], $0xffff  }
0x58b: {  	v6 =	vld.idx.msk [tilespmem:v1+s18+$0xFFFFFFC0 ss:$0x1], $0xffff  }
0x58c: {  	v7 =	vld.idx.msk [tilespmem:v1+s18+$0xFFFFFFD0 ss:$0x1], $0xffff  }
0x58d: {  	[tilespmem:s18+$0x144F0] =	vst.add.f32.msk $0xffff, v2  }
0x58e: {  	v8 =	vld.idx.msk [tilespmem:v1+s18+$0xFFFFFFE0 ss:$0x1], $0xffff  }
0x58f: {  	v2 =	vld.idx.msk [tilespmem:v1+s18+$0xFFFFFFF0 ss:$0x1], $0xffff  }
0x590: {  	[tilespmem:s18+$0x14480] =	vst.add.f32.msk $0xffff, v3  }
.Ltmp33:
0x591: {  	[tilespmem:s18+$0x14490] =	vst.add.f32.msk $0xffff, v4;
	(pc) =	sbr.rel @p1 .LBB2_69-.Ltmp33, $4  }
0x592: {  	[tilespmem:s18+$0x144A0] =	vst.add.f32.msk $0xffff, v5  }
0x593: {  	[tilespmem:s18+$0x144B0] =	vst.add.f32.msk $0xffff, v6  }
0x594: {  	[tilespmem:s18+$0x144C0] =	vst.add.f32.msk $0xffff, v7  }
0x595: {  	s16 =	sadd.s32 $0x1000, s16;
	[tilespmem:s18+$0x144D0] =	vst.add.f32.msk $0xffff, v8  }
0x596: {  	(v2sf) =	vpush v0, $0x2;
	_ =	sdelay $0xe  }
0x597: {  	s16 =	spop (v2sf)  }
0x598: {  	s31 =	sshll.u32 s16, $0xC;
	s16 =	sand.u32 $0x7, s16  }
0x599: {  	s31 =	sand.u32 $0xFFFF8000, s31;
	s16 =	sshll.u32 s16, $0x9  }
0x59a: {  	s16 =	sor.u32 s16, s31  }
0x59b: {  	s16 =	sshra.s32 s16, $0x2  }
0x59c: {  	s16 =	sor.u32 $0x70, s16  }
0x59d: {  	v1 =	vmov s16;
	_ =	sdelay $0x3  }
0x59e: {  	[tilespmem:s18+$0x144E0] =	vst.add.f32.msk $0xffff, v2;
	s18 =	simm.s32 $0x0  }
0x59f: {  	v2 =	vld.idx.msk [tilespmem:v1+s18+$0x0 ss:$0x1], $0xffff  }
0x5a0: {  	v3 =	vld.idx.msk [tilespmem:v1+s18+$0xFFFFFF90 ss:$0x1], $0xffff  }
0x5a1: {  	v4 =	vld.idx.msk [tilespmem:v1+s18+$0xFFFFFFA0 ss:$0x1], $0xffff  }
0x5a2: {  	v5 =	vld.idx.msk [tilespmem:v1+s18+$0xFFFFFFB0 ss:$0x1], $0xffff  }
0x5a3: {  	v6 =	vld.idx.msk [tilespmem:v1+s18+$0xFFFFFFC0 ss:$0x1], $0xffff  }
0x5a4: {  	v7 =	vld.idx.msk [tilespmem:v1+s18+$0xFFFFFFD0 ss:$0x1], $0xffff  }
0x5a5: {  	v8 =	vld.idx.msk [tilespmem:v1+s18+$0xFFFFFFE0 ss:$0x1], $0xffff  }
0x5a6: {  	[tilespmem:s18+$0x14570] =	vst.add.f32.msk $0xffff, v2  }
0x5a7: {  	v2 =	vld.idx.msk [tilespmem:v1+s18+$0xFFFFFFF0 ss:$0x1], $0xffff  }
0x5a8: {  	[tilespmem:s18+$0x14500] =	vst.add.f32.msk $0xffff, v3  }
0x5a9: {  	[tilespmem:s18+$0x14510] =	vst.add.f32.msk $0xffff, v4  }
0x5aa: {  	[tilespmem:s18+$0x14520] =	vst.add.f32.msk $0xffff, v5  }
0x5ab: {  	[tilespmem:s18+$0x14530] =	vst.add.f32.msk $0xffff, v6  }
0x5ac: {  	[tilespmem:s18+$0x14540] =	vst.add.f32.msk $0xffff, v7  }
0x5ad: {  	s31 =	simm.s32 $0x0;
	s16 =	simm.s32 $0x1000;
	[tilespmem:s18+$0x14550] =	vst.add.f32.msk $0xffff, v8  }
.LBB2_71:
0x5ae: {  	s31 =	sadd.s32 $0x80, s31;
	[tilespmem:s18+$0x14560] =	vst.add.f32.msk $0xffff, v2;
	s18 =	sshra.s32 s16, $0x2  }
0x5af: {  	v2 =	vld.idx.msk [tilespmem:v1+s18+$0x0 ss:$0x1], $0xffff;
	p1 =	slt.u32 s31, $0x380  }
0x5b0: {  	v3 =	vld.idx.msk [tilespmem:v1+s18+$0xFFFFFF90 ss:$0x1], $0xffff  }
0x5b1: {  	v4 =	vld.idx.msk [tilespmem:v1+s18+$0xFFFFFFA0 ss:$0x1], $0xffff  }
0x5b2: {  	v5 =	vld.idx.msk [tilespmem:v1+s18+$0xFFFFFFB0 ss:$0x1], $0xffff  }
0x5b3: {  	v6 =	vld.idx.msk [tilespmem:v1+s18+$0xFFFFFFC0 ss:$0x1], $0xffff  }
0x5b4: {  	v7 =	vld.idx.msk [tilespmem:v1+s18+$0xFFFFFFD0 ss:$0x1], $0xffff  }
0x5b5: {  	[tilespmem:s18+$0x14570] =	vst.add.f32.msk $0xffff, v2  }
0x5b6: {  	v8 =	vld.idx.msk [tilespmem:v1+s18+$0xFFFFFFE0 ss:$0x1], $0xffff  }
0x5b7: {  	v2 =	vld.idx.msk [tilespmem:v1+s18+$0xFFFFFFF0 ss:$0x1], $0xffff  }
0x5b8: {  	[tilespmem:s18+$0x14500] =	vst.add.f32.msk $0xffff, v3  }
.Ltmp34:
0x5b9: {  	[tilespmem:s18+$0x14510] =	vst.add.f32.msk $0xffff, v4;
	(pc) =	sbr.rel @p1 .LBB2_71-.Ltmp34, $4  }
0x5ba: {  	[tilespmem:s18+$0x14520] =	vst.add.f32.msk $0xffff, v5  }
0x5bb: {  	[tilespmem:s18+$0x14530] =	vst.add.f32.msk $0xffff, v6  }
0x5bc: {  	[tilespmem:s18+$0x14540] =	vst.add.f32.msk $0xffff, v7  }
0x5bd: {  	s16 =	sadd.s32 $0x1000, s16;
	[tilespmem:s18+$0x14550] =	vst.add.f32.msk $0xffff, v8  }
0x5be: {  	(v2sf) =	vpush v0, $0x3;
	_ =	sdelay $0xe  }
0x5bf: {  	s16 =	spop (v2sf)  }
0x5c0: {  	s31 =	sshll.u32 s16, $0xC;
	s16 =	sand.u32 $0x7, s16  }
0x5c1: {  	s31 =	sand.u32 $0xFFFF8000, s31;
	s16 =	sshll.u32 s16, $0x9  }
0x5c2: {  	s16 =	sor.u32 s16, s31  }
0x5c3: {  	s16 =	sshra.s32 s16, $0x2  }
0x5c4: {  	s16 =	sor.u32 $0x70, s16  }
0x5c5: {  	v1 =	vmov s16;
	_ =	sdelay $0x3  }
0x5c6: {  	[tilespmem:s18+$0x14560] =	vst.add.f32.msk $0xffff, v2;
	s18 =	simm.s32 $0x0  }
0x5c7: {  	v2 =	vld.idx.msk [tilespmem:v1+s18+$0x0 ss:$0x1], $0xffff  }
0x5c8: {  	v3 =	vld.idx.msk [tilespmem:v1+s18+$0xFFFFFF90 ss:$0x1], $0xffff  }
0x5c9: {  	v4 =	vld.idx.msk [tilespmem:v1+s18+$0xFFFFFFA0 ss:$0x1], $0xffff  }
0x5ca: {  	v5 =	vld.idx.msk [tilespmem:v1+s18+$0xFFFFFFB0 ss:$0x1], $0xffff  }
0x5cb: {  	v6 =	vld.idx.msk [tilespmem:v1+s18+$0xFFFFFFC0 ss:$0x1], $0xffff  }
0x5cc: {  	v7 =	vld.idx.msk [tilespmem:v1+s18+$0xFFFFFFD0 ss:$0x1], $0xffff  }
0x5cd: {  	v8 =	vld.idx.msk [tilespmem:v1+s18+$0xFFFFFFE0 ss:$0x1], $0xffff  }
0x5ce: {  	[tilespmem:s18+$0x145F0] =	vst.add.f32.msk $0xffff, v2  }
0x5cf: {  	v2 =	vld.idx.msk [tilespmem:v1+s18+$0xFFFFFFF0 ss:$0x1], $0xffff  }
0x5d0: {  	[tilespmem:s18+$0x14580] =	vst.add.f32.msk $0xffff, v3  }
0x5d1: {  	[tilespmem:s18+$0x14590] =	vst.add.f32.msk $0xffff, v4  }
0x5d2: {  	[tilespmem:s18+$0x145A0] =	vst.add.f32.msk $0xffff, v5  }
0x5d3: {  	[tilespmem:s18+$0x145B0] =	vst.add.f32.msk $0xffff, v6  }
0x5d4: {  	[tilespmem:s18+$0x145C0] =	vst.add.f32.msk $0xffff, v7  }
0x5d5: {  	s31 =	simm.s32 $0x0;
	s16 =	simm.s32 $0x1000;
	[tilespmem:s18+$0x145D0] =	vst.add.f32.msk $0xffff, v8  }
.LBB2_73:
0x5d6: {  	s31 =	sadd.s32 $0x80, s31;
	[tilespmem:s18+$0x145E0] =	vst.add.f32.msk $0xffff, v2;
	s18 =	sshra.s32 s16, $0x2  }
0x5d7: {  	v2 =	vld.idx.msk [tilespmem:v1+s18+$0x0 ss:$0x1], $0xffff;
	p1 =	slt.u32 s31, $0x380  }
0x5d8: {  	v3 =	vld.idx.msk [tilespmem:v1+s18+$0xFFFFFF90 ss:$0x1], $0xffff  }
0x5d9: {  	v4 =	vld.idx.msk [tilespmem:v1+s18+$0xFFFFFFA0 ss:$0x1], $0xffff  }
0x5da: {  	v5 =	vld.idx.msk [tilespmem:v1+s18+$0xFFFFFFB0 ss:$0x1], $0xffff  }
0x5db: {  	v6 =	vld.idx.msk [tilespmem:v1+s18+$0xFFFFFFC0 ss:$0x1], $0xffff  }
0x5dc: {  	v7 =	vld.idx.msk [tilespmem:v1+s18+$0xFFFFFFD0 ss:$0x1], $0xffff  }
0x5dd: {  	[tilespmem:s18+$0x145F0] =	vst.add.f32.msk $0xffff, v2  }
0x5de: {  	v8 =	vld.idx.msk [tilespmem:v1+s18+$0xFFFFFFE0 ss:$0x1], $0xffff  }
0x5df: {  	v2 =	vld.idx.msk [tilespmem:v1+s18+$0xFFFFFFF0 ss:$0x1], $0xffff  }
0x5e0: {  	[tilespmem:s18+$0x14580] =	vst.add.f32.msk $0xffff, v3  }
.Ltmp35:
0x5e1: {  	[tilespmem:s18+$0x14590] =	vst.add.f32.msk $0xffff, v4;
	(pc) =	sbr.rel @p1 .LBB2_73-.Ltmp35, $4  }
0x5e2: {  	[tilespmem:s18+$0x145A0] =	vst.add.f32.msk $0xffff, v5  }
0x5e3: {  	[tilespmem:s18+$0x145B0] =	vst.add.f32.msk $0xffff, v6  }
0x5e4: {  	[tilespmem:s18+$0x145C0] =	vst.add.f32.msk $0xffff, v7  }
0x5e5: {  	s16 =	sadd.s32 $0x1000, s16;
	[tilespmem:s18+$0x145D0] =	vst.add.f32.msk $0xffff, v8  }
0x5e6: {  	(v2sf) =	vpush v0, $0x4;
	_ =	sdelay $0xe  }
0x5e7: {  	s16 =	spop (v2sf)  }
0x5e8: {  	s31 =	sshll.u32 s16, $0xC;
	s16 =	sand.u32 $0x7, s16  }
0x5e9: {  	s31 =	sand.u32 $0xFFFF8000, s31;
	s16 =	sshll.u32 s16, $0x9  }
0x5ea: {  	s16 =	sor.u32 s16, s31  }
0x5eb: {  	s16 =	sshra.s32 s16, $0x2  }
0x5ec: {  	s16 =	sor.u32 $0x70, s16  }
0x5ed: {  	v1 =	vmov s16;
	_ =	sdelay $0x3  }
0x5ee: {  	[tilespmem:s18+$0x145E0] =	vst.add.f32.msk $0xffff, v2;
	s18 =	simm.s32 $0x0  }
0x5ef: {  	v2 =	vld.idx.msk [tilespmem:v1+s18+$0x0 ss:$0x1], $0xffff  }
0x5f0: {  	v3 =	vld.idx.msk [tilespmem:v1+s18+$0xFFFFFF90 ss:$0x1], $0xffff  }
0x5f1: {  	v4 =	vld.idx.msk [tilespmem:v1+s18+$0xFFFFFFA0 ss:$0x1], $0xffff  }
0x5f2: {  	v5 =	vld.idx.msk [tilespmem:v1+s18+$0xFFFFFFB0 ss:$0x1], $0xffff  }
0x5f3: {  	v6 =	vld.idx.msk [tilespmem:v1+s18+$0xFFFFFFC0 ss:$0x1], $0xffff  }
0x5f4: {  	v7 =	vld.idx.msk [tilespmem:v1+s18+$0xFFFFFFD0 ss:$0x1], $0xffff  }
0x5f5: {  	v8 =	vld.idx.msk [tilespmem:v1+s18+$0xFFFFFFE0 ss:$0x1], $0xffff  }
0x5f6: {  	[tilespmem:s18+$0x14670] =	vst.add.f32.msk $0xffff, v2  }
0x5f7: {  	v2 =	vld.idx.msk [tilespmem:v1+s18+$0xFFFFFFF0 ss:$0x1], $0xffff  }
0x5f8: {  	[tilespmem:s18+$0x14600] =	vst.add.f32.msk $0xffff, v3  }
0x5f9: {  	[tilespmem:s18+$0x14610] =	vst.add.f32.msk $0xffff, v4  }
0x5fa: {  	[tilespmem:s18+$0x14620] =	vst.add.f32.msk $0xffff, v5  }
0x5fb: {  	[tilespmem:s18+$0x14630] =	vst.add.f32.msk $0xffff, v6  }
0x5fc: {  	[tilespmem:s18+$0x14640] =	vst.add.f32.msk $0xffff, v7  }
0x5fd: {  	s31 =	simm.s32 $0x0;
	s16 =	simm.s32 $0x1000;
	[tilespmem:s18+$0x14650] =	vst.add.f32.msk $0xffff, v8  }
.LBB2_75:
0x5fe: {  	s31 =	sadd.s32 $0x80, s31;
	[tilespmem:s18+$0x14660] =	vst.add.f32.msk $0xffff, v2;
	s18 =	sshra.s32 s16, $0x2  }
0x5ff: {  	v2 =	vld.idx.msk [tilespmem:v1+s18+$0x0 ss:$0x1], $0xffff;
	p1 =	slt.u32 s31, $0x380  }
0x600: {  	v3 =	vld.idx.msk [tilespmem:v1+s18+$0xFFFFFF90 ss:$0x1], $0xffff  }
0x601: {  	v4 =	vld.idx.msk [tilespmem:v1+s18+$0xFFFFFFA0 ss:$0x1], $0xffff  }
0x602: {  	v5 =	vld.idx.msk [tilespmem:v1+s18+$0xFFFFFFB0 ss:$0x1], $0xffff  }
0x603: {  	v6 =	vld.idx.msk [tilespmem:v1+s18+$0xFFFFFFC0 ss:$0x1], $0xffff  }
0x604: {  	v7 =	vld.idx.msk [tilespmem:v1+s18+$0xFFFFFFD0 ss:$0x1], $0xffff  }
0x605: {  	[tilespmem:s18+$0x14670] =	vst.add.f32.msk $0xffff, v2  }
0x606: {  	v8 =	vld.idx.msk [tilespmem:v1+s18+$0xFFFFFFE0 ss:$0x1], $0xffff  }
0x607: {  	v2 =	vld.idx.msk [tilespmem:v1+s18+$0xFFFFFFF0 ss:$0x1], $0xffff  }
0x608: {  	[tilespmem:s18+$0x14600] =	vst.add.f32.msk $0xffff, v3  }
.Ltmp36:
0x609: {  	[tilespmem:s18+$0x14610] =	vst.add.f32.msk $0xffff, v4;
	(pc) =	sbr.rel @p1 .LBB2_75-.Ltmp36, $4  }
0x60a: {  	[tilespmem:s18+$0x14620] =	vst.add.f32.msk $0xffff, v5  }
0x60b: {  	[tilespmem:s18+$0x14630] =	vst.add.f32.msk $0xffff, v6  }
0x60c: {  	[tilespmem:s18+$0x14640] =	vst.add.f32.msk $0xffff, v7  }
0x60d: {  	s16 =	sadd.s32 $0x1000, s16;
	[tilespmem:s18+$0x14650] =	vst.add.f32.msk $0xffff, v8  }
0x60e: {  	(v2sf) =	vpush v0, $0x5;
	_ =	sdelay $0xe  }
0x60f: {  	s16 =	spop (v2sf)  }
0x610: {  	s31 =	sshll.u32 s16, $0xC;
	s16 =	sand.u32 $0x7, s16  }
0x611: {  	s31 =	sand.u32 $0xFFFF8000, s31;
	s16 =	sshll.u32 s16, $0x9  }
0x612: {  	s16 =	sor.u32 s16, s31  }
0x613: {  	s16 =	sshra.s32 s16, $0x2  }
0x614: {  	s16 =	sor.u32 $0x70, s16  }
0x615: {  	v1 =	vmov s16;
	_ =	sdelay $0x3  }
0x616: {  	[tilespmem:s18+$0x14660] =	vst.add.f32.msk $0xffff, v2;
	s18 =	simm.s32 $0x0  }
0x617: {  	v2 =	vld.idx.msk [tilespmem:v1+s18+$0x0 ss:$0x1], $0xffff  }
0x618: {  	v3 =	vld.idx.msk [tilespmem:v1+s18+$0xFFFFFF90 ss:$0x1], $0xffff  }
0x619: {  	v4 =	vld.idx.msk [tilespmem:v1+s18+$0xFFFFFFA0 ss:$0x1], $0xffff  }
0x61a: {  	v5 =	vld.idx.msk [tilespmem:v1+s18+$0xFFFFFFB0 ss:$0x1], $0xffff  }
0x61b: {  	v6 =	vld.idx.msk [tilespmem:v1+s18+$0xFFFFFFC0 ss:$0x1], $0xffff  }
0x61c: {  	v7 =	vld.idx.msk [tilespmem:v1+s18+$0xFFFFFFD0 ss:$0x1], $0xffff  }
0x61d: {  	v8 =	vld.idx.msk [tilespmem:v1+s18+$0xFFFFFFE0 ss:$0x1], $0xffff  }
0x61e: {  	[tilespmem:s18+$0x146F0] =	vst.add.f32.msk $0xffff, v2  }
0x61f: {  	v2 =	vld.idx.msk [tilespmem:v1+s18+$0xFFFFFFF0 ss:$0x1], $0xffff  }
0x620: {  	[tilespmem:s18+$0x14680] =	vst.add.f32.msk $0xffff, v3  }
0x621: {  	[tilespmem:s18+$0x14690] =	vst.add.f32.msk $0xffff, v4  }
0x622: {  	[tilespmem:s18+$0x146A0] =	vst.add.f32.msk $0xffff, v5  }
0x623: {  	[tilespmem:s18+$0x146B0] =	vst.add.f32.msk $0xffff, v6  }
0x624: {  	[tilespmem:s18+$0x146C0] =	vst.add.f32.msk $0xffff, v7  }
0x625: {  	s31 =	simm.s32 $0x0;
	s16 =	simm.s32 $0x1000;
	[tilespmem:s18+$0x146D0] =	vst.add.f32.msk $0xffff, v8  }
.LBB2_77:
0x626: {  	s31 =	sadd.s32 $0x80, s31;
	[tilespmem:s18+$0x146E0] =	vst.add.f32.msk $0xffff, v2;
	s18 =	sshra.s32 s16, $0x2  }
0x627: {  	v2 =	vld.idx.msk [tilespmem:v1+s18+$0x0 ss:$0x1], $0xffff;
	p1 =	slt.u32 s31, $0x380  }
0x628: {  	v3 =	vld.idx.msk [tilespmem:v1+s18+$0xFFFFFF90 ss:$0x1], $0xffff  }
0x629: {  	v4 =	vld.idx.msk [tilespmem:v1+s18+$0xFFFFFFA0 ss:$0x1], $0xffff  }
0x62a: {  	v5 =	vld.idx.msk [tilespmem:v1+s18+$0xFFFFFFB0 ss:$0x1], $0xffff  }
0x62b: {  	v6 =	vld.idx.msk [tilespmem:v1+s18+$0xFFFFFFC0 ss:$0x1], $0xffff  }
0x62c: {  	v7 =	vld.idx.msk [tilespmem:v1+s18+$0xFFFFFFD0 ss:$0x1], $0xffff  }
0x62d: {  	[tilespmem:s18+$0x146F0] =	vst.add.f32.msk $0xffff, v2  }
0x62e: {  	v8 =	vld.idx.msk [tilespmem:v1+s18+$0xFFFFFFE0 ss:$0x1], $0xffff  }
0x62f: {  	v2 =	vld.idx.msk [tilespmem:v1+s18+$0xFFFFFFF0 ss:$0x1], $0xffff  }
0x630: {  	[tilespmem:s18+$0x14680] =	vst.add.f32.msk $0xffff, v3  }
.Ltmp37:
0x631: {  	[tilespmem:s18+$0x14690] =	vst.add.f32.msk $0xffff, v4;
	(pc) =	sbr.rel @p1 .LBB2_77-.Ltmp37, $4  }
0x632: {  	[tilespmem:s18+$0x146A0] =	vst.add.f32.msk $0xffff, v5  }
0x633: {  	[tilespmem:s18+$0x146B0] =	vst.add.f32.msk $0xffff, v6  }
0x634: {  	[tilespmem:s18+$0x146C0] =	vst.add.f32.msk $0xffff, v7  }
0x635: {  	s16 =	sadd.s32 $0x1000, s16;
	[tilespmem:s18+$0x146D0] =	vst.add.f32.msk $0xffff, v8  }
0x636: {  	(v2sf) =	vpush v0, $0x6;
	_ =	sdelay $0xe  }
0x637: {  	s16 =	spop (v2sf)  }
0x638: {  	s31 =	sshll.u32 s16, $0xC;
	s16 =	sand.u32 $0x7, s16  }
0x639: {  	s31 =	sand.u32 $0xFFFF8000, s31;
	s16 =	sshll.u32 s16, $0x9  }
0x63a: {  	s16 =	sor.u32 s16, s31  }
0x63b: {  	s16 =	sshra.s32 s16, $0x2  }
0x63c: {  	s16 =	sor.u32 $0x70, s16  }
0x63d: {  	v1 =	vmov s16;
	_ =	sdelay $0x3  }
0x63e: {  	[tilespmem:s18+$0x146E0] =	vst.add.f32.msk $0xffff, v2;
	s18 =	simm.s32 $0x0  }
0x63f: {  	v2 =	vld.idx.msk [tilespmem:v1+s18+$0x0 ss:$0x1], $0xffff  }
0x640: {  	v3 =	vld.idx.msk [tilespmem:v1+s18+$0xFFFFFF90 ss:$0x1], $0xffff  }
0x641: {  	v4 =	vld.idx.msk [tilespmem:v1+s18+$0xFFFFFFA0 ss:$0x1], $0xffff  }
0x642: {  	v5 =	vld.idx.msk [tilespmem:v1+s18+$0xFFFFFFB0 ss:$0x1], $0xffff  }
0x643: {  	v6 =	vld.idx.msk [tilespmem:v1+s18+$0xFFFFFFC0 ss:$0x1], $0xffff  }
0x644: {  	v7 =	vld.idx.msk [tilespmem:v1+s18+$0xFFFFFFD0 ss:$0x1], $0xffff  }
0x645: {  	v8 =	vld.idx.msk [tilespmem:v1+s18+$0xFFFFFFE0 ss:$0x1], $0xffff  }
0x646: {  	[tilespmem:s18+$0x14770] =	vst.add.f32.msk $0xffff, v2  }
0x647: {  	v2 =	vld.idx.msk [tilespmem:v1+s18+$0xFFFFFFF0 ss:$0x1], $0xffff  }
0x648: {  	[tilespmem:s18+$0x14700] =	vst.add.f32.msk $0xffff, v3  }
0x649: {  	[tilespmem:s18+$0x14710] =	vst.add.f32.msk $0xffff, v4  }
0x64a: {  	[tilespmem:s18+$0x14720] =	vst.add.f32.msk $0xffff, v5  }
0x64b: {  	[tilespmem:s18+$0x14730] =	vst.add.f32.msk $0xffff, v6  }
0x64c: {  	[tilespmem:s18+$0x14740] =	vst.add.f32.msk $0xffff, v7  }
0x64d: {  	s31 =	simm.s32 $0x0;
	s16 =	simm.s32 $0x1000;
	[tilespmem:s18+$0x14750] =	vst.add.f32.msk $0xffff, v8  }
.LBB2_79:
0x64e: {  	s31 =	sadd.s32 $0x80, s31;
	[tilespmem:s18+$0x14760] =	vst.add.f32.msk $0xffff, v2;
	s18 =	sshra.s32 s16, $0x2  }
0x64f: {  	v2 =	vld.idx.msk [tilespmem:v1+s18+$0x0 ss:$0x1], $0xffff;
	p1 =	slt.u32 s31, $0x380  }
0x650: {  	v3 =	vld.idx.msk [tilespmem:v1+s18+$0xFFFFFF90 ss:$0x1], $0xffff  }
0x651: {  	v4 =	vld.idx.msk [tilespmem:v1+s18+$0xFFFFFFA0 ss:$0x1], $0xffff  }
0x652: {  	v5 =	vld.idx.msk [tilespmem:v1+s18+$0xFFFFFFB0 ss:$0x1], $0xffff  }
0x653: {  	v6 =	vld.idx.msk [tilespmem:v1+s18+$0xFFFFFFC0 ss:$0x1], $0xffff  }
0x654: {  	v7 =	vld.idx.msk [tilespmem:v1+s18+$0xFFFFFFD0 ss:$0x1], $0xffff  }
0x655: {  	[tilespmem:s18+$0x14770] =	vst.add.f32.msk $0xffff, v2  }
0x656: {  	v8 =	vld.idx.msk [tilespmem:v1+s18+$0xFFFFFFE0 ss:$0x1], $0xffff  }
0x657: {  	v2 =	vld.idx.msk [tilespmem:v1+s18+$0xFFFFFFF0 ss:$0x1], $0xffff  }
0x658: {  	[tilespmem:s18+$0x14700] =	vst.add.f32.msk $0xffff, v3  }
.Ltmp38:
0x659: {  	[tilespmem:s18+$0x14710] =	vst.add.f32.msk $0xffff, v4;
	(pc) =	sbr.rel @p1 .LBB2_79-.Ltmp38, $4  }
0x65a: {  	[tilespmem:s18+$0x14720] =	vst.add.f32.msk $0xffff, v5  }
0x65b: {  	[tilespmem:s18+$0x14730] =	vst.add.f32.msk $0xffff, v6  }
0x65c: {  	[tilespmem:s18+$0x14740] =	vst.add.f32.msk $0xffff, v7  }
0x65d: {  	s16 =	sadd.s32 $0x1000, s16;
	[tilespmem:s18+$0x14750] =	vst.add.f32.msk $0xffff, v8  }
0x65e: {  	(v2sf) =	vpush v0, $0x7;
	_ =	sdelay $0xe  }
0x65f: {  	s16 =	spop (v2sf)  }
0x660: {  	s31 =	sshll.u32 s16, $0xC;
	s16 =	sand.u32 $0x7, s16  }
0x661: {  	s31 =	sand.u32 $0xFFFF8000, s31;
	s16 =	sshll.u32 s16, $0x9  }
0x662: {  	s16 =	sor.u32 s16, s31  }
0x663: {  	s16 =	sshra.s32 s16, $0x2  }
0x664: {  	s16 =	sor.u32 $0x70, s16  }
0x665: {  	v1 =	vmov s16;
	_ =	sdelay $0x3  }
0x666: {  	[tilespmem:s18+$0x14760] =	vst.add.f32.msk $0xffff, v2;
	s18 =	simm.s32 $0x0  }
0x667: {  	v2 =	vld.idx.msk [tilespmem:v1+s18+$0x0 ss:$0x1], $0xffff  }
0x668: {  	v3 =	vld.idx.msk [tilespmem:v1+s18+$0xFFFFFF90 ss:$0x1], $0xffff  }
0x669: {  	v4 =	vld.idx.msk [tilespmem:v1+s18+$0xFFFFFFA0 ss:$0x1], $0xffff  }
0x66a: {  	v5 =	vld.idx.msk [tilespmem:v1+s18+$0xFFFFFFB0 ss:$0x1], $0xffff  }
0x66b: {  	v6 =	vld.idx.msk [tilespmem:v1+s18+$0xFFFFFFC0 ss:$0x1], $0xffff  }
0x66c: {  	v7 =	vld.idx.msk [tilespmem:v1+s18+$0xFFFFFFD0 ss:$0x1], $0xffff  }
0x66d: {  	v8 =	vld.idx.msk [tilespmem:v1+s18+$0xFFFFFFE0 ss:$0x1], $0xffff  }
0x66e: {  	[tilespmem:s18+$0x147F0] =	vst.add.f32.msk $0xffff, v2  }
0x66f: {  	v2 =	vld.idx.msk [tilespmem:v1+s18+$0xFFFFFFF0 ss:$0x1], $0xffff  }
0x670: {  	[tilespmem:s18+$0x14780] =	vst.add.f32.msk $0xffff, v3  }
0x671: {  	[tilespmem:s18+$0x14790] =	vst.add.f32.msk $0xffff, v4  }
0x672: {  	[tilespmem:s18+$0x147A0] =	vst.add.f32.msk $0xffff, v5  }
0x673: {  	[tilespmem:s18+$0x147B0] =	vst.add.f32.msk $0xffff, v6  }
0x674: {  	[tilespmem:s18+$0x147C0] =	vst.add.f32.msk $0xffff, v7  }
0x675: {  	s31 =	simm.s32 $0x0;
	s16 =	simm.s32 $0x1000;
	[tilespmem:s18+$0x147D0] =	vst.add.f32.msk $0xffff, v8  }
.LBB2_81:
0x676: {  	s31 =	sadd.s32 $0x80, s31;
	[tilespmem:s18+$0x147E0] =	vst.add.f32.msk $0xffff, v2;
	s18 =	sshra.s32 s16, $0x2  }
0x677: {  	v2 =	vld.idx.msk [tilespmem:v1+s18+$0x0 ss:$0x1], $0xffff;
	p1 =	slt.u32 s31, $0x380  }
0x678: {  	v3 =	vld.idx.msk [tilespmem:v1+s18+$0xFFFFFF90 ss:$0x1], $0xffff  }
0x679: {  	v4 =	vld.idx.msk [tilespmem:v1+s18+$0xFFFFFFA0 ss:$0x1], $0xffff  }
0x67a: {  	v5 =	vld.idx.msk [tilespmem:v1+s18+$0xFFFFFFB0 ss:$0x1], $0xffff  }
0x67b: {  	v6 =	vld.idx.msk [tilespmem:v1+s18+$0xFFFFFFC0 ss:$0x1], $0xffff  }
0x67c: {  	v7 =	vld.idx.msk [tilespmem:v1+s18+$0xFFFFFFD0 ss:$0x1], $0xffff  }
0x67d: {  	[tilespmem:s18+$0x147F0] =	vst.add.f32.msk $0xffff, v2  }
0x67e: {  	v8 =	vld.idx.msk [tilespmem:v1+s18+$0xFFFFFFE0 ss:$0x1], $0xffff  }
0x67f: {  	v2 =	vld.idx.msk [tilespmem:v1+s18+$0xFFFFFFF0 ss:$0x1], $0xffff  }
0x680: {  	[tilespmem:s18+$0x14780] =	vst.add.f32.msk $0xffff, v3  }
.Ltmp39:
0x681: {  	[tilespmem:s18+$0x14790] =	vst.add.f32.msk $0xffff, v4;
	(pc) =	sbr.rel @p1 .LBB2_81-.Ltmp39, $4  }
0x682: {  	[tilespmem:s18+$0x147A0] =	vst.add.f32.msk $0xffff, v5  }
0x683: {  	[tilespmem:s18+$0x147B0] =	vst.add.f32.msk $0xffff, v6  }
0x684: {  	[tilespmem:s18+$0x147C0] =	vst.add.f32.msk $0xffff, v7  }
0x685: {  	s16 =	sadd.s32 $0x1000, s16;
	[tilespmem:s18+$0x147D0] =	vst.add.f32.msk $0xffff, v8  }
0x686: {  	(v2sf) =	vpush v0, $0x8;
	_ =	sdelay $0xe  }
0x687: {  	s16 =	spop (v2sf)  }
0x688: {  	s31 =	sshll.u32 s16, $0xC;
	s16 =	sand.u32 $0x7, s16  }
0x689: {  	s31 =	sand.u32 $0xFFFF8000, s31;
	s16 =	sshll.u32 s16, $0x9  }
0x68a: {  	s16 =	sor.u32 s16, s31  }
0x68b: {  	s16 =	sshra.s32 s16, $0x2  }
0x68c: {  	s16 =	sor.u32 $0x70, s16  }
0x68d: {  	v1 =	vmov s16;
	_ =	sdelay $0x3  }
0x68e: {  	[tilespmem:s18+$0x147E0] =	vst.add.f32.msk $0xffff, v2;
	s18 =	simm.s32 $0x0  }
0x68f: {  	v2 =	vld.idx.msk [tilespmem:v1+s18+$0x0 ss:$0x1], $0xffff  }
0x690: {  	v3 =	vld.idx.msk [tilespmem:v1+s18+$0xFFFFFF90 ss:$0x1], $0xffff  }
0x691: {  	v4 =	vld.idx.msk [tilespmem:v1+s18+$0xFFFFFFA0 ss:$0x1], $0xffff  }
0x692: {  	v5 =	vld.idx.msk [tilespmem:v1+s18+$0xFFFFFFB0 ss:$0x1], $0xffff  }
0x693: {  	v6 =	vld.idx.msk [tilespmem:v1+s18+$0xFFFFFFC0 ss:$0x1], $0xffff  }
0x694: {  	v7 =	vld.idx.msk [tilespmem:v1+s18+$0xFFFFFFD0 ss:$0x1], $0xffff  }
0x695: {  	v8 =	vld.idx.msk [tilespmem:v1+s18+$0xFFFFFFE0 ss:$0x1], $0xffff  }
0x696: {  	[tilespmem:s18+$0x16470] =	vst.add.f32.msk $0xffff, v2  }
0x697: {  	v2 =	vld.idx.msk [tilespmem:v1+s18+$0xFFFFFFF0 ss:$0x1], $0xffff  }
0x698: {  	[tilespmem:s18+$0x16400] =	vst.add.f32.msk $0xffff, v3  }
0x699: {  	[tilespmem:s18+$0x16410] =	vst.add.f32.msk $0xffff, v4  }
0x69a: {  	[tilespmem:s18+$0x16420] =	vst.add.f32.msk $0xffff, v5  }
0x69b: {  	[tilespmem:s18+$0x16430] =	vst.add.f32.msk $0xffff, v6  }
0x69c: {  	[tilespmem:s18+$0x16440] =	vst.add.f32.msk $0xffff, v7  }
0x69d: {  	s31 =	simm.s32 $0x0;
	s16 =	simm.s32 $0x1000;
	[tilespmem:s18+$0x16450] =	vst.add.f32.msk $0xffff, v8  }
.LBB2_83:
0x69e: {  	s31 =	sadd.s32 $0x80, s31;
	[tilespmem:s18+$0x16460] =	vst.add.f32.msk $0xffff, v2;
	s18 =	sshra.s32 s16, $0x2  }
0x69f: {  	v2 =	vld.idx.msk [tilespmem:v1+s18+$0x0 ss:$0x1], $0xffff;
	p1 =	slt.u32 s31, $0x380  }
0x6a0: {  	v3 =	vld.idx.msk [tilespmem:v1+s18+$0xFFFFFF90 ss:$0x1], $0xffff  }
0x6a1: {  	v4 =	vld.idx.msk [tilespmem:v1+s18+$0xFFFFFFA0 ss:$0x1], $0xffff  }
0x6a2: {  	v5 =	vld.idx.msk [tilespmem:v1+s18+$0xFFFFFFB0 ss:$0x1], $0xffff  }
0x6a3: {  	v6 =	vld.idx.msk [tilespmem:v1+s18+$0xFFFFFFC0 ss:$0x1], $0xffff  }
0x6a4: {  	v7 =	vld.idx.msk [tilespmem:v1+s18+$0xFFFFFFD0 ss:$0x1], $0xffff  }
0x6a5: {  	[tilespmem:s18+$0x16470] =	vst.add.f32.msk $0xffff, v2  }
0x6a6: {  	v8 =	vld.idx.msk [tilespmem:v1+s18+$0xFFFFFFE0 ss:$0x1], $0xffff  }
0x6a7: {  	v2 =	vld.idx.msk [tilespmem:v1+s18+$0xFFFFFFF0 ss:$0x1], $0xffff  }
0x6a8: {  	[tilespmem:s18+$0x16400] =	vst.add.f32.msk $0xffff, v3  }
.Ltmp40:
0x6a9: {  	[tilespmem:s18+$0x16410] =	vst.add.f32.msk $0xffff, v4;
	(pc) =	sbr.rel @p1 .LBB2_83-.Ltmp40, $4  }
0x6aa: {  	[tilespmem:s18+$0x16420] =	vst.add.f32.msk $0xffff, v5  }
0x6ab: {  	[tilespmem:s18+$0x16430] =	vst.add.f32.msk $0xffff, v6  }
0x6ac: {  	[tilespmem:s18+$0x16440] =	vst.add.f32.msk $0xffff, v7  }
0x6ad: {  	s16 =	sadd.s32 $0x1000, s16;
	[tilespmem:s18+$0x16450] =	vst.add.f32.msk $0xffff, v8  }
0x6ae: {  	(v2sf) =	vpush v0, $0x9;
	_ =	sdelay $0xe  }
0x6af: {  	s16 =	spop (v2sf)  }
0x6b0: {  	s31 =	sshll.u32 s16, $0xC;
	s16 =	sand.u32 $0x7, s16  }
0x6b1: {  	s31 =	sand.u32 $0xFFFF8000, s31;
	s16 =	sshll.u32 s16, $0x9  }
0x6b2: {  	s16 =	sor.u32 s16, s31  }
0x6b3: {  	s16 =	sshra.s32 s16, $0x2  }
0x6b4: {  	s16 =	sor.u32 $0x70, s16  }
0x6b5: {  	v1 =	vmov s16;
	_ =	sdelay $0x3  }
0x6b6: {  	[tilespmem:s18+$0x16460] =	vst.add.f32.msk $0xffff, v2;
	s18 =	simm.s32 $0x0  }
0x6b7: {  	v2 =	vld.idx.msk [tilespmem:v1+s18+$0x0 ss:$0x1], $0xffff  }
0x6b8: {  	v3 =	vld.idx.msk [tilespmem:v1+s18+$0xFFFFFF90 ss:$0x1], $0xffff  }
0x6b9: {  	v4 =	vld.idx.msk [tilespmem:v1+s18+$0xFFFFFFA0 ss:$0x1], $0xffff  }
0x6ba: {  	v5 =	vld.idx.msk [tilespmem:v1+s18+$0xFFFFFFB0 ss:$0x1], $0xffff  }
0x6bb: {  	v6 =	vld.idx.msk [tilespmem:v1+s18+$0xFFFFFFC0 ss:$0x1], $0xffff  }
0x6bc: {  	v7 =	vld.idx.msk [tilespmem:v1+s18+$0xFFFFFFD0 ss:$0x1], $0xffff  }
0x6bd: {  	v8 =	vld.idx.msk [tilespmem:v1+s18+$0xFFFFFFE0 ss:$0x1], $0xffff  }
0x6be: {  	[tilespmem:s18+$0x164F0] =	vst.add.f32.msk $0xffff, v2  }
0x6bf: {  	v2 =	vld.idx.msk [tilespmem:v1+s18+$0xFFFFFFF0 ss:$0x1], $0xffff  }
0x6c0: {  	[tilespmem:s18+$0x16480] =	vst.add.f32.msk $0xffff, v3  }
0x6c1: {  	[tilespmem:s18+$0x16490] =	vst.add.f32.msk $0xffff, v4  }
0x6c2: {  	[tilespmem:s18+$0x164A0] =	vst.add.f32.msk $0xffff, v5  }
0x6c3: {  	[tilespmem:s18+$0x164B0] =	vst.add.f32.msk $0xffff, v6  }
0x6c4: {  	[tilespmem:s18+$0x164C0] =	vst.add.f32.msk $0xffff, v7  }
0x6c5: {  	s31 =	simm.s32 $0x0;
	s16 =	simm.s32 $0x1000;
	[tilespmem:s18+$0x164D0] =	vst.add.f32.msk $0xffff, v8  }
.LBB2_85:
0x6c6: {  	s31 =	sadd.s32 $0x80, s31;
	[tilespmem:s18+$0x164E0] =	vst.add.f32.msk $0xffff, v2;
	s18 =	sshra.s32 s16, $0x2  }
0x6c7: {  	v2 =	vld.idx.msk [tilespmem:v1+s18+$0x0 ss:$0x1], $0xffff;
	p1 =	slt.u32 s31, $0x380  }
0x6c8: {  	v3 =	vld.idx.msk [tilespmem:v1+s18+$0xFFFFFF90 ss:$0x1], $0xffff  }
0x6c9: {  	v4 =	vld.idx.msk [tilespmem:v1+s18+$0xFFFFFFA0 ss:$0x1], $0xffff  }
0x6ca: {  	v5 =	vld.idx.msk [tilespmem:v1+s18+$0xFFFFFFB0 ss:$0x1], $0xffff  }
0x6cb: {  	v6 =	vld.idx.msk [tilespmem:v1+s18+$0xFFFFFFC0 ss:$0x1], $0xffff  }
0x6cc: {  	v7 =	vld.idx.msk [tilespmem:v1+s18+$0xFFFFFFD0 ss:$0x1], $0xffff  }
0x6cd: {  	[tilespmem:s18+$0x164F0] =	vst.add.f32.msk $0xffff, v2  }
0x6ce: {  	v8 =	vld.idx.msk [tilespmem:v1+s18+$0xFFFFFFE0 ss:$0x1], $0xffff  }
0x6cf: {  	v2 =	vld.idx.msk [tilespmem:v1+s18+$0xFFFFFFF0 ss:$0x1], $0xffff  }
0x6d0: {  	[tilespmem:s18+$0x16480] =	vst.add.f32.msk $0xffff, v3  }
.Ltmp41:
0x6d1: {  	[tilespmem:s18+$0x16490] =	vst.add.f32.msk $0xffff, v4;
	(pc) =	sbr.rel @p1 .LBB2_85-.Ltmp41, $4  }
0x6d2: {  	[tilespmem:s18+$0x164A0] =	vst.add.f32.msk $0xffff, v5  }
0x6d3: {  	[tilespmem:s18+$0x164B0] =	vst.add.f32.msk $0xffff, v6  }
0x6d4: {  	[tilespmem:s18+$0x164C0] =	vst.add.f32.msk $0xffff, v7  }
0x6d5: {  	s16 =	sadd.s32 $0x1000, s16;
	[tilespmem:s18+$0x164D0] =	vst.add.f32.msk $0xffff, v8  }
0x6d6: {  	(v2sf) =	vpush v0, $0xA;
	_ =	sdelay $0xe  }
0x6d7: {  	s16 =	spop (v2sf)  }
0x6d8: {  	s31 =	sshll.u32 s16, $0xC;
	s16 =	sand.u32 $0x7, s16  }
0x6d9: {  	s31 =	sand.u32 $0xFFFF8000, s31;
	s16 =	sshll.u32 s16, $0x9  }
0x6da: {  	s16 =	sor.u32 s16, s31  }
0x6db: {  	s16 =	sshra.s32 s16, $0x2  }
0x6dc: {  	s16 =	sor.u32 $0x70, s16  }
0x6dd: {  	v1 =	vmov s16;
	_ =	sdelay $0x3  }
0x6de: {  	[tilespmem:s18+$0x164E0] =	vst.add.f32.msk $0xffff, v2;
	s18 =	simm.s32 $0x0  }
0x6df: {  	v2 =	vld.idx.msk [tilespmem:v1+s18+$0x0 ss:$0x1], $0xffff  }
0x6e0: {  	v3 =	vld.idx.msk [tilespmem:v1+s18+$0xFFFFFF90 ss:$0x1], $0xffff  }
0x6e1: {  	v4 =	vld.idx.msk [tilespmem:v1+s18+$0xFFFFFFA0 ss:$0x1], $0xffff  }
0x6e2: {  	v5 =	vld.idx.msk [tilespmem:v1+s18+$0xFFFFFFB0 ss:$0x1], $0xffff  }
0x6e3: {  	v6 =	vld.idx.msk [tilespmem:v1+s18+$0xFFFFFFC0 ss:$0x1], $0xffff  }
0x6e4: {  	v7 =	vld.idx.msk [tilespmem:v1+s18+$0xFFFFFFD0 ss:$0x1], $0xffff  }
0x6e5: {  	v8 =	vld.idx.msk [tilespmem:v1+s18+$0xFFFFFFE0 ss:$0x1], $0xffff  }
0x6e6: {  	[tilespmem:s18+$0x16570] =	vst.add.f32.msk $0xffff, v2  }
0x6e7: {  	v2 =	vld.idx.msk [tilespmem:v1+s18+$0xFFFFFFF0 ss:$0x1], $0xffff  }
0x6e8: {  	[tilespmem:s18+$0x16500] =	vst.add.f32.msk $0xffff, v3  }
0x6e9: {  	[tilespmem:s18+$0x16510] =	vst.add.f32.msk $0xffff, v4  }
0x6ea: {  	[tilespmem:s18+$0x16520] =	vst.add.f32.msk $0xffff, v5  }
0x6eb: {  	[tilespmem:s18+$0x16530] =	vst.add.f32.msk $0xffff, v6  }
0x6ec: {  	[tilespmem:s18+$0x16540] =	vst.add.f32.msk $0xffff, v7  }
0x6ed: {  	s31 =	simm.s32 $0x0;
	s16 =	simm.s32 $0x1000;
	[tilespmem:s18+$0x16550] =	vst.add.f32.msk $0xffff, v8  }
.LBB2_87:
0x6ee: {  	s31 =	sadd.s32 $0x80, s31;
	[tilespmem:s18+$0x16560] =	vst.add.f32.msk $0xffff, v2;
	s18 =	sshra.s32 s16, $0x2  }
0x6ef: {  	v2 =	vld.idx.msk [tilespmem:v1+s18+$0x0 ss:$0x1], $0xffff;
	p1 =	slt.u32 s31, $0x380  }
0x6f0: {  	v3 =	vld.idx.msk [tilespmem:v1+s18+$0xFFFFFF90 ss:$0x1], $0xffff  }
0x6f1: {  	v4 =	vld.idx.msk [tilespmem:v1+s18+$0xFFFFFFA0 ss:$0x1], $0xffff  }
0x6f2: {  	v5 =	vld.idx.msk [tilespmem:v1+s18+$0xFFFFFFB0 ss:$0x1], $0xffff  }
0x6f3: {  	v6 =	vld.idx.msk [tilespmem:v1+s18+$0xFFFFFFC0 ss:$0x1], $0xffff  }
0x6f4: {  	v7 =	vld.idx.msk [tilespmem:v1+s18+$0xFFFFFFD0 ss:$0x1], $0xffff  }
0x6f5: {  	[tilespmem:s18+$0x16570] =	vst.add.f32.msk $0xffff, v2  }
0x6f6: {  	v8 =	vld.idx.msk [tilespmem:v1+s18+$0xFFFFFFE0 ss:$0x1], $0xffff  }
0x6f7: {  	v2 =	vld.idx.msk [tilespmem:v1+s18+$0xFFFFFFF0 ss:$0x1], $0xffff  }
0x6f8: {  	[tilespmem:s18+$0x16500] =	vst.add.f32.msk $0xffff, v3  }
.Ltmp42:
0x6f9: {  	[tilespmem:s18+$0x16510] =	vst.add.f32.msk $0xffff, v4;
	(pc) =	sbr.rel @p1 .LBB2_87-.Ltmp42, $4  }
0x6fa: {  	[tilespmem:s18+$0x16520] =	vst.add.f32.msk $0xffff, v5  }
0x6fb: {  	[tilespmem:s18+$0x16530] =	vst.add.f32.msk $0xffff, v6  }
0x6fc: {  	[tilespmem:s18+$0x16540] =	vst.add.f32.msk $0xffff, v7  }
0x6fd: {  	s16 =	sadd.s32 $0x1000, s16;
	[tilespmem:s18+$0x16550] =	vst.add.f32.msk $0xffff, v8  }
0x6fe: {  	(v2sf) =	vpush v0, $0xB;
	_ =	sdelay $0xe  }
0x6ff: {  	s16 =	spop (v2sf)  }
0x700: {  	s31 =	sshll.u32 s16, $0xC;
	s16 =	sand.u32 $0x7, s16  }
0x701: {  	s31 =	sand.u32 $0xFFFF8000, s31;
	s16 =	sshll.u32 s16, $0x9  }
0x702: {  	s16 =	sor.u32 s16, s31  }
0x703: {  	s16 =	sshra.s32 s16, $0x2  }
0x704: {  	s16 =	sor.u32 $0x70, s16  }
0x705: {  	v1 =	vmov s16;
	_ =	sdelay $0x3  }
0x706: {  	[tilespmem:s18+$0x16560] =	vst.add.f32.msk $0xffff, v2;
	s18 =	simm.s32 $0x0  }
0x707: {  	v2 =	vld.idx.msk [tilespmem:v1+s18+$0x0 ss:$0x1], $0xffff  }
0x708: {  	v3 =	vld.idx.msk [tilespmem:v1+s18+$0xFFFFFF90 ss:$0x1], $0xffff  }
0x709: {  	v4 =	vld.idx.msk [tilespmem:v1+s18+$0xFFFFFFA0 ss:$0x1], $0xffff  }
0x70a: {  	v5 =	vld.idx.msk [tilespmem:v1+s18+$0xFFFFFFB0 ss:$0x1], $0xffff  }
0x70b: {  	v6 =	vld.idx.msk [tilespmem:v1+s18+$0xFFFFFFC0 ss:$0x1], $0xffff  }
0x70c: {  	v7 =	vld.idx.msk [tilespmem:v1+s18+$0xFFFFFFD0 ss:$0x1], $0xffff  }
0x70d: {  	v8 =	vld.idx.msk [tilespmem:v1+s18+$0xFFFFFFE0 ss:$0x1], $0xffff  }
0x70e: {  	[tilespmem:s18+$0x165F0] =	vst.add.f32.msk $0xffff, v2  }
0x70f: {  	v2 =	vld.idx.msk [tilespmem:v1+s18+$0xFFFFFFF0 ss:$0x1], $0xffff  }
0x710: {  	[tilespmem:s18+$0x16580] =	vst.add.f32.msk $0xffff, v3  }
0x711: {  	[tilespmem:s18+$0x16590] =	vst.add.f32.msk $0xffff, v4  }
0x712: {  	[tilespmem:s18+$0x165A0] =	vst.add.f32.msk $0xffff, v5  }
0x713: {  	[tilespmem:s18+$0x165B0] =	vst.add.f32.msk $0xffff, v6  }
0x714: {  	[tilespmem:s18+$0x165C0] =	vst.add.f32.msk $0xffff, v7  }
0x715: {  	s31 =	simm.s32 $0x0;
	s16 =	simm.s32 $0x1000;
	[tilespmem:s18+$0x165D0] =	vst.add.f32.msk $0xffff, v8  }
.LBB2_89:
0x716: {  	s31 =	sadd.s32 $0x80, s31;
	[tilespmem:s18+$0x165E0] =	vst.add.f32.msk $0xffff, v2;
	s18 =	sshra.s32 s16, $0x2  }
0x717: {  	v2 =	vld.idx.msk [tilespmem:v1+s18+$0x0 ss:$0x1], $0xffff;
	p1 =	slt.u32 s31, $0x380  }
0x718: {  	v3 =	vld.idx.msk [tilespmem:v1+s18+$0xFFFFFF90 ss:$0x1], $0xffff  }
0x719: {  	v4 =	vld.idx.msk [tilespmem:v1+s18+$0xFFFFFFA0 ss:$0x1], $0xffff  }
0x71a: {  	v5 =	vld.idx.msk [tilespmem:v1+s18+$0xFFFFFFB0 ss:$0x1], $0xffff  }
0x71b: {  	v6 =	vld.idx.msk [tilespmem:v1+s18+$0xFFFFFFC0 ss:$0x1], $0xffff  }
0x71c: {  	v7 =	vld.idx.msk [tilespmem:v1+s18+$0xFFFFFFD0 ss:$0x1], $0xffff  }
0x71d: {  	[tilespmem:s18+$0x165F0] =	vst.add.f32.msk $0xffff, v2  }
0x71e: {  	v8 =	vld.idx.msk [tilespmem:v1+s18+$0xFFFFFFE0 ss:$0x1], $0xffff  }
0x71f: {  	v2 =	vld.idx.msk [tilespmem:v1+s18+$0xFFFFFFF0 ss:$0x1], $0xffff  }
0x720: {  	[tilespmem:s18+$0x16580] =	vst.add.f32.msk $0xffff, v3  }
.Ltmp43:
0x721: {  	[tilespmem:s18+$0x16590] =	vst.add.f32.msk $0xffff, v4;
	(pc) =	sbr.rel @p1 .LBB2_89-.Ltmp43, $4  }
0x722: {  	[tilespmem:s18+$0x165A0] =	vst.add.f32.msk $0xffff, v5  }
0x723: {  	[tilespmem:s18+$0x165B0] =	vst.add.f32.msk $0xffff, v6  }
0x724: {  	[tilespmem:s18+$0x165C0] =	vst.add.f32.msk $0xffff, v7  }
0x725: {  	s16 =	sadd.s32 $0x1000, s16;
	[tilespmem:s18+$0x165D0] =	vst.add.f32.msk $0xffff, v8  }
0x726: {  	(v2sf) =	vpush v0, $0xC;
	_ =	sdelay $0xe  }
0x727: {  	s16 =	spop (v2sf)  }
0x728: {  	s31 =	sshll.u32 s16, $0xC;
	s16 =	sand.u32 $0x7, s16  }
0x729: {  	s31 =	sand.u32 $0xFFFF8000, s31;
	s16 =	sshll.u32 s16, $0x9  }
0x72a: {  	s16 =	sor.u32 s16, s31  }
0x72b: {  	s16 =	sshra.s32 s16, $0x2  }
0x72c: {  	s16 =	sor.u32 $0x70, s16  }
0x72d: {  	v1 =	vmov s16;
	_ =	sdelay $0x3  }
0x72e: {  	[tilespmem:s18+$0x165E0] =	vst.add.f32.msk $0xffff, v2;
	s18 =	simm.s32 $0x0  }
0x72f: {  	v2 =	vld.idx.msk [tilespmem:v1+s18+$0x0 ss:$0x1], $0xffff  }
0x730: {  	v3 =	vld.idx.msk [tilespmem:v1+s18+$0xFFFFFF90 ss:$0x1], $0xffff  }
0x731: {  	v4 =	vld.idx.msk [tilespmem:v1+s18+$0xFFFFFFA0 ss:$0x1], $0xffff  }
0x732: {  	v5 =	vld.idx.msk [tilespmem:v1+s18+$0xFFFFFFB0 ss:$0x1], $0xffff  }
0x733: {  	v6 =	vld.idx.msk [tilespmem:v1+s18+$0xFFFFFFC0 ss:$0x1], $0xffff  }
0x734: {  	v7 =	vld.idx.msk [tilespmem:v1+s18+$0xFFFFFFD0 ss:$0x1], $0xffff  }
0x735: {  	v8 =	vld.idx.msk [tilespmem:v1+s18+$0xFFFFFFE0 ss:$0x1], $0xffff  }
0x736: {  	[tilespmem:s18+$0x16670] =	vst.add.f32.msk $0xffff, v2  }
0x737: {  	v2 =	vld.idx.msk [tilespmem:v1+s18+$0xFFFFFFF0 ss:$0x1], $0xffff  }
0x738: {  	[tilespmem:s18+$0x16600] =	vst.add.f32.msk $0xffff, v3  }
0x739: {  	[tilespmem:s18+$0x16610] =	vst.add.f32.msk $0xffff, v4  }
0x73a: {  	[tilespmem:s18+$0x16620] =	vst.add.f32.msk $0xffff, v5  }
0x73b: {  	[tilespmem:s18+$0x16630] =	vst.add.f32.msk $0xffff, v6  }
0x73c: {  	[tilespmem:s18+$0x16640] =	vst.add.f32.msk $0xffff, v7  }
0x73d: {  	s31 =	simm.s32 $0x0;
	s16 =	simm.s32 $0x1000;
	[tilespmem:s18+$0x16650] =	vst.add.f32.msk $0xffff, v8  }
.LBB2_91:
0x73e: {  	s31 =	sadd.s32 $0x80, s31;
	[tilespmem:s18+$0x16660] =	vst.add.f32.msk $0xffff, v2;
	s18 =	sshra.s32 s16, $0x2  }
0x73f: {  	v2 =	vld.idx.msk [tilespmem:v1+s18+$0x0 ss:$0x1], $0xffff;
	p1 =	slt.u32 s31, $0x380  }
0x740: {  	v3 =	vld.idx.msk [tilespmem:v1+s18+$0xFFFFFF90 ss:$0x1], $0xffff  }
0x741: {  	v4 =	vld.idx.msk [tilespmem:v1+s18+$0xFFFFFFA0 ss:$0x1], $0xffff  }
0x742: {  	v5 =	vld.idx.msk [tilespmem:v1+s18+$0xFFFFFFB0 ss:$0x1], $0xffff  }
0x743: {  	v6 =	vld.idx.msk [tilespmem:v1+s18+$0xFFFFFFC0 ss:$0x1], $0xffff  }
0x744: {  	v7 =	vld.idx.msk [tilespmem:v1+s18+$0xFFFFFFD0 ss:$0x1], $0xffff  }
0x745: {  	[tilespmem:s18+$0x16670] =	vst.add.f32.msk $0xffff, v2  }
0x746: {  	v8 =	vld.idx.msk [tilespmem:v1+s18+$0xFFFFFFE0 ss:$0x1], $0xffff  }
0x747: {  	v2 =	vld.idx.msk [tilespmem:v1+s18+$0xFFFFFFF0 ss:$0x1], $0xffff  }
0x748: {  	[tilespmem:s18+$0x16600] =	vst.add.f32.msk $0xffff, v3  }
.Ltmp44:
0x749: {  	[tilespmem:s18+$0x16610] =	vst.add.f32.msk $0xffff, v4;
	(pc) =	sbr.rel @p1 .LBB2_91-.Ltmp44, $4  }
0x74a: {  	[tilespmem:s18+$0x16620] =	vst.add.f32.msk $0xffff, v5  }
0x74b: {  	[tilespmem:s18+$0x16630] =	vst.add.f32.msk $0xffff, v6  }
0x74c: {  	[tilespmem:s18+$0x16640] =	vst.add.f32.msk $0xffff, v7  }
0x74d: {  	s16 =	sadd.s32 $0x1000, s16;
	[tilespmem:s18+$0x16650] =	vst.add.f32.msk $0xffff, v8  }
0x74e: {  	(v2sf) =	vpush v0, $0xD;
	_ =	sdelay $0xe  }
0x74f: {  	s16 =	spop (v2sf)  }
0x750: {  	s31 =	sshll.u32 s16, $0xC;
	s16 =	sand.u32 $0x7, s16  }
0x751: {  	s31 =	sand.u32 $0xFFFF8000, s31;
	s16 =	sshll.u32 s16, $0x9  }
0x752: {  	s16 =	sor.u32 s16, s31  }
0x753: {  	s16 =	sshra.s32 s16, $0x2  }
0x754: {  	s16 =	sor.u32 $0x70, s16  }
0x755: {  	v1 =	vmov s16;
	_ =	sdelay $0x3  }
0x756: {  	[tilespmem:s18+$0x16660] =	vst.add.f32.msk $0xffff, v2;
	s18 =	simm.s32 $0x0  }
0x757: {  	v2 =	vld.idx.msk [tilespmem:v1+s18+$0x0 ss:$0x1], $0xffff  }
0x758: {  	v3 =	vld.idx.msk [tilespmem:v1+s18+$0xFFFFFF90 ss:$0x1], $0xffff  }
0x759: {  	v4 =	vld.idx.msk [tilespmem:v1+s18+$0xFFFFFFA0 ss:$0x1], $0xffff  }
0x75a: {  	v5 =	vld.idx.msk [tilespmem:v1+s18+$0xFFFFFFB0 ss:$0x1], $0xffff  }
0x75b: {  	v6 =	vld.idx.msk [tilespmem:v1+s18+$0xFFFFFFC0 ss:$0x1], $0xffff  }
0x75c: {  	v7 =	vld.idx.msk [tilespmem:v1+s18+$0xFFFFFFD0 ss:$0x1], $0xffff  }
0x75d: {  	v8 =	vld.idx.msk [tilespmem:v1+s18+$0xFFFFFFE0 ss:$0x1], $0xffff  }
0x75e: {  	[tilespmem:s18+$0x166F0] =	vst.add.f32.msk $0xffff, v2  }
0x75f: {  	v2 =	vld.idx.msk [tilespmem:v1+s18+$0xFFFFFFF0 ss:$0x1], $0xffff  }
0x760: {  	[tilespmem:s18+$0x16680] =	vst.add.f32.msk $0xffff, v3  }
0x761: {  	[tilespmem:s18+$0x16690] =	vst.add.f32.msk $0xffff, v4  }
0x762: {  	[tilespmem:s18+$0x166A0] =	vst.add.f32.msk $0xffff, v5  }
0x763: {  	[tilespmem:s18+$0x166B0] =	vst.add.f32.msk $0xffff, v6  }
0x764: {  	[tilespmem:s18+$0x166C0] =	vst.add.f32.msk $0xffff, v7  }
0x765: {  	s31 =	simm.s32 $0x0;
	s16 =	simm.s32 $0x1000;
	[tilespmem:s18+$0x166D0] =	vst.add.f32.msk $0xffff, v8  }
.LBB2_93:
0x766: {  	s31 =	sadd.s32 $0x80, s31;
	[tilespmem:s18+$0x166E0] =	vst.add.f32.msk $0xffff, v2;
	s18 =	sshra.s32 s16, $0x2  }
0x767: {  	v2 =	vld.idx.msk [tilespmem:v1+s18+$0x0 ss:$0x1], $0xffff;
	p1 =	slt.u32 s31, $0x380  }
0x768: {  	v3 =	vld.idx.msk [tilespmem:v1+s18+$0xFFFFFF90 ss:$0x1], $0xffff  }
0x769: {  	v4 =	vld.idx.msk [tilespmem:v1+s18+$0xFFFFFFA0 ss:$0x1], $0xffff  }
0x76a: {  	v5 =	vld.idx.msk [tilespmem:v1+s18+$0xFFFFFFB0 ss:$0x1], $0xffff  }
0x76b: {  	v6 =	vld.idx.msk [tilespmem:v1+s18+$0xFFFFFFC0 ss:$0x1], $0xffff  }
0x76c: {  	v7 =	vld.idx.msk [tilespmem:v1+s18+$0xFFFFFFD0 ss:$0x1], $0xffff  }
0x76d: {  	[tilespmem:s18+$0x166F0] =	vst.add.f32.msk $0xffff, v2  }
0x76e: {  	v8 =	vld.idx.msk [tilespmem:v1+s18+$0xFFFFFFE0 ss:$0x1], $0xffff  }
0x76f: {  	v2 =	vld.idx.msk [tilespmem:v1+s18+$0xFFFFFFF0 ss:$0x1], $0xffff  }
0x770: {  	[tilespmem:s18+$0x16680] =	vst.add.f32.msk $0xffff, v3  }
.Ltmp45:
0x771: {  	[tilespmem:s18+$0x16690] =	vst.add.f32.msk $0xffff, v4;
	(pc) =	sbr.rel @p1 .LBB2_93-.Ltmp45, $4  }
0x772: {  	[tilespmem:s18+$0x166A0] =	vst.add.f32.msk $0xffff, v5  }
0x773: {  	[tilespmem:s18+$0x166B0] =	vst.add.f32.msk $0xffff, v6  }
0x774: {  	[tilespmem:s18+$0x166C0] =	vst.add.f32.msk $0xffff, v7  }
0x775: {  	s16 =	sadd.s32 $0x1000, s16;
	[tilespmem:s18+$0x166D0] =	vst.add.f32.msk $0xffff, v8  }
0x776: {  	(v2sf) =	vpush v0, $0xE;
	_ =	sdelay $0xe  }
0x777: {  	s16 =	spop (v2sf)  }
0x778: {  	s31 =	sshll.u32 s16, $0xC;
	s16 =	sand.u32 $0x7, s16  }
0x779: {  	s31 =	sand.u32 $0xFFFF8000, s31;
	s16 =	sshll.u32 s16, $0x9  }
0x77a: {  	s16 =	sor.u32 s16, s31  }
0x77b: {  	s16 =	sshra.s32 s16, $0x2  }
0x77c: {  	s16 =	sor.u32 $0x70, s16  }
0x77d: {  	v1 =	vmov s16;
	_ =	sdelay $0x3  }
0x77e: {  	[tilespmem:s18+$0x166E0] =	vst.add.f32.msk $0xffff, v2;
	s18 =	simm.s32 $0x0  }
0x77f: {  	v2 =	vld.idx.msk [tilespmem:v1+s18+$0x0 ss:$0x1], $0xffff  }
0x780: {  	v3 =	vld.idx.msk [tilespmem:v1+s18+$0xFFFFFF90 ss:$0x1], $0xffff  }
0x781: {  	v4 =	vld.idx.msk [tilespmem:v1+s18+$0xFFFFFFA0 ss:$0x1], $0xffff  }
0x782: {  	v5 =	vld.idx.msk [tilespmem:v1+s18+$0xFFFFFFB0 ss:$0x1], $0xffff  }
0x783: {  	v6 =	vld.idx.msk [tilespmem:v1+s18+$0xFFFFFFC0 ss:$0x1], $0xffff  }
0x784: {  	v7 =	vld.idx.msk [tilespmem:v1+s18+$0xFFFFFFD0 ss:$0x1], $0xffff  }
0x785: {  	v8 =	vld.idx.msk [tilespmem:v1+s18+$0xFFFFFFE0 ss:$0x1], $0xffff  }
0x786: {  	[tilespmem:s18+$0x16770] =	vst.add.f32.msk $0xffff, v2  }
0x787: {  	v2 =	vld.idx.msk [tilespmem:v1+s18+$0xFFFFFFF0 ss:$0x1], $0xffff  }
0x788: {  	[tilespmem:s18+$0x16700] =	vst.add.f32.msk $0xffff, v3  }
0x789: {  	[tilespmem:s18+$0x16710] =	vst.add.f32.msk $0xffff, v4  }
0x78a: {  	[tilespmem:s18+$0x16720] =	vst.add.f32.msk $0xffff, v5  }
0x78b: {  	[tilespmem:s18+$0x16730] =	vst.add.f32.msk $0xffff, v6  }
0x78c: {  	[tilespmem:s18+$0x16740] =	vst.add.f32.msk $0xffff, v7  }
0x78d: {  	s31 =	simm.s32 $0x0;
	s16 =	simm.s32 $0x1000;
	[tilespmem:s18+$0x16750] =	vst.add.f32.msk $0xffff, v8  }
.LBB2_95:
0x78e: {  	s31 =	sadd.s32 $0x80, s31;
	[tilespmem:s18+$0x16760] =	vst.add.f32.msk $0xffff, v2;
	s18 =	sshra.s32 s16, $0x2  }
0x78f: {  	v2 =	vld.idx.msk [tilespmem:v1+s18+$0x0 ss:$0x1], $0xffff;
	p1 =	slt.u32 s31, $0x380  }
0x790: {  	v3 =	vld.idx.msk [tilespmem:v1+s18+$0xFFFFFF90 ss:$0x1], $0xffff  }
0x791: {  	v4 =	vld.idx.msk [tilespmem:v1+s18+$0xFFFFFFA0 ss:$0x1], $0xffff  }
0x792: {  	v5 =	vld.idx.msk [tilespmem:v1+s18+$0xFFFFFFB0 ss:$0x1], $0xffff  }
0x793: {  	v6 =	vld.idx.msk [tilespmem:v1+s18+$0xFFFFFFC0 ss:$0x1], $0xffff  }
0x794: {  	v7 =	vld.idx.msk [tilespmem:v1+s18+$0xFFFFFFD0 ss:$0x1], $0xffff  }
0x795: {  	[tilespmem:s18+$0x16770] =	vst.add.f32.msk $0xffff, v2  }
0x796: {  	v8 =	vld.idx.msk [tilespmem:v1+s18+$0xFFFFFFE0 ss:$0x1], $0xffff  }
0x797: {  	v2 =	vld.idx.msk [tilespmem:v1+s18+$0xFFFFFFF0 ss:$0x1], $0xffff  }
0x798: {  	[tilespmem:s18+$0x16700] =	vst.add.f32.msk $0xffff, v3  }
.Ltmp46:
0x799: {  	[tilespmem:s18+$0x16710] =	vst.add.f32.msk $0xffff, v4;
	(pc) =	sbr.rel @p1 .LBB2_95-.Ltmp46, $4  }
0x79a: {  	[tilespmem:s18+$0x16720] =	vst.add.f32.msk $0xffff, v5  }
0x79b: {  	[tilespmem:s18+$0x16730] =	vst.add.f32.msk $0xffff, v6  }
0x79c: {  	[tilespmem:s18+$0x16740] =	vst.add.f32.msk $0xffff, v7  }
0x79d: {  	s16 =	sadd.s32 $0x1000, s16;
	[tilespmem:s18+$0x16750] =	vst.add.f32.msk $0xffff, v8  }
0x79e: {  	(v2sf) =	vpush v0, $0xF;
	_ =	sdelay $0xe  }
0x79f: {  	s16 =	spop (v2sf)  }
0x7a0: {  	s31 =	sshll.u32 s16, $0xC;
	s16 =	sand.u32 $0x7, s16  }
0x7a1: {  	s31 =	sand.u32 $0xFFFF8000, s31;
	s16 =	sshll.u32 s16, $0x9  }
0x7a2: {  	s16 =	sor.u32 s16, s31  }
0x7a3: {  	s16 =	sshra.s32 s16, $0x2  }
0x7a4: {  	s16 =	sor.u32 $0x70, s16  }
0x7a5: {  	v0 =	vmov s16;
	_ =	sdelay $0x3  }
0x7a6: {  	[tilespmem:s18+$0x16760] =	vst.add.f32.msk $0xffff, v2;
	s18 =	simm.s32 $0x0  }
0x7a7: {  	v1 =	vld.idx.msk [tilespmem:v0+s18+$0x0 ss:$0x1], $0xffff  }
0x7a8: {  	v2 =	vld.idx.msk [tilespmem:v0+s18+$0xFFFFFF90 ss:$0x1], $0xffff  }
0x7a9: {  	v3 =	vld.idx.msk [tilespmem:v0+s18+$0xFFFFFFA0 ss:$0x1], $0xffff  }
0x7aa: {  	v4 =	vld.idx.msk [tilespmem:v0+s18+$0xFFFFFFB0 ss:$0x1], $0xffff  }
0x7ab: {  	v5 =	vld.idx.msk [tilespmem:v0+s18+$0xFFFFFFC0 ss:$0x1], $0xffff  }
0x7ac: {  	v6 =	vld.idx.msk [tilespmem:v0+s18+$0xFFFFFFD0 ss:$0x1], $0xffff  }
0x7ad: {  	v7 =	vld.idx.msk [tilespmem:v0+s18+$0xFFFFFFE0 ss:$0x1], $0xffff  }
0x7ae: {  	[tilespmem:s18+$0x167F0] =	vst.add.f32.msk $0xffff, v1  }
0x7af: {  	v1 =	vld.idx.msk [tilespmem:v0+s18+$0xFFFFFFF0 ss:$0x1], $0xffff  }
0x7b0: {  	[tilespmem:s18+$0x16780] =	vst.add.f32.msk $0xffff, v2  }
0x7b1: {  	[tilespmem:s18+$0x16790] =	vst.add.f32.msk $0xffff, v3  }
0x7b2: {  	[tilespmem:s18+$0x167A0] =	vst.add.f32.msk $0xffff, v4  }
0x7b3: {  	[tilespmem:s18+$0x167B0] =	vst.add.f32.msk $0xffff, v5  }
0x7b4: {  	[tilespmem:s18+$0x167C0] =	vst.add.f32.msk $0xffff, v6  }
0x7b5: {  	s31 =	simm.s32 $0x0;
	s16 =	simm.s32 $0x1000;
	[tilespmem:s18+$0x167D0] =	vst.add.f32.msk $0xffff, v7  }
.LBB2_97:
0x7b6: {  	s31 =	sadd.s32 $0x80, s31;
	[tilespmem:s18+$0x167E0] =	vst.add.f32.msk $0xffff, v1;
	s18 =	sshra.s32 s16, $0x2  }
0x7b7: {  	v1 =	vld.idx.msk [tilespmem:v0+s18+$0x0 ss:$0x1], $0xffff;
	p1 =	slt.u32 s31, $0x380  }
0x7b8: {  	v2 =	vld.idx.msk [tilespmem:v0+s18+$0xFFFFFF90 ss:$0x1], $0xffff  }
0x7b9: {  	v3 =	vld.idx.msk [tilespmem:v0+s18+$0xFFFFFFA0 ss:$0x1], $0xffff  }
0x7ba: {  	v4 =	vld.idx.msk [tilespmem:v0+s18+$0xFFFFFFB0 ss:$0x1], $0xffff  }
0x7bb: {  	v5 =	vld.idx.msk [tilespmem:v0+s18+$0xFFFFFFC0 ss:$0x1], $0xffff  }
0x7bc: {  	v6 =	vld.idx.msk [tilespmem:v0+s18+$0xFFFFFFD0 ss:$0x1], $0xffff  }
0x7bd: {  	[tilespmem:s18+$0x167F0] =	vst.add.f32.msk $0xffff, v1  }
0x7be: {  	v7 =	vld.idx.msk [tilespmem:v0+s18+$0xFFFFFFE0 ss:$0x1], $0xffff  }
0x7bf: {  	v1 =	vld.idx.msk [tilespmem:v0+s18+$0xFFFFFFF0 ss:$0x1], $0xffff  }
0x7c0: {  	[tilespmem:s18+$0x16780] =	vst.add.f32.msk $0xffff, v2  }
.Ltmp47:
0x7c1: {  	[tilespmem:s18+$0x16790] =	vst.add.f32.msk $0xffff, v3;
	(pc) =	sbr.rel @p1 .LBB2_97-.Ltmp47, $4  }
0x7c2: {  	[tilespmem:s18+$0x167A0] =	vst.add.f32.msk $0xffff, v4  }
0x7c3: {  	[tilespmem:s18+$0x167B0] =	vst.add.f32.msk $0xffff, v5  }
0x7c4: {  	[tilespmem:s18+$0x167C0] =	vst.add.f32.msk $0xffff, v6  }
0x7c5: {  	s16 =	sadd.s32 $0x1000, s16;
	[tilespmem:s18+$0x167D0] =	vst.add.f32.msk $0xffff, v7  }
0x7c6: {  	[tilespmem:s18+$0x167E0] =	vst.add.f32.msk $0xffff, v1;
	s14 =	sadd.s32 s5, s14  }
0x7c7: {  	_ =	swait.ge [sflag:s26], $0x4000;
	s14 =	sshll.u32 s14, $0x7  }
0x7c8: {  	[sflag:s26] =	ssyncset.done $0x0;
	s16 =	sadd.s32 s3, s14  }
0x7c9: {  	s14 =	sor.u32 $0x1C08, s15;
	s15 =	sshrl.u32 s11, $0x3;
	[sflag:s26] =	ssyncadd.s32 $0xFFFFC000  }
0x7ca: {  	[hbm:s16], [sflag:s14] =	dma.local [spmem:s15], $0x800  }
0x7cb: {  	_ =	swait.ge [sflag:s28], $0x800  }
0x7cc: {  	[sflag:s28] =	ssyncset.done $0x0  }
0x7cd: {  	[sflag:s28] =	ssyncadd.s32 $0xFFFFF800  }
0x7ce: {  	[spmem:s10] =	stream.linear.scatter [tilespmem:s21], [sflag:$0x5], $0x4000, $0x38;
	[tilespmem:$0x1C400] =	vst v63  }
0x7cf: {  	_ =	swait.ge [sflag:s29], $0x4000  }
0x7d0: {  	s4 =	sadd.s32 @!p0 s4, s13;
	[sflag:s29] =	ssyncset.done $0x0  }
0x7d1: {  	s18 =	simm.s32 @!p0 $0x10400;
	s16 =	simm.s32 @!p0 $0x0;
	[sflag:s29] =	ssyncadd.s32 $0xFFFFC000  }
0x7d2: {  	[tilespmem:s18], [sflag:$0x2] =	stream.linear.gather @!p0 [hbm4b:s4+s16], $0x4000, $0x38;
	[tilespmem:$0x1C400] =	vst v63  }
0x7d3: {  	s18 =	sshll.u32 s19, $0x4  }
0x7d4: {  	s4 =	sand.u32 $0x3FFFFFF0, s18  }
0x7d5: {  	v0 =	vld [tilespmem:s4+$0x4000];
	_ =	sdelay $0x4  }
0x7d6: {  	(v2sf) =	vpush v0, $0x0;
	_ =	sdelay $0xe  }
0x7d7: {  	s19 =	spop (v2sf)  }
0x7d8: {  	s31 =	sshll.u32 s19, $0xC;
	s4 =	sand.u32 $0x7, s19  }
0x7d9: {  	s16 =	sand.u32 $0xFFFF8000, s31;
	s4 =	sshll.u32 s4, $0x9  }
0x7da: {  	s4 =	sor.u32 s4, s16  }
0x7db: {  	s4 =	sshra.s32 s4, $0x2  }
0x7dc: {  	s4 =	sor.u32 $0x70, s4  }
0x7dd: {  	v1 =	vmov s4;
	_ =	sdelay $0x3  }
0x7de: {  	s4 =	simm.s32 $0x0  }
0x7df: {  	v2 =	vld.idx.msk [tilespmem:v1+s4+$0x0 ss:$0x1], $0xffff  }
0x7e0: {  	v3 =	vld.idx.msk [tilespmem:v1+s4+$0xFFFFFF90 ss:$0x1], $0xffff  }
0x7e1: {  	v4 =	vld.idx.msk [tilespmem:v1+s4+$0xFFFFFFA0 ss:$0x1], $0xffff  }
0x7e2: {  	v5 =	vld.idx.msk [tilespmem:v1+s4+$0xFFFFFFB0 ss:$0x1], $0xffff  }
0x7e3: {  	v6 =	vld.idx.msk [tilespmem:v1+s4+$0xFFFFFFC0 ss:$0x1], $0xffff  }
0x7e4: {  	v7 =	vld.idx.msk [tilespmem:v1+s4+$0xFFFFFFD0 ss:$0x1], $0xffff  }
0x7e5: {  	v8 =	vld.idx.msk [tilespmem:v1+s4+$0xFFFFFFE0 ss:$0x1], $0xffff  }
0x7e6: {  	[tilespmem:s4+$0x18470] =	vst.add.f32.msk $0xffff, v2  }
0x7e7: {  	v2 =	vld.idx.msk [tilespmem:v1+s4+$0xFFFFFFF0 ss:$0x1], $0xffff  }
0x7e8: {  	[tilespmem:s4+$0x18400] =	vst.add.f32.msk $0xffff, v3  }
0x7e9: {  	[tilespmem:s4+$0x18410] =	vst.add.f32.msk $0xffff, v4  }
0x7ea: {  	[tilespmem:s4+$0x18420] =	vst.add.f32.msk $0xffff, v5  }
0x7eb: {  	[tilespmem:s4+$0x18430] =	vst.add.f32.msk $0xffff, v6  }
0x7ec: {  	[tilespmem:s4+$0x18440] =	vst.add.f32.msk $0xffff, v7  }
0x7ed: {  	s18 =	simm.s32 $0x0;
	s16 =	simm.s32 $0x1000;
	[tilespmem:s4+$0x18450] =	vst.add.f32.msk $0xffff, v8  }
.LBB2_99:
0x7ee: {  	s18 =	sadd.s32 $0x80, s18;
	[tilespmem:s4+$0x18460] =	vst.add.f32.msk $0xffff, v2;
	s4 =	sshra.s32 s16, $0x2  }
0x7ef: {  	v2 =	vld.idx.msk [tilespmem:v1+s4+$0x0 ss:$0x1], $0xffff;
	p0 =	slt.u32 s18, $0x380  }
0x7f0: {  	v3 =	vld.idx.msk [tilespmem:v1+s4+$0xFFFFFF90 ss:$0x1], $0xffff  }
0x7f1: {  	v4 =	vld.idx.msk [tilespmem:v1+s4+$0xFFFFFFA0 ss:$0x1], $0xffff  }
0x7f2: {  	v5 =	vld.idx.msk [tilespmem:v1+s4+$0xFFFFFFB0 ss:$0x1], $0xffff  }
0x7f3: {  	v6 =	vld.idx.msk [tilespmem:v1+s4+$0xFFFFFFC0 ss:$0x1], $0xffff  }
0x7f4: {  	v7 =	vld.idx.msk [tilespmem:v1+s4+$0xFFFFFFD0 ss:$0x1], $0xffff  }
0x7f5: {  	[tilespmem:s4+$0x18470] =	vst.add.f32.msk $0xffff, v2  }
0x7f6: {  	v8 =	vld.idx.msk [tilespmem:v1+s4+$0xFFFFFFE0 ss:$0x1], $0xffff  }
0x7f7: {  	v2 =	vld.idx.msk [tilespmem:v1+s4+$0xFFFFFFF0 ss:$0x1], $0xffff  }
0x7f8: {  	[tilespmem:s4+$0x18400] =	vst.add.f32.msk $0xffff, v3  }
.Ltmp48:
0x7f9: {  	[tilespmem:s4+$0x18410] =	vst.add.f32.msk $0xffff, v4;
	(pc) =	sbr.rel @p0 .LBB2_99-.Ltmp48, $4  }
0x7fa: {  	[tilespmem:s4+$0x18420] =	vst.add.f32.msk $0xffff, v5  }
0x7fb: {  	[tilespmem:s4+$0x18430] =	vst.add.f32.msk $0xffff, v6  }
0x7fc: {  	[tilespmem:s4+$0x18440] =	vst.add.f32.msk $0xffff, v7  }
0x7fd: {  	s16 =	sadd.s32 $0x1000, s16;
	[tilespmem:s4+$0x18450] =	vst.add.f32.msk $0xffff, v8  }
0x7fe: {  	(v2sf) =	vpush v0, $0x1;
	_ =	sdelay $0xe  }
0x7ff: {  	s16 =	spop (v2sf)  }
0x800: {  	s18 =	sshll.u32 s16, $0xC;
	s16 =	sand.u32 $0x7, s16  }
0x801: {  	s18 =	sand.u32 $0xFFFF8000, s18;
	s16 =	sshll.u32 s16, $0x9  }
0x802: {  	s16 =	sor.u32 s16, s18  }
0x803: {  	s16 =	sshra.s32 s16, $0x2  }
0x804: {  	s16 =	sor.u32 $0x70, s16  }
0x805: {  	v1 =	vmov s16;
	_ =	sdelay $0x3  }
0x806: {  	[tilespmem:s4+$0x18460] =	vst.add.f32.msk $0xffff, v2;
	s4 =	simm.s32 $0x0  }
0x807: {  	v2 =	vld.idx.msk [tilespmem:v1+s4+$0x0 ss:$0x1], $0xffff  }
0x808: {  	v3 =	vld.idx.msk [tilespmem:v1+s4+$0xFFFFFF90 ss:$0x1], $0xffff  }
0x809: {  	v4 =	vld.idx.msk [tilespmem:v1+s4+$0xFFFFFFA0 ss:$0x1], $0xffff  }
0x80a: {  	v5 =	vld.idx.msk [tilespmem:v1+s4+$0xFFFFFFB0 ss:$0x1], $0xffff  }
0x80b: {  	v6 =	vld.idx.msk [tilespmem:v1+s4+$0xFFFFFFC0 ss:$0x1], $0xffff  }
0x80c: {  	v7 =	vld.idx.msk [tilespmem:v1+s4+$0xFFFFFFD0 ss:$0x1], $0xffff  }
0x80d: {  	v8 =	vld.idx.msk [tilespmem:v1+s4+$0xFFFFFFE0 ss:$0x1], $0xffff  }
0x80e: {  	[tilespmem:s4+$0x184F0] =	vst.add.f32.msk $0xffff, v2  }
0x80f: {  	v2 =	vld.idx.msk [tilespmem:v1+s4+$0xFFFFFFF0 ss:$0x1], $0xffff  }
0x810: {  	[tilespmem:s4+$0x18480] =	vst.add.f32.msk $0xffff, v3  }
0x811: {  	[tilespmem:s4+$0x18490] =	vst.add.f32.msk $0xffff, v4  }
0x812: {  	[tilespmem:s4+$0x184A0] =	vst.add.f32.msk $0xffff, v5  }
0x813: {  	[tilespmem:s4+$0x184B0] =	vst.add.f32.msk $0xffff, v6  }
0x814: {  	[tilespmem:s4+$0x184C0] =	vst.add.f32.msk $0xffff, v7  }
0x815: {  	s18 =	simm.s32 $0x0;
	s16 =	simm.s32 $0x1000;
	[tilespmem:s4+$0x184D0] =	vst.add.f32.msk $0xffff, v8  }
.LBB2_101:
0x816: {  	s18 =	sadd.s32 $0x80, s18;
	[tilespmem:s4+$0x184E0] =	vst.add.f32.msk $0xffff, v2;
	s4 =	sshra.s32 s16, $0x2  }
0x817: {  	v2 =	vld.idx.msk [tilespmem:v1+s4+$0x0 ss:$0x1], $0xffff;
	p0 =	slt.u32 s18, $0x380  }
0x818: {  	v3 =	vld.idx.msk [tilespmem:v1+s4+$0xFFFFFF90 ss:$0x1], $0xffff  }
0x819: {  	v4 =	vld.idx.msk [tilespmem:v1+s4+$0xFFFFFFA0 ss:$0x1], $0xffff  }
0x81a: {  	v5 =	vld.idx.msk [tilespmem:v1+s4+$0xFFFFFFB0 ss:$0x1], $0xffff  }
0x81b: {  	v6 =	vld.idx.msk [tilespmem:v1+s4+$0xFFFFFFC0 ss:$0x1], $0xffff  }
0x81c: {  	v7 =	vld.idx.msk [tilespmem:v1+s4+$0xFFFFFFD0 ss:$0x1], $0xffff  }
0x81d: {  	[tilespmem:s4+$0x184F0] =	vst.add.f32.msk $0xffff, v2  }
0x81e: {  	v8 =	vld.idx.msk [tilespmem:v1+s4+$0xFFFFFFE0 ss:$0x1], $0xffff  }
0x81f: {  	v2 =	vld.idx.msk [tilespmem:v1+s4+$0xFFFFFFF0 ss:$0x1], $0xffff  }
0x820: {  	[tilespmem:s4+$0x18480] =	vst.add.f32.msk $0xffff, v3  }
.Ltmp49:
0x821: {  	[tilespmem:s4+$0x18490] =	vst.add.f32.msk $0xffff, v4;
	(pc) =	sbr.rel @p0 .LBB2_101-.Ltmp49, $4  }
0x822: {  	[tilespmem:s4+$0x184A0] =	vst.add.f32.msk $0xffff, v5  }
0x823: {  	[tilespmem:s4+$0x184B0] =	vst.add.f32.msk $0xffff, v6  }
0x824: {  	[tilespmem:s4+$0x184C0] =	vst.add.f32.msk $0xffff, v7  }
0x825: {  	s16 =	sadd.s32 $0x1000, s16;
	[tilespmem:s4+$0x184D0] =	vst.add.f32.msk $0xffff, v8  }
0x826: {  	(v2sf) =	vpush v0, $0x2;
	_ =	sdelay $0xe  }
0x827: {  	s16 =	spop (v2sf)  }
0x828: {  	s18 =	sshll.u32 s16, $0xC;
	s16 =	sand.u32 $0x7, s16  }
0x829: {  	s18 =	sand.u32 $0xFFFF8000, s18;
	s16 =	sshll.u32 s16, $0x9  }
0x82a: {  	s16 =	sor.u32 s16, s18  }
0x82b: {  	s16 =	sshra.s32 s16, $0x2  }
0x82c: {  	s16 =	sor.u32 $0x70, s16  }
0x82d: {  	v1 =	vmov s16;
	_ =	sdelay $0x3  }
0x82e: {  	[tilespmem:s4+$0x184E0] =	vst.add.f32.msk $0xffff, v2;
	s4 =	simm.s32 $0x0  }
0x82f: {  	v2 =	vld.idx.msk [tilespmem:v1+s4+$0x0 ss:$0x1], $0xffff  }
0x830: {  	v3 =	vld.idx.msk [tilespmem:v1+s4+$0xFFFFFF90 ss:$0x1], $0xffff  }
0x831: {  	v4 =	vld.idx.msk [tilespmem:v1+s4+$0xFFFFFFA0 ss:$0x1], $0xffff  }
0x832: {  	v5 =	vld.idx.msk [tilespmem:v1+s4+$0xFFFFFFB0 ss:$0x1], $0xffff  }
0x833: {  	v6 =	vld.idx.msk [tilespmem:v1+s4+$0xFFFFFFC0 ss:$0x1], $0xffff  }
0x834: {  	v7 =	vld.idx.msk [tilespmem:v1+s4+$0xFFFFFFD0 ss:$0x1], $0xffff  }
0x835: {  	v8 =	vld.idx.msk [tilespmem:v1+s4+$0xFFFFFFE0 ss:$0x1], $0xffff  }
0x836: {  	[tilespmem:s4+$0x18570] =	vst.add.f32.msk $0xffff, v2  }
0x837: {  	v2 =	vld.idx.msk [tilespmem:v1+s4+$0xFFFFFFF0 ss:$0x1], $0xffff  }
0x838: {  	[tilespmem:s4+$0x18500] =	vst.add.f32.msk $0xffff, v3  }
0x839: {  	[tilespmem:s4+$0x18510] =	vst.add.f32.msk $0xffff, v4  }
0x83a: {  	[tilespmem:s4+$0x18520] =	vst.add.f32.msk $0xffff, v5  }
0x83b: {  	[tilespmem:s4+$0x18530] =	vst.add.f32.msk $0xffff, v6  }
0x83c: {  	[tilespmem:s4+$0x18540] =	vst.add.f32.msk $0xffff, v7  }
0x83d: {  	s18 =	simm.s32 $0x0;
	s16 =	simm.s32 $0x1000;
	[tilespmem:s4+$0x18550] =	vst.add.f32.msk $0xffff, v8  }
.LBB2_103:
0x83e: {  	s18 =	sadd.s32 $0x80, s18;
	[tilespmem:s4+$0x18560] =	vst.add.f32.msk $0xffff, v2;
	s4 =	sshra.s32 s16, $0x2  }
0x83f: {  	v2 =	vld.idx.msk [tilespmem:v1+s4+$0x0 ss:$0x1], $0xffff;
	p0 =	slt.u32 s18, $0x380  }
0x840: {  	v3 =	vld.idx.msk [tilespmem:v1+s4+$0xFFFFFF90 ss:$0x1], $0xffff  }
0x841: {  	v4 =	vld.idx.msk [tilespmem:v1+s4+$0xFFFFFFA0 ss:$0x1], $0xffff  }
0x842: {  	v5 =	vld.idx.msk [tilespmem:v1+s4+$0xFFFFFFB0 ss:$0x1], $0xffff  }
0x843: {  	v6 =	vld.idx.msk [tilespmem:v1+s4+$0xFFFFFFC0 ss:$0x1], $0xffff  }
0x844: {  	v7 =	vld.idx.msk [tilespmem:v1+s4+$0xFFFFFFD0 ss:$0x1], $0xffff  }
0x845: {  	[tilespmem:s4+$0x18570] =	vst.add.f32.msk $0xffff, v2  }
0x846: {  	v8 =	vld.idx.msk [tilespmem:v1+s4+$0xFFFFFFE0 ss:$0x1], $0xffff  }
0x847: {  	v2 =	vld.idx.msk [tilespmem:v1+s4+$0xFFFFFFF0 ss:$0x1], $0xffff  }
0x848: {  	[tilespmem:s4+$0x18500] =	vst.add.f32.msk $0xffff, v3  }
.Ltmp50:
0x849: {  	[tilespmem:s4+$0x18510] =	vst.add.f32.msk $0xffff, v4;
	(pc) =	sbr.rel @p0 .LBB2_103-.Ltmp50, $4  }
0x84a: {  	[tilespmem:s4+$0x18520] =	vst.add.f32.msk $0xffff, v5  }
0x84b: {  	[tilespmem:s4+$0x18530] =	vst.add.f32.msk $0xffff, v6  }
0x84c: {  	[tilespmem:s4+$0x18540] =	vst.add.f32.msk $0xffff, v7  }
0x84d: {  	s16 =	sadd.s32 $0x1000, s16;
	[tilespmem:s4+$0x18550] =	vst.add.f32.msk $0xffff, v8  }
0x84e: {  	(v2sf) =	vpush v0, $0x3;
	_ =	sdelay $0xe  }
0x84f: {  	s16 =	spop (v2sf)  }
0x850: {  	s18 =	sshll.u32 s16, $0xC;
	s16 =	sand.u32 $0x7, s16  }
0x851: {  	s18 =	sand.u32 $0xFFFF8000, s18;
	s16 =	sshll.u32 s16, $0x9  }
0x852: {  	s16 =	sor.u32 s16, s18  }
0x853: {  	s16 =	sshra.s32 s16, $0x2  }
0x854: {  	s16 =	sor.u32 $0x70, s16  }
0x855: {  	v1 =	vmov s16;
	_ =	sdelay $0x3  }
0x856: {  	[tilespmem:s4+$0x18560] =	vst.add.f32.msk $0xffff, v2;
	s4 =	simm.s32 $0x0  }
0x857: {  	v2 =	vld.idx.msk [tilespmem:v1+s4+$0x0 ss:$0x1], $0xffff  }
0x858: {  	v3 =	vld.idx.msk [tilespmem:v1+s4+$0xFFFFFF90 ss:$0x1], $0xffff  }
0x859: {  	v4 =	vld.idx.msk [tilespmem:v1+s4+$0xFFFFFFA0 ss:$0x1], $0xffff  }
0x85a: {  	v5 =	vld.idx.msk [tilespmem:v1+s4+$0xFFFFFFB0 ss:$0x1], $0xffff  }
0x85b: {  	v6 =	vld.idx.msk [tilespmem:v1+s4+$0xFFFFFFC0 ss:$0x1], $0xffff  }
0x85c: {  	v7 =	vld.idx.msk [tilespmem:v1+s4+$0xFFFFFFD0 ss:$0x1], $0xffff  }
0x85d: {  	v8 =	vld.idx.msk [tilespmem:v1+s4+$0xFFFFFFE0 ss:$0x1], $0xffff  }
0x85e: {  	[tilespmem:s4+$0x185F0] =	vst.add.f32.msk $0xffff, v2  }
0x85f: {  	v2 =	vld.idx.msk [tilespmem:v1+s4+$0xFFFFFFF0 ss:$0x1], $0xffff  }
0x860: {  	[tilespmem:s4+$0x18580] =	vst.add.f32.msk $0xffff, v3  }
0x861: {  	[tilespmem:s4+$0x18590] =	vst.add.f32.msk $0xffff, v4  }
0x862: {  	[tilespmem:s4+$0x185A0] =	vst.add.f32.msk $0xffff, v5  }
0x863: {  	[tilespmem:s4+$0x185B0] =	vst.add.f32.msk $0xffff, v6  }
0x864: {  	[tilespmem:s4+$0x185C0] =	vst.add.f32.msk $0xffff, v7  }
0x865: {  	s18 =	simm.s32 $0x0;
	s16 =	simm.s32 $0x1000;
	[tilespmem:s4+$0x185D0] =	vst.add.f32.msk $0xffff, v8  }
.LBB2_105:
0x866: {  	s18 =	sadd.s32 $0x80, s18;
	[tilespmem:s4+$0x185E0] =	vst.add.f32.msk $0xffff, v2;
	s4 =	sshra.s32 s16, $0x2  }
0x867: {  	v2 =	vld.idx.msk [tilespmem:v1+s4+$0x0 ss:$0x1], $0xffff;
	p0 =	slt.u32 s18, $0x380  }
0x868: {  	v3 =	vld.idx.msk [tilespmem:v1+s4+$0xFFFFFF90 ss:$0x1], $0xffff  }
0x869: {  	v4 =	vld.idx.msk [tilespmem:v1+s4+$0xFFFFFFA0 ss:$0x1], $0xffff  }
0x86a: {  	v5 =	vld.idx.msk [tilespmem:v1+s4+$0xFFFFFFB0 ss:$0x1], $0xffff  }
0x86b: {  	v6 =	vld.idx.msk [tilespmem:v1+s4+$0xFFFFFFC0 ss:$0x1], $0xffff  }
0x86c: {  	v7 =	vld.idx.msk [tilespmem:v1+s4+$0xFFFFFFD0 ss:$0x1], $0xffff  }
0x86d: {  	[tilespmem:s4+$0x185F0] =	vst.add.f32.msk $0xffff, v2  }
0x86e: {  	v8 =	vld.idx.msk [tilespmem:v1+s4+$0xFFFFFFE0 ss:$0x1], $0xffff  }
0x86f: {  	v2 =	vld.idx.msk [tilespmem:v1+s4+$0xFFFFFFF0 ss:$0x1], $0xffff  }
0x870: {  	[tilespmem:s4+$0x18580] =	vst.add.f32.msk $0xffff, v3  }
.Ltmp51:
0x871: {  	[tilespmem:s4+$0x18590] =	vst.add.f32.msk $0xffff, v4;
	(pc) =	sbr.rel @p0 .LBB2_105-.Ltmp51, $4  }
0x872: {  	[tilespmem:s4+$0x185A0] =	vst.add.f32.msk $0xffff, v5  }
0x873: {  	[tilespmem:s4+$0x185B0] =	vst.add.f32.msk $0xffff, v6  }
0x874: {  	[tilespmem:s4+$0x185C0] =	vst.add.f32.msk $0xffff, v7  }
0x875: {  	s16 =	sadd.s32 $0x1000, s16;
	[tilespmem:s4+$0x185D0] =	vst.add.f32.msk $0xffff, v8  }
0x876: {  	(v2sf) =	vpush v0, $0x4;
	_ =	sdelay $0xe  }
0x877: {  	s16 =	spop (v2sf)  }
0x878: {  	s18 =	sshll.u32 s16, $0xC;
	s16 =	sand.u32 $0x7, s16  }
0x879: {  	s18 =	sand.u32 $0xFFFF8000, s18;
	s16 =	sshll.u32 s16, $0x9  }
0x87a: {  	s16 =	sor.u32 s16, s18  }
0x87b: {  	s16 =	sshra.s32 s16, $0x2  }
0x87c: {  	s16 =	sor.u32 $0x70, s16  }
0x87d: {  	v1 =	vmov s16;
	_ =	sdelay $0x3  }
0x87e: {  	[tilespmem:s4+$0x185E0] =	vst.add.f32.msk $0xffff, v2;
	s4 =	simm.s32 $0x0  }
0x87f: {  	v2 =	vld.idx.msk [tilespmem:v1+s4+$0x0 ss:$0x1], $0xffff  }
0x880: {  	v3 =	vld.idx.msk [tilespmem:v1+s4+$0xFFFFFF90 ss:$0x1], $0xffff  }
0x881: {  	v4 =	vld.idx.msk [tilespmem:v1+s4+$0xFFFFFFA0 ss:$0x1], $0xffff  }
0x882: {  	v5 =	vld.idx.msk [tilespmem:v1+s4+$0xFFFFFFB0 ss:$0x1], $0xffff  }
0x883: {  	v6 =	vld.idx.msk [tilespmem:v1+s4+$0xFFFFFFC0 ss:$0x1], $0xffff  }
0x884: {  	v7 =	vld.idx.msk [tilespmem:v1+s4+$0xFFFFFFD0 ss:$0x1], $0xffff  }
0x885: {  	v8 =	vld.idx.msk [tilespmem:v1+s4+$0xFFFFFFE0 ss:$0x1], $0xffff  }
0x886: {  	[tilespmem:s4+$0x18670] =	vst.add.f32.msk $0xffff, v2  }
0x887: {  	v2 =	vld.idx.msk [tilespmem:v1+s4+$0xFFFFFFF0 ss:$0x1], $0xffff  }
0x888: {  	[tilespmem:s4+$0x18600] =	vst.add.f32.msk $0xffff, v3  }
0x889: {  	[tilespmem:s4+$0x18610] =	vst.add.f32.msk $0xffff, v4  }
0x88a: {  	[tilespmem:s4+$0x18620] =	vst.add.f32.msk $0xffff, v5  }
0x88b: {  	[tilespmem:s4+$0x18630] =	vst.add.f32.msk $0xffff, v6  }
0x88c: {  	[tilespmem:s4+$0x18640] =	vst.add.f32.msk $0xffff, v7  }
0x88d: {  	s18 =	simm.s32 $0x0;
	s16 =	simm.s32 $0x1000;
	[tilespmem:s4+$0x18650] =	vst.add.f32.msk $0xffff, v8  }
.LBB2_107:
0x88e: {  	s18 =	sadd.s32 $0x80, s18;
	[tilespmem:s4+$0x18660] =	vst.add.f32.msk $0xffff, v2;
	s4 =	sshra.s32 s16, $0x2  }
0x88f: {  	v2 =	vld.idx.msk [tilespmem:v1+s4+$0x0 ss:$0x1], $0xffff;
	p0 =	slt.u32 s18, $0x380  }
0x890: {  	v3 =	vld.idx.msk [tilespmem:v1+s4+$0xFFFFFF90 ss:$0x1], $0xffff  }
0x891: {  	v4 =	vld.idx.msk [tilespmem:v1+s4+$0xFFFFFFA0 ss:$0x1], $0xffff  }
0x892: {  	v5 =	vld.idx.msk [tilespmem:v1+s4+$0xFFFFFFB0 ss:$0x1], $0xffff  }
0x893: {  	v6 =	vld.idx.msk [tilespmem:v1+s4+$0xFFFFFFC0 ss:$0x1], $0xffff  }
0x894: {  	v7 =	vld.idx.msk [tilespmem:v1+s4+$0xFFFFFFD0 ss:$0x1], $0xffff  }
0x895: {  	[tilespmem:s4+$0x18670] =	vst.add.f32.msk $0xffff, v2  }
0x896: {  	v8 =	vld.idx.msk [tilespmem:v1+s4+$0xFFFFFFE0 ss:$0x1], $0xffff  }
0x897: {  	v2 =	vld.idx.msk [tilespmem:v1+s4+$0xFFFFFFF0 ss:$0x1], $0xffff  }
0x898: {  	[tilespmem:s4+$0x18600] =	vst.add.f32.msk $0xffff, v3  }
.Ltmp52:
0x899: {  	[tilespmem:s4+$0x18610] =	vst.add.f32.msk $0xffff, v4;
	(pc) =	sbr.rel @p0 .LBB2_107-.Ltmp52, $4  }
0x89a: {  	[tilespmem:s4+$0x18620] =	vst.add.f32.msk $0xffff, v5  }
0x89b: {  	[tilespmem:s4+$0x18630] =	vst.add.f32.msk $0xffff, v6  }
0x89c: {  	[tilespmem:s4+$0x18640] =	vst.add.f32.msk $0xffff, v7  }
0x89d: {  	s16 =	sadd.s32 $0x1000, s16;
	[tilespmem:s4+$0x18650] =	vst.add.f32.msk $0xffff, v8  }
0x89e: {  	(v2sf) =	vpush v0, $0x5;
	_ =	sdelay $0xe  }
0x89f: {  	s16 =	spop (v2sf)  }
0x8a0: {  	s18 =	sshll.u32 s16, $0xC;
	s16 =	sand.u32 $0x7, s16  }
0x8a1: {  	s18 =	sand.u32 $0xFFFF8000, s18;
	s16 =	sshll.u32 s16, $0x9  }
0x8a2: {  	s16 =	sor.u32 s16, s18  }
0x8a3: {  	s16 =	sshra.s32 s16, $0x2  }
0x8a4: {  	s16 =	sor.u32 $0x70, s16  }
0x8a5: {  	v1 =	vmov s16;
	_ =	sdelay $0x3  }
0x8a6: {  	[tilespmem:s4+$0x18660] =	vst.add.f32.msk $0xffff, v2;
	s4 =	simm.s32 $0x0  }
0x8a7: {  	v2 =	vld.idx.msk [tilespmem:v1+s4+$0x0 ss:$0x1], $0xffff  }
0x8a8: {  	v3 =	vld.idx.msk [tilespmem:v1+s4+$0xFFFFFF90 ss:$0x1], $0xffff  }
0x8a9: {  	v4 =	vld.idx.msk [tilespmem:v1+s4+$0xFFFFFFA0 ss:$0x1], $0xffff  }
0x8aa: {  	v5 =	vld.idx.msk [tilespmem:v1+s4+$0xFFFFFFB0 ss:$0x1], $0xffff  }
0x8ab: {  	v6 =	vld.idx.msk [tilespmem:v1+s4+$0xFFFFFFC0 ss:$0x1], $0xffff  }
0x8ac: {  	v7 =	vld.idx.msk [tilespmem:v1+s4+$0xFFFFFFD0 ss:$0x1], $0xffff  }
0x8ad: {  	v8 =	vld.idx.msk [tilespmem:v1+s4+$0xFFFFFFE0 ss:$0x1], $0xffff  }
0x8ae: {  	[tilespmem:s4+$0x186F0] =	vst.add.f32.msk $0xffff, v2  }
0x8af: {  	v2 =	vld.idx.msk [tilespmem:v1+s4+$0xFFFFFFF0 ss:$0x1], $0xffff  }
0x8b0: {  	[tilespmem:s4+$0x18680] =	vst.add.f32.msk $0xffff, v3  }
0x8b1: {  	[tilespmem:s4+$0x18690] =	vst.add.f32.msk $0xffff, v4  }
0x8b2: {  	[tilespmem:s4+$0x186A0] =	vst.add.f32.msk $0xffff, v5  }
0x8b3: {  	[tilespmem:s4+$0x186B0] =	vst.add.f32.msk $0xffff, v6  }
0x8b4: {  	[tilespmem:s4+$0x186C0] =	vst.add.f32.msk $0xffff, v7  }
0x8b5: {  	s18 =	simm.s32 $0x0;
	s16 =	simm.s32 $0x1000;
	[tilespmem:s4+$0x186D0] =	vst.add.f32.msk $0xffff, v8  }
.LBB2_109:
0x8b6: {  	s18 =	sadd.s32 $0x80, s18;
	[tilespmem:s4+$0x186E0] =	vst.add.f32.msk $0xffff, v2;
	s4 =	sshra.s32 s16, $0x2  }
0x8b7: {  	v2 =	vld.idx.msk [tilespmem:v1+s4+$0x0 ss:$0x1], $0xffff;
	p0 =	slt.u32 s18, $0x380  }
0x8b8: {  	v3 =	vld.idx.msk [tilespmem:v1+s4+$0xFFFFFF90 ss:$0x1], $0xffff  }
0x8b9: {  	v4 =	vld.idx.msk [tilespmem:v1+s4+$0xFFFFFFA0 ss:$0x1], $0xffff  }
0x8ba: {  	v5 =	vld.idx.msk [tilespmem:v1+s4+$0xFFFFFFB0 ss:$0x1], $0xffff  }
0x8bb: {  	v6 =	vld.idx.msk [tilespmem:v1+s4+$0xFFFFFFC0 ss:$0x1], $0xffff  }
0x8bc: {  	v7 =	vld.idx.msk [tilespmem:v1+s4+$0xFFFFFFD0 ss:$0x1], $0xffff  }
0x8bd: {  	[tilespmem:s4+$0x186F0] =	vst.add.f32.msk $0xffff, v2  }
0x8be: {  	v8 =	vld.idx.msk [tilespmem:v1+s4+$0xFFFFFFE0 ss:$0x1], $0xffff  }
0x8bf: {  	v2 =	vld.idx.msk [tilespmem:v1+s4+$0xFFFFFFF0 ss:$0x1], $0xffff  }
0x8c0: {  	[tilespmem:s4+$0x18680] =	vst.add.f32.msk $0xffff, v3  }
.Ltmp53:
0x8c1: {  	[tilespmem:s4+$0x18690] =	vst.add.f32.msk $0xffff, v4;
	(pc) =	sbr.rel @p0 .LBB2_109-.Ltmp53, $4  }
0x8c2: {  	[tilespmem:s4+$0x186A0] =	vst.add.f32.msk $0xffff, v5  }
0x8c3: {  	[tilespmem:s4+$0x186B0] =	vst.add.f32.msk $0xffff, v6  }
0x8c4: {  	[tilespmem:s4+$0x186C0] =	vst.add.f32.msk $0xffff, v7  }
0x8c5: {  	s16 =	sadd.s32 $0x1000, s16;
	[tilespmem:s4+$0x186D0] =	vst.add.f32.msk $0xffff, v8  }
0x8c6: {  	(v2sf) =	vpush v0, $0x6;
	_ =	sdelay $0xe  }
0x8c7: {  	s16 =	spop (v2sf)  }
0x8c8: {  	s18 =	sshll.u32 s16, $0xC;
	s16 =	sand.u32 $0x7, s16  }
0x8c9: {  	s18 =	sand.u32 $0xFFFF8000, s18;
	s16 =	sshll.u32 s16, $0x9  }
0x8ca: {  	s16 =	sor.u32 s16, s18  }
0x8cb: {  	s16 =	sshra.s32 s16, $0x2  }
0x8cc: {  	s16 =	sor.u32 $0x70, s16  }
0x8cd: {  	v1 =	vmov s16;
	_ =	sdelay $0x3  }
0x8ce: {  	[tilespmem:s4+$0x186E0] =	vst.add.f32.msk $0xffff, v2;
	s4 =	simm.s32 $0x0  }
0x8cf: {  	v2 =	vld.idx.msk [tilespmem:v1+s4+$0x0 ss:$0x1], $0xffff  }
0x8d0: {  	v3 =	vld.idx.msk [tilespmem:v1+s4+$0xFFFFFF90 ss:$0x1], $0xffff  }
0x8d1: {  	v4 =	vld.idx.msk [tilespmem:v1+s4+$0xFFFFFFA0 ss:$0x1], $0xffff  }
0x8d2: {  	v5 =	vld.idx.msk [tilespmem:v1+s4+$0xFFFFFFB0 ss:$0x1], $0xffff  }
0x8d3: {  	v6 =	vld.idx.msk [tilespmem:v1+s4+$0xFFFFFFC0 ss:$0x1], $0xffff  }
0x8d4: {  	v7 =	vld.idx.msk [tilespmem:v1+s4+$0xFFFFFFD0 ss:$0x1], $0xffff  }
0x8d5: {  	v8 =	vld.idx.msk [tilespmem:v1+s4+$0xFFFFFFE0 ss:$0x1], $0xffff  }
0x8d6: {  	[tilespmem:s4+$0x18770] =	vst.add.f32.msk $0xffff, v2  }
0x8d7: {  	v2 =	vld.idx.msk [tilespmem:v1+s4+$0xFFFFFFF0 ss:$0x1], $0xffff  }
0x8d8: {  	[tilespmem:s4+$0x18700] =	vst.add.f32.msk $0xffff, v3  }
0x8d9: {  	[tilespmem:s4+$0x18710] =	vst.add.f32.msk $0xffff, v4  }
0x8da: {  	[tilespmem:s4+$0x18720] =	vst.add.f32.msk $0xffff, v5  }
0x8db: {  	[tilespmem:s4+$0x18730] =	vst.add.f32.msk $0xffff, v6  }
0x8dc: {  	[tilespmem:s4+$0x18740] =	vst.add.f32.msk $0xffff, v7  }
0x8dd: {  	s18 =	simm.s32 $0x0;
	s16 =	simm.s32 $0x1000;
	[tilespmem:s4+$0x18750] =	vst.add.f32.msk $0xffff, v8  }
.LBB2_111:
0x8de: {  	s18 =	sadd.s32 $0x80, s18;
	[tilespmem:s4+$0x18760] =	vst.add.f32.msk $0xffff, v2;
	s4 =	sshra.s32 s16, $0x2  }
0x8df: {  	v2 =	vld.idx.msk [tilespmem:v1+s4+$0x0 ss:$0x1], $0xffff;
	p0 =	slt.u32 s18, $0x380  }
0x8e0: {  	v3 =	vld.idx.msk [tilespmem:v1+s4+$0xFFFFFF90 ss:$0x1], $0xffff  }
0x8e1: {  	v4 =	vld.idx.msk [tilespmem:v1+s4+$0xFFFFFFA0 ss:$0x1], $0xffff  }
0x8e2: {  	v5 =	vld.idx.msk [tilespmem:v1+s4+$0xFFFFFFB0 ss:$0x1], $0xffff  }
0x8e3: {  	v6 =	vld.idx.msk [tilespmem:v1+s4+$0xFFFFFFC0 ss:$0x1], $0xffff  }
0x8e4: {  	v7 =	vld.idx.msk [tilespmem:v1+s4+$0xFFFFFFD0 ss:$0x1], $0xffff  }
0x8e5: {  	[tilespmem:s4+$0x18770] =	vst.add.f32.msk $0xffff, v2  }
0x8e6: {  	v8 =	vld.idx.msk [tilespmem:v1+s4+$0xFFFFFFE0 ss:$0x1], $0xffff  }
0x8e7: {  	v2 =	vld.idx.msk [tilespmem:v1+s4+$0xFFFFFFF0 ss:$0x1], $0xffff  }
0x8e8: {  	[tilespmem:s4+$0x18700] =	vst.add.f32.msk $0xffff, v3  }
.Ltmp54:
0x8e9: {  	[tilespmem:s4+$0x18710] =	vst.add.f32.msk $0xffff, v4;
	(pc) =	sbr.rel @p0 .LBB2_111-.Ltmp54, $4  }
0x8ea: {  	[tilespmem:s4+$0x18720] =	vst.add.f32.msk $0xffff, v5  }
0x8eb: {  	[tilespmem:s4+$0x18730] =	vst.add.f32.msk $0xffff, v6  }
0x8ec: {  	[tilespmem:s4+$0x18740] =	vst.add.f32.msk $0xffff, v7  }
0x8ed: {  	s16 =	sadd.s32 $0x1000, s16;
	[tilespmem:s4+$0x18750] =	vst.add.f32.msk $0xffff, v8  }
0x8ee: {  	(v2sf) =	vpush v0, $0x7;
	_ =	sdelay $0xe  }
0x8ef: {  	s16 =	spop (v2sf)  }
0x8f0: {  	s18 =	sshll.u32 s16, $0xC;
	s16 =	sand.u32 $0x7, s16  }
0x8f1: {  	s18 =	sand.u32 $0xFFFF8000, s18;
	s16 =	sshll.u32 s16, $0x9  }
0x8f2: {  	s16 =	sor.u32 s16, s18  }
0x8f3: {  	s16 =	sshra.s32 s16, $0x2  }
0x8f4: {  	s16 =	sor.u32 $0x70, s16  }
0x8f5: {  	v1 =	vmov s16;
	_ =	sdelay $0x3  }
0x8f6: {  	[tilespmem:s4+$0x18760] =	vst.add.f32.msk $0xffff, v2;
	s4 =	simm.s32 $0x0  }
0x8f7: {  	v2 =	vld.idx.msk [tilespmem:v1+s4+$0x0 ss:$0x1], $0xffff  }
0x8f8: {  	v3 =	vld.idx.msk [tilespmem:v1+s4+$0xFFFFFF90 ss:$0x1], $0xffff  }
0x8f9: {  	v4 =	vld.idx.msk [tilespmem:v1+s4+$0xFFFFFFA0 ss:$0x1], $0xffff  }
0x8fa: {  	v5 =	vld.idx.msk [tilespmem:v1+s4+$0xFFFFFFB0 ss:$0x1], $0xffff  }
0x8fb: {  	v6 =	vld.idx.msk [tilespmem:v1+s4+$0xFFFFFFC0 ss:$0x1], $0xffff  }
0x8fc: {  	v7 =	vld.idx.msk [tilespmem:v1+s4+$0xFFFFFFD0 ss:$0x1], $0xffff  }
0x8fd: {  	v8 =	vld.idx.msk [tilespmem:v1+s4+$0xFFFFFFE0 ss:$0x1], $0xffff  }
0x8fe: {  	[tilespmem:s4+$0x187F0] =	vst.add.f32.msk $0xffff, v2  }
0x8ff: {  	v2 =	vld.idx.msk [tilespmem:v1+s4+$0xFFFFFFF0 ss:$0x1], $0xffff  }
0x900: {  	[tilespmem:s4+$0x18780] =	vst.add.f32.msk $0xffff, v3  }
0x901: {  	[tilespmem:s4+$0x18790] =	vst.add.f32.msk $0xffff, v4  }
0x902: {  	[tilespmem:s4+$0x187A0] =	vst.add.f32.msk $0xffff, v5  }
0x903: {  	[tilespmem:s4+$0x187B0] =	vst.add.f32.msk $0xffff, v6  }
0x904: {  	[tilespmem:s4+$0x187C0] =	vst.add.f32.msk $0xffff, v7  }
0x905: {  	s18 =	simm.s32 $0x0;
	s16 =	simm.s32 $0x1000;
	[tilespmem:s4+$0x187D0] =	vst.add.f32.msk $0xffff, v8  }
.LBB2_113:
0x906: {  	s18 =	sadd.s32 $0x80, s18;
	[tilespmem:s4+$0x187E0] =	vst.add.f32.msk $0xffff, v2;
	s4 =	sshra.s32 s16, $0x2  }
0x907: {  	v2 =	vld.idx.msk [tilespmem:v1+s4+$0x0 ss:$0x1], $0xffff;
	p0 =	slt.u32 s18, $0x380  }
0x908: {  	v3 =	vld.idx.msk [tilespmem:v1+s4+$0xFFFFFF90 ss:$0x1], $0xffff  }
0x909: {  	v4 =	vld.idx.msk [tilespmem:v1+s4+$0xFFFFFFA0 ss:$0x1], $0xffff  }
0x90a: {  	v5 =	vld.idx.msk [tilespmem:v1+s4+$0xFFFFFFB0 ss:$0x1], $0xffff  }
0x90b: {  	v6 =	vld.idx.msk [tilespmem:v1+s4+$0xFFFFFFC0 ss:$0x1], $0xffff  }
0x90c: {  	v7 =	vld.idx.msk [tilespmem:v1+s4+$0xFFFFFFD0 ss:$0x1], $0xffff  }
0x90d: {  	[tilespmem:s4+$0x187F0] =	vst.add.f32.msk $0xffff, v2  }
0x90e: {  	v8 =	vld.idx.msk [tilespmem:v1+s4+$0xFFFFFFE0 ss:$0x1], $0xffff  }
0x90f: {  	v2 =	vld.idx.msk [tilespmem:v1+s4+$0xFFFFFFF0 ss:$0x1], $0xffff  }
0x910: {  	[tilespmem:s4+$0x18780] =	vst.add.f32.msk $0xffff, v3  }
.Ltmp55:
0x911: {  	[tilespmem:s4+$0x18790] =	vst.add.f32.msk $0xffff, v4;
	(pc) =	sbr.rel @p0 .LBB2_113-.Ltmp55, $4  }
0x912: {  	[tilespmem:s4+$0x187A0] =	vst.add.f32.msk $0xffff, v5  }
0x913: {  	[tilespmem:s4+$0x187B0] =	vst.add.f32.msk $0xffff, v6  }
0x914: {  	[tilespmem:s4+$0x187C0] =	vst.add.f32.msk $0xffff, v7  }
0x915: {  	s16 =	sadd.s32 $0x1000, s16;
	[tilespmem:s4+$0x187D0] =	vst.add.f32.msk $0xffff, v8  }
0x916: {  	(v2sf) =	vpush v0, $0x8;
	_ =	sdelay $0xe  }
0x917: {  	s16 =	spop (v2sf)  }
0x918: {  	s18 =	sshll.u32 s16, $0xC;
	s16 =	sand.u32 $0x7, s16  }
0x919: {  	s18 =	sand.u32 $0xFFFF8000, s18;
	s16 =	sshll.u32 s16, $0x9  }
0x91a: {  	s16 =	sor.u32 s16, s18  }
0x91b: {  	s16 =	sshra.s32 s16, $0x2  }
0x91c: {  	s16 =	sor.u32 $0x70, s16  }
0x91d: {  	v1 =	vmov s16;
	_ =	sdelay $0x3  }
0x91e: {  	[tilespmem:s4+$0x187E0] =	vst.add.f32.msk $0xffff, v2;
	s4 =	simm.s32 $0x0  }
0x91f: {  	v2 =	vld.idx.msk [tilespmem:v1+s4+$0x0 ss:$0x1], $0xffff  }
0x920: {  	v3 =	vld.idx.msk [tilespmem:v1+s4+$0xFFFFFF90 ss:$0x1], $0xffff  }
0x921: {  	v4 =	vld.idx.msk [tilespmem:v1+s4+$0xFFFFFFA0 ss:$0x1], $0xffff  }
0x922: {  	v5 =	vld.idx.msk [tilespmem:v1+s4+$0xFFFFFFB0 ss:$0x1], $0xffff  }
0x923: {  	v6 =	vld.idx.msk [tilespmem:v1+s4+$0xFFFFFFC0 ss:$0x1], $0xffff  }
0x924: {  	v7 =	vld.idx.msk [tilespmem:v1+s4+$0xFFFFFFD0 ss:$0x1], $0xffff  }
0x925: {  	v8 =	vld.idx.msk [tilespmem:v1+s4+$0xFFFFFFE0 ss:$0x1], $0xffff  }
0x926: {  	[tilespmem:s4+$0x1A470] =	vst.add.f32.msk $0xffff, v2  }
0x927: {  	v2 =	vld.idx.msk [tilespmem:v1+s4+$0xFFFFFFF0 ss:$0x1], $0xffff  }
0x928: {  	[tilespmem:s4+$0x1A400] =	vst.add.f32.msk $0xffff, v3  }
0x929: {  	[tilespmem:s4+$0x1A410] =	vst.add.f32.msk $0xffff, v4  }
0x92a: {  	[tilespmem:s4+$0x1A420] =	vst.add.f32.msk $0xffff, v5  }
0x92b: {  	[tilespmem:s4+$0x1A430] =	vst.add.f32.msk $0xffff, v6  }
0x92c: {  	[tilespmem:s4+$0x1A440] =	vst.add.f32.msk $0xffff, v7  }
0x92d: {  	s18 =	simm.s32 $0x0;
	s16 =	simm.s32 $0x1000;
	[tilespmem:s4+$0x1A450] =	vst.add.f32.msk $0xffff, v8  }
.LBB2_115:
0x92e: {  	s18 =	sadd.s32 $0x80, s18;
	[tilespmem:s4+$0x1A460] =	vst.add.f32.msk $0xffff, v2;
	s4 =	sshra.s32 s16, $0x2  }
0x92f: {  	v2 =	vld.idx.msk [tilespmem:v1+s4+$0x0 ss:$0x1], $0xffff;
	p0 =	slt.u32 s18, $0x380  }
0x930: {  	v3 =	vld.idx.msk [tilespmem:v1+s4+$0xFFFFFF90 ss:$0x1], $0xffff  }
0x931: {  	v4 =	vld.idx.msk [tilespmem:v1+s4+$0xFFFFFFA0 ss:$0x1], $0xffff  }
0x932: {  	v5 =	vld.idx.msk [tilespmem:v1+s4+$0xFFFFFFB0 ss:$0x1], $0xffff  }
0x933: {  	v6 =	vld.idx.msk [tilespmem:v1+s4+$0xFFFFFFC0 ss:$0x1], $0xffff  }
0x934: {  	v7 =	vld.idx.msk [tilespmem:v1+s4+$0xFFFFFFD0 ss:$0x1], $0xffff  }
0x935: {  	[tilespmem:s4+$0x1A470] =	vst.add.f32.msk $0xffff, v2  }
0x936: {  	v8 =	vld.idx.msk [tilespmem:v1+s4+$0xFFFFFFE0 ss:$0x1], $0xffff  }
0x937: {  	v2 =	vld.idx.msk [tilespmem:v1+s4+$0xFFFFFFF0 ss:$0x1], $0xffff  }
0x938: {  	[tilespmem:s4+$0x1A400] =	vst.add.f32.msk $0xffff, v3  }
.Ltmp56:
0x939: {  	[tilespmem:s4+$0x1A410] =	vst.add.f32.msk $0xffff, v4;
	(pc) =	sbr.rel @p0 .LBB2_115-.Ltmp56, $4  }
0x93a: {  	[tilespmem:s4+$0x1A420] =	vst.add.f32.msk $0xffff, v5  }
0x93b: {  	[tilespmem:s4+$0x1A430] =	vst.add.f32.msk $0xffff, v6  }
0x93c: {  	[tilespmem:s4+$0x1A440] =	vst.add.f32.msk $0xffff, v7  }
0x93d: {  	s16 =	sadd.s32 $0x1000, s16;
	[tilespmem:s4+$0x1A450] =	vst.add.f32.msk $0xffff, v8  }
0x93e: {  	(v2sf) =	vpush v0, $0x9;
	_ =	sdelay $0xe  }
0x93f: {  	s16 =	spop (v2sf)  }
0x940: {  	s18 =	sshll.u32 s16, $0xC;
	s16 =	sand.u32 $0x7, s16  }
0x941: {  	s18 =	sand.u32 $0xFFFF8000, s18;
	s16 =	sshll.u32 s16, $0x9  }
0x942: {  	s16 =	sor.u32 s16, s18  }
0x943: {  	s16 =	sshra.s32 s16, $0x2  }
0x944: {  	s16 =	sor.u32 $0x70, s16  }
0x945: {  	v1 =	vmov s16;
	_ =	sdelay $0x3  }
0x946: {  	[tilespmem:s4+$0x1A460] =	vst.add.f32.msk $0xffff, v2;
	s4 =	simm.s32 $0x0  }
0x947: {  	v2 =	vld.idx.msk [tilespmem:v1+s4+$0x0 ss:$0x1], $0xffff  }
0x948: {  	v3 =	vld.idx.msk [tilespmem:v1+s4+$0xFFFFFF90 ss:$0x1], $0xffff  }
0x949: {  	v4 =	vld.idx.msk [tilespmem:v1+s4+$0xFFFFFFA0 ss:$0x1], $0xffff  }
0x94a: {  	v5 =	vld.idx.msk [tilespmem:v1+s4+$0xFFFFFFB0 ss:$0x1], $0xffff  }
0x94b: {  	v6 =	vld.idx.msk [tilespmem:v1+s4+$0xFFFFFFC0 ss:$0x1], $0xffff  }
0x94c: {  	v7 =	vld.idx.msk [tilespmem:v1+s4+$0xFFFFFFD0 ss:$0x1], $0xffff  }
0x94d: {  	v8 =	vld.idx.msk [tilespmem:v1+s4+$0xFFFFFFE0 ss:$0x1], $0xffff  }
0x94e: {  	[tilespmem:s4+$0x1A4F0] =	vst.add.f32.msk $0xffff, v2  }
0x94f: {  	v2 =	vld.idx.msk [tilespmem:v1+s4+$0xFFFFFFF0 ss:$0x1], $0xffff  }
0x950: {  	[tilespmem:s4+$0x1A480] =	vst.add.f32.msk $0xffff, v3  }
0x951: {  	[tilespmem:s4+$0x1A490] =	vst.add.f32.msk $0xffff, v4  }
0x952: {  	[tilespmem:s4+$0x1A4A0] =	vst.add.f32.msk $0xffff, v5  }
0x953: {  	[tilespmem:s4+$0x1A4B0] =	vst.add.f32.msk $0xffff, v6  }
0x954: {  	[tilespmem:s4+$0x1A4C0] =	vst.add.f32.msk $0xffff, v7  }
0x955: {  	s18 =	simm.s32 $0x0;
	s16 =	simm.s32 $0x1000;
	[tilespmem:s4+$0x1A4D0] =	vst.add.f32.msk $0xffff, v8  }
.LBB2_117:
0x956: {  	s18 =	sadd.s32 $0x80, s18;
	[tilespmem:s4+$0x1A4E0] =	vst.add.f32.msk $0xffff, v2;
	s4 =	sshra.s32 s16, $0x2  }
0x957: {  	v2 =	vld.idx.msk [tilespmem:v1+s4+$0x0 ss:$0x1], $0xffff;
	p0 =	slt.u32 s18, $0x380  }
0x958: {  	v3 =	vld.idx.msk [tilespmem:v1+s4+$0xFFFFFF90 ss:$0x1], $0xffff  }
0x959: {  	v4 =	vld.idx.msk [tilespmem:v1+s4+$0xFFFFFFA0 ss:$0x1], $0xffff  }
0x95a: {  	v5 =	vld.idx.msk [tilespmem:v1+s4+$0xFFFFFFB0 ss:$0x1], $0xffff  }
0x95b: {  	v6 =	vld.idx.msk [tilespmem:v1+s4+$0xFFFFFFC0 ss:$0x1], $0xffff  }
0x95c: {  	v7 =	vld.idx.msk [tilespmem:v1+s4+$0xFFFFFFD0 ss:$0x1], $0xffff  }
0x95d: {  	[tilespmem:s4+$0x1A4F0] =	vst.add.f32.msk $0xffff, v2  }
0x95e: {  	v8 =	vld.idx.msk [tilespmem:v1+s4+$0xFFFFFFE0 ss:$0x1], $0xffff  }
0x95f: {  	v2 =	vld.idx.msk [tilespmem:v1+s4+$0xFFFFFFF0 ss:$0x1], $0xffff  }
0x960: {  	[tilespmem:s4+$0x1A480] =	vst.add.f32.msk $0xffff, v3  }
.Ltmp57:
0x961: {  	[tilespmem:s4+$0x1A490] =	vst.add.f32.msk $0xffff, v4;
	(pc) =	sbr.rel @p0 .LBB2_117-.Ltmp57, $4  }
0x962: {  	[tilespmem:s4+$0x1A4A0] =	vst.add.f32.msk $0xffff, v5  }
0x963: {  	[tilespmem:s4+$0x1A4B0] =	vst.add.f32.msk $0xffff, v6  }
0x964: {  	[tilespmem:s4+$0x1A4C0] =	vst.add.f32.msk $0xffff, v7  }
0x965: {  	s16 =	sadd.s32 $0x1000, s16;
	[tilespmem:s4+$0x1A4D0] =	vst.add.f32.msk $0xffff, v8  }
0x966: {  	(v2sf) =	vpush v0, $0xA;
	_ =	sdelay $0xe  }
0x967: {  	s16 =	spop (v2sf)  }
0x968: {  	s18 =	sshll.u32 s16, $0xC;
	s16 =	sand.u32 $0x7, s16  }
0x969: {  	s18 =	sand.u32 $0xFFFF8000, s18;
	s16 =	sshll.u32 s16, $0x9  }
0x96a: {  	s16 =	sor.u32 s16, s18  }
0x96b: {  	s16 =	sshra.s32 s16, $0x2  }
0x96c: {  	s16 =	sor.u32 $0x70, s16  }
0x96d: {  	v1 =	vmov s16;
	_ =	sdelay $0x3  }
0x96e: {  	[tilespmem:s4+$0x1A4E0] =	vst.add.f32.msk $0xffff, v2;
	s4 =	simm.s32 $0x0  }
0x96f: {  	v2 =	vld.idx.msk [tilespmem:v1+s4+$0x0 ss:$0x1], $0xffff  }
0x970: {  	v3 =	vld.idx.msk [tilespmem:v1+s4+$0xFFFFFF90 ss:$0x1], $0xffff  }
0x971: {  	v4 =	vld.idx.msk [tilespmem:v1+s4+$0xFFFFFFA0 ss:$0x1], $0xffff  }
0x972: {  	v5 =	vld.idx.msk [tilespmem:v1+s4+$0xFFFFFFB0 ss:$0x1], $0xffff  }
0x973: {  	v6 =	vld.idx.msk [tilespmem:v1+s4+$0xFFFFFFC0 ss:$0x1], $0xffff  }
0x974: {  	v7 =	vld.idx.msk [tilespmem:v1+s4+$0xFFFFFFD0 ss:$0x1], $0xffff  }
0x975: {  	v8 =	vld.idx.msk [tilespmem:v1+s4+$0xFFFFFFE0 ss:$0x1], $0xffff  }
0x976: {  	[tilespmem:s4+$0x1A570] =	vst.add.f32.msk $0xffff, v2  }
0x977: {  	v2 =	vld.idx.msk [tilespmem:v1+s4+$0xFFFFFFF0 ss:$0x1], $0xffff  }
0x978: {  	[tilespmem:s4+$0x1A500] =	vst.add.f32.msk $0xffff, v3  }
0x979: {  	[tilespmem:s4+$0x1A510] =	vst.add.f32.msk $0xffff, v4  }
0x97a: {  	[tilespmem:s4+$0x1A520] =	vst.add.f32.msk $0xffff, v5  }
0x97b: {  	[tilespmem:s4+$0x1A530] =	vst.add.f32.msk $0xffff, v6  }
0x97c: {  	[tilespmem:s4+$0x1A540] =	vst.add.f32.msk $0xffff, v7  }
0x97d: {  	s18 =	simm.s32 $0x0;
	s16 =	simm.s32 $0x1000;
	[tilespmem:s4+$0x1A550] =	vst.add.f32.msk $0xffff, v8  }
.LBB2_119:
0x97e: {  	s18 =	sadd.s32 $0x80, s18;
	[tilespmem:s4+$0x1A560] =	vst.add.f32.msk $0xffff, v2;
	s4 =	sshra.s32 s16, $0x2  }
0x97f: {  	v2 =	vld.idx.msk [tilespmem:v1+s4+$0x0 ss:$0x1], $0xffff;
	p0 =	slt.u32 s18, $0x380  }
0x980: {  	v3 =	vld.idx.msk [tilespmem:v1+s4+$0xFFFFFF90 ss:$0x1], $0xffff  }
0x981: {  	v4 =	vld.idx.msk [tilespmem:v1+s4+$0xFFFFFFA0 ss:$0x1], $0xffff  }
0x982: {  	v5 =	vld.idx.msk [tilespmem:v1+s4+$0xFFFFFFB0 ss:$0x1], $0xffff  }
0x983: {  	v6 =	vld.idx.msk [tilespmem:v1+s4+$0xFFFFFFC0 ss:$0x1], $0xffff  }
0x984: {  	v7 =	vld.idx.msk [tilespmem:v1+s4+$0xFFFFFFD0 ss:$0x1], $0xffff  }
0x985: {  	[tilespmem:s4+$0x1A570] =	vst.add.f32.msk $0xffff, v2  }
0x986: {  	v8 =	vld.idx.msk [tilespmem:v1+s4+$0xFFFFFFE0 ss:$0x1], $0xffff  }
0x987: {  	v2 =	vld.idx.msk [tilespmem:v1+s4+$0xFFFFFFF0 ss:$0x1], $0xffff  }
0x988: {  	[tilespmem:s4+$0x1A500] =	vst.add.f32.msk $0xffff, v3  }
.Ltmp58:
0x989: {  	[tilespmem:s4+$0x1A510] =	vst.add.f32.msk $0xffff, v4;
	(pc) =	sbr.rel @p0 .LBB2_119-.Ltmp58, $4  }
0x98a: {  	[tilespmem:s4+$0x1A520] =	vst.add.f32.msk $0xffff, v5  }
0x98b: {  	[tilespmem:s4+$0x1A530] =	vst.add.f32.msk $0xffff, v6  }
0x98c: {  	[tilespmem:s4+$0x1A540] =	vst.add.f32.msk $0xffff, v7  }
0x98d: {  	s16 =	sadd.s32 $0x1000, s16;
	[tilespmem:s4+$0x1A550] =	vst.add.f32.msk $0xffff, v8  }
0x98e: {  	(v2sf) =	vpush v0, $0xB;
	_ =	sdelay $0xe  }
0x98f: {  	s16 =	spop (v2sf)  }
0x990: {  	s18 =	sshll.u32 s16, $0xC;
	s16 =	sand.u32 $0x7, s16  }
0x991: {  	s18 =	sand.u32 $0xFFFF8000, s18;
	s16 =	sshll.u32 s16, $0x9  }
0x992: {  	s16 =	sor.u32 s16, s18  }
0x993: {  	s16 =	sshra.s32 s16, $0x2  }
0x994: {  	s16 =	sor.u32 $0x70, s16  }
0x995: {  	v1 =	vmov s16;
	_ =	sdelay $0x3  }
0x996: {  	[tilespmem:s4+$0x1A560] =	vst.add.f32.msk $0xffff, v2;
	s4 =	simm.s32 $0x0  }
0x997: {  	v2 =	vld.idx.msk [tilespmem:v1+s4+$0x0 ss:$0x1], $0xffff  }
0x998: {  	v3 =	vld.idx.msk [tilespmem:v1+s4+$0xFFFFFF90 ss:$0x1], $0xffff  }
0x999: {  	v4 =	vld.idx.msk [tilespmem:v1+s4+$0xFFFFFFA0 ss:$0x1], $0xffff  }
0x99a: {  	v5 =	vld.idx.msk [tilespmem:v1+s4+$0xFFFFFFB0 ss:$0x1], $0xffff  }
0x99b: {  	v6 =	vld.idx.msk [tilespmem:v1+s4+$0xFFFFFFC0 ss:$0x1], $0xffff  }
0x99c: {  	v7 =	vld.idx.msk [tilespmem:v1+s4+$0xFFFFFFD0 ss:$0x1], $0xffff  }
0x99d: {  	v8 =	vld.idx.msk [tilespmem:v1+s4+$0xFFFFFFE0 ss:$0x1], $0xffff  }
0x99e: {  	[tilespmem:s4+$0x1A5F0] =	vst.add.f32.msk $0xffff, v2  }
0x99f: {  	v2 =	vld.idx.msk [tilespmem:v1+s4+$0xFFFFFFF0 ss:$0x1], $0xffff  }
0x9a0: {  	[tilespmem:s4+$0x1A580] =	vst.add.f32.msk $0xffff, v3  }
0x9a1: {  	[tilespmem:s4+$0x1A590] =	vst.add.f32.msk $0xffff, v4  }
0x9a2: {  	[tilespmem:s4+$0x1A5A0] =	vst.add.f32.msk $0xffff, v5  }
0x9a3: {  	[tilespmem:s4+$0x1A5B0] =	vst.add.f32.msk $0xffff, v6  }
0x9a4: {  	[tilespmem:s4+$0x1A5C0] =	vst.add.f32.msk $0xffff, v7  }
0x9a5: {  	s18 =	simm.s32 $0x0;
	s16 =	simm.s32 $0x1000;
	[tilespmem:s4+$0x1A5D0] =	vst.add.f32.msk $0xffff, v8  }
.LBB2_121:
0x9a6: {  	s18 =	sadd.s32 $0x80, s18;
	[tilespmem:s4+$0x1A5E0] =	vst.add.f32.msk $0xffff, v2;
	s4 =	sshra.s32 s16, $0x2  }
0x9a7: {  	v2 =	vld.idx.msk [tilespmem:v1+s4+$0x0 ss:$0x1], $0xffff;
	p0 =	slt.u32 s18, $0x380  }
0x9a8: {  	v3 =	vld.idx.msk [tilespmem:v1+s4+$0xFFFFFF90 ss:$0x1], $0xffff  }
0x9a9: {  	v4 =	vld.idx.msk [tilespmem:v1+s4+$0xFFFFFFA0 ss:$0x1], $0xffff  }
0x9aa: {  	v5 =	vld.idx.msk [tilespmem:v1+s4+$0xFFFFFFB0 ss:$0x1], $0xffff  }
0x9ab: {  	v6 =	vld.idx.msk [tilespmem:v1+s4+$0xFFFFFFC0 ss:$0x1], $0xffff  }
0x9ac: {  	v7 =	vld.idx.msk [tilespmem:v1+s4+$0xFFFFFFD0 ss:$0x1], $0xffff  }
0x9ad: {  	[tilespmem:s4+$0x1A5F0] =	vst.add.f32.msk $0xffff, v2  }
0x9ae: {  	v8 =	vld.idx.msk [tilespmem:v1+s4+$0xFFFFFFE0 ss:$0x1], $0xffff  }
0x9af: {  	v2 =	vld.idx.msk [tilespmem:v1+s4+$0xFFFFFFF0 ss:$0x1], $0xffff  }
0x9b0: {  	[tilespmem:s4+$0x1A580] =	vst.add.f32.msk $0xffff, v3  }
.Ltmp59:
0x9b1: {  	[tilespmem:s4+$0x1A590] =	vst.add.f32.msk $0xffff, v4;
	(pc) =	sbr.rel @p0 .LBB2_121-.Ltmp59, $4  }
0x9b2: {  	[tilespmem:s4+$0x1A5A0] =	vst.add.f32.msk $0xffff, v5  }
0x9b3: {  	[tilespmem:s4+$0x1A5B0] =	vst.add.f32.msk $0xffff, v6  }
0x9b4: {  	[tilespmem:s4+$0x1A5C0] =	vst.add.f32.msk $0xffff, v7  }
0x9b5: {  	s16 =	sadd.s32 $0x1000, s16;
	[tilespmem:s4+$0x1A5D0] =	vst.add.f32.msk $0xffff, v8  }
0x9b6: {  	(v2sf) =	vpush v0, $0xC;
	_ =	sdelay $0xe  }
0x9b7: {  	s16 =	spop (v2sf)  }
0x9b8: {  	s18 =	sshll.u32 s16, $0xC;
	s16 =	sand.u32 $0x7, s16  }
0x9b9: {  	s18 =	sand.u32 $0xFFFF8000, s18;
	s16 =	sshll.u32 s16, $0x9  }
0x9ba: {  	s16 =	sor.u32 s16, s18  }
0x9bb: {  	s16 =	sshra.s32 s16, $0x2  }
0x9bc: {  	s16 =	sor.u32 $0x70, s16  }
0x9bd: {  	v1 =	vmov s16;
	_ =	sdelay $0x3  }
0x9be: {  	[tilespmem:s4+$0x1A5E0] =	vst.add.f32.msk $0xffff, v2;
	s4 =	simm.s32 $0x0  }
0x9bf: {  	v2 =	vld.idx.msk [tilespmem:v1+s4+$0x0 ss:$0x1], $0xffff  }
0x9c0: {  	v3 =	vld.idx.msk [tilespmem:v1+s4+$0xFFFFFF90 ss:$0x1], $0xffff  }
0x9c1: {  	v4 =	vld.idx.msk [tilespmem:v1+s4+$0xFFFFFFA0 ss:$0x1], $0xffff  }
0x9c2: {  	v5 =	vld.idx.msk [tilespmem:v1+s4+$0xFFFFFFB0 ss:$0x1], $0xffff  }
0x9c3: {  	v6 =	vld.idx.msk [tilespmem:v1+s4+$0xFFFFFFC0 ss:$0x1], $0xffff  }
0x9c4: {  	v7 =	vld.idx.msk [tilespmem:v1+s4+$0xFFFFFFD0 ss:$0x1], $0xffff  }
0x9c5: {  	v8 =	vld.idx.msk [tilespmem:v1+s4+$0xFFFFFFE0 ss:$0x1], $0xffff  }
0x9c6: {  	[tilespmem:s4+$0x1A670] =	vst.add.f32.msk $0xffff, v2  }
0x9c7: {  	v2 =	vld.idx.msk [tilespmem:v1+s4+$0xFFFFFFF0 ss:$0x1], $0xffff  }
0x9c8: {  	[tilespmem:s4+$0x1A600] =	vst.add.f32.msk $0xffff, v3  }
0x9c9: {  	[tilespmem:s4+$0x1A610] =	vst.add.f32.msk $0xffff, v4  }
0x9ca: {  	[tilespmem:s4+$0x1A620] =	vst.add.f32.msk $0xffff, v5  }
0x9cb: {  	[tilespmem:s4+$0x1A630] =	vst.add.f32.msk $0xffff, v6  }
0x9cc: {  	[tilespmem:s4+$0x1A640] =	vst.add.f32.msk $0xffff, v7  }
0x9cd: {  	s18 =	simm.s32 $0x0;
	s16 =	simm.s32 $0x1000;
	[tilespmem:s4+$0x1A650] =	vst.add.f32.msk $0xffff, v8  }
.LBB2_123:
0x9ce: {  	s18 =	sadd.s32 $0x80, s18;
	[tilespmem:s4+$0x1A660] =	vst.add.f32.msk $0xffff, v2;
	s4 =	sshra.s32 s16, $0x2  }
0x9cf: {  	v2 =	vld.idx.msk [tilespmem:v1+s4+$0x0 ss:$0x1], $0xffff;
	p0 =	slt.u32 s18, $0x380  }
0x9d0: {  	v3 =	vld.idx.msk [tilespmem:v1+s4+$0xFFFFFF90 ss:$0x1], $0xffff  }
0x9d1: {  	v4 =	vld.idx.msk [tilespmem:v1+s4+$0xFFFFFFA0 ss:$0x1], $0xffff  }
0x9d2: {  	v5 =	vld.idx.msk [tilespmem:v1+s4+$0xFFFFFFB0 ss:$0x1], $0xffff  }
0x9d3: {  	v6 =	vld.idx.msk [tilespmem:v1+s4+$0xFFFFFFC0 ss:$0x1], $0xffff  }
0x9d4: {  	v7 =	vld.idx.msk [tilespmem:v1+s4+$0xFFFFFFD0 ss:$0x1], $0xffff  }
0x9d5: {  	[tilespmem:s4+$0x1A670] =	vst.add.f32.msk $0xffff, v2  }
0x9d6: {  	v8 =	vld.idx.msk [tilespmem:v1+s4+$0xFFFFFFE0 ss:$0x1], $0xffff  }
0x9d7: {  	v2 =	vld.idx.msk [tilespmem:v1+s4+$0xFFFFFFF0 ss:$0x1], $0xffff  }
0x9d8: {  	[tilespmem:s4+$0x1A600] =	vst.add.f32.msk $0xffff, v3  }
.Ltmp60:
0x9d9: {  	[tilespmem:s4+$0x1A610] =	vst.add.f32.msk $0xffff, v4;
	(pc) =	sbr.rel @p0 .LBB2_123-.Ltmp60, $4  }
0x9da: {  	[tilespmem:s4+$0x1A620] =	vst.add.f32.msk $0xffff, v5  }
0x9db: {  	[tilespmem:s4+$0x1A630] =	vst.add.f32.msk $0xffff, v6  }
0x9dc: {  	[tilespmem:s4+$0x1A640] =	vst.add.f32.msk $0xffff, v7  }
0x9dd: {  	s16 =	sadd.s32 $0x1000, s16;
	[tilespmem:s4+$0x1A650] =	vst.add.f32.msk $0xffff, v8  }
0x9de: {  	(v2sf) =	vpush v0, $0xD;
	_ =	sdelay $0xe  }
0x9df: {  	s16 =	spop (v2sf)  }
0x9e0: {  	s18 =	sshll.u32 s16, $0xC;
	s16 =	sand.u32 $0x7, s16  }
0x9e1: {  	s18 =	sand.u32 $0xFFFF8000, s18;
	s16 =	sshll.u32 s16, $0x9  }
0x9e2: {  	s16 =	sor.u32 s16, s18  }
0x9e3: {  	s16 =	sshra.s32 s16, $0x2  }
0x9e4: {  	s16 =	sor.u32 $0x70, s16  }
0x9e5: {  	v1 =	vmov s16;
	_ =	sdelay $0x3  }
0x9e6: {  	[tilespmem:s4+$0x1A660] =	vst.add.f32.msk $0xffff, v2;
	s4 =	simm.s32 $0x0  }
0x9e7: {  	v2 =	vld.idx.msk [tilespmem:v1+s4+$0x0 ss:$0x1], $0xffff  }
0x9e8: {  	v3 =	vld.idx.msk [tilespmem:v1+s4+$0xFFFFFF90 ss:$0x1], $0xffff  }
0x9e9: {  	v4 =	vld.idx.msk [tilespmem:v1+s4+$0xFFFFFFA0 ss:$0x1], $0xffff  }
0x9ea: {  	v5 =	vld.idx.msk [tilespmem:v1+s4+$0xFFFFFFB0 ss:$0x1], $0xffff  }
0x9eb: {  	v6 =	vld.idx.msk [tilespmem:v1+s4+$0xFFFFFFC0 ss:$0x1], $0xffff  }
0x9ec: {  	v7 =	vld.idx.msk [tilespmem:v1+s4+$0xFFFFFFD0 ss:$0x1], $0xffff  }
0x9ed: {  	v8 =	vld.idx.msk [tilespmem:v1+s4+$0xFFFFFFE0 ss:$0x1], $0xffff  }
0x9ee: {  	[tilespmem:s4+$0x1A6F0] =	vst.add.f32.msk $0xffff, v2  }
0x9ef: {  	v2 =	vld.idx.msk [tilespmem:v1+s4+$0xFFFFFFF0 ss:$0x1], $0xffff  }
0x9f0: {  	[tilespmem:s4+$0x1A680] =	vst.add.f32.msk $0xffff, v3  }
0x9f1: {  	[tilespmem:s4+$0x1A690] =	vst.add.f32.msk $0xffff, v4  }
0x9f2: {  	[tilespmem:s4+$0x1A6A0] =	vst.add.f32.msk $0xffff, v5  }
0x9f3: {  	[tilespmem:s4+$0x1A6B0] =	vst.add.f32.msk $0xffff, v6  }
0x9f4: {  	[tilespmem:s4+$0x1A6C0] =	vst.add.f32.msk $0xffff, v7  }
0x9f5: {  	s18 =	simm.s32 $0x0;
	s16 =	simm.s32 $0x1000;
	[tilespmem:s4+$0x1A6D0] =	vst.add.f32.msk $0xffff, v8  }
.LBB2_125:
0x9f6: {  	s18 =	sadd.s32 $0x80, s18;
	[tilespmem:s4+$0x1A6E0] =	vst.add.f32.msk $0xffff, v2;
	s4 =	sshra.s32 s16, $0x2  }
0x9f7: {  	v2 =	vld.idx.msk [tilespmem:v1+s4+$0x0 ss:$0x1], $0xffff;
	p0 =	slt.u32 s18, $0x380  }
0x9f8: {  	v3 =	vld.idx.msk [tilespmem:v1+s4+$0xFFFFFF90 ss:$0x1], $0xffff  }
0x9f9: {  	v4 =	vld.idx.msk [tilespmem:v1+s4+$0xFFFFFFA0 ss:$0x1], $0xffff  }
0x9fa: {  	v5 =	vld.idx.msk [tilespmem:v1+s4+$0xFFFFFFB0 ss:$0x1], $0xffff  }
0x9fb: {  	v6 =	vld.idx.msk [tilespmem:v1+s4+$0xFFFFFFC0 ss:$0x1], $0xffff  }
0x9fc: {  	v7 =	vld.idx.msk [tilespmem:v1+s4+$0xFFFFFFD0 ss:$0x1], $0xffff  }
0x9fd: {  	[tilespmem:s4+$0x1A6F0] =	vst.add.f32.msk $0xffff, v2  }
0x9fe: {  	v8 =	vld.idx.msk [tilespmem:v1+s4+$0xFFFFFFE0 ss:$0x1], $0xffff  }
0x9ff: {  	v2 =	vld.idx.msk [tilespmem:v1+s4+$0xFFFFFFF0 ss:$0x1], $0xffff  }
0xa00: {  	[tilespmem:s4+$0x1A680] =	vst.add.f32.msk $0xffff, v3  }
.Ltmp61:
0xa01: {  	[tilespmem:s4+$0x1A690] =	vst.add.f32.msk $0xffff, v4;
	(pc) =	sbr.rel @p0 .LBB2_125-.Ltmp61, $4  }
0xa02: {  	[tilespmem:s4+$0x1A6A0] =	vst.add.f32.msk $0xffff, v5  }
0xa03: {  	[tilespmem:s4+$0x1A6B0] =	vst.add.f32.msk $0xffff, v6  }
0xa04: {  	[tilespmem:s4+$0x1A6C0] =	vst.add.f32.msk $0xffff, v7  }
0xa05: {  	s16 =	sadd.s32 $0x1000, s16;
	[tilespmem:s4+$0x1A6D0] =	vst.add.f32.msk $0xffff, v8  }
0xa06: {  	(v2sf) =	vpush v0, $0xE;
	_ =	sdelay $0xe  }
0xa07: {  	s16 =	spop (v2sf)  }
0xa08: {  	s18 =	sshll.u32 s16, $0xC;
	s16 =	sand.u32 $0x7, s16  }
0xa09: {  	s18 =	sand.u32 $0xFFFF8000, s18;
	s16 =	sshll.u32 s16, $0x9  }
0xa0a: {  	s16 =	sor.u32 s16, s18  }
0xa0b: {  	s16 =	sshra.s32 s16, $0x2  }
0xa0c: {  	s16 =	sor.u32 $0x70, s16  }
0xa0d: {  	v1 =	vmov s16;
	_ =	sdelay $0x3  }
0xa0e: {  	[tilespmem:s4+$0x1A6E0] =	vst.add.f32.msk $0xffff, v2;
	s4 =	simm.s32 $0x0  }
0xa0f: {  	v2 =	vld.idx.msk [tilespmem:v1+s4+$0x0 ss:$0x1], $0xffff  }
0xa10: {  	v3 =	vld.idx.msk [tilespmem:v1+s4+$0xFFFFFF90 ss:$0x1], $0xffff  }
0xa11: {  	v4 =	vld.idx.msk [tilespmem:v1+s4+$0xFFFFFFA0 ss:$0x1], $0xffff  }
0xa12: {  	v5 =	vld.idx.msk [tilespmem:v1+s4+$0xFFFFFFB0 ss:$0x1], $0xffff  }
0xa13: {  	v6 =	vld.idx.msk [tilespmem:v1+s4+$0xFFFFFFC0 ss:$0x1], $0xffff  }
0xa14: {  	v7 =	vld.idx.msk [tilespmem:v1+s4+$0xFFFFFFD0 ss:$0x1], $0xffff  }
0xa15: {  	v8 =	vld.idx.msk [tilespmem:v1+s4+$0xFFFFFFE0 ss:$0x1], $0xffff  }
0xa16: {  	[tilespmem:s4+$0x1A770] =	vst.add.f32.msk $0xffff, v2  }
0xa17: {  	v2 =	vld.idx.msk [tilespmem:v1+s4+$0xFFFFFFF0 ss:$0x1], $0xffff  }
0xa18: {  	[tilespmem:s4+$0x1A700] =	vst.add.f32.msk $0xffff, v3  }
0xa19: {  	[tilespmem:s4+$0x1A710] =	vst.add.f32.msk $0xffff, v4  }
0xa1a: {  	[tilespmem:s4+$0x1A720] =	vst.add.f32.msk $0xffff, v5  }
0xa1b: {  	[tilespmem:s4+$0x1A730] =	vst.add.f32.msk $0xffff, v6  }
0xa1c: {  	[tilespmem:s4+$0x1A740] =	vst.add.f32.msk $0xffff, v7  }
0xa1d: {  	s18 =	simm.s32 $0x0;
	s16 =	simm.s32 $0x1000;
	[tilespmem:s4+$0x1A750] =	vst.add.f32.msk $0xffff, v8  }
.LBB2_127:
0xa1e: {  	s18 =	sadd.s32 $0x80, s18;
	[tilespmem:s4+$0x1A760] =	vst.add.f32.msk $0xffff, v2;
	s4 =	sshra.s32 s16, $0x2  }
0xa1f: {  	v2 =	vld.idx.msk [tilespmem:v1+s4+$0x0 ss:$0x1], $0xffff;
	p0 =	slt.u32 s18, $0x380  }
0xa20: {  	v3 =	vld.idx.msk [tilespmem:v1+s4+$0xFFFFFF90 ss:$0x1], $0xffff  }
0xa21: {  	v4 =	vld.idx.msk [tilespmem:v1+s4+$0xFFFFFFA0 ss:$0x1], $0xffff  }
0xa22: {  	v5 =	vld.idx.msk [tilespmem:v1+s4+$0xFFFFFFB0 ss:$0x1], $0xffff  }
0xa23: {  	v6 =	vld.idx.msk [tilespmem:v1+s4+$0xFFFFFFC0 ss:$0x1], $0xffff  }
0xa24: {  	v7 =	vld.idx.msk [tilespmem:v1+s4+$0xFFFFFFD0 ss:$0x1], $0xffff  }
0xa25: {  	[tilespmem:s4+$0x1A770] =	vst.add.f32.msk $0xffff, v2  }
0xa26: {  	v8 =	vld.idx.msk [tilespmem:v1+s4+$0xFFFFFFE0 ss:$0x1], $0xffff  }
0xa27: {  	v2 =	vld.idx.msk [tilespmem:v1+s4+$0xFFFFFFF0 ss:$0x1], $0xffff  }
0xa28: {  	[tilespmem:s4+$0x1A700] =	vst.add.f32.msk $0xffff, v3  }
.Ltmp62:
0xa29: {  	[tilespmem:s4+$0x1A710] =	vst.add.f32.msk $0xffff, v4;
	(pc) =	sbr.rel @p0 .LBB2_127-.Ltmp62, $4  }
0xa2a: {  	[tilespmem:s4+$0x1A720] =	vst.add.f32.msk $0xffff, v5  }
0xa2b: {  	[tilespmem:s4+$0x1A730] =	vst.add.f32.msk $0xffff, v6  }
0xa2c: {  	[tilespmem:s4+$0x1A740] =	vst.add.f32.msk $0xffff, v7  }
0xa2d: {  	s16 =	sadd.s32 $0x1000, s16;
	[tilespmem:s4+$0x1A750] =	vst.add.f32.msk $0xffff, v8  }
0xa2e: {  	(v2sf) =	vpush v0, $0xF;
	_ =	sdelay $0xe  }
0xa2f: {  	s16 =	spop (v2sf)  }
0xa30: {  	s18 =	sshll.u32 s16, $0xC;
	s16 =	sand.u32 $0x7, s16  }
0xa31: {  	s18 =	sand.u32 $0xFFFF8000, s18;
	s16 =	sshll.u32 s16, $0x9  }
0xa32: {  	s16 =	sor.u32 s16, s18  }
0xa33: {  	s16 =	sshra.s32 s16, $0x2  }
0xa34: {  	s16 =	sor.u32 $0x70, s16  }
0xa35: {  	v0 =	vmov s16;
	_ =	sdelay $0x3  }
0xa36: {  	[tilespmem:s4+$0x1A760] =	vst.add.f32.msk $0xffff, v2;
	s4 =	simm.s32 $0x0  }
0xa37: {  	v1 =	vld.idx.msk [tilespmem:v0+s4+$0x0 ss:$0x1], $0xffff  }
0xa38: {  	v2 =	vld.idx.msk [tilespmem:v0+s4+$0xFFFFFF90 ss:$0x1], $0xffff  }
0xa39: {  	v3 =	vld.idx.msk [tilespmem:v0+s4+$0xFFFFFFA0 ss:$0x1], $0xffff  }
0xa3a: {  	v4 =	vld.idx.msk [tilespmem:v0+s4+$0xFFFFFFB0 ss:$0x1], $0xffff  }
0xa3b: {  	v5 =	vld.idx.msk [tilespmem:v0+s4+$0xFFFFFFC0 ss:$0x1], $0xffff  }
0xa3c: {  	v6 =	vld.idx.msk [tilespmem:v0+s4+$0xFFFFFFD0 ss:$0x1], $0xffff  }
0xa3d: {  	v7 =	vld.idx.msk [tilespmem:v0+s4+$0xFFFFFFE0 ss:$0x1], $0xffff  }
0xa3e: {  	[tilespmem:s4+$0x1A7F0] =	vst.add.f32.msk $0xffff, v1  }
0xa3f: {  	v1 =	vld.idx.msk [tilespmem:v0+s4+$0xFFFFFFF0 ss:$0x1], $0xffff  }
0xa40: {  	[tilespmem:s4+$0x1A780] =	vst.add.f32.msk $0xffff, v2  }
0xa41: {  	[tilespmem:s4+$0x1A790] =	vst.add.f32.msk $0xffff, v3  }
0xa42: {  	[tilespmem:s4+$0x1A7A0] =	vst.add.f32.msk $0xffff, v4  }
0xa43: {  	[tilespmem:s4+$0x1A7B0] =	vst.add.f32.msk $0xffff, v5  }
0xa44: {  	[tilespmem:s4+$0x1A7C0] =	vst.add.f32.msk $0xffff, v6  }
0xa45: {  	s18 =	simm.s32 $0x0;
	s16 =	simm.s32 $0x1000;
	[tilespmem:s4+$0x1A7D0] =	vst.add.f32.msk $0xffff, v7  }
.LBB2_129:
0xa46: {  	s18 =	sadd.s32 $0x80, s18;
	[tilespmem:s4+$0x1A7E0] =	vst.add.f32.msk $0xffff, v1;
	s4 =	sshra.s32 s16, $0x2  }
0xa47: {  	v1 =	vld.idx.msk [tilespmem:v0+s4+$0x0 ss:$0x1], $0xffff;
	p0 =	slt.u32 s18, $0x380  }
0xa48: {  	v2 =	vld.idx.msk [tilespmem:v0+s4+$0xFFFFFF90 ss:$0x1], $0xffff  }
0xa49: {  	v3 =	vld.idx.msk [tilespmem:v0+s4+$0xFFFFFFA0 ss:$0x1], $0xffff  }
0xa4a: {  	v4 =	vld.idx.msk [tilespmem:v0+s4+$0xFFFFFFB0 ss:$0x1], $0xffff  }
0xa4b: {  	v5 =	vld.idx.msk [tilespmem:v0+s4+$0xFFFFFFC0 ss:$0x1], $0xffff  }
0xa4c: {  	v6 =	vld.idx.msk [tilespmem:v0+s4+$0xFFFFFFD0 ss:$0x1], $0xffff  }
0xa4d: {  	[tilespmem:s4+$0x1A7F0] =	vst.add.f32.msk $0xffff, v1  }
0xa4e: {  	v7 =	vld.idx.msk [tilespmem:v0+s4+$0xFFFFFFE0 ss:$0x1], $0xffff  }
0xa4f: {  	v1 =	vld.idx.msk [tilespmem:v0+s4+$0xFFFFFFF0 ss:$0x1], $0xffff  }
0xa50: {  	[tilespmem:s4+$0x1A780] =	vst.add.f32.msk $0xffff, v2  }
.Ltmp63:
0xa51: {  	[tilespmem:s4+$0x1A790] =	vst.add.f32.msk $0xffff, v3;
	(pc) =	sbr.rel @p0 .LBB2_129-.Ltmp63, $4  }
0xa52: {  	[tilespmem:s4+$0x1A7A0] =	vst.add.f32.msk $0xffff, v4  }
0xa53: {  	[tilespmem:s4+$0x1A7B0] =	vst.add.f32.msk $0xffff, v5  }
0xa54: {  	[tilespmem:s4+$0x1A7C0] =	vst.add.f32.msk $0xffff, v6  }
0xa55: {  	s16 =	sadd.s32 $0x1000, s16;
	[tilespmem:s4+$0x1A7D0] =	vst.add.f32.msk $0xffff, v7  }
0xa56: {  	[tilespmem:s4+$0x1A7E0] =	vst.add.f32.msk $0xffff, v1  }
0xa57: {  	s2 =	sadd.s32 s5, s2;
	_ =	swait.ge [sflag:s24], $0x4000  }
0xa58: {  	s0 =	sadd.s32 $0x1, s0;
	s2 =	sshll.u32 s2, $0x7;
	[sflag:s24] =	ssyncset.done $0x0  }
0xa59: {  	p0 =	sne.s32 s0, $0x10;
	s2 =	sadd.s32 s3, s2;
	[sflag:s24] =	ssyncadd.s32 $0xFFFFC000  }
0xa5a: {  	[hbm:s2], [sflag:s7] =	dma.local [spmem:s8], $0x800  }
.Ltmp64:
0xa5b: {  	_ = 	snop;
	(pc) =	sbr.rel @p0 .LBB2_2-.Ltmp64, $4  }
0xa5c: {  	_ =	swait.ge [sflag:s30], $0x800  }
0xa5d: {  	[sflag:s30] =	ssyncset.done $0x0  }
0xa5e: {  	[sflag:s30] =	ssyncadd.s32 $0xFFFFF800  }
0xa5f: {  	[spmem:s11] =	stream.linear.scatter [tilespmem:s23], [sflag:$0x6], $0x4000, $0x38;
	[tilespmem:$0x1C400] =	vst v63  }
0xa60: {  	_ =	swait.ge [sflag:s26], $0x4000  }
0xa61: {  	[sflag:s26] =	ssyncset.done $0x0  }
0xa62: {  	s0 =	rddreg [dreg:$0x8];
	[sflag:s26] =	ssyncadd.s32 $0xFFFFC000  }
0xa63: {  	[hbm:s0], [sflag:s14] =	dma.local [spmem:s15], $0x800  }
0xa64: {  	_ =	swait.ge [sflag:s28], $0x800  }
0xa65: {  	[sflag:s28] =	ssyncset.done $0x0  }
0xa66: {  	[sflag:s28] =	ssyncadd.s32 $0xFFFFF800  }
0xa67: {  	_ =	swait.ge [sflag:s30], $0x800  }
0xa68: {  	s2 =	rddreg [dreg:$0xa]  }
0xa69: {  	s31 =	rddreg [dreg:$0x9];
	s2 =	sadd.s32 $0x1, s2  }
0xa6a: {  	p0 =	sne.s32 s2, s31  }
.Ltmp65:
0xa6b: {  	_ = 	snop;
	(pc) =	sbr.rel @p0 .LBB2_1-.Ltmp65, $3  }
0xa6c: {  	_ =	sdelay $0x1  }
0xa6d: {  	[sflag:s30] =	ssyncset.done $0x0  }
0xa6e: {  	[sflag:s30] =	ssyncadd.s32 $0xFFFFF800  }
0xa6f: {  	_ =	sfence.sel $0x180000  }
0xa70: {  	[bflag:$0x0] =	sbarrier.arrive $0xFFFF  }
0xa71: {  	_ =	strace $0x90000047  }
0xa72: {  	[bflag:$0x2] =	sbarrier.arrive $0xFFFF  }
0xa73: {  	p0 =	sne.s32 s1, $0x0;
	s0 =	rddreg [dreg:$0x5]  }
0xa74: {  	s0 =	sadd.s32 @!p0 $0x100000, s0  }
0xa75: {  	[sflag:s0] =	ssyncadd.tile.s32 @!p0 $0x1;
	_ =	shalt  }
.Lfunc_end2:
_tile_overlayer_lowered:
.L_overlay_start_2:
0xa76: {  	(tag) =	ssettag $0x2  }
0xa77: {  	s0 =	rddreg [dreg:$0x0];
	s2 =	stileid.u32  }
0xa78: {  	s1 =	rddreg [dreg:$0x1];
	p0 =	sne.s32 s2, $0x0  }
0xa79: {  	s3 =	rddreg [dreg:$0x2];
	[bflag:$0x3] =	sbarrier.arrive $0xFFFF;
	s2 =	simm.s32 @!p0 $0x1C09  }
0xa7a: {  	[timem:s3], [sflag:s2] =	dma.local @!p0 [hbm:s0], s1  }
0xa7b: {  	s0 =	simm.s32 @!p0 $0x9  }
0xa7c: {  	_ =	swait.ge @!p0 [sflag:s0], s1  }
0xa7d: {  	s1 =	ssub.s32 @!p0 $0x0, s1;
	[sflag:s0] =	ssyncset.done @!p0 $0x0  }
0xa7e: {  	[sflag:s0] =	ssyncadd.s32 @!p0 s1  }
0xa7f: {  	[bflag:$0x3] =	sbarrier.arrive $0xFFFF  }
0xa80: {  	_ =	shalt  }

</sc_bundles>
